<compile_context>
chip_gen: v7x
topology: tpu7x:2x2x1
jax: 0.10.2.dev20260603
libtpu: 0.0.44.dev20260713+nightly
codegen_flags: <defaults>
</compile_context>

<pallas_src>
import functools
import numpy as np
import jax
import jax.numpy as jnp
from jax import lax
from jax.experimental import pallas as pl
from jax.experimental.pallas import tpu as pltpu
from jax.experimental.pallas import tpu_sc as plsc

_SCALES = (0.25, 0.5, 1.0, 2.0)
_ASPECT_RATIOS = (0.5, 1.0, 2.0)
_ANCHOR_STRIDE = (16, 16)
_MAX_PROPOSALS = 100
_NMS_IOU_THRESHOLD = 0.699999988079
_BASE_ANCHOR_SIZE = 256.0

_N = 12288
_ROWS, _COLS = 96, 128
_NSUB = 16
_PER = _N // _NSUB
_NJ = _PER // 16


def _anchor_planes(Hf, Wf):
    ys = (np.arange(Hf, dtype=np.float32) + 0.5) * _ANCHOR_STRIDE[0]
    xs = (np.arange(Wf, dtype=np.float32) + 0.5) * _ANCHOR_STRIDE[1]
    sc, ar = np.meshgrid(np.array(_SCALES, np.float32),
                         np.array(_ASPECT_RATIOS, np.float32), indexing='ij')
    sc = sc.reshape(-1)
    ar = ar.reshape(-1)
    ha = sc * _BASE_ANCHOR_SIZE / np.sqrt(ar)
    wa = sc * _BASE_ANCHOR_SIZE * np.sqrt(ar)
    A = ha.shape[0]
    yy, xx = np.meshgrid(ys, xs, indexing='ij')
    ycent = np.repeat(yy.reshape(-1), A)
    xcent = np.repeat(xx.reshape(-1), A)
    hh = np.tile(ha, Hf * Wf)
    ww = np.tile(wa, Hf * Wf)
    shape = (_ROWS, _COLS)
    return (jnp.asarray(ycent.reshape(shape)), jnp.asarray(xcent.reshape(shape)),
            jnp.asarray(hh.reshape(shape)), jnp.asarray(ww.reshape(shape)))


def _decode_body(tyr, txr, thr_, twr, cbr, cfr, yar, xar, har, war, dec_o):
    ya = yar[:]
    xa = xar[:]
    ha = har[:]
    wa = war[:]
    ty = tyr[:] / 10.0
    tx = txr[:] / 10.0
    th = thr_[:] / 5.0
    tw = twr[:] / 5.0
    ycenter = ty * ha + ya
    xcenter = tx * wa + xa
    h = jnp.exp(th) * ha
    w = jnp.exp(tw) * wa
    ymin = jnp.clip(ycenter - h / 2.0, 0.0, 512.0)
    xmin = jnp.clip(xcenter - w / 2.0, 0.0, 512.0)
    ymax = jnp.clip(ycenter + h / 2.0, 0.0, 512.0)
    xmax = jnp.clip(xcenter + w / 2.0, 0.0, 512.0)
    cb = cbr[:]
    cf = cfr[:]
    mx = jnp.maximum(cb, cf)
    eb = jnp.exp(cb - mx)
    ef = jnp.exp(cf - mx)
    dec_o[0] = ymin
    dec_o[1] = xmin
    dec_o[2] = ymax
    dec_o[3] = xmax
    dec_o[4] = (jnp.maximum(ymax - ymin, 0.0)
                * jnp.maximum(xmax - xmin, 0.0))
    dec_o[5] = ef / (eb + ef)


def _sc_nms_body(dech, outh,
                 by_ref, bx_ref, ey_ref, ex_ref, ar_ref, sc_ref,
                 pub_ref, allc_ref, outv_ref, shared_ref):
    cid = lax.axis_index("c")
    sid = lax.axis_index("s")

    @pl.when(cid == 0)
    def _core0():
        base = sid * _PER
        lane = lax.iota(jnp.int32, 16)
        thr = jnp.float32(_NMS_IOU_THRESHOLD)
        neg = jnp.float32(-1e9)
        inv = jnp.float32(1.0 / 512.0)
        big = jnp.int32(2 ** 30)
        negv = jnp.broadcast_to(neg, (16,))

        for f, dst in enumerate((by_ref, bx_ref, ey_ref, ex_ref,
                                 ar_ref, sc_ref)):
            pltpu.sync_copy(dech.at[pl.ds(f * _N + base, _PER)], dst)

        bv = jnp.full((16,), -jnp.inf, jnp.float32)
        bi = jnp.zeros((16,), jnp.int32)
        for j in range(_NJ):
            s = sc_ref[pl.ds(j * 16, 16)]
            linj = lane + (base + j * 16)
            better = s > bv
            bv = jnp.where(better, s, bv)
            bi = jnp.where(better, linj, bi)

        def step(t, carry):
            bv, bi = carry
            m_loc = jnp.max(bv)
            gl = jnp.min(jnp.where(bv == m_loc, bi, big))
            idxv = jnp.broadcast_to(gl - base, (16,))
            y0 = plsc.load_gather(by_ref, [idxv])
            x0 = plsc.load_gather(bx_ref, [idxv])
            y1 = plsc.load_gather(ey_ref, [idxv])
            x1 = plsc.load_gather(ex_ref, [idxv])
            pub = (jnp.where(lane == 0, m_loc, 0.0)
                   + jnp.where(lane == 1, y0, 0.0)
                   + jnp.where(lane == 2, x0, 0.0)
                   + jnp.where(lane == 3, y1, 0.0)
                   + jnp.where(lane == 4, x1, 0.0)
                   + jnp.where(lane == 5, gl.astype(jnp.float32), 0.0))
            pub_ref[...] = pub
            slot = lax.rem(t, 2)
            pltpu.sync_copy(pub_ref,
                            shared_ref.at[pl.ds(slot * 256 + sid * 16, 16)])
            plsc.subcore_barrier()
            pltpu.sync_copy(shared_ref.at[pl.ds(slot * 256, 256)], allc_ref)

            s16 = plsc.load_gather(allc_ref, [lane * 16])
            m = jnp.max(s16)
            fi = jnp.broadcast_to(plsc.all_reduce_ffs(s16 == m), (16,)) * 16
            by0 = plsc.load_gather(allc_ref, [fi + 1])
            by1 = plsc.load_gather(allc_ref, [fi + 2])
            by2 = plsc.load_gather(allc_ref, [fi + 3])
            by3 = plsc.load_gather(allc_ref, [fi + 4])
            g = plsc.load_gather(allc_ref, [fi + 5]).astype(jnp.int32)

            validv = jnp.broadcast_to(m, (16,)) > 0.0
            row = (jnp.where(lane == 0, by0, 0.0)
                   + jnp.where(lane == 1, by1, 0.0)
                   + jnp.where(lane == 2, by2, 0.0)
                   + jnp.where(lane == 3, by3, 0.0))
            row = jnp.where(validv, row, 0.0) * inv
            outv_ref[pl.ds(t * 16, 16)] = row

            gv = jnp.broadcast_to(g, (16,))
            killmask = (gv >= jnp.broadcast_to(base, (16,))) & \
                (gv < jnp.broadcast_to(base + _PER, (16,))) & (lane == 0)
            kidx = jnp.clip(gv - jnp.broadcast_to(base, (16,)), 0, _PER - 1)
            plsc.store_scatter(sc_ref, [kidx], negv, mask=killmask)

            area_a = (jnp.maximum(by2 - by0, 0.0)
                      * jnp.maximum(by3 - by1, 0.0))
            nbv = jnp.full((16,), -jnp.inf, jnp.float32)
            nbj = jnp.zeros((16,), jnp.int32)
            for j in range(_NJ):
                sl = pl.ds(j * 16, 16)
                ymin = by_ref[sl]
                xmin = bx_ref[sl]
                ymax = ey_ref[sl]
                xmax = ex_ref[sl]
                iy1 = jnp.maximum(by0, ymin)
                ix1 = jnp.maximum(by1, xmin)
                iy2 = jnp.minimum(by2, ymax)
                ix2 = jnp.minimum(by3, xmax)
                inter = (jnp.maximum(iy2 - iy1, 0.0)
                         * jnp.maximum(ix2 - ix1, 0.0))
                union = area_a + ar_ref[sl] - inter
                iou = inter / jnp.maximum(union, 1e-8)
                ns = jnp.where(iou > thr, negv, sc_ref[sl])
                sc_ref[sl] = ns
                better = ns > nbv
                nbv = jnp.where(better, ns, nbv)
                nbj = jnp.where(better, jnp.broadcast_to(j, (16,)), nbj)
            return (nbv, lane + (base + nbj * 16))

        lax.fori_loop(0, _MAX_PROPOSALS, step, (bv, bi))

        @pl.when(sid == 0)
        def _write_out():
            pltpu.sync_copy(outv_ref, outh)


def kernel(preprocessed_inputs, box_encodings, class_predictions_with_background,
           rpn_box_predictor_features, rpn_features_to_crop):
    del preprocessed_inputs, rpn_box_predictor_features, rpn_features_to_crop
    shape = (_ROWS, _COLS)
    enc = box_encodings[0]
    tyc = enc[:, 0].reshape(shape)
    txc = enc[:, 1].reshape(shape)
    thc = enc[:, 2].reshape(shape)
    twc = enc[:, 3].reshape(shape)
    cls = class_predictions_with_background[0]
    cb = cls[:, 0].reshape(shape)
    cf = cls[:, 1].reshape(shape)
    ya, xa, ha, wa = _anchor_planes(32, 32)
    f32 = jnp.float32
    dec = pl.pallas_call(
        _decode_body,
        out_shape=jax.ShapeDtypeStruct((6,) + shape, f32),
    )(tyc, txc, thc, twc, cb, cf, ya, xa, ha, wa)

    mesh = plsc.VectorSubcoreMesh(core_axis_name="c", subcore_axis_name="s")
    run = functools.partial(
        pl.kernel,
        mesh=mesh,
        compiler_params=pltpu.CompilerParams(needs_layout_passes=False),
        out_type=jax.ShapeDtypeStruct((_MAX_PROPOSALS * 16,), f32),
        scratch_types=(
            [pltpu.VMEM((_PER,), f32) for _ in range(6)]
            + [pltpu.VMEM((16,), f32),
               pltpu.VMEM((256,), f32),
               pltpu.VMEM((_MAX_PROPOSALS * 16,), f32),
               pltpu.VMEM_SHARED((512,), f32)]),
    )
    out = run(_sc_nms_body)(dec.reshape(6 * _N))
    return out.reshape(_MAX_PROPOSALS, 16)[:, :4][None]

# --- scband reference (transcript-rebuilt; emitter-appended) ---
"""Pipeline reference for scband-proposal-tf-5970004541861 (READ-ONLY COPY).

The authoritative reference and input builder live on the scoring server;
editing this copy changes nothing except your own understanding.
"""

import jax, jax.numpy as jnp
import numpy as np

SCALES = (0.25, 0.5, 1.0, 2.0)
ASPECT_RATIOS = (0.5, 1.0, 2.0)
ANCHOR_STRIDE = (16, 16)
MAX_PROPOSALS = 100
NMS_SCORE_THRESHOLD = 0.0
NMS_IOU_THRESHOLD = 0.699999988079
BASE_ANCHOR_SIZE = 256.0


def _generate_anchors(Hf, Wf):
    # grid anchor generator (TF object-detection style): centers on stride grid,
    # anchor (h, w) from scale * base_size and aspect ratio
    ys = (np.arange(Hf, dtype=np.float32) + 0.5) * ANCHOR_STRIDE[0]
    xs = (np.arange(Wf, dtype=np.float32) + 0.5) * ANCHOR_STRIDE[1]
    sc, ar = np.meshgrid(np.array(SCALES, np.float32), np.array(ASPECT_RATIOS, np.float32), indexing='ij')
    sc = sc.reshape(-1)
    ar = ar.reshape(-1)
    ha = sc * BASE_ANCHOR_SIZE / np.sqrt(ar)
    wa = sc * BASE_ANCHOR_SIZE * np.sqrt(ar)
    A = ha.shape[0]
    yy, xx = np.meshgrid(ys, xs, indexing='ij')
    ycent = np.repeat(yy.reshape(-1), A)
    xcent = np.repeat(xx.reshape(-1), A)
    hh = np.tile(ha, Hf * Wf)
    ww = np.tile(wa, Hf * Wf)
    return jnp.asarray(np.stack([ycent, xcent, hh, ww], axis=1), dtype=jnp.float32)


def setup_inputs(seed: int = 0) -> dict:
    key = jax.random.key(seed)
    k1, k2, k3, k4, k5 = jax.random.split(key, 5)
    return {
        'preprocessed_inputs': jax.random.normal(k1, (1, 512, 512, 3), dtype=jnp.float32),
        'box_encodings': jax.random.normal(k2, (1, 12288, 4), dtype=jnp.float32),
        'class_predictions_with_background': jax.random.normal(k3, (1, 12288, 2), dtype=jnp.float32),
        'rpn_box_predictor_features': jax.random.normal(k4, (1, 32, 32, 512), dtype=jnp.float32),
        'rpn_features_to_crop': jax.random.normal(k5, (1, 32, 32, 1024), dtype=jnp.float32),
    }


def _iou_one_vs_all(box, boxes):
    # box: [4] (ymin, xmin, ymax, xmax); boxes: [N, 4]
    iy1 = jnp.maximum(box[0], boxes[:, 0])
    ix1 = jnp.maximum(box[1], boxes[:, 1])
    iy2 = jnp.minimum(box[2], boxes[:, 2])
    ix2 = jnp.minimum(box[3], boxes[:, 3])
    inter = jnp.maximum(iy2 - iy1, 0.0) * jnp.maximum(ix2 - ix1, 0.0)
    area_a = jnp.maximum(box[2] - box[0], 0.0) * jnp.maximum(box[3] - box[1], 0.0)
    area_b = jnp.maximum(boxes[:, 2] - boxes[:, 0], 0.0) * jnp.maximum(boxes[:, 3] - boxes[:, 1], 0.0)
    union = area_a + area_b - inter
    return inter / jnp.maximum(union, 1e-8)


def _proposal(preprocessed_inputs, box_encodings, class_predictions_with_background,
              rpn_box_predictor_features, rpn_features_to_crop):
    H = preprocessed_inputs.shape[1]
    W = preprocessed_inputs.shape[2]
    Hf = rpn_box_predictor_features.shape[1]
    Wf = rpn_box_predictor_features.shape[2]
    anchors = _generate_anchors(Hf, Wf)  # [N, 4] (yc, xc, h, w)

    enc = box_encodings[0]  # [N, 4]
    ty = enc[:, 0] / 10.0
    tx = enc[:, 1] / 10.0
    th = enc[:, 2] / 5.0
    tw = enc[:, 3] / 5.0
    ya, xa, ha, wa = anchors[:, 0], anchors[:, 1], anchors[:, 2], anchors[:, 3]
    ycenter = ty * ha + ya
    xcenter = tx * wa + xa
    h = jnp.exp(th) * ha
    w = jnp.exp(tw) * wa
    # clip to image window
    ymin = jnp.clip(ycenter - h / 2.0, 0.0, float(H))
    xmin = jnp.clip(xcenter - w / 2.0, 0.0, float(W))
    ymax = jnp.clip(ycenter + h / 2.0, 0.0, float(H))
    xmax = jnp.clip(xcenter + w / 2.0, 0.0, float(W))
    boxes = jnp.stack([ymin, xmin, ymax, xmax], axis=1)  # [N, 4]

    # objectness score: softmax over (background, foreground), take foreground
    scores = jax.nn.softmax(class_predictions_with_background[0], axis=-1)[:, 1]  # [N]

    N = boxes.shape[0]
    idx_range = jnp.arange(N)

    def nms_step(live_scores, _):
        idx = jnp.argmax(live_scores)
        best = live_scores[idx]
        box = boxes[idx]
        ious = _iou_one_vs_all(box, boxes)
        suppress = (ious > NMS_IOU_THRESHOLD) | (idx_range == idx)
        new_scores = jnp.where(suppress, -1e9, live_scores)
        valid = best > NMS_SCORE_THRESHOLD
        out_box = jnp.where(valid, box, jnp.zeros(4, jnp.float32))
        return new_scores, out_box

    _, selected = jax.lax.scan(nms_step, scores, xs=None, length=MAX_PROPOSALS)  # [max_proposals, 4]

    # normalize to [0, 1]
    norm = selected / jnp.array([float(H), float(W), float(H), float(W)], jnp.float32)
    return norm[None]  # [1, max_proposals, 4]


def reference(preprocessed_inputs, box_encodings, class_predictions_with_background,
              rpn_box_predictor_features, rpn_features_to_crop):
    return _proposal(preprocessed_inputs, box_encodings, class_predictions_with_background,
                     rpn_box_predictor_features, rpn_features_to_crop)

if __name__ == "__main__":
    import jax
    _d = setup_inputs()
    print(jax.jit(kernel)(*tuple(_d.values())))

</pallas_src>

<mosaic_0001>
#map = affine_map<(d0, d1) -> (0)>
module attributes {stable_mosaic.version = 14 : i64} {
  func.func @_sc_nms_body(%arg0: i32, %arg1: i32, %arg2: memref<73728xf32, #tpu.memory_space<hbm>>, %arg3: memref<1600xf32, #tpu.memory_space<hbm>>, %arg4: memref<768xf32, #tpu.memory_space<vmem>>, %arg5: memref<768xf32, #tpu.memory_space<vmem>>, %arg6: memref<768xf32, #tpu.memory_space<vmem>>, %arg7: memref<768xf32, #tpu.memory_space<vmem>>, %arg8: memref<768xf32, #tpu.memory_space<vmem>>, %arg9: memref<768xf32, #tpu.memory_space<vmem>>, %arg10: memref<16xf32, #tpu.memory_space<vmem>>, %arg11: memref<256xf32, #tpu.memory_space<vmem>>, %arg12: memref<1600xf32, #tpu.memory_space<vmem>>, %arg13: memref<512xf32, #tpu.memory_space<vmem_shared>>) attributes {dimension_semantics = [#tpu.dimension_semantics<core_parallel>, #tpu.dimension_semantics<subcore_parallel>], iteration_bounds = array<i64: 2, 16>, scalar_prefetch = 0 : i64, scratch_operands = 10 : i64, tpu.core_type = #tpu.core_type<sc_vector_subcore>, window_params = [{transform_indices = #map}, {transform_indices = #map}]} {
    %eq3A = arith.constant 0 : i32
    %eq3A_0 = arith.cmpi eq, %arg0, %eq3A : i32
    %convert_element_type3A = arith.extui %eq3A_0 : i1 to i32
    %cond3A = arith.constant 0 : i32
    %cond3A_1 = arith.cmpi ne, %convert_element_type3A, %cond3A : i32
    scf.if %cond3A_1 {
      %mul3A = arith.constant 768 : i32
      %mul3A_2 = arith.muli %arg1, %mul3A : i32
      %iota3A = tpu.iota {dimensions = array<i32: 0>} : vector<16xi32>
      %broadcast_in_dim3A = arith.constant -1.000000e+09 : f32
      %broadcast_in_dim3A_3 = vector.broadcast %broadcast_in_dim3A : f32 to vector<16xf32>
      %add3A = arith.constant 0 : i32
      %add3A_4 = arith.addi %add3A, %mul3A_2 : i32
      "tpu.region"() ({
        %run_scoped3A = tpu.sem_alloc : memref<!tpu.dma_semaphore, #tpu.memory_space<semaphore_mem>>
        %dma_start3A = tpu.memref_slice %arg2[%add3A_4] : memref<73728xf32, #tpu.memory_space<hbm>> -> memref<768xf32, #tpu.memory_space<hbm>>
        %dma_start3A_461 = tpu.memref_slice %arg2[%add3A_4] : memref<73728xf32, #tpu.memory_space<hbm>> -> memref<768xf32, #tpu.memory_space<hbm>>
        tpu.enqueue_dma source(%dma_start3A_461 : memref<768xf32, #tpu.memory_space<hbm>>) target(%arg4 : memref<768xf32, #tpu.memory_space<vmem>>) target_semaphore(%run_scoped3A : memref<!tpu.dma_semaphore, #tpu.memory_space<semaphore_mem>>)
        %dma_wait3A = tpu.memref_slice %arg2[%add3A_4] : memref<73728xf32, #tpu.memory_space<hbm>> -> memref<768xf32, #tpu.memory_space<hbm>>
        %dma_wait3A_462 = tpu.memref_slice %arg2[%add3A_4] : memref<73728xf32, #tpu.memory_space<hbm>> -> memref<768xf32, #tpu.memory_space<hbm>>
        tpu.wait_dma2 semaphore(%run_scoped3A : memref<!tpu.dma_semaphore, #tpu.memory_space<semaphore_mem>>) src(%dma_wait3A_462 : memref<768xf32, #tpu.memory_space<hbm>>) dst(%arg4 : memref<768xf32, #tpu.memory_space<vmem>>)
        tpu.yield
      }) : () -> ()
      %add3A_5 = arith.constant 12288 : i32
      %add3A_6 = arith.addi %add3A_5, %mul3A_2 : i32
      "tpu.region"() ({
        %run_scoped3A = tpu.sem_alloc : memref<!tpu.dma_semaphore, #tpu.memory_space<semaphore_mem>>
        %dma_start3A = tpu.memref_slice %arg2[%add3A_6] : memref<73728xf32, #tpu.memory_space<hbm>> -> memref<768xf32, #tpu.memory_space<hbm>>
        %dma_start3A_461 = tpu.memref_slice %arg2[%add3A_6] : memref<73728xf32, #tpu.memory_space<hbm>> -> memref<768xf32, #tpu.memory_space<hbm>>
        tpu.enqueue_dma source(%dma_start3A_461 : memref<768xf32, #tpu.memory_space<hbm>>) target(%arg5 : memref<768xf32, #tpu.memory_space<vmem>>) target_semaphore(%run_scoped3A : memref<!tpu.dma_semaphore, #tpu.memory_space<semaphore_mem>>)
        %dma_wait3A = tpu.memref_slice %arg2[%add3A_6] : memref<73728xf32, #tpu.memory_space<hbm>> -> memref<768xf32, #tpu.memory_space<hbm>>
        %dma_wait3A_462 = tpu.memref_slice %arg2[%add3A_6] : memref<73728xf32, #tpu.memory_space<hbm>> -> memref<768xf32, #tpu.memory_space<hbm>>
        tpu.wait_dma2 semaphore(%run_scoped3A : memref<!tpu.dma_semaphore, #tpu.memory_space<semaphore_mem>>) src(%dma_wait3A_462 : memref<768xf32, #tpu.memory_space<hbm>>) dst(%arg5 : memref<768xf32, #tpu.memory_space<vmem>>)
        tpu.yield
      }) : () -> ()
      %add3A_7 = arith.constant 24576 : i32
      %add3A_8 = arith.addi %add3A_7, %mul3A_2 : i32
      "tpu.region"() ({
        %run_scoped3A = tpu.sem_alloc : memref<!tpu.dma_semaphore, #tpu.memory_space<semaphore_mem>>
        %dma_start3A = tpu.memref_slice %arg2[%add3A_8] : memref<73728xf32, #tpu.memory_space<hbm>> -> memref<768xf32, #tpu.memory_space<hbm>>
        %dma_start3A_461 = tpu.memref_slice %arg2[%add3A_8] : memref<73728xf32, #tpu.memory_space<hbm>> -> memref<768xf32, #tpu.memory_space<hbm>>
        tpu.enqueue_dma source(%dma_start3A_461 : memref<768xf32, #tpu.memory_space<hbm>>) target(%arg6 : memref<768xf32, #tpu.memory_space<vmem>>) target_semaphore(%run_scoped3A : memref<!tpu.dma_semaphore, #tpu.memory_space<semaphore_mem>>)
        %dma_wait3A = tpu.memref_slice %arg2[%add3A_8] : memref<73728xf32, #tpu.memory_space<hbm>> -> memref<768xf32, #tpu.memory_space<hbm>>
        %dma_wait3A_462 = tpu.memref_slice %arg2[%add3A_8] : memref<73728xf32, #tpu.memory_space<hbm>> -> memref<768xf32, #tpu.memory_space<hbm>>
        tpu.wait_dma2 semaphore(%run_scoped3A : memref<!tpu.dma_semaphore, #tpu.memory_space<semaphore_mem>>) src(%dma_wait3A_462 : memref<768xf32, #tpu.memory_space<hbm>>) dst(%arg6 : memref<768xf32, #tpu.memory_space<vmem>>)
        tpu.yield
      }) : () -> ()
      %add3A_9 = arith.constant 36864 : i32
      %add3A_10 = arith.addi %add3A_9, %mul3A_2 : i32
      "tpu.region"() ({
        %run_scoped3A = tpu.sem_alloc : memref<!tpu.dma_semaphore, #tpu.memory_space<semaphore_mem>>
        %dma_start3A = tpu.memref_slice %arg2[%add3A_10] : memref<73728xf32, #tpu.memory_space<hbm>> -> memref<768xf32, #tpu.memory_space<hbm>>
        %dma_start3A_461 = tpu.memref_slice %arg2[%add3A_10] : memref<73728xf32, #tpu.memory_space<hbm>> -> memref<768xf32, #tpu.memory_space<hbm>>
        tpu.enqueue_dma source(%dma_start3A_461 : memref<768xf32, #tpu.memory_space<hbm>>) target(%arg7 : memref<768xf32, #tpu.memory_space<vmem>>) target_semaphore(%run_scoped3A : memref<!tpu.dma_semaphore, #tpu.memory_space<semaphore_mem>>)
        %dma_wait3A = tpu.memref_slice %arg2[%add3A_10] : memref<73728xf32, #tpu.memory_space<hbm>> -> memref<768xf32, #tpu.memory_space<hbm>>
        %dma_wait3A_462 = tpu.memref_slice %arg2[%add3A_10] : memref<73728xf32, #tpu.memory_space<hbm>> -> memref<768xf32, #tpu.memory_space<hbm>>
        tpu.wait_dma2 semaphore(%run_scoped3A : memref<!tpu.dma_semaphore, #tpu.memory_space<semaphore_mem>>) src(%dma_wait3A_462 : memref<768xf32, #tpu.memory_space<hbm>>) dst(%arg7 : memref<768xf32, #tpu.memory_space<vmem>>)
        tpu.yield
      }) : () -> ()
      %add3A_11 = arith.constant 49152 : i32
      %add3A_12 = arith.addi %add3A_11, %mul3A_2 : i32
      "tpu.region"() ({
        %run_scoped3A = tpu.sem_alloc : memref<!tpu.dma_semaphore, #tpu.memory_space<semaphore_mem>>
        %dma_start3A = tpu.memref_slice %arg2[%add3A_12] : memref<73728xf32, #tpu.memory_space<hbm>> -> memref<768xf32, #tpu.memory_space<hbm>>
        %dma_start3A_461 = tpu.memref_slice %arg2[%add3A_12] : memref<73728xf32, #tpu.memory_space<hbm>> -> memref<768xf32, #tpu.memory_space<hbm>>
        tpu.enqueue_dma source(%dma_start3A_461 : memref<768xf32, #tpu.memory_space<hbm>>) target(%arg8 : memref<768xf32, #tpu.memory_space<vmem>>) target_semaphore(%run_scoped3A : memref<!tpu.dma_semaphore, #tpu.memory_space<semaphore_mem>>)
        %dma_wait3A = tpu.memref_slice %arg2[%add3A_12] : memref<73728xf32, #tpu.memory_space<hbm>> -> memref<768xf32, #tpu.memory_space<hbm>>
        %dma_wait3A_462 = tpu.memref_slice %arg2[%add3A_12] : memref<73728xf32, #tpu.memory_space<hbm>> -> memref<768xf32, #tpu.memory_space<hbm>>
        tpu.wait_dma2 semaphore(%run_scoped3A : memref<!tpu.dma_semaphore, #tpu.memory_space<semaphore_mem>>) src(%dma_wait3A_462 : memref<768xf32, #tpu.memory_space<hbm>>) dst(%arg8 : memref<768xf32, #tpu.memory_space<vmem>>)
        tpu.yield
      }) : () -> ()
      %add3A_13 = arith.constant 61440 : i32
      %add3A_14 = arith.addi %add3A_13, %mul3A_2 : i32
      "tpu.region"() ({
        %run_scoped3A = tpu.sem_alloc : memref<!tpu.dma_semaphore, #tpu.memory_space<semaphore_mem>>
        %dma_start3A = tpu.memref_slice %arg2[%add3A_14] : memref<73728xf32, #tpu.memory_space<hbm>> -> memref<768xf32, #tpu.memory_space<hbm>>
        %dma_start3A_461 = tpu.memref_slice %arg2[%add3A_14] : memref<73728xf32, #tpu.memory_space<hbm>> -> memref<768xf32, #tpu.memory_space<hbm>>
        tpu.enqueue_dma source(%dma_start3A_461 : memref<768xf32, #tpu.memory_space<hbm>>) target(%arg9 : memref<768xf32, #tpu.memory_space<vmem>>) target_semaphore(%run_scoped3A : memref<!tpu.dma_semaphore, #tpu.memory_space<semaphore_mem>>)
        %dma_wait3A = tpu.memref_slice %arg2[%add3A_14] : memref<73728xf32, #tpu.memory_space<hbm>> -> memref<768xf32, #tpu.memory_space<hbm>>
        %dma_wait3A_462 = tpu.memref_slice %arg2[%add3A_14] : memref<73728xf32, #tpu.memory_space<hbm>> -> memref<768xf32, #tpu.memory_space<hbm>>
        tpu.wait_dma2 semaphore(%run_scoped3A : memref<!tpu.dma_semaphore, #tpu.memory_space<semaphore_mem>>) src(%dma_wait3A_462 : memref<768xf32, #tpu.memory_space<hbm>>) dst(%arg9 : memref<768xf32, #tpu.memory_space<vmem>>)
        tpu.yield
      }) : () -> ()
      %broadcast_in_dim3A_15 = arith.constant 0xFF800000 : f32
      %broadcast_in_dim3A_16 = vector.broadcast %broadcast_in_dim3A_15 : f32 to vector<16xf32>
      %broadcast_in_dim3A_17 = arith.constant 0 : i32
      %broadcast_in_dim3A_18 = vector.broadcast %broadcast_in_dim3A_17 : i32 to vector<16xi32>
      %get3A = arith.constant 0 : index
      %get3A_19 = tpu.vector_load %arg9[%get3A] {strides = array<i32>} : memref<768xf32, #tpu.memory_space<vmem>>, vector<16xf32>,
      %add3A_20 = arith.constant 0 : i32
      %add3A_21 = arith.addi %mul3A_2, %add3A_20 : i32
      %add3A_22 = vector.broadcast %add3A_21 : i32 to vector<16xi32>
      %add3A_23 = arith.addi %iota3A, %add3A_22 : vector<16xi32>
      %gt3A = arith.cmpf ogt, %get3A_19, %broadcast_in_dim3A_16 : vector<16xf32>
      %select_n3A = arith.select %gt3A, %get3A_19, %broadcast_in_dim3A_16 : vector<16xi1>, vector<16xf32>
      %select_n3A_24 = arith.select %gt3A, %add3A_23, %broadcast_in_dim3A_18 : vector<16xi1>, vector<16xi32>
      %get3A_25 = arith.constant 16 : index
      %get3A_26 = tpu.vector_load %arg9[%get3A_25] {strides = array<i32>} : memref<768xf32, #tpu.memory_space<vmem>>, vector<16xf32>,
      %add3A_27 = arith.constant 16 : i32
      %add3A_28 = arith.addi %mul3A_2, %add3A_27 : i32
      %add3A_29 = vector.broadcast %add3A_28 : i32 to vector<16xi32>
      %add3A_30 = arith.addi %iota3A, %add3A_29 : vector<16xi32>
      %gt3A_31 = arith.cmpf ogt, %get3A_26, %select_n3A : vector<16xf32>
      %select_n3A_32 = arith.select %gt3A_31, %get3A_26, %select_n3A : vector<16xi1>, vector<16xf32>
      %select_n3A_33 = arith.select %gt3A_31, %add3A_30, %select_n3A_24 : vector<16xi1>, vector<16xi32>
      %get3A_34 = arith.constant 32 : index
      %get3A_35 = tpu.vector_load %arg9[%get3A_34] {strides = array<i32>} : memref<768xf32, #tpu.memory_space<vmem>>, vector<16xf32>,
      %add3A_36 = arith.constant 32 : i32
      %add3A_37 = arith.addi %mul3A_2, %add3A_36 : i32
      %add3A_38 = vector.broadcast %add3A_37 : i32 to vector<16xi32>
      %add3A_39 = arith.addi %iota3A, %add3A_38 : vector<16xi32>
      %gt3A_40 = arith.cmpf ogt, %get3A_35, %select_n3A_32 : vector<16xf32>
      %select_n3A_41 = arith.select %gt3A_40, %get3A_35, %select_n3A_32 : vector<16xi1>, vector<16xf32>
      %select_n3A_42 = arith.select %gt3A_40, %add3A_39, %select_n3A_33 : vector<16xi1>, vector<16xi32>
      %get3A_43 = arith.constant 48 : index
      %get3A_44 = tpu.vector_load %arg9[%get3A_43] {strides = array<i32>} : memref<768xf32, #tpu.memory_space<vmem>>, vector<16xf32>,
      %add3A_45 = arith.constant 48 : i32
      %add3A_46 = arith.addi %mul3A_2, %add3A_45 : i32
      %add3A_47 = vector.broadcast %add3A_46 : i32 to vector<16xi32>
      %add3A_48 = arith.addi %iota3A, %add3A_47 : vector<16xi32>
      %gt3A_49 = arith.cmpf ogt, %get3A_44, %select_n3A_41 : vector<16xf32>
      %select_n3A_50 = arith.select %gt3A_49, %get3A_44, %select_n3A_41 : vector<16xi1>, vector<16xf32>
      %select_n3A_51 = arith.select %gt3A_49, %add3A_48, %select_n3A_42 : vector<16xi1>, vector<16xi32>
      %get3A_52 = arith.constant 64 : index
      %get3A_53 = tpu.vector_load %arg9[%get3A_52] {strides = array<i32>} : memref<768xf32, #tpu.memory_space<vmem>>, vector<16xf32>,
      %add3A_54 = arith.constant 64 : i32
      %add3A_55 = arith.addi %mul3A_2, %add3A_54 : i32
      %add3A_56 = vector.broadcast %add3A_55 : i32 to vector<16xi32>
      %add3A_57 = arith.addi %iota3A, %add3A_56 : vector<16xi32>
      %gt3A_58 = arith.cmpf ogt, %get3A_53, %select_n3A_50 : vector<16xf32>
      %select_n3A_59 = arith.select %gt3A_58, %get3A_53, %select_n3A_50 : vector<16xi1>, vector<16xf32>
      %select_n3A_60 = arith.select %gt3A_58, %add3A_57, %select_n3A_51 : vector<16xi1>, vector<16xi32>
      %get3A_61 = arith.constant 80 : index
      %get3A_62 = tpu.vector_load %arg9[%get3A_61] {strides = array<i32>} : memref<768xf32, #tpu.memory_space<vmem>>, vector<16xf32>,
      %add3A_63 = arith.constant 80 : i32
      %add3A_64 = arith.addi %mul3A_2, %add3A_63 : i32
      %add3A_65 = vector.broadcast %add3A_64 : i32 to vector<16xi32>
      %add3A_66 = arith.addi %iota3A, %add3A_65 : vector<16xi32>
      %gt3A_67 = arith.cmpf ogt, %get3A_62, %select_n3A_59 : vector<16xf32>
      %select_n3A_68 = arith.select %gt3A_67, %get3A_62, %select_n3A_59 : vector<16xi1>, vector<16xf32>
      %select_n3A_69 = arith.select %gt3A_67, %add3A_66, %select_n3A_60 : vector<16xi1>, vector<16xi32>
      %get3A_70 = arith.constant 96 : index
      %get3A_71 = tpu.vector_load %arg9[%get3A_70] {strides = array<i32>} : memref<768xf32, #tpu.memory_space<vmem>>, vector<16xf32>,
      %add3A_72 = arith.constant 96 : i32
      %add3A_73 = arith.addi %mul3A_2, %add3A_72 : i32
      %add3A_74 = vector.broadcast %add3A_73 : i32 to vector<16xi32>
      %add3A_75 = arith.addi %iota3A, %add3A_74 : vector<16xi32>
      %gt3A_76 = arith.cmpf ogt, %get3A_71, %select_n3A_68 : vector<16xf32>
      %select_n3A_77 = arith.select %gt3A_76, %get3A_71, %select_n3A_68 : vector<16xi1>, vector<16xf32>
      %select_n3A_78 = arith.select %gt3A_76, %add3A_75, %select_n3A_69 : vector<16xi1>, vector<16xi32>
      %get3A_79 = arith.constant 112 : index
      %get3A_80 = tpu.vector_load %arg9[%get3A_79] {strides = array<i32>} : memref<768xf32, #tpu.memory_space<vmem>>, vector<16xf32>,
      %add3A_81 = arith.constant 112 : i32
      %add3A_82 = arith.addi %mul3A_2, %add3A_81 : i32
      %add3A_83 = vector.broadcast %add3A_82 : i32 to vector<16xi32>
      %add3A_84 = arith.addi %iota3A, %add3A_83 : vector<16xi32>
      %gt3A_85 = arith.cmpf ogt, %get3A_80, %select_n3A_77 : vector<16xf32>
      %select_n3A_86 = arith.select %gt3A_85, %get3A_80, %select_n3A_77 : vector<16xi1>, vector<16xf32>
      %select_n3A_87 = arith.select %gt3A_85, %add3A_84, %select_n3A_78 : vector<16xi1>, vector<16xi32>
      %get3A_88 = arith.constant 128 : index
      %get3A_89 = tpu.vector_load %arg9[%get3A_88] {strides = array<i32>} : memref<768xf32, #tpu.memory_space<vmem>>, vector<16xf32>,
      %add3A_90 = arith.constant 128 : i32
      %add3A_91 = arith.addi %mul3A_2, %add3A_90 : i32
      %add3A_92 = vector.broadcast %add3A_91 : i32 to vector<16xi32>
      %add3A_93 = arith.addi %iota3A, %add3A_92 : vector<16xi32>
      %gt3A_94 = arith.cmpf ogt, %get3A_89, %select_n3A_86 : vector<16xf32>
      %select_n3A_95 = arith.select %gt3A_94, %get3A_89, %select_n3A_86 : vector<16xi1>, vector<16xf32>
      %select_n3A_96 = arith.select %gt3A_94, %add3A_93, %select_n3A_87 : vector<16xi1>, vector<16xi32>
      %get3A_97 = arith.constant 144 : index
      %get3A_98 = tpu.vector_load %arg9[%get3A_97] {strides = array<i32>} : memref<768xf32, #tpu.memory_space<vmem>>, vector<16xf32>,
      %add3A_99 = arith.constant 144 : i32
      %add3A_100 = arith.addi %mul3A_2, %add3A_99 : i32
      %add3A_101 = vector.broadcast %add3A_100 : i32 to vector<16xi32>
      %add3A_102 = arith.addi %iota3A, %add3A_101 : vector<16xi32>
      %gt3A_103 = arith.cmpf ogt, %get3A_98, %select_n3A_95 : vector<16xf32>
      %select_n3A_104 = arith.select %gt3A_103, %get3A_98, %select_n3A_95 : vector<16xi1>, vector<16xf32>
      %select_n3A_105 = arith.select %gt3A_103, %add3A_102, %select_n3A_96 : vector<16xi1>, vector<16xi32>
      %get3A_106 = arith.constant 160 : index
      %get3A_107 = tpu.vector_load %arg9[%get3A_106] {strides = array<i32>} : memref<768xf32, #tpu.memory_space<vmem>>, vector<16xf32>,
      %add3A_108 = arith.constant 160 : i32
      %add3A_109 = arith.addi %mul3A_2, %add3A_108 : i32
      %add3A_110 = vector.broadcast %add3A_109 : i32 to vector<16xi32>
      %add3A_111 = arith.addi %iota3A, %add3A_110 : vector<16xi32>
      %gt3A_112 = arith.cmpf ogt, %get3A_107, %select_n3A_104 : vector<16xf32>
      %select_n3A_113 = arith.select %gt3A_112, %get3A_107, %select_n3A_104 : vector<16xi1>, vector<16xf32>
      %select_n3A_114 = arith.select %gt3A_112, %add3A_111, %select_n3A_105 : vector<16xi1>, vector<16xi32>
      %get3A_115 = arith.constant 176 : index
      %get3A_116 = tpu.vector_load %arg9[%get3A_115] {strides = array<i32>} : memref<768xf32, #tpu.memory_space<vmem>>, vector<16xf32>,
      %add3A_117 = arith.constant 176 : i32
      %add3A_118 = arith.addi %mul3A_2, %add3A_117 : i32
      %add3A_119 = vector.broadcast %add3A_118 : i32 to vector<16xi32>
      %add3A_120 = arith.addi %iota3A, %add3A_119 : vector<16xi32>
      %gt3A_121 = arith.cmpf ogt, %get3A_116, %select_n3A_113 : vector<16xf32>
      %select_n3A_122 = arith.select %gt3A_121, %get3A_116, %select_n3A_113 : vector<16xi1>, vector<16xf32>
      %select_n3A_123 = arith.select %gt3A_121, %add3A_120, %select_n3A_114 : vector<16xi1>, vector<16xi32>
      %get3A_124 = arith.constant 192 : index
      %get3A_125 = tpu.vector_load %arg9[%get3A_124] {strides = array<i32>} : memref<768xf32, #tpu.memory_space<vmem>>, vector<16xf32>,
      %add3A_126 = arith.constant 192 : i32
      %add3A_127 = arith.addi %mul3A_2, %add3A_126 : i32
      %add3A_128 = vector.broadcast %add3A_127 : i32 to vector<16xi32>
      %add3A_129 = arith.addi %iota3A, %add3A_128 : vector<16xi32>
      %gt3A_130 = arith.cmpf ogt, %get3A_125, %select_n3A_122 : vector<16xf32>
      %select_n3A_131 = arith.select %gt3A_130, %get3A_125, %select_n3A_122 : vector<16xi1>, vector<16xf32>
      %select_n3A_132 = arith.select %gt3A_130, %add3A_129, %select_n3A_123 : vector<16xi1>, vector<16xi32>
      %get3A_133 = arith.constant 208 : index
      %get3A_134 = tpu.vector_load %arg9[%get3A_133] {strides = array<i32>} : memref<768xf32, #tpu.memory_space<vmem>>, vector<16xf32>,
      %add3A_135 = arith.constant 208 : i32
      %add3A_136 = arith.addi %mul3A_2, %add3A_135 : i32
      %add3A_137 = vector.broadcast %add3A_136 : i32 to vector<16xi32>
      %add3A_138 = arith.addi %iota3A, %add3A_137 : vector<16xi32>
      %gt3A_139 = arith.cmpf ogt, %get3A_134, %select_n3A_131 : vector<16xf32>
      %select_n3A_140 = arith.select %gt3A_139, %get3A_134, %select_n3A_131 : vector<16xi1>, vector<16xf32>
      %select_n3A_141 = arith.select %gt3A_139, %add3A_138, %select_n3A_132 : vector<16xi1>, vector<16xi32>
      %get3A_142 = arith.constant 224 : index
      %get3A_143 = tpu.vector_load %arg9[%get3A_142] {strides = array<i32>} : memref<768xf32, #tpu.memory_space<vmem>>, vector<16xf32>,
      %add3A_144 = arith.constant 224 : i32
      %add3A_145 = arith.addi %mul3A_2, %add3A_144 : i32
      %add3A_146 = vector.broadcast %add3A_145 : i32 to vector<16xi32>
      %add3A_147 = arith.addi %iota3A, %add3A_146 : vector<16xi32>
      %gt3A_148 = arith.cmpf ogt, %get3A_143, %select_n3A_140 : vector<16xf32>
      %select_n3A_149 = arith.select %gt3A_148, %get3A_143, %select_n3A_140 : vector<16xi1>, vector<16xf32>
      %select_n3A_150 = arith.select %gt3A_148, %add3A_147, %select_n3A_141 : vector<16xi1>, vector<16xi32>
      %get3A_151 = arith.constant 240 : index
      %get3A_152 = tpu.vector_load %arg9[%get3A_151] {strides = array<i32>} : memref<768xf32, #tpu.memory_space<vmem>>, vector<16xf32>,
      %add3A_153 = arith.constant 240 : i32
      %add3A_154 = arith.addi %mul3A_2, %add3A_153 : i32
      %add3A_155 = vector.broadcast %add3A_154 : i32 to vector<16xi32>
      %add3A_156 = arith.addi %iota3A, %add3A_155 : vector<16xi32>
      %gt3A_157 = arith.cmpf ogt, %get3A_152, %select_n3A_149 : vector<16xf32>
      %select_n3A_158 = arith.select %gt3A_157, %get3A_152, %select_n3A_149 : vector<16xi1>, vector<16xf32>
      %select_n3A_159 = arith.select %gt3A_157, %add3A_156, %select_n3A_150 : vector<16xi1>, vector<16xi32>
      %get3A_160 = arith.constant 256 : index
      %get3A_161 = tpu.vector_load %arg9[%get3A_160] {strides = array<i32>} : memref<768xf32, #tpu.memory_space<vmem>>, vector<16xf32>,
      %add3A_162 = arith.constant 256 : i32
      %add3A_163 = arith.addi %mul3A_2, %add3A_162 : i32
      %add3A_164 = vector.broadcast %add3A_163 : i32 to vector<16xi32>
      %add3A_165 = arith.addi %iota3A, %add3A_164 : vector<16xi32>
      %gt3A_166 = arith.cmpf ogt, %get3A_161, %select_n3A_158 : vector<16xf32>
      %select_n3A_167 = arith.select %gt3A_166, %get3A_161, %select_n3A_158 : vector<16xi1>, vector<16xf32>
      %select_n3A_168 = arith.select %gt3A_166, %add3A_165, %select_n3A_159 : vector<16xi1>, vector<16xi32>
      %get3A_169 = arith.constant 272 : index
      %get3A_170 = tpu.vector_load %arg9[%get3A_169] {strides = array<i32>} : memref<768xf32, #tpu.memory_space<vmem>>, vector<16xf32>,
      %add3A_171 = arith.constant 272 : i32
      %add3A_172 = arith.addi %mul3A_2, %add3A_171 : i32
      %add3A_173 = vector.broadcast %add3A_172 : i32 to vector<16xi32>
      %add3A_174 = arith.addi %iota3A, %add3A_173 : vector<16xi32>
      %gt3A_175 = arith.cmpf ogt, %get3A_170, %select_n3A_167 : vector<16xf32>
      %select_n3A_176 = arith.select %gt3A_175, %get3A_170, %select_n3A_167 : vector<16xi1>, vector<16xf32>
      %select_n3A_177 = arith.select %gt3A_175, %add3A_174, %select_n3A_168 : vector<16xi1>, vector<16xi32>
      %get3A_178 = arith.constant 288 : index
      %get3A_179 = tpu.vector_load %arg9[%get3A_178] {strides = array<i32>} : memref<768xf32, #tpu.memory_space<vmem>>, vector<16xf32>,
      %add3A_180 = arith.constant 288 : i32
      %add3A_181 = arith.addi %mul3A_2, %add3A_180 : i32
      %add3A_182 = vector.broadcast %add3A_181 : i32 to vector<16xi32>
      %add3A_183 = arith.addi %iota3A, %add3A_182 : vector<16xi32>
      %gt3A_184 = arith.cmpf ogt, %get3A_179, %select_n3A_176 : vector<16xf32>
      %select_n3A_185 = arith.select %gt3A_184, %get3A_179, %select_n3A_176 : vector<16xi1>, vector<16xf32>
      %select_n3A_186 = arith.select %gt3A_184, %add3A_183, %select_n3A_177 : vector<16xi1>, vector<16xi32>
      %get3A_187 = arith.constant 304 : index
      %get3A_188 = tpu.vector_load %arg9[%get3A_187] {strides = array<i32>} : memref<768xf32, #tpu.memory_space<vmem>>, vector<16xf32>,
      %add3A_189 = arith.constant 304 : i32
      %add3A_190 = arith.addi %mul3A_2, %add3A_189 : i32
      %add3A_191 = vector.broadcast %add3A_190 : i32 to vector<16xi32>
      %add3A_192 = arith.addi %iota3A, %add3A_191 : vector<16xi32>
      %gt3A_193 = arith.cmpf ogt, %get3A_188, %select_n3A_185 : vector<16xf32>
      %select_n3A_194 = arith.select %gt3A_193, %get3A_188, %select_n3A_185 : vector<16xi1>, vector<16xf32>
      %select_n3A_195 = arith.select %gt3A_193, %add3A_192, %select_n3A_186 : vector<16xi1>, vector<16xi32>
      %get3A_196 = arith.constant 320 : index
      %get3A_197 = tpu.vector_load %arg9[%get3A_196] {strides = array<i32>} : memref<768xf32, #tpu.memory_space<vmem>>, vector<16xf32>,
      %add3A_198 = arith.constant 320 : i32
      %add3A_199 = arith.addi %mul3A_2, %add3A_198 : i32
      %add3A_200 = vector.broadcast %add3A_199 : i32 to vector<16xi32>
      %add3A_201 = arith.addi %iota3A, %add3A_200 : vector<16xi32>
      %gt3A_202 = arith.cmpf ogt, %get3A_197, %select_n3A_194 : vector<16xf32>
      %select_n3A_203 = arith.select %gt3A_202, %get3A_197, %select_n3A_194 : vector<16xi1>, vector<16xf32>
      %select_n3A_204 = arith.select %gt3A_202, %add3A_201, %select_n3A_195 : vector<16xi1>, vector<16xi32>
      %get3A_205 = arith.constant 336 : index
      %get3A_206 = tpu.vector_load %arg9[%get3A_205] {strides = array<i32>} : memref<768xf32, #tpu.memory_space<vmem>>, vector<16xf32>,
      %add3A_207 = arith.constant 336 : i32
      %add3A_208 = arith.addi %mul3A_2, %add3A_207 : i32
      %add3A_209 = vector.broadcast %add3A_208 : i32 to vector<16xi32>
      %add3A_210 = arith.addi %iota3A, %add3A_209 : vector<16xi32>
      %gt3A_211 = arith.cmpf ogt, %get3A_206, %select_n3A_203 : vector<16xf32>
      %select_n3A_212 = arith.select %gt3A_211, %get3A_206, %select_n3A_203 : vector<16xi1>, vector<16xf32>
      %select_n3A_213 = arith.select %gt3A_211, %add3A_210, %select_n3A_204 : vector<16xi1>, vector<16xi32>
      %get3A_214 = arith.constant 352 : index
      %get3A_215 = tpu.vector_load %arg9[%get3A_214] {strides = array<i32>} : memref<768xf32, #tpu.memory_space<vmem>>, vector<16xf32>,
      %add3A_216 = arith.constant 352 : i32
      %add3A_217 = arith.addi %mul3A_2, %add3A_216 : i32
      %add3A_218 = vector.broadcast %add3A_217 : i32 to vector<16xi32>
      %add3A_219 = arith.addi %iota3A, %add3A_218 : vector<16xi32>
      %gt3A_220 = arith.cmpf ogt, %get3A_215, %select_n3A_212 : vector<16xf32>
      %select_n3A_221 = arith.select %gt3A_220, %get3A_215, %select_n3A_212 : vector<16xi1>, vector<16xf32>
      %select_n3A_222 = arith.select %gt3A_220, %add3A_219, %select_n3A_213 : vector<16xi1>, vector<16xi32>
      %get3A_223 = arith.constant 368 : index
      %get3A_224 = tpu.vector_load %arg9[%get3A_223] {strides = array<i32>} : memref<768xf32, #tpu.memory_space<vmem>>, vector<16xf32>,
      %add3A_225 = arith.constant 368 : i32
      %add3A_226 = arith.addi %mul3A_2, %add3A_225 : i32
      %add3A_227 = vector.broadcast %add3A_226 : i32 to vector<16xi32>
      %add3A_228 = arith.addi %iota3A, %add3A_227 : vector<16xi32>
      %gt3A_229 = arith.cmpf ogt, %get3A_224, %select_n3A_221 : vector<16xf32>
      %select_n3A_230 = arith.select %gt3A_229, %get3A_224, %select_n3A_221 : vector<16xi1>, vector<16xf32>
      %select_n3A_231 = arith.select %gt3A_229, %add3A_228, %select_n3A_222 : vector<16xi1>, vector<16xi32>
      %get3A_232 = arith.constant 384 : index
      %get3A_233 = tpu.vector_load %arg9[%get3A_232] {strides = array<i32>} : memref<768xf32, #tpu.memory_space<vmem>>, vector<16xf32>,
      %add3A_234 = arith.constant 384 : i32
      %add3A_235 = arith.addi %mul3A_2, %add3A_234 : i32
      %add3A_236 = vector.broadcast %add3A_235 : i32 to vector<16xi32>
      %add3A_237 = arith.addi %iota3A, %add3A_236 : vector<16xi32>
      %gt3A_238 = arith.cmpf ogt, %get3A_233, %select_n3A_230 : vector<16xf32>
      %select_n3A_239 = arith.select %gt3A_238, %get3A_233, %select_n3A_230 : vector<16xi1>, vector<16xf32>
      %select_n3A_240 = arith.select %gt3A_238, %add3A_237, %select_n3A_231 : vector<16xi1>, vector<16xi32>
      %get3A_241 = arith.constant 400 : index
      %get3A_242 = tpu.vector_load %arg9[%get3A_241] {strides = array<i32>} : memref<768xf32, #tpu.memory_space<vmem>>, vector<16xf32>,
      %add3A_243 = arith.constant 400 : i32
      %add3A_244 = arith.addi %mul3A_2, %add3A_243 : i32
      %add3A_245 = vector.broadcast %add3A_244 : i32 to vector<16xi32>
      %add3A_246 = arith.addi %iota3A, %add3A_245 : vector<16xi32>
      %gt3A_247 = arith.cmpf ogt, %get3A_242, %select_n3A_239 : vector<16xf32>
      %select_n3A_248 = arith.select %gt3A_247, %get3A_242, %select_n3A_239 : vector<16xi1>, vector<16xf32>
      %select_n3A_249 = arith.select %gt3A_247, %add3A_246, %select_n3A_240 : vector<16xi1>, vector<16xi32>
      %get3A_250 = arith.constant 416 : index
      %get3A_251 = tpu.vector_load %arg9[%get3A_250] {strides = array<i32>} : memref<768xf32, #tpu.memory_space<vmem>>, vector<16xf32>,
      %add3A_252 = arith.constant 416 : i32
      %add3A_253 = arith.addi %mul3A_2, %add3A_252 : i32
      %add3A_254 = vector.broadcast %add3A_253 : i32 to vector<16xi32>
      %add3A_255 = arith.addi %iota3A, %add3A_254 : vector<16xi32>
      %gt3A_256 = arith.cmpf ogt, %get3A_251, %select_n3A_248 : vector<16xf32>
      %select_n3A_257 = arith.select %gt3A_256, %get3A_251, %select_n3A_248 : vector<16xi1>, vector<16xf32>
      %select_n3A_258 = arith.select %gt3A_256, %add3A_255, %select_n3A_249 : vector<16xi1>, vector<16xi32>
      %get3A_259 = arith.constant 432 : index
      %get3A_260 = tpu.vector_load %arg9[%get3A_259] {strides = array<i32>} : memref<768xf32, #tpu.memory_space<vmem>>, vector<16xf32>,
      %add3A_261 = arith.constant 432 : i32
      %add3A_262 = arith.addi %mul3A_2, %add3A_261 : i32
      %add3A_263 = vector.broadcast %add3A_262 : i32 to vector<16xi32>
      %add3A_264 = arith.addi %iota3A, %add3A_263 : vector<16xi32>
      %gt3A_265 = arith.cmpf ogt, %get3A_260, %select_n3A_257 : vector<16xf32>
      %select_n3A_266 = arith.select %gt3A_265, %get3A_260, %select_n3A_257 : vector<16xi1>, vector<16xf32>
      %select_n3A_267 = arith.select %gt3A_265, %add3A_264, %select_n3A_258 : vector<16xi1>, vector<16xi32>
      %get3A_268 = arith.constant 448 : index
      %get3A_269 = tpu.vector_load %arg9[%get3A_268] {strides = array<i32>} : memref<768xf32, #tpu.memory_space<vmem>>, vector<16xf32>,
      %add3A_270 = arith.constant 448 : i32
      %add3A_271 = arith.addi %mul3A_2, %add3A_270 : i32
      %add3A_272 = vector.broadcast %add3A_271 : i32 to vector<16xi32>
      %add3A_273 = arith.addi %iota3A, %add3A_272 : vector<16xi32>
      %gt3A_274 = arith.cmpf ogt, %get3A_269, %select_n3A_266 : vector<16xf32>
      %select_n3A_275 = arith.select %gt3A_274, %get3A_269, %select_n3A_266 : vector<16xi1>, vector<16xf32>
      %select_n3A_276 = arith.select %gt3A_274, %add3A_273, %select_n3A_267 : vector<16xi1>, vector<16xi32>
      %get3A_277 = arith.constant 464 : index
      %get3A_278 = tpu.vector_load %arg9[%get3A_277] {strides = array<i32>} : memref<768xf32, #tpu.memory_space<vmem>>, vector<16xf32>,
      %add3A_279 = arith.constant 464 : i32
      %add3A_280 = arith.addi %mul3A_2, %add3A_279 : i32
      %add3A_281 = vector.broadcast %add3A_280 : i32 to vector<16xi32>
      %add3A_282 = arith.addi %iota3A, %add3A_281 : vector<16xi32>
      %gt3A_283 = arith.cmpf ogt, %get3A_278, %select_n3A_275 : vector<16xf32>
      %select_n3A_284 = arith.select %gt3A_283, %get3A_278, %select_n3A_275 : vector<16xi1>, vector<16xf32>
      %select_n3A_285 = arith.select %gt3A_283, %add3A_282, %select_n3A_276 : vector<16xi1>, vector<16xi32>
      %get3A_286 = arith.constant 480 : index
      %get3A_287 = tpu.vector_load %arg9[%get3A_286] {strides = array<i32>} : memref<768xf32, #tpu.memory_space<vmem>>, vector<16xf32>,
      %add3A_288 = arith.constant 480 : i32
      %add3A_289 = arith.addi %mul3A_2, %add3A_288 : i32
      %add3A_290 = vector.broadcast %add3A_289 : i32 to vector<16xi32>
      %add3A_291 = arith.addi %iota3A, %add3A_290 : vector<16xi32>
      %gt3A_292 = arith.cmpf ogt, %get3A_287, %select_n3A_284 : vector<16xf32>
      %select_n3A_293 = arith.select %gt3A_292, %get3A_287, %select_n3A_284 : vector<16xi1>, vector<16xf32>
      %select_n3A_294 = arith.select %gt3A_292, %add3A_291, %select_n3A_285 : vector<16xi1>, vector<16xi32>
      %get3A_295 = arith.constant 496 : index
      %get3A_296 = tpu.vector_load %arg9[%get3A_295] {strides = array<i32>} : memref<768xf32, #tpu.memory_space<vmem>>, vector<16xf32>,
      %add3A_297 = arith.constant 496 : i32
      %add3A_298 = arith.addi %mul3A_2, %add3A_297 : i32
      %add3A_299 = vector.broadcast %add3A_298 : i32 to vector<16xi32>
      %add3A_300 = arith.addi %iota3A, %add3A_299 : vector<16xi32>
      %gt3A_301 = arith.cmpf ogt, %get3A_296, %select_n3A_293 : vector<16xf32>
      %select_n3A_302 = arith.select %gt3A_301, %get3A_296, %select_n3A_293 : vector<16xi1>, vector<16xf32>
      %select_n3A_303 = arith.select %gt3A_301, %add3A_300, %select_n3A_294 : vector<16xi1>, vector<16xi32>
      %get3A_304 = arith.constant 512 : index
      %get3A_305 = tpu.vector_load %arg9[%get3A_304] {strides = array<i32>} : memref<768xf32, #tpu.memory_space<vmem>>, vector<16xf32>,
      %add3A_306 = arith.constant 512 : i32
      %add3A_307 = arith.addi %mul3A_2, %add3A_306 : i32
      %add3A_308 = vector.broadcast %add3A_307 : i32 to vector<16xi32>
      %add3A_309 = arith.addi %iota3A, %add3A_308 : vector<16xi32>
      %gt3A_310 = arith.cmpf ogt, %get3A_305, %select_n3A_302 : vector<16xf32>
      %select_n3A_311 = arith.select %gt3A_310, %get3A_305, %select_n3A_302 : vector<16xi1>, vector<16xf32>
      %select_n3A_312 = arith.select %gt3A_310, %add3A_309, %select_n3A_303 : vector<16xi1>, vector<16xi32>
      %get3A_313 = arith.constant 528 : index
      %get3A_314 = tpu.vector_load %arg9[%get3A_313] {strides = array<i32>} : memref<768xf32, #tpu.memory_space<vmem>>, vector<16xf32>,
      %add3A_315 = arith.constant 528 : i32
      %add3A_316 = arith.addi %mul3A_2, %add3A_315 : i32
      %add3A_317 = vector.broadcast %add3A_316 : i32 to vector<16xi32>
      %add3A_318 = arith.addi %iota3A, %add3A_317 : vector<16xi32>
      %gt3A_319 = arith.cmpf ogt, %get3A_314, %select_n3A_311 : vector<16xf32>
      %select_n3A_320 = arith.select %gt3A_319, %get3A_314, %select_n3A_311 : vector<16xi1>, vector<16xf32>
      %select_n3A_321 = arith.select %gt3A_319, %add3A_318, %select_n3A_312 : vector<16xi1>, vector<16xi32>
      %get3A_322 = arith.constant 544 : index
      %get3A_323 = tpu.vector_load %arg9[%get3A_322] {strides = array<i32>} : memref<768xf32, #tpu.memory_space<vmem>>, vector<16xf32>,
      %add3A_324 = arith.constant 544 : i32
      %add3A_325 = arith.addi %mul3A_2, %add3A_324 : i32
      %add3A_326 = vector.broadcast %add3A_325 : i32 to vector<16xi32>
      %add3A_327 = arith.addi %iota3A, %add3A_326 : vector<16xi32>
      %gt3A_328 = arith.cmpf ogt, %get3A_323, %select_n3A_320 : vector<16xf32>
      %select_n3A_329 = arith.select %gt3A_328, %get3A_323, %select_n3A_320 : vector<16xi1>, vector<16xf32>
      %select_n3A_330 = arith.select %gt3A_328, %add3A_327, %select_n3A_321 : vector<16xi1>, vector<16xi32>
      %get3A_331 = arith.constant 560 : index
      %get3A_332 = tpu.vector_load %arg9[%get3A_331] {strides = array<i32>} : memref<768xf32, #tpu.memory_space<vmem>>, vector<16xf32>,
      %add3A_333 = arith.constant 560 : i32
      %add3A_334 = arith.addi %mul3A_2, %add3A_333 : i32
      %add3A_335 = vector.broadcast %add3A_334 : i32 to vector<16xi32>
      %add3A_336 = arith.addi %iota3A, %add3A_335 : vector<16xi32>
      %gt3A_337 = arith.cmpf ogt, %get3A_332, %select_n3A_329 : vector<16xf32>
      %select_n3A_338 = arith.select %gt3A_337, %get3A_332, %select_n3A_329 : vector<16xi1>, vector<16xf32>
      %select_n3A_339 = arith.select %gt3A_337, %add3A_336, %select_n3A_330 : vector<16xi1>, vector<16xi32>
      %get3A_340 = arith.constant 576 : index
      %get3A_341 = tpu.vector_load %arg9[%get3A_340] {strides = array<i32>} : memref<768xf32, #tpu.memory_space<vmem>>, vector<16xf32>,
      %add3A_342 = arith.constant 576 : i32
      %add3A_343 = arith.addi %mul3A_2, %add3A_342 : i32
      %add3A_344 = vector.broadcast %add3A_343 : i32 to vector<16xi32>
      %add3A_345 = arith.addi %iota3A, %add3A_344 : vector<16xi32>
      %gt3A_346 = arith.cmpf ogt, %get3A_341, %select_n3A_338 : vector<16xf32>
      %select_n3A_347 = arith.select %gt3A_346, %get3A_341, %select_n3A_338 : vector<16xi1>, vector<16xf32>
      %select_n3A_348 = arith.select %gt3A_346, %add3A_345, %select_n3A_339 : vector<16xi1>, vector<16xi32>
      %get3A_349 = arith.constant 592 : index
      %get3A_350 = tpu.vector_load %arg9[%get3A_349] {strides = array<i32>} : memref<768xf32, #tpu.memory_space<vmem>>, vector<16xf32>,
      %add3A_351 = arith.constant 592 : i32
      %add3A_352 = arith.addi %mul3A_2, %add3A_351 : i32
      %add3A_353 = vector.broadcast %add3A_352 : i32 to vector<16xi32>
      %add3A_354 = arith.addi %iota3A, %add3A_353 : vector<16xi32>
      %gt3A_355 = arith.cmpf ogt, %get3A_350, %select_n3A_347 : vector<16xf32>
      %select_n3A_356 = arith.select %gt3A_355, %get3A_350, %select_n3A_347 : vector<16xi1>, vector<16xf32>
      %select_n3A_357 = arith.select %gt3A_355, %add3A_354, %select_n3A_348 : vector<16xi1>, vector<16xi32>
      %get3A_358 = arith.constant 608 : index
      %get3A_359 = tpu.vector_load %arg9[%get3A_358] {strides = array<i32>} : memref<768xf32, #tpu.memory_space<vmem>>, vector<16xf32>,
      %add3A_360 = arith.constant 608 : i32
      %add3A_361 = arith.addi %mul3A_2, %add3A_360 : i32
      %add3A_362 = vector.broadcast %add3A_361 : i32 to vector<16xi32>
      %add3A_363 = arith.addi %iota3A, %add3A_362 : vector<16xi32>
      %gt3A_364 = arith.cmpf ogt, %get3A_359, %select_n3A_356 : vector<16xf32>
      %select_n3A_365 = arith.select %gt3A_364, %get3A_359, %select_n3A_356 : vector<16xi1>, vector<16xf32>
      %select_n3A_366 = arith.select %gt3A_364, %add3A_363, %select_n3A_357 : vector<16xi1>, vector<16xi32>
      %get3A_367 = arith.constant 624 : index
      %get3A_368 = tpu.vector_load %arg9[%get3A_367] {strides = array<i32>} : memref<768xf32, #tpu.memory_space<vmem>>, vector<16xf32>,
      %add3A_369 = arith.constant 624 : i32
      %add3A_370 = arith.addi %mul3A_2, %add3A_369 : i32
      %add3A_371 = vector.broadcast %add3A_370 : i32 to vector<16xi32>
      %add3A_372 = arith.addi %iota3A, %add3A_371 : vector<16xi32>
      %gt3A_373 = arith.cmpf ogt, %get3A_368, %select_n3A_365 : vector<16xf32>
      %select_n3A_374 = arith.select %gt3A_373, %get3A_368, %select_n3A_365 : vector<16xi1>, vector<16xf32>
      %select_n3A_375 = arith.select %gt3A_373, %add3A_372, %select_n3A_366 : vector<16xi1>, vector<16xi32>
      %get3A_376 = arith.constant 640 : index
      %get3A_377 = tpu.vector_load %arg9[%get3A_376] {strides = array<i32>} : memref<768xf32, #tpu.memory_space<vmem>>, vector<16xf32>,
      %add3A_378 = arith.constant 640 : i32
      %add3A_379 = arith.addi %mul3A_2, %add3A_378 : i32
      %add3A_380 = vector.broadcast %add3A_379 : i32 to vector<16xi32>
      %add3A_381 = arith.addi %iota3A, %add3A_380 : vector<16xi32>
      %gt3A_382 = arith.cmpf ogt, %get3A_377, %select_n3A_374 : vector<16xf32>
      %select_n3A_383 = arith.select %gt3A_382, %get3A_377, %select_n3A_374 : vector<16xi1>, vector<16xf32>
      %select_n3A_384 = arith.select %gt3A_382, %add3A_381, %select_n3A_375 : vector<16xi1>, vector<16xi32>
      %get3A_385 = arith.constant 656 : index
      %get3A_386 = tpu.vector_load %arg9[%get3A_385] {strides = array<i32>} : memref<768xf32, #tpu.memory_space<vmem>>, vector<16xf32>,
      %add3A_387 = arith.constant 656 : i32
      %add3A_388 = arith.addi %mul3A_2, %add3A_387 : i32
      %add3A_389 = vector.broadcast %add3A_388 : i32 to vector<16xi32>
      %add3A_390 = arith.addi %iota3A, %add3A_389 : vector<16xi32>
      %gt3A_391 = arith.cmpf ogt, %get3A_386, %select_n3A_383 : vector<16xf32>
      %select_n3A_392 = arith.select %gt3A_391, %get3A_386, %select_n3A_383 : vector<16xi1>, vector<16xf32>
      %select_n3A_393 = arith.select %gt3A_391, %add3A_390, %select_n3A_384 : vector<16xi1>, vector<16xi32>
      %get3A_394 = arith.constant 672 : index
      %get3A_395 = tpu.vector_load %arg9[%get3A_394] {strides = array<i32>} : memref<768xf32, #tpu.memory_space<vmem>>, vector<16xf32>,
      %add3A_396 = arith.constant 672 : i32
      %add3A_397 = arith.addi %mul3A_2, %add3A_396 : i32
      %add3A_398 = vector.broadcast %add3A_397 : i32 to vector<16xi32>
      %add3A_399 = arith.addi %iota3A, %add3A_398 : vector<16xi32>
      %gt3A_400 = arith.cmpf ogt, %get3A_395, %select_n3A_392 : vector<16xf32>
      %select_n3A_401 = arith.select %gt3A_400, %get3A_395, %select_n3A_392 : vector<16xi1>, vector<16xf32>
      %select_n3A_402 = arith.select %gt3A_400, %add3A_399, %select_n3A_393 : vector<16xi1>, vector<16xi32>
      %get3A_403 = arith.constant 688 : index
      %get3A_404 = tpu.vector_load %arg9[%get3A_403] {strides = array<i32>} : memref<768xf32, #tpu.memory_space<vmem>>, vector<16xf32>,
      %add3A_405 = arith.constant 688 : i32
      %add3A_406 = arith.addi %mul3A_2, %add3A_405 : i32
      %add3A_407 = vector.broadcast %add3A_406 : i32 to vector<16xi32>
      %add3A_408 = arith.addi %iota3A, %add3A_407 : vector<16xi32>
      %gt3A_409 = arith.cmpf ogt, %get3A_404, %select_n3A_401 : vector<16xf32>
      %select_n3A_410 = arith.select %gt3A_409, %get3A_404, %select_n3A_401 : vector<16xi1>, vector<16xf32>
      %select_n3A_411 = arith.select %gt3A_409, %add3A_408, %select_n3A_402 : vector<16xi1>, vector<16xi32>
      %get3A_412 = arith.constant 704 : index
      %get3A_413 = tpu.vector_load %arg9[%get3A_412] {strides = array<i32>} : memref<768xf32, #tpu.memory_space<vmem>>, vector<16xf32>,
      %add3A_414 = arith.constant 704 : i32
      %add3A_415 = arith.addi %mul3A_2, %add3A_414 : i32
      %add3A_416 = vector.broadcast %add3A_415 : i32 to vector<16xi32>
      %add3A_417 = arith.addi %iota3A, %add3A_416 : vector<16xi32>
      %gt3A_418 = arith.cmpf ogt, %get3A_413, %select_n3A_410 : vector<16xf32>
      %select_n3A_419 = arith.select %gt3A_418, %get3A_413, %select_n3A_410 : vector<16xi1>, vector<16xf32>
      %select_n3A_420 = arith.select %gt3A_418, %add3A_417, %select_n3A_411 : vector<16xi1>, vector<16xi32>
      %get3A_421 = arith.constant 720 : index
      %get3A_422 = tpu.vector_load %arg9[%get3A_421] {strides = array<i32>} : memref<768xf32, #tpu.memory_space<vmem>>, vector<16xf32>,
      %add3A_423 = arith.constant 720 : i32
      %add3A_424 = arith.addi %mul3A_2, %add3A_423 : i32
      %add3A_425 = vector.broadcast %add3A_424 : i32 to vector<16xi32>
      %add3A_426 = arith.addi %iota3A, %add3A_425 : vector<16xi32>
      %gt3A_427 = arith.cmpf ogt, %get3A_422, %select_n3A_419 : vector<16xf32>
      %select_n3A_428 = arith.select %gt3A_427, %get3A_422, %select_n3A_419 : vector<16xi1>, vector<16xf32>
      %select_n3A_429 = arith.select %gt3A_427, %add3A_426, %select_n3A_420 : vector<16xi1>, vector<16xi32>
      %get3A_430 = arith.constant 736 : index
      %get3A_431 = tpu.vector_load %arg9[%get3A_430] {strides = array<i32>} : memref<768xf32, #tpu.memory_space<vmem>>, vector<16xf32>,
      %add3A_432 = arith.constant 736 : i32
      %add3A_433 = arith.addi %mul3A_2, %add3A_432 : i32
      %add3A_434 = vector.broadcast %add3A_433 : i32 to vector<16xi32>
      %add3A_435 = arith.addi %iota3A, %add3A_434 : vector<16xi32>
      %gt3A_436 = arith.cmpf ogt, %get3A_431, %select_n3A_428 : vector<16xf32>
      %select_n3A_437 = arith.select %gt3A_436, %get3A_431, %select_n3A_428 : vector<16xi1>, vector<16xf32>
      %select_n3A_438 = arith.select %gt3A_436, %add3A_435, %select_n3A_429 : vector<16xi1>, vector<16xi32>
      %get3A_439 = arith.constant 752 : index
      %get3A_440 = tpu.vector_load %arg9[%get3A_439] {strides = array<i32>} : memref<768xf32, #tpu.memory_space<vmem>>, vector<16xf32>,
      %add3A_441 = arith.constant 752 : i32
      %add3A_442 = arith.addi %mul3A_2, %add3A_441 : i32
      %add3A_443 = vector.broadcast %add3A_442 : i32 to vector<16xi32>
      %add3A_444 = arith.addi %iota3A, %add3A_443 : vector<16xi32>
      %gt3A_445 = arith.cmpf ogt, %get3A_440, %select_n3A_437 : vector<16xf32>
      %select_n3A_446 = arith.select %gt3A_445, %get3A_440, %select_n3A_437 : vector<16xi1>, vector<16xf32>
      %select_n3A_447 = arith.select %gt3A_445, %add3A_444, %select_n3A_438 : vector<16xi1>, vector<16xi32>
      %scan3A = arith.constant 1073741824 : i32
      %scan3A_448 = arith.constant 0.001953125 : f32
      %scan3A_449 = arith.constant 0.699999988 : f32
      %scan3A_450 = arith.constant 0 : i32
      %scan3A_451 = arith.constant 100 : i32
      %scan3A_452 = arith.addi %scan3A_450, %scan3A_451 : i32
      %scan3A_453 = arith.constant 1 : i32
      %scan3A_454:2 = scf.for %scan3A_461 = %scan3A_450 to %scan3A_452 step %scan3A_453 iter_args(%scan3A_462 = %select_n3A_446, %scan3A_463 = %select_n3A_447) -> (vector<16xf32>, vector<16xi32>)  : i32 {
        %reduce_max3A = arith.constant true
        %reduce_max3A_464 = vector.broadcast %reduce_max3A : i1 to vector<16xi1>
        %reduce_max3A_465 = tpu.scan <max>, %scan3A_462 masked %reduce_max3A_464 : vector<16xf32>, vector<16xi1> -> vector<16xf32>
        %reduce_max3A_466 = vector.extract %reduce_max3A_465[15] : f32 from vector<16xf32>
        %eq3A_467 = vector.broadcast %reduce_max3A_466 : f32 to vector<16xf32>
        %eq3A_468 = arith.cmpf oeq, %scan3A_462, %eq3A_467 : vector<16xf32>
        %broadcast_in_dim3A_469 = vector.broadcast %scan3A : i32 to vector<16xi32>
        %select_n3A_470 = arith.select %eq3A_468, %scan3A_463, %broadcast_in_dim3A_469 : vector<16xi1>, vector<16xi32>
        %reduce_min3A = arith.constant true
        %reduce_min3A_471 = vector.broadcast %reduce_min3A : i1 to vector<16xi1>
        %reduce_min3A_472 = arith.constant -2147483648 : i32
        %reduce_min3A_473 = vector.broadcast %reduce_min3A_472 : i32 to vector<16xi32>
        %reduce_min3A_474 = arith.xori %select_n3A_470, %reduce_min3A_473 : vector<16xi32>
        %reduce_min3A_475 = tpu.scan <min>, %reduce_min3A_474 masked %reduce_min3A_471 : vector<16xi32>, vector<16xi1> -> vector<16xi32>
        %reduce_min3A_476 = arith.xori %reduce_min3A_475, %reduce_min3A_473 : vector<16xi32>
        %reduce_min3A_477 = vector.extract %reduce_min3A_476[15] : i32 from vector<16xi32>
        %sub3A = arith.subi %reduce_min3A_477, %mul3A_2 : i32
        %broadcast_in_dim3A_478 = vector.broadcast %sub3A : i32 to vector<16xi32>
        %gather3A = tpu.vector_load_idx %arg4[%broadcast_in_dim3A_478] : memref<768xf32, #tpu.memory_space<vmem>>[vector<16xi32>], vector<16xf32>,
        %gather3A_479 = tpu.vector_load_idx %arg5[%broadcast_in_dim3A_478] : memref<768xf32, #tpu.memory_space<vmem>>[vector<16xi32>], vector<16xf32>,
        %gather3A_480 = tpu.vector_load_idx %arg6[%broadcast_in_dim3A_478] : memref<768xf32, #tpu.memory_space<vmem>>[vector<16xi32>], vector<16xf32>,
        %gather3A_481 = tpu.vector_load_idx %arg7[%broadcast_in_dim3A_478] : memref<768xf32, #tpu.memory_space<vmem>>[vector<16xi32>], vector<16xf32>,
        %eq3A_482 = arith.constant 0 : i32
        %eq3A_483 = vector.broadcast %eq3A_482 : i32 to vector<16xi32>
        %eq3A_484 = arith.cmpi eq, %iota3A, %eq3A_483 : vector<16xi32>
        %jit3A = arith.constant 0.000000e+00 : f32
        %broadcast_in_dim3A_485 = vector.broadcast %reduce_max3A_466 : f32 to vector<16xf32>
        %broadcast_in_dim3A_486 = vector.broadcast %jit3A : f32 to vector<16xf32>
        %select_n3A_487 = arith.select %eq3A_484, %broadcast_in_dim3A_485, %broadcast_in_dim3A_486 : vector<16xi1>, vector<16xf32>
        %eq3A_488 = arith.constant 1 : i32
        %eq3A_489 = vector.broadcast %eq3A_488 : i32 to vector<16xi32>
        %eq3A_490 = arith.cmpi eq, %iota3A, %eq3A_489 : vector<16xi32>
        %jit3A_491 = arith.constant 0.000000e+00 : f32
        %broadcast_in_dim3A_492 = vector.broadcast %jit3A_491 : f32 to vector<16xf32>
        %select_n3A_493 = arith.select %eq3A_490, %gather3A, %broadcast_in_dim3A_492 : vector<16xi1>, vector<16xf32>
        %add3A_494 = arith.addf %select_n3A_487, %select_n3A_493 : vector<16xf32>
        %eq3A_495 = arith.constant 2 : i32
        %eq3A_496 = vector.broadcast %eq3A_495 : i32 to vector<16xi32>
        %eq3A_497 = arith.cmpi eq, %iota3A, %eq3A_496 : vector<16xi32>
        %jit3A_498 = arith.constant 0.000000e+00 : f32
        %broadcast_in_dim3A_499 = vector.broadcast %jit3A_498 : f32 to vector<16xf32>
        %select_n3A_500 = arith.select %eq3A_497, %gather3A_479, %broadcast_in_dim3A_499 : vector<16xi1>, vector<16xf32>
        %add3A_501 = arith.addf %add3A_494, %select_n3A_500 : vector<16xf32>
        %eq3A_502 = arith.constant 3 : i32
        %eq3A_503 = vector.broadcast %eq3A_502 : i32 to vector<16xi32>
        %eq3A_504 = arith.cmpi eq, %iota3A, %eq3A_503 : vector<16xi32>
        %jit3A_505 = arith.constant 0.000000e+00 : f32
        %broadcast_in_dim3A_506 = vector.broadcast %jit3A_505 : f32 to vector<16xf32>
        %select_n3A_507 = arith.select %eq3A_504, %gather3A_480, %broadcast_in_dim3A_506 : vector<16xi1>, vector<16xf32>
        %add3A_508 = arith.addf %add3A_501, %select_n3A_507 : vector<16xf32>
        %eq3A_509 = arith.constant 4 : i32
        %eq3A_510 = vector.broadcast %eq3A_509 : i32 to vector<16xi32>
        %eq3A_511 = arith.cmpi eq, %iota3A, %eq3A_510 : vector<16xi32>
        %jit3A_512 = arith.constant 0.000000e+00 : f32
        %broadcast_in_dim3A_513 = vector.broadcast %jit3A_512 : f32 to vector<16xf32>
        %select_n3A_514 = arith.select %eq3A_511, %gather3A_481, %broadcast_in_dim3A_513 : vector<16xi1>, vector<16xf32>
        %add3A_515 = arith.addf %add3A_508, %select_n3A_514 : vector<16xf32>
        %eq3A_516 = arith.constant 5 : i32
        %eq3A_517 = vector.broadcast %eq3A_516 : i32 to vector<16xi32>
        %eq3A_518 = arith.cmpi eq, %iota3A, %eq3A_517 : vector<16xi32>
        %convert_element_type3A_519 = arith.sitofp %reduce_min3A_477 : i32 to f32
        %jit3A_520 = arith.constant 0.000000e+00 : f32
        %broadcast_in_dim3A_521 = vector.broadcast %convert_element_type3A_519 : f32 to vector<16xf32>
        %broadcast_in_dim3A_522 = vector.broadcast %jit3A_520 : f32 to vector<16xf32>
        %select_n3A_523 = arith.select %eq3A_518, %broadcast_in_dim3A_521, %broadcast_in_dim3A_522 : vector<16xi1>, vector<16xf32>
        %add3A_524 = arith.addf %add3A_515, %select_n3A_523 : vector<16xf32>
        %swap3A = arith.constant 0 : index
        %swap3A_525 = tpu.vector_load %arg10[%swap3A] {strides = array<i32>} : memref<16xf32, #tpu.memory_space<vmem>>, vector<16xf32>,
        tpu.vector_store %arg10[%swap3A], %add3A_524 {strides = array<i32>} : memref<16xf32, #tpu.memory_space<vmem>>, vector<16xf32>,
        %rem3A = arith.constant 2 : i32
        %rem3A_526 = arith.remsi %scan3A_461, %rem3A : i32
        %mul3A_527 = arith.constant 256 : i32
        %mul3A_528 = arith.muli %rem3A_526, %mul3A_527 : i32
        %mul3A_529 = arith.constant 16 : i32
        %mul3A_530 = arith.muli %arg1, %mul3A_529 : i32
        %add3A_531 = arith.addi %mul3A_528, %mul3A_530 : i32
        "tpu.region"() ({
          %run_scoped3A = tpu.sem_alloc : memref<!tpu.dma_semaphore, #tpu.memory_space<semaphore_mem>>
          %dma_start3A = tpu.memref_slice %arg13[%add3A_531] : memref<512xf32, #tpu.memory_space<vmem_shared>> -> memref<16xf32, #tpu.memory_space<vmem_shared>>
          %dma_start3A_2608 = tpu.memref_slice %arg13[%add3A_531] : memref<512xf32, #tpu.memory_space<vmem_shared>> -> memref<16xf32, #tpu.memory_space<vmem_shared>>
          tpu.enqueue_dma source(%arg10 : memref<16xf32, #tpu.memory_space<vmem>>) target(%dma_start3A_2608 : memref<16xf32, #tpu.memory_space<vmem_shared>>) target_semaphore(%run_scoped3A : memref<!tpu.dma_semaphore, #tpu.memory_space<semaphore_mem>>)
          %dma_wait3A = tpu.memref_slice %arg13[%add3A_531] : memref<512xf32, #tpu.memory_space<vmem_shared>> -> memref<16xf32, #tpu.memory_space<vmem_shared>>
          %dma_wait3A_2609 = tpu.memref_slice %arg13[%add3A_531] : memref<512xf32, #tpu.memory_space<vmem_shared>> -> memref<16xf32, #tpu.memory_space<vmem_shared>>
          tpu.wait_dma2 semaphore(%run_scoped3A : memref<!tpu.dma_semaphore, #tpu.memory_space<semaphore_mem>>) src(%arg10 : memref<16xf32, #tpu.memory_space<vmem>>) dst(%dma_wait3A_2609 : memref<16xf32, #tpu.memory_space<vmem_shared>>)
          tpu.yield
        }) : () -> ()
        %barrier3A = arith.constant 0 : index
        tpu.barrier barrier_id(%barrier3A)
        %mul3A_532 = arith.constant 256 : i32
        %mul3A_533 = arith.muli %rem3A_526, %mul3A_532 : i32
        "tpu.region"() ({
          %run_scoped3A = tpu.sem_alloc : memref<!tpu.dma_semaphore, #tpu.memory_space<semaphore_mem>>
          %dma_start3A = tpu.memref_slice %arg13[%mul3A_533] : memref<512xf32, #tpu.memory_space<vmem_shared>> -> memref<256xf32, #tpu.memory_space<vmem_shared>>
          %dma_start3A_2608 = tpu.memref_slice %arg13[%mul3A_533] : memref<512xf32, #tpu.memory_space<vmem_shared>> -> memref<256xf32, #tpu.memory_space<vmem_shared>>
          tpu.enqueue_dma source(%dma_start3A_2608 : memref<256xf32, #tpu.memory_space<vmem_shared>>) target(%arg11 : memref<256xf32, #tpu.memory_space<vmem>>) target_semaphore(%run_scoped3A : memref<!tpu.dma_semaphore, #tpu.memory_space<semaphore_mem>>)
          %dma_wait3A = tpu.memref_slice %arg13[%mul3A_533] : memref<512xf32, #tpu.memory_space<vmem_shared>> -> memref<256xf32, #tpu.memory_space<vmem_shared>>
          %dma_wait3A_2609 = tpu.memref_slice %arg13[%mul3A_533] : memref<512xf32, #tpu.memory_space<vmem_shared>> -> memref<256xf32, #tpu.memory_space<vmem_shared>>
          tpu.wait_dma2 semaphore(%run_scoped3A : memref<!tpu.dma_semaphore, #tpu.memory_space<semaphore_mem>>) src(%dma_wait3A_2609 : memref<256xf32, #tpu.memory_space<vmem_shared>>) dst(%arg11 : memref<256xf32, #tpu.memory_space<vmem>>)
          tpu.yield
        }) : () -> ()
        %mul3A_534 = arith.constant 16 : i32
        %mul3A_535 = vector.broadcast %mul3A_534 : i32 to vector<16xi32>
        %mul3A_536 = arith.muli %iota3A, %mul3A_535 : vector<16xi32>
        %gather3A_537 = tpu.vector_load_idx %arg11[%mul3A_536] : memref<256xf32, #tpu.memory_space<vmem>>[vector<16xi32>], vector<16xf32>,
        %reduce_max3A_538 = arith.constant true
        %reduce_max3A_539 = vector.broadcast %reduce_max3A_538 : i1 to vector<16xi1>
        %reduce_max3A_540 = tpu.scan <max>, %gather3A_537 masked %reduce_max3A_539 : vector<16xf32>, vector<16xi1> -> vector<16xf32>
        %reduce_max3A_541 = vector.extract %reduce_max3A_540[15] : f32 from vector<16xf32>
        %eq3A_542 = vector.broadcast %reduce_max3A_541 : f32 to vector<16xf32>
        %eq3A_543 = arith.cmpf oeq, %gather3A_537, %eq3A_542 : vector<16xf32>
        %all_reduce_ffs3A = tpu.all_reduce %eq3A_543 {dim = 0 : i64, kind = #tpu.reduction_kind<find_first_set>} : vector<16xi1> -> vector<16xi32>
        %mul3A_544 = arith.constant 16 : i32
        %mul3A_545 = vector.broadcast %mul3A_544 : i32 to vector<16xi32>
        %mul3A_546 = arith.muli %all_reduce_ffs3A, %mul3A_545 : vector<16xi32>
        %add3A_547 = arith.constant 1 : i32
        %add3A_548 = vector.broadcast %add3A_547 : i32 to vector<16xi32>
        %add3A_549 = arith.addi %mul3A_546, %add3A_548 : vector<16xi32>
        %gather3A_550 = tpu.vector_load_idx %arg11[%add3A_549] : memref<256xf32, #tpu.memory_space<vmem>>[vector<16xi32>], vector<16xf32>,
        %add3A_551 = arith.constant 2 : i32
        %add3A_552 = vector.broadcast %add3A_551 : i32 to vector<16xi32>
        %add3A_553 = arith.addi %mul3A_546, %add3A_552 : vector<16xi32>
        %gather3A_554 = tpu.vector_load_idx %arg11[%add3A_553] : memref<256xf32, #tpu.memory_space<vmem>>[vector<16xi32>], vector<16xf32>,
        %add3A_555 = arith.constant 3 : i32
        %add3A_556 = vector.broadcast %add3A_555 : i32 to vector<16xi32>
        %add3A_557 = arith.addi %mul3A_546, %add3A_556 : vector<16xi32>
        %gather3A_558 = tpu.vector_load_idx %arg11[%add3A_557] : memref<256xf32, #tpu.memory_space<vmem>>[vector<16xi32>], vector<16xf32>,
        %add3A_559 = arith.constant 4 : i32
        %add3A_560 = vector.broadcast %add3A_559 : i32 to vector<16xi32>
        %add3A_561 = arith.addi %mul3A_546, %add3A_560 : vector<16xi32>
        %gather3A_562 = tpu.vector_load_idx %arg11[%add3A_561] : memref<256xf32, #tpu.memory_space<vmem>>[vector<16xi32>], vector<16xf32>,
        %add3A_563 = arith.constant 5 : i32
        %add3A_564 = vector.broadcast %add3A_563 : i32 to vector<16xi32>
        %add3A_565 = arith.addi %mul3A_546, %add3A_564 : vector<16xi32>
        %gather3A_566 = tpu.vector_load_idx %arg11[%add3A_565] : memref<256xf32, #tpu.memory_space<vmem>>[vector<16xi32>], vector<16xf32>,
        %convert_element_type3A_567 = arith.fptosi %gather3A_566 : vector<16xf32> to vector<16xi32>
        %broadcast_in_dim3A_568 = vector.broadcast %reduce_max3A_541 : f32 to vector<16xf32>
        %gt3A_569 = arith.constant 0.000000e+00 : f32
        %gt3A_570 = vector.broadcast %gt3A_569 : f32 to vector<16xf32>
        %gt3A_571 = arith.cmpf ogt, %broadcast_in_dim3A_568, %gt3A_570 : vector<16xf32>
        %eq3A_572 = arith.constant 0 : i32
        %eq3A_573 = vector.broadcast %eq3A_572 : i32 to vector<16xi32>
        %eq3A_574 = arith.cmpi eq, %iota3A, %eq3A_573 : vector<16xi32>
        %jit3A_575 = arith.constant 0.000000e+00 : f32
        %broadcast_in_dim3A_576 = vector.broadcast %jit3A_575 : f32 to vector<16xf32>
        %select_n3A_577 = arith.select %eq3A_574, %gather3A_550, %broadcast_in_dim3A_576 : vector<16xi1>, vector<16xf32>
        %eq3A_578 = arith.constant 1 : i32
        %eq3A_579 = vector.broadcast %eq3A_578 : i32 to vector<16xi32>
        %eq3A_580 = arith.cmpi eq, %iota3A, %eq3A_579 : vector<16xi32>
        %jit3A_581 = arith.constant 0.000000e+00 : f32
        %broadcast_in_dim3A_582 = vector.broadcast %jit3A_581 : f32 to vector<16xf32>
        %select_n3A_583 = arith.select %eq3A_580, %gather3A_554, %broadcast_in_dim3A_582 : vector<16xi1>, vector<16xf32>
        %add3A_584 = arith.addf %select_n3A_577, %select_n3A_583 : vector<16xf32>
        %eq3A_585 = arith.constant 2 : i32
        %eq3A_586 = vector.broadcast %eq3A_585 : i32 to vector<16xi32>
        %eq3A_587 = arith.cmpi eq, %iota3A, %eq3A_586 : vector<16xi32>
        %jit3A_588 = arith.constant 0.000000e+00 : f32
        %broadcast_in_dim3A_589 = vector.broadcast %jit3A_588 : f32 to vector<16xf32>
        %select_n3A_590 = arith.select %eq3A_587, %gather3A_558, %broadcast_in_dim3A_589 : vector<16xi1>, vector<16xf32>
        %add3A_591 = arith.addf %add3A_584, %select_n3A_590 : vector<16xf32>
        %eq3A_592 = arith.constant 3 : i32
        %eq3A_593 = vector.broadcast %eq3A_592 : i32 to vector<16xi32>
        %eq3A_594 = arith.cmpi eq, %iota3A, %eq3A_593 : vector<16xi32>
        %jit3A_595 = arith.constant 0.000000e+00 : f32
        %broadcast_in_dim3A_596 = vector.broadcast %jit3A_595 : f32 to vector<16xf32>
        %select_n3A_597 = arith.select %eq3A_594, %gather3A_562, %broadcast_in_dim3A_596 : vector<16xi1>, vector<16xf32>
        %add3A_598 = arith.addf %add3A_591, %select_n3A_597 : vector<16xf32>
        %jit3A_599 = arith.constant 0.000000e+00 : f32
        %broadcast_in_dim3A_600 = vector.broadcast %jit3A_599 : f32 to vector<16xf32>
        %select_n3A_601 = arith.select %gt3A_571, %add3A_598, %broadcast_in_dim3A_600 : vector<16xi1>, vector<16xf32>
        %mul3A_602 = vector.broadcast %scan3A_448 : f32 to vector<16xf32>
        %mul3A_603 = arith.mulf %select_n3A_601, %mul3A_602 : vector<16xf32>
        %mul3A_604 = arith.constant 16 : i32
        %mul3A_605 = arith.muli %scan3A_461, %mul3A_604 : i32
        %swap3A_606 = arith.index_cast %mul3A_605 : i32 to index
        %swap3A_607 = tpu.vector_load %arg12[%swap3A_606] {strides = array<i32>} : memref<1600xf32, #tpu.memory_space<vmem>>, vector<16xf32>,
        tpu.vector_store %arg12[%swap3A_606], %mul3A_603 {strides = array<i32>} : memref<1600xf32, #tpu.memory_space<vmem>>, vector<16xf32>,
        %broadcast_in_dim3A_608 = vector.broadcast %mul3A_2 : i32 to vector<16xi32>
        %ge3A = arith.cmpi sge, %convert_element_type3A_567, %broadcast_in_dim3A_608 : vector<16xi32>
        %add3A_609 = arith.constant 768 : i32
        %add3A_610 = arith.addi %mul3A_2, %add3A_609 : i32
        %broadcast_in_dim3A_611 = vector.broadcast %add3A_610 : i32 to vector<16xi32>
        %lt3A = arith.cmpi slt, %convert_element_type3A_567, %broadcast_in_dim3A_611 : vector<16xi32>
        %and3A = arith.andi %ge3A, %lt3A : vector<16xi1>
        %eq3A_612 = arith.constant 0 : i32
        %eq3A_613 = vector.broadcast %eq3A_612 : i32 to vector<16xi32>
        %eq3A_614 = arith.cmpi eq, %iota3A, %eq3A_613 : vector<16xi32>
        %and3A_615 = arith.andi %and3A, %eq3A_614 : vector<16xi1>
        %broadcast_in_dim3A_616 = vector.broadcast %mul3A_2 : i32 to vector<16xi32>
        %sub3A_617 = arith.subi %convert_element_type3A_567, %broadcast_in_dim3A_616 : vector<16xi32>
        %jit3A_618 = arith.constant 0 : i32
        %jit3A_619 = arith.constant 767 : i32
        %max3A = vector.broadcast %jit3A_618 : i32 to vector<16xi32>
        %max3A_620 = arith.maxsi %max3A, %sub3A_617 : vector<16xi32>
        %min3A = vector.broadcast %jit3A_619 : i32 to vector<16xi32>
        %min3A_621 = arith.minsi %min3A, %max3A_620 : vector<16xi32>
        tpu.vector_store_idx %arg9[%min3A_621], %broadcast_in_dim3A_3 masked %and3A_615 : memref<768xf32, #tpu.memory_space<vmem>>[vector<16xi32>], vector<16xf32>, vector<16xi1>
        %sub3A_622 = arith.subf %gather3A_558, %gather3A_550 : vector<16xf32>
        %max3A_623 = arith.constant 0.000000e+00 : f32
        %max3A_624 = vector.broadcast %max3A_623 : f32 to vector<16xf32>
        %max3A_625 = arith.maximumf %sub3A_622, %max3A_624 : vector<16xf32>
        %sub3A_626 = arith.subf %gather3A_562, %gather3A_554 : vector<16xf32>
        %max3A_627 = arith.constant 0.000000e+00 : f32
        %max3A_628 = vector.broadcast %max3A_627 : f32 to vector<16xf32>
        %max3A_629 = arith.maximumf %sub3A_626, %max3A_628 : vector<16xf32>
        %mul3A_630 = arith.mulf %max3A_625, %max3A_629 : vector<16xf32>
        %broadcast_in_dim3A_631 = arith.constant 0xFF800000 : f32
        %broadcast_in_dim3A_632 = vector.broadcast %broadcast_in_dim3A_631 : f32 to vector<16xf32>
        %broadcast_in_dim3A_633 = arith.constant 0 : i32
        %broadcast_in_dim3A_634 = vector.broadcast %broadcast_in_dim3A_633 : i32 to vector<16xi32>
        %get3A_635 = arith.constant 0 : index
        %get3A_636 = tpu.vector_load %arg4[%get3A_635] {strides = array<i32>} : memref<768xf32, #tpu.memory_space<vmem>>, vector<16xf32>,
        %get3A_637 = arith.constant 0 : index
        %get3A_638 = tpu.vector_load %arg5[%get3A_637] {strides = array<i32>} : memref<768xf32, #tpu.memory_space<vmem>>, vector<16xf32>,
        %get3A_639 = arith.constant 0 : index
        %get3A_640 = tpu.vector_load %arg6[%get3A_639] {strides = array<i32>} : memref<768xf32, #tpu.memory_space<vmem>>, vector<16xf32>,
        %get3A_641 = arith.constant 0 : index
        %get3A_642 = tpu.vector_load %arg7[%get3A_641] {strides = array<i32>} : memref<768xf32, #tpu.memory_space<vmem>>, vector<16xf32>,
        %max3A_643 = arith.maximumf %gather3A_550, %get3A_636 : vector<16xf32>
        %max3A_644 = arith.maximumf %gather3A_554, %get3A_638 : vector<16xf32>
        %min3A_645 = arith.minimumf %gather3A_558, %get3A_640 : vector<16xf32>
        %min3A_646 = arith.minimumf %gather3A_562, %get3A_642 : vector<16xf32>
        %sub3A_647 = arith.subf %min3A_645, %max3A_643 : vector<16xf32>
        %max3A_648 = arith.constant 0.000000e+00 : f32
        %max3A_649 = vector.broadcast %max3A_648 : f32 to vector<16xf32>
        %max3A_650 = arith.maximumf %sub3A_647, %max3A_649 : vector<16xf32>
        %sub3A_651 = arith.subf %min3A_646, %max3A_644 : vector<16xf32>
        %max3A_652 = arith.constant 0.000000e+00 : f32
        %max3A_653 = vector.broadcast %max3A_652 : f32 to vector<16xf32>
        %max3A_654 = arith.maximumf %sub3A_651, %max3A_653 : vector<16xf32>
        %mul3A_655 = arith.mulf %max3A_650, %max3A_654 : vector<16xf32>
        %get3A_656 = arith.constant 0 : index
        %get3A_657 = tpu.vector_load %arg8[%get3A_656] {strides = array<i32>} : memref<768xf32, #tpu.memory_space<vmem>>, vector<16xf32>,
        %add3A_658 = arith.addf %mul3A_630, %get3A_657 : vector<16xf32>
        %sub3A_659 = arith.subf %add3A_658, %mul3A_655 : vector<16xf32>
        %max3A_660 = arith.constant 9.99999993E-9 : f32
        %max3A_661 = vector.broadcast %max3A_660 : f32 to vector<16xf32>
        %max3A_662 = arith.maximumf %sub3A_659, %max3A_661 : vector<16xf32>
        %div3A = arith.divf %mul3A_655, %max3A_662 : vector<16xf32>
        %gt3A_663 = vector.broadcast %scan3A_449 : f32 to vector<16xf32>
        %gt3A_664 = arith.cmpf ogt, %div3A, %gt3A_663 : vector<16xf32>
        %get3A_665 = arith.constant 0 : index
        %get3A_666 = tpu.vector_load %arg9[%get3A_665] {strides = array<i32>} : memref<768xf32, #tpu.memory_space<vmem>>, vector<16xf32>,
        %select_n3A_667 = arith.select %gt3A_664, %broadcast_in_dim3A_3, %get3A_666 : vector<16xi1>, vector<16xf32>
        %swap3A_668 = arith.constant 0 : index
        %swap3A_669 = tpu.vector_load %arg9[%swap3A_668] {strides = array<i32>} : memref<768xf32, #tpu.memory_space<vmem>>, vector<16xf32>,
        tpu.vector_store %arg9[%swap3A_668], %select_n3A_667 {strides = array<i32>} : memref<768xf32, #tpu.memory_space<vmem>>, vector<16xf32>,
        %gt3A_670 = arith.cmpf ogt, %select_n3A_667, %broadcast_in_dim3A_632 : vector<16xf32>
        %select_n3A_671 = arith.select %gt3A_670, %select_n3A_667, %broadcast_in_dim3A_632 : vector<16xi1>, vector<16xf32>
        %broadcast_in_dim3A_672 = arith.constant 0 : i32
        %broadcast_in_dim3A_673 = vector.broadcast %broadcast_in_dim3A_672 : i32 to vector<16xi32>
        %select_n3A_674 = arith.select %gt3A_670, %broadcast_in_dim3A_673, %broadcast_in_dim3A_634 : vector<16xi1>, vector<16xi32>
        %get3A_675 = arith.constant 16 : index
        %get3A_676 = tpu.vector_load %arg4[%get3A_675] {strides = array<i32>} : memref<768xf32, #tpu.memory_space<vmem>>, vector<16xf32>,
        %get3A_677 = arith.constant 16 : index
        %get3A_678 = tpu.vector_load %arg5[%get3A_677] {strides = array<i32>} : memref<768xf32, #tpu.memory_space<vmem>>, vector<16xf32>,
        %get3A_679 = arith.constant 16 : index
        %get3A_680 = tpu.vector_load %arg6[%get3A_679] {strides = array<i32>} : memref<768xf32, #tpu.memory_space<vmem>>, vector<16xf32>,
        %get3A_681 = arith.constant 16 : index
        %get3A_682 = tpu.vector_load %arg7[%get3A_681] {strides = array<i32>} : memref<768xf32, #tpu.memory_space<vmem>>, vector<16xf32>,
        %max3A_683 = arith.maximumf %gather3A_550, %get3A_676 : vector<16xf32>
        %max3A_684 = arith.maximumf %gather3A_554, %get3A_678 : vector<16xf32>
        %min3A_685 = arith.minimumf %gather3A_558, %get3A_680 : vector<16xf32>
        %min3A_686 = arith.minimumf %gather3A_562, %get3A_682 : vector<16xf32>
        %sub3A_687 = arith.subf %min3A_685, %max3A_683 : vector<16xf32>
        %max3A_688 = arith.constant 0.000000e+00 : f32
        %max3A_689 = vector.broadcast %max3A_688 : f32 to vector<16xf32>
        %max3A_690 = arith.maximumf %sub3A_687, %max3A_689 : vector<16xf32>
        %sub3A_691 = arith.subf %min3A_686, %max3A_684 : vector<16xf32>
        %max3A_692 = arith.constant 0.000000e+00 : f32
        %max3A_693 = vector.broadcast %max3A_692 : f32 to vector<16xf32>
        %max3A_694 = arith.maximumf %sub3A_691, %max3A_693 : vector<16xf32>
        %mul3A_695 = arith.mulf %max3A_690, %max3A_694 : vector<16xf32>
        %get3A_696 = arith.constant 16 : index
        %get3A_697 = tpu.vector_load %arg8[%get3A_696] {strides = array<i32>} : memref<768xf32, #tpu.memory_space<vmem>>, vector<16xf32>,
        %add3A_698 = arith.addf %mul3A_630, %get3A_697 : vector<16xf32>
        %sub3A_699 = arith.subf %add3A_698, %mul3A_695 : vector<16xf32>
        %max3A_700 = arith.constant 9.99999993E-9 : f32
        %max3A_701 = vector.broadcast %max3A_700 : f32 to vector<16xf32>
        %max3A_702 = arith.maximumf %sub3A_699, %max3A_701 : vector<16xf32>
        %div3A_703 = arith.divf %mul3A_695, %max3A_702 : vector<16xf32>
        %gt3A_704 = vector.broadcast %scan3A_449 : f32 to vector<16xf32>
        %gt3A_705 = arith.cmpf ogt, %div3A_703, %gt3A_704 : vector<16xf32>
        %get3A_706 = arith.constant 16 : index
        %get3A_707 = tpu.vector_load %arg9[%get3A_706] {strides = array<i32>} : memref<768xf32, #tpu.memory_space<vmem>>, vector<16xf32>,
        %select_n3A_708 = arith.select %gt3A_705, %broadcast_in_dim3A_3, %get3A_707 : vector<16xi1>, vector<16xf32>
        %swap3A_709 = arith.constant 16 : index
        %swap3A_710 = tpu.vector_load %arg9[%swap3A_709] {strides = array<i32>} : memref<768xf32, #tpu.memory_space<vmem>>, vector<16xf32>,
        tpu.vector_store %arg9[%swap3A_709], %select_n3A_708 {strides = array<i32>} : memref<768xf32, #tpu.memory_space<vmem>>, vector<16xf32>,
        %gt3A_711 = arith.cmpf ogt, %select_n3A_708, %select_n3A_671 : vector<16xf32>
        %select_n3A_712 = arith.select %gt3A_711, %select_n3A_708, %select_n3A_671 : vector<16xi1>, vector<16xf32>
        %broadcast_in_dim3A_713 = arith.constant 1 : i32
        %broadcast_in_dim3A_714 = vector.broadcast %broadcast_in_dim3A_713 : i32 to vector<16xi32>
        %select_n3A_715 = arith.select %gt3A_711, %broadcast_in_dim3A_714, %select_n3A_674 : vector<16xi1>, vector<16xi32>
        %get3A_716 = arith.constant 32 : index
        %get3A_717 = tpu.vector_load %arg4[%get3A_716] {strides = array<i32>} : memref<768xf32, #tpu.memory_space<vmem>>, vector<16xf32>,
        %get3A_718 = arith.constant 32 : index
        %get3A_719 = tpu.vector_load %arg5[%get3A_718] {strides = array<i32>} : memref<768xf32, #tpu.memory_space<vmem>>, vector<16xf32>,
        %get3A_720 = arith.constant 32 : index
        %get3A_721 = tpu.vector_load %arg6[%get3A_720] {strides = array<i32>} : memref<768xf32, #tpu.memory_space<vmem>>, vector<16xf32>,
        %get3A_722 = arith.constant 32 : index
        %get3A_723 = tpu.vector_load %arg7[%get3A_722] {strides = array<i32>} : memref<768xf32, #tpu.memory_space<vmem>>, vector<16xf32>,
        %max3A_724 = arith.maximumf %gather3A_550, %get3A_717 : vector<16xf32>
        %max3A_725 = arith.maximumf %gather3A_554, %get3A_719 : vector<16xf32>
        %min3A_726 = arith.minimumf %gather3A_558, %get3A_721 : vector<16xf32>
        %min3A_727 = arith.minimumf %gather3A_562, %get3A_723 : vector<16xf32>
        %sub3A_728 = arith.subf %min3A_726, %max3A_724 : vector<16xf32>
        %max3A_729 = arith.constant 0.000000e+00 : f32
        %max3A_730 = vector.broadcast %max3A_729 : f32 to vector<16xf32>
        %max3A_731 = arith.maximumf %sub3A_728, %max3A_730 : vector<16xf32>
        %sub3A_732 = arith.subf %min3A_727, %max3A_725 : vector<16xf32>
        %max3A_733 = arith.constant 0.000000e+00 : f32
        %max3A_734 = vector.broadcast %max3A_733 : f32 to vector<16xf32>
        %max3A_735 = arith.maximumf %sub3A_732, %max3A_734 : vector<16xf32>
        %mul3A_736 = arith.mulf %max3A_731, %max3A_735 : vector<16xf32>
        %get3A_737 = arith.constant 32 : index
        %get3A_738 = tpu.vector_load %arg8[%get3A_737] {strides = array<i32>} : memref<768xf32, #tpu.memory_space<vmem>>, vector<16xf32>,
        %add3A_739 = arith.addf %mul3A_630, %get3A_738 : vector<16xf32>
        %sub3A_740 = arith.subf %add3A_739, %mul3A_736 : vector<16xf32>
        %max3A_741 = arith.constant 9.99999993E-9 : f32
        %max3A_742 = vector.broadcast %max3A_741 : f32 to vector<16xf32>
        %max3A_743 = arith.maximumf %sub3A_740, %max3A_742 : vector<16xf32>
        %div3A_744 = arith.divf %mul3A_736, %max3A_743 : vector<16xf32>
        %gt3A_745 = vector.broadcast %scan3A_449 : f32 to vector<16xf32>
        %gt3A_746 = arith.cmpf ogt, %div3A_744, %gt3A_745 : vector<16xf32>
        %get3A_747 = arith.constant 32 : index
        %get3A_748 = tpu.vector_load %arg9[%get3A_747] {strides = array<i32>} : memref<768xf32, #tpu.memory_space<vmem>>, vector<16xf32>,
        %select_n3A_749 = arith.select %gt3A_746, %broadcast_in_dim3A_3, %get3A_748 : vector<16xi1>, vector<16xf32>
        %swap3A_750 = arith.constant 32 : index
        %swap3A_751 = tpu.vector_load %arg9[%swap3A_750] {strides = array<i32>} : memref<768xf32, #tpu.memory_space<vmem>>, vector<16xf32>,
        tpu.vector_store %arg9[%swap3A_750], %select_n3A_749 {strides = array<i32>} : memref<768xf32, #tpu.memory_space<vmem>>, vector<16xf32>,
        %gt3A_752 = arith.cmpf ogt, %select_n3A_749, %select_n3A_712 : vector<16xf32>
        %select_n3A_753 = arith.select %gt3A_752, %select_n3A_749, %select_n3A_712 : vector<16xi1>, vector<16xf32>
        %broadcast_in_dim3A_754 = arith.constant 2 : i32
        %broadcast_in_dim3A_755 = vector.broadcast %broadcast_in_dim3A_754 : i32 to vector<16xi32>
        %select_n3A_756 = arith.select %gt3A_752, %broadcast_in_dim3A_755, %select_n3A_715 : vector<16xi1>, vector<16xi32>
        %get3A_757 = arith.constant 48 : index
        %get3A_758 = tpu.vector_load %arg4[%get3A_757] {strides = array<i32>} : memref<768xf32, #tpu.memory_space<vmem>>, vector<16xf32>,
        %get3A_759 = arith.constant 48 : index
        %get3A_760 = tpu.vector_load %arg5[%get3A_759] {strides = array<i32>} : memref<768xf32, #tpu.memory_space<vmem>>, vector<16xf32>,
        %get3A_761 = arith.constant 48 : index
        %get3A_762 = tpu.vector_load %arg6[%get3A_761] {strides = array<i32>} : memref<768xf32, #tpu.memory_space<vmem>>, vector<16xf32>,
        %get3A_763 = arith.constant 48 : index
        %get3A_764 = tpu.vector_load %arg7[%get3A_763] {strides = array<i32>} : memref<768xf32, #tpu.memory_space<vmem>>, vector<16xf32>,
        %max3A_765 = arith.maximumf %gather3A_550, %get3A_758 : vector<16xf32>
        %max3A_766 = arith.maximumf %gather3A_554, %get3A_760 : vector<16xf32>
        %min3A_767 = arith.minimumf %gather3A_558, %get3A_762 : vector<16xf32>
        %min3A_768 = arith.minimumf %gather3A_562, %get3A_764 : vector<16xf32>
        %sub3A_769 = arith.subf %min3A_767, %max3A_765 : vector<16xf32>
        %max3A_770 = arith.constant 0.000000e+00 : f32
        %max3A_771 = vector.broadcast %max3A_770 : f32 to vector<16xf32>
        %max3A_772 = arith.maximumf %sub3A_769, %max3A_771 : vector<16xf32>
        %sub3A_773 = arith.subf %min3A_768, %max3A_766 : vector<16xf32>
        %max3A_774 = arith.constant 0.000000e+00 : f32
        %max3A_775 = vector.broadcast %max3A_774 : f32 to vector<16xf32>
        %max3A_776 = arith.maximumf %sub3A_773, %max3A_775 : vector<16xf32>
        %mul3A_777 = arith.mulf %max3A_772, %max3A_776 : vector<16xf32>
        %get3A_778 = arith.constant 48 : index
        %get3A_779 = tpu.vector_load %arg8[%get3A_778] {strides = array<i32>} : memref<768xf32, #tpu.memory_space<vmem>>, vector<16xf32>,
        %add3A_780 = arith.addf %mul3A_630, %get3A_779 : vector<16xf32>
        %sub3A_781 = arith.subf %add3A_780, %mul3A_777 : vector<16xf32>
        %max3A_782 = arith.constant 9.99999993E-9 : f32
        %max3A_783 = vector.broadcast %max3A_782 : f32 to vector<16xf32>
        %max3A_784 = arith.maximumf %sub3A_781, %max3A_783 : vector<16xf32>
        %div3A_785 = arith.divf %mul3A_777, %max3A_784 : vector<16xf32>
        %gt3A_786 = vector.broadcast %scan3A_449 : f32 to vector<16xf32>
        %gt3A_787 = arith.cmpf ogt, %div3A_785, %gt3A_786 : vector<16xf32>
        %get3A_788 = arith.constant 48 : index
        %get3A_789 = tpu.vector_load %arg9[%get3A_788] {strides = array<i32>} : memref<768xf32, #tpu.memory_space<vmem>>, vector<16xf32>,
        %select_n3A_790 = arith.select %gt3A_787, %broadcast_in_dim3A_3, %get3A_789 : vector<16xi1>, vector<16xf32>
        %swap3A_791 = arith.constant 48 : index
        %swap3A_792 = tpu.vector_load %arg9[%swap3A_791] {strides = array<i32>} : memref<768xf32, #tpu.memory_space<vmem>>, vector<16xf32>,
        tpu.vector_store %arg9[%swap3A_791], %select_n3A_790 {strides = array<i32>} : memref<768xf32, #tpu.memory_space<vmem>>, vector<16xf32>,
        %gt3A_793 = arith.cmpf ogt, %select_n3A_790, %select_n3A_753 : vector<16xf32>
        %select_n3A_794 = arith.select %gt3A_793, %select_n3A_790, %select_n3A_753 : vector<16xi1>, vector<16xf32>
        %broadcast_in_dim3A_795 = arith.constant 3 : i32
        %broadcast_in_dim3A_796 = vector.broadcast %broadcast_in_dim3A_795 : i32 to vector<16xi32>
        %select_n3A_797 = arith.select %gt3A_793, %broadcast_in_dim3A_796, %select_n3A_756 : vector<16xi1>, vector<16xi32>
        %get3A_798 = arith.constant 64 : index
        %get3A_799 = tpu.vector_load %arg4[%get3A_798] {strides = array<i32>} : memref<768xf32, #tpu.memory_space<vmem>>, vector<16xf32>,
        %get3A_800 = arith.constant 64 : index
        %get3A_801 = tpu.vector_load %arg5[%get3A_800] {strides = array<i32>} : memref<768xf32, #tpu.memory_space<vmem>>, vector<16xf32>,
        %get3A_802 = arith.constant 64 : index
        %get3A_803 = tpu.vector_load %arg6[%get3A_802] {strides = array<i32>} : memref<768xf32, #tpu.memory_space<vmem>>, vector<16xf32>,
        %get3A_804 = arith.constant 64 : index
        %get3A_805 = tpu.vector_load %arg7[%get3A_804] {strides = array<i32>} : memref<768xf32, #tpu.memory_space<vmem>>, vector<16xf32>,
        %max3A_806 = arith.maximumf %gather3A_550, %get3A_799 : vector<16xf32>
        %max3A_807 = arith.maximumf %gather3A_554, %get3A_801 : vector<16xf32>
        %min3A_808 = arith.minimumf %gather3A_558, %get3A_803 : vector<16xf32>
        %min3A_809 = arith.minimumf %gather3A_562, %get3A_805 : vector<16xf32>
        %sub3A_810 = arith.subf %min3A_808, %max3A_806 : vector<16xf32>
        %max3A_811 = arith.constant 0.000000e+00 : f32
        %max3A_812 = vector.broadcast %max3A_811 : f32 to vector<16xf32>
        %max3A_813 = arith.maximumf %sub3A_810, %max3A_812 : vector<16xf32>
        %sub3A_814 = arith.subf %min3A_809, %max3A_807 : vector<16xf32>
        %max3A_815 = arith.constant 0.000000e+00 : f32
        %max3A_816 = vector.broadcast %max3A_815 : f32 to vector<16xf32>
        %max3A_817 = arith.maximumf %sub3A_814, %max3A_816 : vector<16xf32>
        %mul3A_818 = arith.mulf %max3A_813, %max3A_817 : vector<16xf32>
        %get3A_819 = arith.constant 64 : index
        %get3A_820 = tpu.vector_load %arg8[%get3A_819] {strides = array<i32>} : memref<768xf32, #tpu.memory_space<vmem>>, vector<16xf32>,
        %add3A_821 = arith.addf %mul3A_630, %get3A_820 : vector<16xf32>
        %sub3A_822 = arith.subf %add3A_821, %mul3A_818 : vector<16xf32>
        %max3A_823 = arith.constant 9.99999993E-9 : f32
        %max3A_824 = vector.broadcast %max3A_823 : f32 to vector<16xf32>
        %max3A_825 = arith.maximumf %sub3A_822, %max3A_824 : vector<16xf32>
        %div3A_826 = arith.divf %mul3A_818, %max3A_825 : vector<16xf32>
        %gt3A_827 = vector.broadcast %scan3A_449 : f32 to vector<16xf32>
        %gt3A_828 = arith.cmpf ogt, %div3A_826, %gt3A_827 : vector<16xf32>
        %get3A_829 = arith.constant 64 : index
        %get3A_830 = tpu.vector_load %arg9[%get3A_829] {strides = array<i32>} : memref<768xf32, #tpu.memory_space<vmem>>, vector<16xf32>,
        %select_n3A_831 = arith.select %gt3A_828, %broadcast_in_dim3A_3, %get3A_830 : vector<16xi1>, vector<16xf32>
        %swap3A_832 = arith.constant 64 : index
        %swap3A_833 = tpu.vector_load %arg9[%swap3A_832] {strides = array<i32>} : memref<768xf32, #tpu.memory_space<vmem>>, vector<16xf32>,
        tpu.vector_store %arg9[%swap3A_832], %select_n3A_831 {strides = array<i32>} : memref<768xf32, #tpu.memory_space<vmem>>, vector<16xf32>,
        %gt3A_834 = arith.cmpf ogt, %select_n3A_831, %select_n3A_794 : vector<16xf32>
        %select_n3A_835 = arith.select %gt3A_834, %select_n3A_831, %select_n3A_794 : vector<16xi1>, vector<16xf32>
        %broadcast_in_dim3A_836 = arith.constant 4 : i32
        %broadcast_in_dim3A_837 = vector.broadcast %broadcast_in_dim3A_836 : i32 to vector<16xi32>
        %select_n3A_838 = arith.select %gt3A_834, %broadcast_in_dim3A_837, %select_n3A_797 : vector<16xi1>, vector<16xi32>
        %get3A_839 = arith.constant 80 : index
        %get3A_840 = tpu.vector_load %arg4[%get3A_839] {strides = array<i32>} : memref<768xf32, #tpu.memory_space<vmem>>, vector<16xf32>,
        %get3A_841 = arith.constant 80 : index
        %get3A_842 = tpu.vector_load %arg5[%get3A_841] {strides = array<i32>} : memref<768xf32, #tpu.memory_space<vmem>>, vector<16xf32>,
        %get3A_843 = arith.constant 80 : index
        %get3A_844 = tpu.vector_load %arg6[%get3A_843] {strides = array<i32>} : memref<768xf32, #tpu.memory_space<vmem>>, vector<16xf32>,
        %get3A_845 = arith.constant 80 : index
        %get3A_846 = tpu.vector_load %arg7[%get3A_845] {strides = array<i32>} : memref<768xf32, #tpu.memory_space<vmem>>, vector<16xf32>,
        %max3A_847 = arith.maximumf %gather3A_550, %get3A_840 : vector<16xf32>
        %max3A_848 = arith.maximumf %gather3A_554, %get3A_842 : vector<16xf32>
        %min3A_849 = arith.minimumf %gather3A_558, %get3A_844 : vector<16xf32>
        %min3A_850 = arith.minimumf %gather3A_562, %get3A_846 : vector<16xf32>
        %sub3A_851 = arith.subf %min3A_849, %max3A_847 : vector<16xf32>
        %max3A_852 = arith.constant 0.000000e+00 : f32
        %max3A_853 = vector.broadcast %max3A_852 : f32 to vector<16xf32>
        %max3A_854 = arith.maximumf %sub3A_851, %max3A_853 : vector<16xf32>
        %sub3A_855 = arith.subf %min3A_850, %max3A_848 : vector<16xf32>
        %max3A_856 = arith.constant 0.000000e+00 : f32
        %max3A_857 = vector.broadcast %max3A_856 : f32 to vector<16xf32>
        %max3A_858 = arith.maximumf %sub3A_855, %max3A_857 : vector<16xf32>
        %mul3A_859 = arith.mulf %max3A_854, %max3A_858 : vector<16xf32>
        %get3A_860 = arith.constant 80 : index
        %get3A_861 = tpu.vector_load %arg8[%get3A_860] {strides = array<i32>} : memref<768xf32, #tpu.memory_space<vmem>>, vector<16xf32>,
        %add3A_862 = arith.addf %mul3A_630, %get3A_861 : vector<16xf32>
        %sub3A_863 = arith.subf %add3A_862, %mul3A_859 : vector<16xf32>
        %max3A_864 = arith.constant 9.99999993E-9 : f32
        %max3A_865 = vector.broadcast %max3A_864 : f32 to vector<16xf32>
        %max3A_866 = arith.maximumf %sub3A_863, %max3A_865 : vector<16xf32>
        %div3A_867 = arith.divf %mul3A_859, %max3A_866 : vector<16xf32>
        %gt3A_868 = vector.broadcast %scan3A_449 : f32 to vector<16xf32>
        %gt3A_869 = arith.cmpf ogt, %div3A_867, %gt3A_868 : vector<16xf32>
        %get3A_870 = arith.constant 80 : index
        %get3A_871 = tpu.vector_load %arg9[%get3A_870] {strides = array<i32>} : memref<768xf32, #tpu.memory_space<vmem>>, vector<16xf32>,
        %select_n3A_872 = arith.select %gt3A_869, %broadcast_in_dim3A_3, %get3A_871 : vector<16xi1>, vector<16xf32>
        %swap3A_873 = arith.constant 80 : index
        %swap3A_874 = tpu.vector_load %arg9[%swap3A_873] {strides = array<i32>} : memref<768xf32, #tpu.memory_space<vmem>>, vector<16xf32>,
        tpu.vector_store %arg9[%swap3A_873], %select_n3A_872 {strides = array<i32>} : memref<768xf32, #tpu.memory_space<vmem>>, vector<16xf32>,
        %gt3A_875 = arith.cmpf ogt, %select_n3A_872, %select_n3A_835 : vector<16xf32>
        %select_n3A_876 = arith.select %gt3A_875, %select_n3A_872, %select_n3A_835 : vector<16xi1>, vector<16xf32>
        %broadcast_in_dim3A_877 = arith.constant 5 : i32
        %broadcast_in_dim3A_878 = vector.broadcast %broadcast_in_dim3A_877 : i32 to vector<16xi32>
        %select_n3A_879 = arith.select %gt3A_875, %broadcast_in_dim3A_878, %select_n3A_838 : vector<16xi1>, vector<16xi32>
        %get3A_880 = arith.constant 96 : index
        %get3A_881 = tpu.vector_load %arg4[%get3A_880] {strides = array<i32>} : memref<768xf32, #tpu.memory_space<vmem>>, vector<16xf32>,
        %get3A_882 = arith.constant 96 : index
        %get3A_883 = tpu.vector_load %arg5[%get3A_882] {strides = array<i32>} : memref<768xf32, #tpu.memory_space<vmem>>, vector<16xf32>,
        %get3A_884 = arith.constant 96 : index
        %get3A_885 = tpu.vector_load %arg6[%get3A_884] {strides = array<i32>} : memref<768xf32, #tpu.memory_space<vmem>>, vector<16xf32>,
        %get3A_886 = arith.constant 96 : index
        %get3A_887 = tpu.vector_load %arg7[%get3A_886] {strides = array<i32>} : memref<768xf32, #tpu.memory_space<vmem>>, vector<16xf32>,
        %max3A_888 = arith.maximumf %gather3A_550, %get3A_881 : vector<16xf32>
        %max3A_889 = arith.maximumf %gather3A_554, %get3A_883 : vector<16xf32>
        %min3A_890 = arith.minimumf %gather3A_558, %get3A_885 : vector<16xf32>
        %min3A_891 = arith.minimumf %gather3A_562, %get3A_887 : vector<16xf32>
        %sub3A_892 = arith.subf %min3A_890, %max3A_888 : vector<16xf32>
        %max3A_893 = arith.constant 0.000000e+00 : f32
        %max3A_894 = vector.broadcast %max3A_893 : f32 to vector<16xf32>
        %max3A_895 = arith.maximumf %sub3A_892, %max3A_894 : vector<16xf32>
        %sub3A_896 = arith.subf %min3A_891, %max3A_889 : vector<16xf32>
        %max3A_897 = arith.constant 0.000000e+00 : f32
        %max3A_898 = vector.broadcast %max3A_897 : f32 to vector<16xf32>
        %max3A_899 = arith.maximumf %sub3A_896, %max3A_898 : vector<16xf32>
        %mul3A_900 = arith.mulf %max3A_895, %max3A_899 : vector<16xf32>
        %get3A_901 = arith.constant 96 : index
        %get3A_902 = tpu.vector_load %arg8[%get3A_901] {strides = array<i32>} : memref<768xf32, #tpu.memory_space<vmem>>, vector<16xf32>,
        %add3A_903 = arith.addf %mul3A_630, %get3A_902 : vector<16xf32>
        %sub3A_904 = arith.subf %add3A_903, %mul3A_900 : vector<16xf32>
        %max3A_905 = arith.constant 9.99999993E-9 : f32
        %max3A_906 = vector.broadcast %max3A_905 : f32 to vector<16xf32>
        %max3A_907 = arith.maximumf %sub3A_904, %max3A_906 : vector<16xf32>
        %div3A_908 = arith.divf %mul3A_900, %max3A_907 : vector<16xf32>
        %gt3A_909 = vector.broadcast %scan3A_449 : f32 to vector<16xf32>
        %gt3A_910 = arith.cmpf ogt, %div3A_908, %gt3A_909 : vector<16xf32>
        %get3A_911 = arith.constant 96 : index
        %get3A_912 = tpu.vector_load %arg9[%get3A_911] {strides = array<i32>} : memref<768xf32, #tpu.memory_space<vmem>>, vector<16xf32>,
        %select_n3A_913 = arith.select %gt3A_910, %broadcast_in_dim3A_3, %get3A_912 : vector<16xi1>, vector<16xf32>
        %swap3A_914 = arith.constant 96 : index
        %swap3A_915 = tpu.vector_load %arg9[%swap3A_914] {strides = array<i32>} : memref<768xf32, #tpu.memory_space<vmem>>, vector<16xf32>,
        tpu.vector_store %arg9[%swap3A_914], %select_n3A_913 {strides = array<i32>} : memref<768xf32, #tpu.memory_space<vmem>>, vector<16xf32>,
        %gt3A_916 = arith.cmpf ogt, %select_n3A_913, %select_n3A_876 : vector<16xf32>
        %select_n3A_917 = arith.select %gt3A_916, %select_n3A_913, %select_n3A_876 : vector<16xi1>, vector<16xf32>
        %broadcast_in_dim3A_918 = arith.constant 6 : i32
        %broadcast_in_dim3A_919 = vector.broadcast %broadcast_in_dim3A_918 : i32 to vector<16xi32>
        %select_n3A_920 = arith.select %gt3A_916, %broadcast_in_dim3A_919, %select_n3A_879 : vector<16xi1>, vector<16xi32>
        %get3A_921 = arith.constant 112 : index
        %get3A_922 = tpu.vector_load %arg4[%get3A_921] {strides = array<i32>} : memref<768xf32, #tpu.memory_space<vmem>>, vector<16xf32>,
        %get3A_923 = arith.constant 112 : index
        %get3A_924 = tpu.vector_load %arg5[%get3A_923] {strides = array<i32>} : memref<768xf32, #tpu.memory_space<vmem>>, vector<16xf32>,
        %get3A_925 = arith.constant 112 : index
        %get3A_926 = tpu.vector_load %arg6[%get3A_925] {strides = array<i32>} : memref<768xf32, #tpu.memory_space<vmem>>, vector<16xf32>,
        %get3A_927 = arith.constant 112 : index
        %get3A_928 = tpu.vector_load %arg7[%get3A_927] {strides = array<i32>} : memref<768xf32, #tpu.memory_space<vmem>>, vector<16xf32>,
        %max3A_929 = arith.maximumf %gather3A_550, %get3A_922 : vector<16xf32>
        %max3A_930 = arith.maximumf %gather3A_554, %get3A_924 : vector<16xf32>
        %min3A_931 = arith.minimumf %gather3A_558, %get3A_926 : vector<16xf32>
        %min3A_932 = arith.minimumf %gather3A_562, %get3A_928 : vector<16xf32>
        %sub3A_933 = arith.subf %min3A_931, %max3A_929 : vector<16xf32>
        %max3A_934 = arith.constant 0.000000e+00 : f32
        %max3A_935 = vector.broadcast %max3A_934 : f32 to vector<16xf32>
        %max3A_936 = arith.maximumf %sub3A_933, %max3A_935 : vector<16xf32>
        %sub3A_937 = arith.subf %min3A_932, %max3A_930 : vector<16xf32>
        %max3A_938 = arith.constant 0.000000e+00 : f32
        %max3A_939 = vector.broadcast %max3A_938 : f32 to vector<16xf32>
        %max3A_940 = arith.maximumf %sub3A_937, %max3A_939 : vector<16xf32>
        %mul3A_941 = arith.mulf %max3A_936, %max3A_940 : vector<16xf32>
        %get3A_942 = arith.constant 112 : index
        %get3A_943 = tpu.vector_load %arg8[%get3A_942] {strides = array<i32>} : memref<768xf32, #tpu.memory_space<vmem>>, vector<16xf32>,
        %add3A_944 = arith.addf %mul3A_630, %get3A_943 : vector<16xf32>
        %sub3A_945 = arith.subf %add3A_944, %mul3A_941 : vector<16xf32>
        %max3A_946 = arith.constant 9.99999993E-9 : f32
        %max3A_947 = vector.broadcast %max3A_946 : f32 to vector<16xf32>
        %max3A_948 = arith.maximumf %sub3A_945, %max3A_947 : vector<16xf32>
        %div3A_949 = arith.divf %mul3A_941, %max3A_948 : vector<16xf32>
        %gt3A_950 = vector.broadcast %scan3A_449 : f32 to vector<16xf32>
        %gt3A_951 = arith.cmpf ogt, %div3A_949, %gt3A_950 : vector<16xf32>
        %get3A_952 = arith.constant 112 : index
        %get3A_953 = tpu.vector_load %arg9[%get3A_952] {strides = array<i32>} : memref<768xf32, #tpu.memory_space<vmem>>, vector<16xf32>,
        %select_n3A_954 = arith.select %gt3A_951, %broadcast_in_dim3A_3, %get3A_953 : vector<16xi1>, vector<16xf32>
        %swap3A_955 = arith.constant 112 : index
        %swap3A_956 = tpu.vector_load %arg9[%swap3A_955] {strides = array<i32>} : memref<768xf32, #tpu.memory_space<vmem>>, vector<16xf32>,
        tpu.vector_store %arg9[%swap3A_955], %select_n3A_954 {strides = array<i32>} : memref<768xf32, #tpu.memory_space<vmem>>, vector<16xf32>,
        %gt3A_957 = arith.cmpf ogt, %select_n3A_954, %select_n3A_917 : vector<16xf32>
        %select_n3A_958 = arith.select %gt3A_957, %select_n3A_954, %select_n3A_917 : vector<16xi1>, vector<16xf32>
        %broadcast_in_dim3A_959 = arith.constant 7 : i32
        %broadcast_in_dim3A_960 = vector.broadcast %broadcast_in_dim3A_959 : i32 to vector<16xi32>
        %select_n3A_961 = arith.select %gt3A_957, %broadcast_in_dim3A_960, %select_n3A_920 : vector<16xi1>, vector<16xi32>
        %get3A_962 = arith.constant 128 : index
        %get3A_963 = tpu.vector_load %arg4[%get3A_962] {strides = array<i32>} : memref<768xf32, #tpu.memory_space<vmem>>, vector<16xf32>,
        %get3A_964 = arith.constant 128 : index
        %get3A_965 = tpu.vector_load %arg5[%get3A_964] {strides = array<i32>} : memref<768xf32, #tpu.memory_space<vmem>>, vector<16xf32>,
        %get3A_966 = arith.constant 128 : index
        %get3A_967 = tpu.vector_load %arg6[%get3A_966] {strides = array<i32>} : memref<768xf32, #tpu.memory_space<vmem>>, vector<16xf32>,
        %get3A_968 = arith.constant 128 : index
        %get3A_969 = tpu.vector_load %arg7[%get3A_968] {strides = array<i32>} : memref<768xf32, #tpu.memory_space<vmem>>, vector<16xf32>,
        %max3A_970 = arith.maximumf %gather3A_550, %get3A_963 : vector<16xf32>
        %max3A_971 = arith.maximumf %gather3A_554, %get3A_965 : vector<16xf32>
        %min3A_972 = arith.minimumf %gather3A_558, %get3A_967 : vector<16xf32>
        %min3A_973 = arith.minimumf %gather3A_562, %get3A_969 : vector<16xf32>
        %sub3A_974 = arith.subf %min3A_972, %max3A_970 : vector<16xf32>
        %max3A_975 = arith.constant 0.000000e+00 : f32
        %max3A_976 = vector.broadcast %max3A_975 : f32 to vector<16xf32>
        %max3A_977 = arith.maximumf %sub3A_974, %max3A_976 : vector<16xf32>
        %sub3A_978 = arith.subf %min3A_973, %max3A_971 : vector<16xf32>
        %max3A_979 = arith.constant 0.000000e+00 : f32
        %max3A_980 = vector.broadcast %max3A_979 : f32 to vector<16xf32>
        %max3A_981 = arith.maximumf %sub3A_978, %max3A_980 : vector<16xf32>
        %mul3A_982 = arith.mulf %max3A_977, %max3A_981 : vector<16xf32>
        %get3A_983 = arith.constant 128 : index
        %get3A_984 = tpu.vector_load %arg8[%get3A_983] {strides = array<i32>} : memref<768xf32, #tpu.memory_space<vmem>>, vector<16xf32>,
        %add3A_985 = arith.addf %mul3A_630, %get3A_984 : vector<16xf32>
        %sub3A_986 = arith.subf %add3A_985, %mul3A_982 : vector<16xf32>
        %max3A_987 = arith.constant 9.99999993E-9 : f32
        %max3A_988 = vector.broadcast %max3A_987 : f32 to vector<16xf32>
        %max3A_989 = arith.maximumf %sub3A_986, %max3A_988 : vector<16xf32>
        %div3A_990 = arith.divf %mul3A_982, %max3A_989 : vector<16xf32>
        %gt3A_991 = vector.broadcast %scan3A_449 : f32 to vector<16xf32>
        %gt3A_992 = arith.cmpf ogt, %div3A_990, %gt3A_991 : vector<16xf32>
        %get3A_993 = arith.constant 128 : index
        %get3A_994 = tpu.vector_load %arg9[%get3A_993] {strides = array<i32>} : memref<768xf32, #tpu.memory_space<vmem>>, vector<16xf32>,
        %select_n3A_995 = arith.select %gt3A_992, %broadcast_in_dim3A_3, %get3A_994 : vector<16xi1>, vector<16xf32>
        %swap3A_996 = arith.constant 128 : index
        %swap3A_997 = tpu.vector_load %arg9[%swap3A_996] {strides = array<i32>} : memref<768xf32, #tpu.memory_space<vmem>>, vector<16xf32>,
        tpu.vector_store %arg9[%swap3A_996], %select_n3A_995 {strides = array<i32>} : memref<768xf32, #tpu.memory_space<vmem>>, vector<16xf32>,
        %gt3A_998 = arith.cmpf ogt, %select_n3A_995, %select_n3A_958 : vector<16xf32>
        %select_n3A_999 = arith.select %gt3A_998, %select_n3A_995, %select_n3A_958 : vector<16xi1>, vector<16xf32>
        %broadcast_in_dim3A_1000 = arith.constant 8 : i32
        %broadcast_in_dim3A_1001 = vector.broadcast %broadcast_in_dim3A_1000 : i32 to vector<16xi32>
        %select_n3A_1002 = arith.select %gt3A_998, %broadcast_in_dim3A_1001, %select_n3A_961 : vector<16xi1>, vector<16xi32>
        %get3A_1003 = arith.constant 144 : index
        %get3A_1004 = tpu.vector_load %arg4[%get3A_1003] {strides = array<i32>} : memref<768xf32, #tpu.memory_space<vmem>>, vector<16xf32>,
        %get3A_1005 = arith.constant 144 : index
        %get3A_1006 = tpu.vector_load %arg5[%get3A_1005] {strides = array<i32>} : memref<768xf32, #tpu.memory_space<vmem>>, vector<16xf32>,
        %get3A_1007 = arith.constant 144 : index
        %get3A_1008 = tpu.vector_load %arg6[%get3A_1007] {strides = array<i32>} : memref<768xf32, #tpu.memory_space<vmem>>, vector<16xf32>,
        %get3A_1009 = arith.constant 144 : index
        %get3A_1010 = tpu.vector_load %arg7[%get3A_1009] {strides = array<i32>} : memref<768xf32, #tpu.memory_space<vmem>>, vector<16xf32>,
        %max3A_1011 = arith.maximumf %gather3A_550, %get3A_1004 : vector<16xf32>
        %max3A_1012 = arith.maximumf %gather3A_554, %get3A_1006 : vector<16xf32>
        %min3A_1013 = arith.minimumf %gather3A_558, %get3A_1008 : vector<16xf32>
        %min3A_1014 = arith.minimumf %gather3A_562, %get3A_1010 : vector<16xf32>
        %sub3A_1015 = arith.subf %min3A_1013, %max3A_1011 : vector<16xf32>
        %max3A_1016 = arith.constant 0.000000e+00 : f32
        %max3A_1017 = vector.broadcast %max3A_1016 : f32 to vector<16xf32>
        %max3A_1018 = arith.maximumf %sub3A_1015, %max3A_1017 : vector<16xf32>
        %sub3A_1019 = arith.subf %min3A_1014, %max3A_1012 : vector<16xf32>
        %max3A_1020 = arith.constant 0.000000e+00 : f32
        %max3A_1021 = vector.broadcast %max3A_1020 : f32 to vector<16xf32>
        %max3A_1022 = arith.maximumf %sub3A_1019, %max3A_1021 : vector<16xf32>
        %mul3A_1023 = arith.mulf %max3A_1018, %max3A_1022 : vector<16xf32>
        %get3A_1024 = arith.constant 144 : index
        %get3A_1025 = tpu.vector_load %arg8[%get3A_1024] {strides = array<i32>} : memref<768xf32, #tpu.memory_space<vmem>>, vector<16xf32>,
        %add3A_1026 = arith.addf %mul3A_630, %get3A_1025 : vector<16xf32>
        %sub3A_1027 = arith.subf %add3A_1026, %mul3A_1023 : vector<16xf32>
        %max3A_1028 = arith.constant 9.99999993E-9 : f32
        %max3A_1029 = vector.broadcast %max3A_1028 : f32 to vector<16xf32>
        %max3A_1030 = arith.maximumf %sub3A_1027, %max3A_1029 : vector<16xf32>
        %div3A_1031 = arith.divf %mul3A_1023, %max3A_1030 : vector<16xf32>
        %gt3A_1032 = vector.broadcast %scan3A_449 : f32 to vector<16xf32>
        %gt3A_1033 = arith.cmpf ogt, %div3A_1031, %gt3A_1032 : vector<16xf32>
        %get3A_1034 = arith.constant 144 : index
        %get3A_1035 = tpu.vector_load %arg9[%get3A_1034] {strides = array<i32>} : memref<768xf32, #tpu.memory_space<vmem>>, vector<16xf32>,
        %select_n3A_1036 = arith.select %gt3A_1033, %broadcast_in_dim3A_3, %get3A_1035 : vector<16xi1>, vector<16xf32>
        %swap3A_1037 = arith.constant 144 : index
        %swap3A_1038 = tpu.vector_load %arg9[%swap3A_1037] {strides = array<i32>} : memref<768xf32, #tpu.memory_space<vmem>>, vector<16xf32>,
        tpu.vector_store %arg9[%swap3A_1037], %select_n3A_1036 {strides = array<i32>} : memref<768xf32, #tpu.memory_space<vmem>>, vector<16xf32>,
        %gt3A_1039 = arith.cmpf ogt, %select_n3A_1036, %select_n3A_999 : vector<16xf32>
        %select_n3A_1040 = arith.select %gt3A_1039, %select_n3A_1036, %select_n3A_999 : vector<16xi1>, vector<16xf32>
        %broadcast_in_dim3A_1041 = arith.constant 9 : i32
        %broadcast_in_dim3A_1042 = vector.broadcast %broadcast_in_dim3A_1041 : i32 to vector<16xi32>
        %select_n3A_1043 = arith.select %gt3A_1039, %broadcast_in_dim3A_1042, %select_n3A_1002 : vector<16xi1>, vector<16xi32>
        %get3A_1044 = arith.constant 160 : index
        %get3A_1045 = tpu.vector_load %arg4[%get3A_1044] {strides = array<i32>} : memref<768xf32, #tpu.memory_space<vmem>>, vector<16xf32>,
        %get3A_1046 = arith.constant 160 : index
        %get3A_1047 = tpu.vector_load %arg5[%get3A_1046] {strides = array<i32>} : memref<768xf32, #tpu.memory_space<vmem>>, vector<16xf32>,
        %get3A_1048 = arith.constant 160 : index
        %get3A_1049 = tpu.vector_load %arg6[%get3A_1048] {strides = array<i32>} : memref<768xf32, #tpu.memory_space<vmem>>, vector<16xf32>,
        %get3A_1050 = arith.constant 160 : index
        %get3A_1051 = tpu.vector_load %arg7[%get3A_1050] {strides = array<i32>} : memref<768xf32, #tpu.memory_space<vmem>>, vector<16xf32>,
        %max3A_1052 = arith.maximumf %gather3A_550, %get3A_1045 : vector<16xf32>
        %max3A_1053 = arith.maximumf %gather3A_554, %get3A_1047 : vector<16xf32>
        %min3A_1054 = arith.minimumf %gather3A_558, %get3A_1049 : vector<16xf32>
        %min3A_1055 = arith.minimumf %gather3A_562, %get3A_1051 : vector<16xf32>
        %sub3A_1056 = arith.subf %min3A_1054, %max3A_1052 : vector<16xf32>
        %max3A_1057 = arith.constant 0.000000e+00 : f32
        %max3A_1058 = vector.broadcast %max3A_1057 : f32 to vector<16xf32>
        %max3A_1059 = arith.maximumf %sub3A_1056, %max3A_1058 : vector<16xf32>
        %sub3A_1060 = arith.subf %min3A_1055, %max3A_1053 : vector<16xf32>
        %max3A_1061 = arith.constant 0.000000e+00 : f32
        %max3A_1062 = vector.broadcast %max3A_1061 : f32 to vector<16xf32>
        %max3A_1063 = arith.maximumf %sub3A_1060, %max3A_1062 : vector<16xf32>
        %mul3A_1064 = arith.mulf %max3A_1059, %max3A_1063 : vector<16xf32>
        %get3A_1065 = arith.constant 160 : index
        %get3A_1066 = tpu.vector_load %arg8[%get3A_1065] {strides = array<i32>} : memref<768xf32, #tpu.memory_space<vmem>>, vector<16xf32>,
        %add3A_1067 = arith.addf %mul3A_630, %get3A_1066 : vector<16xf32>
        %sub3A_1068 = arith.subf %add3A_1067, %mul3A_1064 : vector<16xf32>
        %max3A_1069 = arith.constant 9.99999993E-9 : f32
        %max3A_1070 = vector.broadcast %max3A_1069 : f32 to vector<16xf32>
        %max3A_1071 = arith.maximumf %sub3A_1068, %max3A_1070 : vector<16xf32>
        %div3A_1072 = arith.divf %mul3A_1064, %max3A_1071 : vector<16xf32>
        %gt3A_1073 = vector.broadcast %scan3A_449 : f32 to vector<16xf32>
        %gt3A_1074 = arith.cmpf ogt, %div3A_1072, %gt3A_1073 : vector<16xf32>
        %get3A_1075 = arith.constant 160 : index
        %get3A_1076 = tpu.vector_load %arg9[%get3A_1075] {strides = array<i32>} : memref<768xf32, #tpu.memory_space<vmem>>, vector<16xf32>,
        %select_n3A_1077 = arith.select %gt3A_1074, %broadcast_in_dim3A_3, %get3A_1076 : vector<16xi1>, vector<16xf32>
        %swap3A_1078 = arith.constant 160 : index
        %swap3A_1079 = tpu.vector_load %arg9[%swap3A_1078] {strides = array<i32>} : memref<768xf32, #tpu.memory_space<vmem>>, vector<16xf32>,
        tpu.vector_store %arg9[%swap3A_1078], %select_n3A_1077 {strides = array<i32>} : memref<768xf32, #tpu.memory_space<vmem>>, vector<16xf32>,
        %gt3A_1080 = arith.cmpf ogt, %select_n3A_1077, %select_n3A_1040 : vector<16xf32>
        %select_n3A_1081 = arith.select %gt3A_1080, %select_n3A_1077, %select_n3A_1040 : vector<16xi1>, vector<16xf32>
        %broadcast_in_dim3A_1082 = arith.constant 10 : i32
        %broadcast_in_dim3A_1083 = vector.broadcast %broadcast_in_dim3A_1082 : i32 to vector<16xi32>
        %select_n3A_1084 = arith.select %gt3A_1080, %broadcast_in_dim3A_1083, %select_n3A_1043 : vector<16xi1>, vector<16xi32>
        %get3A_1085 = arith.constant 176 : index
        %get3A_1086 = tpu.vector_load %arg4[%get3A_1085] {strides = array<i32>} : memref<768xf32, #tpu.memory_space<vmem>>, vector<16xf32>,
        %get3A_1087 = arith.constant 176 : index
        %get3A_1088 = tpu.vector_load %arg5[%get3A_1087] {strides = array<i32>} : memref<768xf32, #tpu.memory_space<vmem>>, vector<16xf32>,
        %get3A_1089 = arith.constant 176 : index
        %get3A_1090 = tpu.vector_load %arg6[%get3A_1089] {strides = array<i32>} : memref<768xf32, #tpu.memory_space<vmem>>, vector<16xf32>,
        %get3A_1091 = arith.constant 176 : index
        %get3A_1092 = tpu.vector_load %arg7[%get3A_1091] {strides = array<i32>} : memref<768xf32, #tpu.memory_space<vmem>>, vector<16xf32>,
        %max3A_1093 = arith.maximumf %gather3A_550, %get3A_1086 : vector<16xf32>
        %max3A_1094 = arith.maximumf %gather3A_554, %get3A_1088 : vector<16xf32>
        %min3A_1095 = arith.minimumf %gather3A_558, %get3A_1090 : vector<16xf32>
        %min3A_1096 = arith.minimumf %gather3A_562, %get3A_1092 : vector<16xf32>
        %sub3A_1097 = arith.subf %min3A_1095, %max3A_1093 : vector<16xf32>
        %max3A_1098 = arith.constant 0.000000e+00 : f32
        %max3A_1099 = vector.broadcast %max3A_1098 : f32 to vector<16xf32>
        %max3A_1100 = arith.maximumf %sub3A_1097, %max3A_1099 : vector<16xf32>
        %sub3A_1101 = arith.subf %min3A_1096, %max3A_1094 : vector<16xf32>
        %max3A_1102 = arith.constant 0.000000e+00 : f32
        %max3A_1103 = vector.broadcast %max3A_1102 : f32 to vector<16xf32>
        %max3A_1104 = arith.maximumf %sub3A_1101, %max3A_1103 : vector<16xf32>
        %mul3A_1105 = arith.mulf %max3A_1100, %max3A_1104 : vector<16xf32>
        %get3A_1106 = arith.constant 176 : index
        %get3A_1107 = tpu.vector_load %arg8[%get3A_1106] {strides = array<i32>} : memref<768xf32, #tpu.memory_space<vmem>>, vector<16xf32>,
        %add3A_1108 = arith.addf %mul3A_630, %get3A_1107 : vector<16xf32>
        %sub3A_1109 = arith.subf %add3A_1108, %mul3A_1105 : vector<16xf32>
        %max3A_1110 = arith.constant 9.99999993E-9 : f32
        %max3A_1111 = vector.broadcast %max3A_1110 : f32 to vector<16xf32>
        %max3A_1112 = arith.maximumf %sub3A_1109, %max3A_1111 : vector<16xf32>
        %div3A_1113 = arith.divf %mul3A_1105, %max3A_1112 : vector<16xf32>
        %gt3A_1114 = vector.broadcast %scan3A_449 : f32 to vector<16xf32>
        %gt3A_1115 = arith.cmpf ogt, %div3A_1113, %gt3A_1114 : vector<16xf32>
        %get3A_1116 = arith.constant 176 : index
        %get3A_1117 = tpu.vector_load %arg9[%get3A_1116] {strides = array<i32>} : memref<768xf32, #tpu.memory_space<vmem>>, vector<16xf32>,
        %select_n3A_1118 = arith.select %gt3A_1115, %broadcast_in_dim3A_3, %get3A_1117 : vector<16xi1>, vector<16xf32>
        %swap3A_1119 = arith.constant 176 : index
        %swap3A_1120 = tpu.vector_load %arg9[%swap3A_1119] {strides = array<i32>} : memref<768xf32, #tpu.memory_space<vmem>>, vector<16xf32>,
        tpu.vector_store %arg9[%swap3A_1119], %select_n3A_1118 {strides = array<i32>} : memref<768xf32, #tpu.memory_space<vmem>>, vector<16xf32>,
        %gt3A_1121 = arith.cmpf ogt, %select_n3A_1118, %select_n3A_1081 : vector<16xf32>
        %select_n3A_1122 = arith.select %gt3A_1121, %select_n3A_1118, %select_n3A_1081 : vector<16xi1>, vector<16xf32>
        %broadcast_in_dim3A_1123 = arith.constant 11 : i32
        %broadcast_in_dim3A_1124 = vector.broadcast %broadcast_in_dim3A_1123 : i32 to vector<16xi32>
        %select_n3A_1125 = arith.select %gt3A_1121, %broadcast_in_dim3A_1124, %select_n3A_1084 : vector<16xi1>, vector<16xi32>
        %get3A_1126 = arith.constant 192 : index
        %get3A_1127 = tpu.vector_load %arg4[%get3A_1126] {strides = array<i32>} : memref<768xf32, #tpu.memory_space<vmem>>, vector<16xf32>,
        %get3A_1128 = arith.constant 192 : index
        %get3A_1129 = tpu.vector_load %arg5[%get3A_1128] {strides = array<i32>} : memref<768xf32, #tpu.memory_space<vmem>>, vector<16xf32>,
        %get3A_1130 = arith.constant 192 : index
        %get3A_1131 = tpu.vector_load %arg6[%get3A_1130] {strides = array<i32>} : memref<768xf32, #tpu.memory_space<vmem>>, vector<16xf32>,
        %get3A_1132 = arith.constant 192 : index
        %get3A_1133 = tpu.vector_load %arg7[%get3A_1132] {strides = array<i32>} : memref<768xf32, #tpu.memory_space<vmem>>, vector<16xf32>,
        %max3A_1134 = arith.maximumf %gather3A_550, %get3A_1127 : vector<16xf32>
        %max3A_1135 = arith.maximumf %gather3A_554, %get3A_1129 : vector<16xf32>
        %min3A_1136 = arith.minimumf %gather3A_558, %get3A_1131 : vector<16xf32>
        %min3A_1137 = arith.minimumf %gather3A_562, %get3A_1133 : vector<16xf32>
        %sub3A_1138 = arith.subf %min3A_1136, %max3A_1134 : vector<16xf32>
        %max3A_1139 = arith.constant 0.000000e+00 : f32
        %max3A_1140 = vector.broadcast %max3A_1139 : f32 to vector<16xf32>
        %max3A_1141 = arith.maximumf %sub3A_1138, %max3A_1140 : vector<16xf32>
        %sub3A_1142 = arith.subf %min3A_1137, %max3A_1135 : vector<16xf32>
        %max3A_1143 = arith.constant 0.000000e+00 : f32
        %max3A_1144 = vector.broadcast %max3A_1143 : f32 to vector<16xf32>
        %max3A_1145 = arith.maximumf %sub3A_1142, %max3A_1144 : vector<16xf32>
        %mul3A_1146 = arith.mulf %max3A_1141, %max3A_1145 : vector<16xf32>
        %get3A_1147 = arith.constant 192 : index
        %get3A_1148 = tpu.vector_load %arg8[%get3A_1147] {strides = array<i32>} : memref<768xf32, #tpu.memory_space<vmem>>, vector<16xf32>,
        %add3A_1149 = arith.addf %mul3A_630, %get3A_1148 : vector<16xf32>
        %sub3A_1150 = arith.subf %add3A_1149, %mul3A_1146 : vector<16xf32>
        %max3A_1151 = arith.constant 9.99999993E-9 : f32
        %max3A_1152 = vector.broadcast %max3A_1151 : f32 to vector<16xf32>
        %max3A_1153 = arith.maximumf %sub3A_1150, %max3A_1152 : vector<16xf32>
        %div3A_1154 = arith.divf %mul3A_1146, %max3A_1153 : vector<16xf32>
        %gt3A_1155 = vector.broadcast %scan3A_449 : f32 to vector<16xf32>
        %gt3A_1156 = arith.cmpf ogt, %div3A_1154, %gt3A_1155 : vector<16xf32>
        %get3A_1157 = arith.constant 192 : index
        %get3A_1158 = tpu.vector_load %arg9[%get3A_1157] {strides = array<i32>} : memref<768xf32, #tpu.memory_space<vmem>>, vector<16xf32>,
        %select_n3A_1159 = arith.select %gt3A_1156, %broadcast_in_dim3A_3, %get3A_1158 : vector<16xi1>, vector<16xf32>
        %swap3A_1160 = arith.constant 192 : index
        %swap3A_1161 = tpu.vector_load %arg9[%swap3A_1160] {strides = array<i32>} : memref<768xf32, #tpu.memory_space<vmem>>, vector<16xf32>,
        tpu.vector_store %arg9[%swap3A_1160], %select_n3A_1159 {strides = array<i32>} : memref<768xf32, #tpu.memory_space<vmem>>, vector<16xf32>,
        %gt3A_1162 = arith.cmpf ogt, %select_n3A_1159, %select_n3A_1122 : vector<16xf32>
        %select_n3A_1163 = arith.select %gt3A_1162, %select_n3A_1159, %select_n3A_1122 : vector<16xi1>, vector<16xf32>
        %broadcast_in_dim3A_1164 = arith.constant 12 : i32
        %broadcast_in_dim3A_1165 = vector.broadcast %broadcast_in_dim3A_1164 : i32 to vector<16xi32>
        %select_n3A_1166 = arith.select %gt3A_1162, %broadcast_in_dim3A_1165, %select_n3A_1125 : vector<16xi1>, vector<16xi32>
        %get3A_1167 = arith.constant 208 : index
        %get3A_1168 = tpu.vector_load %arg4[%get3A_1167] {strides = array<i32>} : memref<768xf32, #tpu.memory_space<vmem>>, vector<16xf32>,
        %get3A_1169 = arith.constant 208 : index
        %get3A_1170 = tpu.vector_load %arg5[%get3A_1169] {strides = array<i32>} : memref<768xf32, #tpu.memory_space<vmem>>, vector<16xf32>,
        %get3A_1171 = arith.constant 208 : index
        %get3A_1172 = tpu.vector_load %arg6[%get3A_1171] {strides = array<i32>} : memref<768xf32, #tpu.memory_space<vmem>>, vector<16xf32>,
        %get3A_1173 = arith.constant 208 : index
        %get3A_1174 = tpu.vector_load %arg7[%get3A_1173] {strides = array<i32>} : memref<768xf32, #tpu.memory_space<vmem>>, vector<16xf32>,
        %max3A_1175 = arith.maximumf %gather3A_550, %get3A_1168 : vector<16xf32>
        %max3A_1176 = arith.maximumf %gather3A_554, %get3A_1170 : vector<16xf32>
        %min3A_1177 = arith.minimumf %gather3A_558, %get3A_1172 : vector<16xf32>
        %min3A_1178 = arith.minimumf %gather3A_562, %get3A_1174 : vector<16xf32>
        %sub3A_1179 = arith.subf %min3A_1177, %max3A_1175 : vector<16xf32>
        %max3A_1180 = arith.constant 0.000000e+00 : f32
        %max3A_1181 = vector.broadcast %max3A_1180 : f32 to vector<16xf32>
        %max3A_1182 = arith.maximumf %sub3A_1179, %max3A_1181 : vector<16xf32>
        %sub3A_1183 = arith.subf %min3A_1178, %max3A_1176 : vector<16xf32>
        %max3A_1184 = arith.constant 0.000000e+00 : f32
        %max3A_1185 = vector.broadcast %max3A_1184 : f32 to vector<16xf32>
        %max3A_1186 = arith.maximumf %sub3A_1183, %max3A_1185 : vector<16xf32>
        %mul3A_1187 = arith.mulf %max3A_1182, %max3A_1186 : vector<16xf32>
        %get3A_1188 = arith.constant 208 : index
        %get3A_1189 = tpu.vector_load %arg8[%get3A_1188] {strides = array<i32>} : memref<768xf32, #tpu.memory_space<vmem>>, vector<16xf32>,
        %add3A_1190 = arith.addf %mul3A_630, %get3A_1189 : vector<16xf32>
        %sub3A_1191 = arith.subf %add3A_1190, %mul3A_1187 : vector<16xf32>
        %max3A_1192 = arith.constant 9.99999993E-9 : f32
        %max3A_1193 = vector.broadcast %max3A_1192 : f32 to vector<16xf32>
        %max3A_1194 = arith.maximumf %sub3A_1191, %max3A_1193 : vector<16xf32>
        %div3A_1195 = arith.divf %mul3A_1187, %max3A_1194 : vector<16xf32>
        %gt3A_1196 = vector.broadcast %scan3A_449 : f32 to vector<16xf32>
        %gt3A_1197 = arith.cmpf ogt, %div3A_1195, %gt3A_1196 : vector<16xf32>
        %get3A_1198 = arith.constant 208 : index
        %get3A_1199 = tpu.vector_load %arg9[%get3A_1198] {strides = array<i32>} : memref<768xf32, #tpu.memory_space<vmem>>, vector<16xf32>,
        %select_n3A_1200 = arith.select %gt3A_1197, %broadcast_in_dim3A_3, %get3A_1199 : vector<16xi1>, vector<16xf32>
        %swap3A_1201 = arith.constant 208 : index
        %swap3A_1202 = tpu.vector_load %arg9[%swap3A_1201] {strides = array<i32>} : memref<768xf32, #tpu.memory_space<vmem>>, vector<16xf32>,
        tpu.vector_store %arg9[%swap3A_1201], %select_n3A_1200 {strides = array<i32>} : memref<768xf32, #tpu.memory_space<vmem>>, vector<16xf32>,
        %gt3A_1203 = arith.cmpf ogt, %select_n3A_1200, %select_n3A_1163 : vector<16xf32>
        %select_n3A_1204 = arith.select %gt3A_1203, %select_n3A_1200, %select_n3A_1163 : vector<16xi1>, vector<16xf32>
        %broadcast_in_dim3A_1205 = arith.constant 13 : i32
        %broadcast_in_dim3A_1206 = vector.broadcast %broadcast_in_dim3A_1205 : i32 to vector<16xi32>
        %select_n3A_1207 = arith.select %gt3A_1203, %broadcast_in_dim3A_1206, %select_n3A_1166 : vector<16xi1>, vector<16xi32>
        %get3A_1208 = arith.constant 224 : index
        %get3A_1209 = tpu.vector_load %arg4[%get3A_1208] {strides = array<i32>} : memref<768xf32, #tpu.memory_space<vmem>>, vector<16xf32>,
        %get3A_1210 = arith.constant 224 : index
        %get3A_1211 = tpu.vector_load %arg5[%get3A_1210] {strides = array<i32>} : memref<768xf32, #tpu.memory_space<vmem>>, vector<16xf32>,
        %get3A_1212 = arith.constant 224 : index
        %get3A_1213 = tpu.vector_load %arg6[%get3A_1212] {strides = array<i32>} : memref<768xf32, #tpu.memory_space<vmem>>, vector<16xf32>,
        %get3A_1214 = arith.constant 224 : index
        %get3A_1215 = tpu.vector_load %arg7[%get3A_1214] {strides = array<i32>} : memref<768xf32, #tpu.memory_space<vmem>>, vector<16xf32>,
        %max3A_1216 = arith.maximumf %gather3A_550, %get3A_1209 : vector<16xf32>
        %max3A_1217 = arith.maximumf %gather3A_554, %get3A_1211 : vector<16xf32>
        %min3A_1218 = arith.minimumf %gather3A_558, %get3A_1213 : vector<16xf32>
        %min3A_1219 = arith.minimumf %gather3A_562, %get3A_1215 : vector<16xf32>
        %sub3A_1220 = arith.subf %min3A_1218, %max3A_1216 : vector<16xf32>
        %max3A_1221 = arith.constant 0.000000e+00 : f32
        %max3A_1222 = vector.broadcast %max3A_1221 : f32 to vector<16xf32>
        %max3A_1223 = arith.maximumf %sub3A_1220, %max3A_1222 : vector<16xf32>
        %sub3A_1224 = arith.subf %min3A_1219, %max3A_1217 : vector<16xf32>
        %max3A_1225 = arith.constant 0.000000e+00 : f32
        %max3A_1226 = vector.broadcast %max3A_1225 : f32 to vector<16xf32>
        %max3A_1227 = arith.maximumf %sub3A_1224, %max3A_1226 : vector<16xf32>
        %mul3A_1228 = arith.mulf %max3A_1223, %max3A_1227 : vector<16xf32>
        %get3A_1229 = arith.constant 224 : index
        %get3A_1230 = tpu.vector_load %arg8[%get3A_1229] {strides = array<i32>} : memref<768xf32, #tpu.memory_space<vmem>>, vector<16xf32>,
        %add3A_1231 = arith.addf %mul3A_630, %get3A_1230 : vector<16xf32>
        %sub3A_1232 = arith.subf %add3A_1231, %mul3A_1228 : vector<16xf32>
        %max3A_1233 = arith.constant 9.99999993E-9 : f32
        %max3A_1234 = vector.broadcast %max3A_1233 : f32 to vector<16xf32>
        %max3A_1235 = arith.maximumf %sub3A_1232, %max3A_1234 : vector<16xf32>
        %div3A_1236 = arith.divf %mul3A_1228, %max3A_1235 : vector<16xf32>
        %gt3A_1237 = vector.broadcast %scan3A_449 : f32 to vector<16xf32>
        %gt3A_1238 = arith.cmpf ogt, %div3A_1236, %gt3A_1237 : vector<16xf32>
        %get3A_1239 = arith.constant 224 : index
        %get3A_1240 = tpu.vector_load %arg9[%get3A_1239] {strides = array<i32>} : memref<768xf32, #tpu.memory_space<vmem>>, vector<16xf32>,
        %select_n3A_1241 = arith.select %gt3A_1238, %broadcast_in_dim3A_3, %get3A_1240 : vector<16xi1>, vector<16xf32>
        %swap3A_1242 = arith.constant 224 : index
        %swap3A_1243 = tpu.vector_load %arg9[%swap3A_1242] {strides = array<i32>} : memref<768xf32, #tpu.memory_space<vmem>>, vector<16xf32>,
        tpu.vector_store %arg9[%swap3A_1242], %select_n3A_1241 {strides = array<i32>} : memref<768xf32, #tpu.memory_space<vmem>>, vector<16xf32>,
        %gt3A_1244 = arith.cmpf ogt, %select_n3A_1241, %select_n3A_1204 : vector<16xf32>
        %select_n3A_1245 = arith.select %gt3A_1244, %select_n3A_1241, %select_n3A_1204 : vector<16xi1>, vector<16xf32>
        %broadcast_in_dim3A_1246 = arith.constant 14 : i32
        %broadcast_in_dim3A_1247 = vector.broadcast %broadcast_in_dim3A_1246 : i32 to vector<16xi32>
        %select_n3A_1248 = arith.select %gt3A_1244, %broadcast_in_dim3A_1247, %select_n3A_1207 : vector<16xi1>, vector<16xi32>
        %get3A_1249 = arith.constant 240 : index
        %get3A_1250 = tpu.vector_load %arg4[%get3A_1249] {strides = array<i32>} : memref<768xf32, #tpu.memory_space<vmem>>, vector<16xf32>,
        %get3A_1251 = arith.constant 240 : index
        %get3A_1252 = tpu.vector_load %arg5[%get3A_1251] {strides = array<i32>} : memref<768xf32, #tpu.memory_space<vmem>>, vector<16xf32>,
        %get3A_1253 = arith.constant 240 : index
        %get3A_1254 = tpu.vector_load %arg6[%get3A_1253] {strides = array<i32>} : memref<768xf32, #tpu.memory_space<vmem>>, vector<16xf32>,
        %get3A_1255 = arith.constant 240 : index
        %get3A_1256 = tpu.vector_load %arg7[%get3A_1255] {strides = array<i32>} : memref<768xf32, #tpu.memory_space<vmem>>, vector<16xf32>,
        %max3A_1257 = arith.maximumf %gather3A_550, %get3A_1250 : vector<16xf32>
        %max3A_1258 = arith.maximumf %gather3A_554, %get3A_1252 : vector<16xf32>
        %min3A_1259 = arith.minimumf %gather3A_558, %get3A_1254 : vector<16xf32>
        %min3A_1260 = arith.minimumf %gather3A_562, %get3A_1256 : vector<16xf32>
        %sub3A_1261 = arith.subf %min3A_1259, %max3A_1257 : vector<16xf32>
        %max3A_1262 = arith.constant 0.000000e+00 : f32
        %max3A_1263 = vector.broadcast %max3A_1262 : f32 to vector<16xf32>
        %max3A_1264 = arith.maximumf %sub3A_1261, %max3A_1263 : vector<16xf32>
        %sub3A_1265 = arith.subf %min3A_1260, %max3A_1258 : vector<16xf32>
        %max3A_1266 = arith.constant 0.000000e+00 : f32
        %max3A_1267 = vector.broadcast %max3A_1266 : f32 to vector<16xf32>
        %max3A_1268 = arith.maximumf %sub3A_1265, %max3A_1267 : vector<16xf32>
        %mul3A_1269 = arith.mulf %max3A_1264, %max3A_1268 : vector<16xf32>
        %get3A_1270 = arith.constant 240 : index
        %get3A_1271 = tpu.vector_load %arg8[%get3A_1270] {strides = array<i32>} : memref<768xf32, #tpu.memory_space<vmem>>, vector<16xf32>,
        %add3A_1272 = arith.addf %mul3A_630, %get3A_1271 : vector<16xf32>
        %sub3A_1273 = arith.subf %add3A_1272, %mul3A_1269 : vector<16xf32>
        %max3A_1274 = arith.constant 9.99999993E-9 : f32
        %max3A_1275 = vector.broadcast %max3A_1274 : f32 to vector<16xf32>
        %max3A_1276 = arith.maximumf %sub3A_1273, %max3A_1275 : vector<16xf32>
        %div3A_1277 = arith.divf %mul3A_1269, %max3A_1276 : vector<16xf32>
        %gt3A_1278 = vector.broadcast %scan3A_449 : f32 to vector<16xf32>
        %gt3A_1279 = arith.cmpf ogt, %div3A_1277, %gt3A_1278 : vector<16xf32>
        %get3A_1280 = arith.constant 240 : index
        %get3A_1281 = tpu.vector_load %arg9[%get3A_1280] {strides = array<i32>} : memref<768xf32, #tpu.memory_space<vmem>>, vector<16xf32>,
        %select_n3A_1282 = arith.select %gt3A_1279, %broadcast_in_dim3A_3, %get3A_1281 : vector<16xi1>, vector<16xf32>
        %swap3A_1283 = arith.constant 240 : index
        %swap3A_1284 = tpu.vector_load %arg9[%swap3A_1283] {strides = array<i32>} : memref<768xf32, #tpu.memory_space<vmem>>, vector<16xf32>,
        tpu.vector_store %arg9[%swap3A_1283], %select_n3A_1282 {strides = array<i32>} : memref<768xf32, #tpu.memory_space<vmem>>, vector<16xf32>,
        %gt3A_1285 = arith.cmpf ogt, %select_n3A_1282, %select_n3A_1245 : vector<16xf32>
        %select_n3A_1286 = arith.select %gt3A_1285, %select_n3A_1282, %select_n3A_1245 : vector<16xi1>, vector<16xf32>
        %broadcast_in_dim3A_1287 = arith.constant 15 : i32
        %broadcast_in_dim3A_1288 = vector.broadcast %broadcast_in_dim3A_1287 : i32 to vector<16xi32>
        %select_n3A_1289 = arith.select %gt3A_1285, %broadcast_in_dim3A_1288, %select_n3A_1248 : vector<16xi1>, vector<16xi32>
        %get3A_1290 = arith.constant 256 : index
        %get3A_1291 = tpu.vector_load %arg4[%get3A_1290] {strides = array<i32>} : memref<768xf32, #tpu.memory_space<vmem>>, vector<16xf32>,
        %get3A_1292 = arith.constant 256 : index
        %get3A_1293 = tpu.vector_load %arg5[%get3A_1292] {strides = array<i32>} : memref<768xf32, #tpu.memory_space<vmem>>, vector<16xf32>,
        %get3A_1294 = arith.constant 256 : index
        %get3A_1295 = tpu.vector_load %arg6[%get3A_1294] {strides = array<i32>} : memref<768xf32, #tpu.memory_space<vmem>>, vector<16xf32>,
        %get3A_1296 = arith.constant 256 : index
        %get3A_1297 = tpu.vector_load %arg7[%get3A_1296] {strides = array<i32>} : memref<768xf32, #tpu.memory_space<vmem>>, vector<16xf32>,
        %max3A_1298 = arith.maximumf %gather3A_550, %get3A_1291 : vector<16xf32>
        %max3A_1299 = arith.maximumf %gather3A_554, %get3A_1293 : vector<16xf32>
        %min3A_1300 = arith.minimumf %gather3A_558, %get3A_1295 : vector<16xf32>
        %min3A_1301 = arith.minimumf %gather3A_562, %get3A_1297 : vector<16xf32>
        %sub3A_1302 = arith.subf %min3A_1300, %max3A_1298 : vector<16xf32>
        %max3A_1303 = arith.constant 0.000000e+00 : f32
        %max3A_1304 = vector.broadcast %max3A_1303 : f32 to vector<16xf32>
        %max3A_1305 = arith.maximumf %sub3A_1302, %max3A_1304 : vector<16xf32>
        %sub3A_1306 = arith.subf %min3A_1301, %max3A_1299 : vector<16xf32>
        %max3A_1307 = arith.constant 0.000000e+00 : f32
        %max3A_1308 = vector.broadcast %max3A_1307 : f32 to vector<16xf32>
        %max3A_1309 = arith.maximumf %sub3A_1306, %max3A_1308 : vector<16xf32>
        %mul3A_1310 = arith.mulf %max3A_1305, %max3A_1309 : vector<16xf32>
        %get3A_1311 = arith.constant 256 : index
        %get3A_1312 = tpu.vector_load %arg8[%get3A_1311] {strides = array<i32>} : memref<768xf32, #tpu.memory_space<vmem>>, vector<16xf32>,
        %add3A_1313 = arith.addf %mul3A_630, %get3A_1312 : vector<16xf32>
        %sub3A_1314 = arith.subf %add3A_1313, %mul3A_1310 : vector<16xf32>
        %max3A_1315 = arith.constant 9.99999993E-9 : f32
        %max3A_1316 = vector.broadcast %max3A_1315 : f32 to vector<16xf32>
        %max3A_1317 = arith.maximumf %sub3A_1314, %max3A_1316 : vector<16xf32>
        %div3A_1318 = arith.divf %mul3A_1310, %max3A_1317 : vector<16xf32>
        %gt3A_1319 = vector.broadcast %scan3A_449 : f32 to vector<16xf32>
        %gt3A_1320 = arith.cmpf ogt, %div3A_1318, %gt3A_1319 : vector<16xf32>
        %get3A_1321 = arith.constant 256 : index
        %get3A_1322 = tpu.vector_load %arg9[%get3A_1321] {strides = array<i32>} : memref<768xf32, #tpu.memory_space<vmem>>, vector<16xf32>,
        %select_n3A_1323 = arith.select %gt3A_1320, %broadcast_in_dim3A_3, %get3A_1322 : vector<16xi1>, vector<16xf32>
        %swap3A_1324 = arith.constant 256 : index
        %swap3A_1325 = tpu.vector_load %arg9[%swap3A_1324] {strides = array<i32>} : memref<768xf32, #tpu.memory_space<vmem>>, vector<16xf32>,
        tpu.vector_store %arg9[%swap3A_1324], %select_n3A_1323 {strides = array<i32>} : memref<768xf32, #tpu.memory_space<vmem>>, vector<16xf32>,
        %gt3A_1326 = arith.cmpf ogt, %select_n3A_1323, %select_n3A_1286 : vector<16xf32>
        %select_n3A_1327 = arith.select %gt3A_1326, %select_n3A_1323, %select_n3A_1286 : vector<16xi1>, vector<16xf32>
        %broadcast_in_dim3A_1328 = arith.constant 16 : i32
        %broadcast_in_dim3A_1329 = vector.broadcast %broadcast_in_dim3A_1328 : i32 to vector<16xi32>
        %select_n3A_1330 = arith.select %gt3A_1326, %broadcast_in_dim3A_1329, %select_n3A_1289 : vector<16xi1>, vector<16xi32>
        %get3A_1331 = arith.constant 272 : index
        %get3A_1332 = tpu.vector_load %arg4[%get3A_1331] {strides = array<i32>} : memref<768xf32, #tpu.memory_space<vmem>>, vector<16xf32>,
        %get3A_1333 = arith.constant 272 : index
        %get3A_1334 = tpu.vector_load %arg5[%get3A_1333] {strides = array<i32>} : memref<768xf32, #tpu.memory_space<vmem>>, vector<16xf32>,
        %get3A_1335 = arith.constant 272 : index
        %get3A_1336 = tpu.vector_load %arg6[%get3A_1335] {strides = array<i32>} : memref<768xf32, #tpu.memory_space<vmem>>, vector<16xf32>,
        %get3A_1337 = arith.constant 272 : index
        %get3A_1338 = tpu.vector_load %arg7[%get3A_1337] {strides = array<i32>} : memref<768xf32, #tpu.memory_space<vmem>>, vector<16xf32>,
        %max3A_1339 = arith.maximumf %gather3A_550, %get3A_1332 : vector<16xf32>
        %max3A_1340 = arith.maximumf %gather3A_554, %get3A_1334 : vector<16xf32>
        %min3A_1341 = arith.minimumf %gather3A_558, %get3A_1336 : vector<16xf32>
        %min3A_1342 = arith.minimumf %gather3A_562, %get3A_1338 : vector<16xf32>
        %sub3A_1343 = arith.subf %min3A_1341, %max3A_1339 : vector<16xf32>
        %max3A_1344 = arith.constant 0.000000e+00 : f32
        %max3A_1345 = vector.broadcast %max3A_1344 : f32 to vector<16xf32>
        %max3A_1346 = arith.maximumf %sub3A_1343, %max3A_1345 : vector<16xf32>
        %sub3A_1347 = arith.subf %min3A_1342, %max3A_1340 : vector<16xf32>
        %max3A_1348 = arith.constant 0.000000e+00 : f32
        %max3A_1349 = vector.broadcast %max3A_1348 : f32 to vector<16xf32>
        %max3A_1350 = arith.maximumf %sub3A_1347, %max3A_1349 : vector<16xf32>
        %mul3A_1351 = arith.mulf %max3A_1346, %max3A_1350 : vector<16xf32>
        %get3A_1352 = arith.constant 272 : index
        %get3A_1353 = tpu.vector_load %arg8[%get3A_1352] {strides = array<i32>} : memref<768xf32, #tpu.memory_space<vmem>>, vector<16xf32>,
        %add3A_1354 = arith.addf %mul3A_630, %get3A_1353 : vector<16xf32>
        %sub3A_1355 = arith.subf %add3A_1354, %mul3A_1351 : vector<16xf32>
        %max3A_1356 = arith.constant 9.99999993E-9 : f32
        %max3A_1357 = vector.broadcast %max3A_1356 : f32 to vector<16xf32>
        %max3A_1358 = arith.maximumf %sub3A_1355, %max3A_1357 : vector<16xf32>
        %div3A_1359 = arith.divf %mul3A_1351, %max3A_1358 : vector<16xf32>
        %gt3A_1360 = vector.broadcast %scan3A_449 : f32 to vector<16xf32>
        %gt3A_1361 = arith.cmpf ogt, %div3A_1359, %gt3A_1360 : vector<16xf32>
        %get3A_1362 = arith.constant 272 : index
        %get3A_1363 = tpu.vector_load %arg9[%get3A_1362] {strides = array<i32>} : memref<768xf32, #tpu.memory_space<vmem>>, vector<16xf32>,
        %select_n3A_1364 = arith.select %gt3A_1361, %broadcast_in_dim3A_3, %get3A_1363 : vector<16xi1>, vector<16xf32>
        %swap3A_1365 = arith.constant 272 : index
        %swap3A_1366 = tpu.vector_load %arg9[%swap3A_1365] {strides = array<i32>} : memref<768xf32, #tpu.memory_space<vmem>>, vector<16xf32>,
        tpu.vector_store %arg9[%swap3A_1365], %select_n3A_1364 {strides = array<i32>} : memref<768xf32, #tpu.memory_space<vmem>>, vector<16xf32>,
        %gt3A_1367 = arith.cmpf ogt, %select_n3A_1364, %select_n3A_1327 : vector<16xf32>
        %select_n3A_1368 = arith.select %gt3A_1367, %select_n3A_1364, %select_n3A_1327 : vector<16xi1>, vector<16xf32>
        %broadcast_in_dim3A_1369 = arith.constant 17 : i32
        %broadcast_in_dim3A_1370 = vector.broadcast %broadcast_in_dim3A_1369 : i32 to vector<16xi32>
        %select_n3A_1371 = arith.select %gt3A_1367, %broadcast_in_dim3A_1370, %select_n3A_1330 : vector<16xi1>, vector<16xi32>
        %get3A_1372 = arith.constant 288 : index
        %get3A_1373 = tpu.vector_load %arg4[%get3A_1372] {strides = array<i32>} : memref<768xf32, #tpu.memory_space<vmem>>, vector<16xf32>,
        %get3A_1374 = arith.constant 288 : index
        %get3A_1375 = tpu.vector_load %arg5[%get3A_1374] {strides = array<i32>} : memref<768xf32, #tpu.memory_space<vmem>>, vector<16xf32>,
        %get3A_1376 = arith.constant 288 : index
        %get3A_1377 = tpu.vector_load %arg6[%get3A_1376] {strides = array<i32>} : memref<768xf32, #tpu.memory_space<vmem>>, vector<16xf32>,
        %get3A_1378 = arith.constant 288 : index
        %get3A_1379 = tpu.vector_load %arg7[%get3A_1378] {strides = array<i32>} : memref<768xf32, #tpu.memory_space<vmem>>, vector<16xf32>,
        %max3A_1380 = arith.maximumf %gather3A_550, %get3A_1373 : vector<16xf32>
        %max3A_1381 = arith.maximumf %gather3A_554, %get3A_1375 : vector<16xf32>
        %min3A_1382 = arith.minimumf %gather3A_558, %get3A_1377 : vector<16xf32>
        %min3A_1383 = arith.minimumf %gather3A_562, %get3A_1379 : vector<16xf32>
        %sub3A_1384 = arith.subf %min3A_1382, %max3A_1380 : vector<16xf32>
        %max3A_1385 = arith.constant 0.000000e+00 : f32
        %max3A_1386 = vector.broadcast %max3A_1385 : f32 to vector<16xf32>
        %max3A_1387 = arith.maximumf %sub3A_1384, %max3A_1386 : vector<16xf32>
        %sub3A_1388 = arith.subf %min3A_1383, %max3A_1381 : vector<16xf32>
        %max3A_1389 = arith.constant 0.000000e+00 : f32
        %max3A_1390 = vector.broadcast %max3A_1389 : f32 to vector<16xf32>
        %max3A_1391 = arith.maximumf %sub3A_1388, %max3A_1390 : vector<16xf32>
        %mul3A_1392 = arith.mulf %max3A_1387, %max3A_1391 : vector<16xf32>
        %get3A_1393 = arith.constant 288 : index
        %get3A_1394 = tpu.vector_load %arg8[%get3A_1393] {strides = array<i32>} : memref<768xf32, #tpu.memory_space<vmem>>, vector<16xf32>,
        %add3A_1395 = arith.addf %mul3A_630, %get3A_1394 : vector<16xf32>
        %sub3A_1396 = arith.subf %add3A_1395, %mul3A_1392 : vector<16xf32>
        %max3A_1397 = arith.constant 9.99999993E-9 : f32
        %max3A_1398 = vector.broadcast %max3A_1397 : f32 to vector<16xf32>
        %max3A_1399 = arith.maximumf %sub3A_1396, %max3A_1398 : vector<16xf32>
        %div3A_1400 = arith.divf %mul3A_1392, %max3A_1399 : vector<16xf32>
        %gt3A_1401 = vector.broadcast %scan3A_449 : f32 to vector<16xf32>
        %gt3A_1402 = arith.cmpf ogt, %div3A_1400, %gt3A_1401 : vector<16xf32>
        %get3A_1403 = arith.constant 288 : index
        %get3A_1404 = tpu.vector_load %arg9[%get3A_1403] {strides = array<i32>} : memref<768xf32, #tpu.memory_space<vmem>>, vector<16xf32>,
        %select_n3A_1405 = arith.select %gt3A_1402, %broadcast_in_dim3A_3, %get3A_1404 : vector<16xi1>, vector<16xf32>
        %swap3A_1406 = arith.constant 288 : index
        %swap3A_1407 = tpu.vector_load %arg9[%swap3A_1406] {strides = array<i32>} : memref<768xf32, #tpu.memory_space<vmem>>, vector<16xf32>,
        tpu.vector_store %arg9[%swap3A_1406], %select_n3A_1405 {strides = array<i32>} : memref<768xf32, #tpu.memory_space<vmem>>, vector<16xf32>,
        %gt3A_1408 = arith.cmpf ogt, %select_n3A_1405, %select_n3A_1368 : vector<16xf32>
        %select_n3A_1409 = arith.select %gt3A_1408, %select_n3A_1405, %select_n3A_1368 : vector<16xi1>, vector<16xf32>
        %broadcast_in_dim3A_1410 = arith.constant 18 : i32
        %broadcast_in_dim3A_1411 = vector.broadcast %broadcast_in_dim3A_1410 : i32 to vector<16xi32>
        %select_n3A_1412 = arith.select %gt3A_1408, %broadcast_in_dim3A_1411, %select_n3A_1371 : vector<16xi1>, vector<16xi32>
        %get3A_1413 = arith.constant 304 : index
        %get3A_1414 = tpu.vector_load %arg4[%get3A_1413] {strides = array<i32>} : memref<768xf32, #tpu.memory_space<vmem>>, vector<16xf32>,
        %get3A_1415 = arith.constant 304 : index
        %get3A_1416 = tpu.vector_load %arg5[%get3A_1415] {strides = array<i32>} : memref<768xf32, #tpu.memory_space<vmem>>, vector<16xf32>,
        %get3A_1417 = arith.constant 304 : index
        %get3A_1418 = tpu.vector_load %arg6[%get3A_1417] {strides = array<i32>} : memref<768xf32, #tpu.memory_space<vmem>>, vector<16xf32>,
        %get3A_1419 = arith.constant 304 : index
        %get3A_1420 = tpu.vector_load %arg7[%get3A_1419] {strides = array<i32>} : memref<768xf32, #tpu.memory_space<vmem>>, vector<16xf32>,
        %max3A_1421 = arith.maximumf %gather3A_550, %get3A_1414 : vector<16xf32>
        %max3A_1422 = arith.maximumf %gather3A_554, %get3A_1416 : vector<16xf32>
        %min3A_1423 = arith.minimumf %gather3A_558, %get3A_1418 : vector<16xf32>
        %min3A_1424 = arith.minimumf %gather3A_562, %get3A_1420 : vector<16xf32>
        %sub3A_1425 = arith.subf %min3A_1423, %max3A_1421 : vector<16xf32>
        %max3A_1426 = arith.constant 0.000000e+00 : f32
        %max3A_1427 = vector.broadcast %max3A_1426 : f32 to vector<16xf32>
        %max3A_1428 = arith.maximumf %sub3A_1425, %max3A_1427 : vector<16xf32>
        %sub3A_1429 = arith.subf %min3A_1424, %max3A_1422 : vector<16xf32>
        %max3A_1430 = arith.constant 0.000000e+00 : f32
        %max3A_1431 = vector.broadcast %max3A_1430 : f32 to vector<16xf32>
        %max3A_1432 = arith.maximumf %sub3A_1429, %max3A_1431 : vector<16xf32>
        %mul3A_1433 = arith.mulf %max3A_1428, %max3A_1432 : vector<16xf32>
        %get3A_1434 = arith.constant 304 : index
        %get3A_1435 = tpu.vector_load %arg8[%get3A_1434] {strides = array<i32>} : memref<768xf32, #tpu.memory_space<vmem>>, vector<16xf32>,
        %add3A_1436 = arith.addf %mul3A_630, %get3A_1435 : vector<16xf32>
        %sub3A_1437 = arith.subf %add3A_1436, %mul3A_1433 : vector<16xf32>
        %max3A_1438 = arith.constant 9.99999993E-9 : f32
        %max3A_1439 = vector.broadcast %max3A_1438 : f32 to vector<16xf32>
        %max3A_1440 = arith.maximumf %sub3A_1437, %max3A_1439 : vector<16xf32>
        %div3A_1441 = arith.divf %mul3A_1433, %max3A_1440 : vector<16xf32>
        %gt3A_1442 = vector.broadcast %scan3A_449 : f32 to vector<16xf32>
        %gt3A_1443 = arith.cmpf ogt, %div3A_1441, %gt3A_1442 : vector<16xf32>
        %get3A_1444 = arith.constant 304 : index
        %get3A_1445 = tpu.vector_load %arg9[%get3A_1444] {strides = array<i32>} : memref<768xf32, #tpu.memory_space<vmem>>, vector<16xf32>,
        %select_n3A_1446 = arith.select %gt3A_1443, %broadcast_in_dim3A_3, %get3A_1445 : vector<16xi1>, vector<16xf32>
        %swap3A_1447 = arith.constant 304 : index
        %swap3A_1448 = tpu.vector_load %arg9[%swap3A_1447] {strides = array<i32>} : memref<768xf32, #tpu.memory_space<vmem>>, vector<16xf32>,
        tpu.vector_store %arg9[%swap3A_1447], %select_n3A_1446 {strides = array<i32>} : memref<768xf32, #tpu.memory_space<vmem>>, vector<16xf32>,
        %gt3A_1449 = arith.cmpf ogt, %select_n3A_1446, %select_n3A_1409 : vector<16xf32>
        %select_n3A_1450 = arith.select %gt3A_1449, %select_n3A_1446, %select_n3A_1409 : vector<16xi1>, vector<16xf32>
        %broadcast_in_dim3A_1451 = arith.constant 19 : i32
        %broadcast_in_dim3A_1452 = vector.broadcast %broadcast_in_dim3A_1451 : i32 to vector<16xi32>
        %select_n3A_1453 = arith.select %gt3A_1449, %broadcast_in_dim3A_1452, %select_n3A_1412 : vector<16xi1>, vector<16xi32>
        %get3A_1454 = arith.constant 320 : index
        %get3A_1455 = tpu.vector_load %arg4[%get3A_1454] {strides = array<i32>} : memref<768xf32, #tpu.memory_space<vmem>>, vector<16xf32>,
        %get3A_1456 = arith.constant 320 : index
        %get3A_1457 = tpu.vector_load %arg5[%get3A_1456] {strides = array<i32>} : memref<768xf32, #tpu.memory_space<vmem>>, vector<16xf32>,
        %get3A_1458 = arith.constant 320 : index
        %get3A_1459 = tpu.vector_load %arg6[%get3A_1458] {strides = array<i32>} : memref<768xf32, #tpu.memory_space<vmem>>, vector<16xf32>,
        %get3A_1460 = arith.constant 320 : index
        %get3A_1461 = tpu.vector_load %arg7[%get3A_1460] {strides = array<i32>} : memref<768xf32, #tpu.memory_space<vmem>>, vector<16xf32>,
        %max3A_1462 = arith.maximumf %gather3A_550, %get3A_1455 : vector<16xf32>
        %max3A_1463 = arith.maximumf %gather3A_554, %get3A_1457 : vector<16xf32>
        %min3A_1464 = arith.minimumf %gather3A_558, %get3A_1459 : vector<16xf32>
        %min3A_1465 = arith.minimumf %gather3A_562, %get3A_1461 : vector<16xf32>
        %sub3A_1466 = arith.subf %min3A_1464, %max3A_1462 : vector<16xf32>
        %max3A_1467 = arith.constant 0.000000e+00 : f32
        %max3A_1468 = vector.broadcast %max3A_1467 : f32 to vector<16xf32>
        %max3A_1469 = arith.maximumf %sub3A_1466, %max3A_1468 : vector<16xf32>
        %sub3A_1470 = arith.subf %min3A_1465, %max3A_1463 : vector<16xf32>
        %max3A_1471 = arith.constant 0.000000e+00 : f32
        %max3A_1472 = vector.broadcast %max3A_1471 : f32 to vector<16xf32>
        %max3A_1473 = arith.maximumf %sub3A_1470, %max3A_1472 : vector<16xf32>
        %mul3A_1474 = arith.mulf %max3A_1469, %max3A_1473 : vector<16xf32>
        %get3A_1475 = arith.constant 320 : index
        %get3A_1476 = tpu.vector_load %arg8[%get3A_1475] {strides = array<i32>} : memref<768xf32, #tpu.memory_space<vmem>>, vector<16xf32>,
        %add3A_1477 = arith.addf %mul3A_630, %get3A_1476 : vector<16xf32>
        %sub3A_1478 = arith.subf %add3A_1477, %mul3A_1474 : vector<16xf32>
        %max3A_1479 = arith.constant 9.99999993E-9 : f32
        %max3A_1480 = vector.broadcast %max3A_1479 : f32 to vector<16xf32>
        %max3A_1481 = arith.maximumf %sub3A_1478, %max3A_1480 : vector<16xf32>
        %div3A_1482 = arith.divf %mul3A_1474, %max3A_1481 : vector<16xf32>
        %gt3A_1483 = vector.broadcast %scan3A_449 : f32 to vector<16xf32>
        %gt3A_1484 = arith.cmpf ogt, %div3A_1482, %gt3A_1483 : vector<16xf32>
        %get3A_1485 = arith.constant 320 : index
        %get3A_1486 = tpu.vector_load %arg9[%get3A_1485] {strides = array<i32>} : memref<768xf32, #tpu.memory_space<vmem>>, vector<16xf32>,
        %select_n3A_1487 = arith.select %gt3A_1484, %broadcast_in_dim3A_3, %get3A_1486 : vector<16xi1>, vector<16xf32>
        %swap3A_1488 = arith.constant 320 : index
        %swap3A_1489 = tpu.vector_load %arg9[%swap3A_1488] {strides = array<i32>} : memref<768xf32, #tpu.memory_space<vmem>>, vector<16xf32>,
        tpu.vector_store %arg9[%swap3A_1488], %select_n3A_1487 {strides = array<i32>} : memref<768xf32, #tpu.memory_space<vmem>>, vector<16xf32>,
        %gt3A_1490 = arith.cmpf ogt, %select_n3A_1487, %select_n3A_1450 : vector<16xf32>
        %select_n3A_1491 = arith.select %gt3A_1490, %select_n3A_1487, %select_n3A_1450 : vector<16xi1>, vector<16xf32>
        %broadcast_in_dim3A_1492 = arith.constant 20 : i32
        %broadcast_in_dim3A_1493 = vector.broadcast %broadcast_in_dim3A_1492 : i32 to vector<16xi32>
        %select_n3A_1494 = arith.select %gt3A_1490, %broadcast_in_dim3A_1493, %select_n3A_1453 : vector<16xi1>, vector<16xi32>
        %get3A_1495 = arith.constant 336 : index
        %get3A_1496 = tpu.vector_load %arg4[%get3A_1495] {strides = array<i32>} : memref<768xf32, #tpu.memory_space<vmem>>, vector<16xf32>,
        %get3A_1497 = arith.constant 336 : index
        %get3A_1498 = tpu.vector_load %arg5[%get3A_1497] {strides = array<i32>} : memref<768xf32, #tpu.memory_space<vmem>>, vector<16xf32>,
        %get3A_1499 = arith.constant 336 : index
        %get3A_1500 = tpu.vector_load %arg6[%get3A_1499] {strides = array<i32>} : memref<768xf32, #tpu.memory_space<vmem>>, vector<16xf32>,
        %get3A_1501 = arith.constant 336 : index
        %get3A_1502 = tpu.vector_load %arg7[%get3A_1501] {strides = array<i32>} : memref<768xf32, #tpu.memory_space<vmem>>, vector<16xf32>,
        %max3A_1503 = arith.maximumf %gather3A_550, %get3A_1496 : vector<16xf32>
        %max3A_1504 = arith.maximumf %gather3A_554, %get3A_1498 : vector<16xf32>
        %min3A_1505 = arith.minimumf %gather3A_558, %get3A_1500 : vector<16xf32>
        %min3A_1506 = arith.minimumf %gather3A_562, %get3A_1502 : vector<16xf32>
        %sub3A_1507 = arith.subf %min3A_1505, %max3A_1503 : vector<16xf32>
        %max3A_1508 = arith.constant 0.000000e+00 : f32
        %max3A_1509 = vector.broadcast %max3A_1508 : f32 to vector<16xf32>
        %max3A_1510 = arith.maximumf %sub3A_1507, %max3A_1509 : vector<16xf32>
        %sub3A_1511 = arith.subf %min3A_1506, %max3A_1504 : vector<16xf32>
        %max3A_1512 = arith.constant 0.000000e+00 : f32
        %max3A_1513 = vector.broadcast %max3A_1512 : f32 to vector<16xf32>
        %max3A_1514 = arith.maximumf %sub3A_1511, %max3A_1513 : vector<16xf32>
        %mul3A_1515 = arith.mulf %max3A_1510, %max3A_1514 : vector<16xf32>
        %get3A_1516 = arith.constant 336 : index
        %get3A_1517 = tpu.vector_load %arg8[%get3A_1516] {strides = array<i32>} : memref<768xf32, #tpu.memory_space<vmem>>, vector<16xf32>,
        %add3A_1518 = arith.addf %mul3A_630, %get3A_1517 : vector<16xf32>
        %sub3A_1519 = arith.subf %add3A_1518, %mul3A_1515 : vector<16xf32>
        %max3A_1520 = arith.constant 9.99999993E-9 : f32
        %max3A_1521 = vector.broadcast %max3A_1520 : f32 to vector<16xf32>
        %max3A_1522 = arith.maximumf %sub3A_1519, %max3A_1521 : vector<16xf32>
        %div3A_1523 = arith.divf %mul3A_1515, %max3A_1522 : vector<16xf32>
        %gt3A_1524 = vector.broadcast %scan3A_449 : f32 to vector<16xf32>
        %gt3A_1525 = arith.cmpf ogt, %div3A_1523, %gt3A_1524 : vector<16xf32>
        %get3A_1526 = arith.constant 336 : index
        %get3A_1527 = tpu.vector_load %arg9[%get3A_1526] {strides = array<i32>} : memref<768xf32, #tpu.memory_space<vmem>>, vector<16xf32>,
        %select_n3A_1528 = arith.select %gt3A_1525, %broadcast_in_dim3A_3, %get3A_1527 : vector<16xi1>, vector<16xf32>
        %swap3A_1529 = arith.constant 336 : index
        %swap3A_1530 = tpu.vector_load %arg9[%swap3A_1529] {strides = array<i32>} : memref<768xf32, #tpu.memory_space<vmem>>, vector<16xf32>,
        tpu.vector_store %arg9[%swap3A_1529], %select_n3A_1528 {strides = array<i32>} : memref<768xf32, #tpu.memory_space<vmem>>, vector<16xf32>,
        %gt3A_1531 = arith.cmpf ogt, %select_n3A_1528, %select_n3A_1491 : vector<16xf32>
        %select_n3A_1532 = arith.select %gt3A_1531, %select_n3A_1528, %select_n3A_1491 : vector<16xi1>, vector<16xf32>
        %broadcast_in_dim3A_1533 = arith.constant 21 : i32
        %broadcast_in_dim3A_1534 = vector.broadcast %broadcast_in_dim3A_1533 : i32 to vector<16xi32>
        %select_n3A_1535 = arith.select %gt3A_1531, %broadcast_in_dim3A_1534, %select_n3A_1494 : vector<16xi1>, vector<16xi32>
        %get3A_1536 = arith.constant 352 : index
        %get3A_1537 = tpu.vector_load %arg4[%get3A_1536] {strides = array<i32>} : memref<768xf32, #tpu.memory_space<vmem>>, vector<16xf32>,
        %get3A_1538 = arith.constant 352 : index
        %get3A_1539 = tpu.vector_load %arg5[%get3A_1538] {strides = array<i32>} : memref<768xf32, #tpu.memory_space<vmem>>, vector<16xf32>,
        %get3A_1540 = arith.constant 352 : index
        %get3A_1541 = tpu.vector_load %arg6[%get3A_1540] {strides = array<i32>} : memref<768xf32, #tpu.memory_space<vmem>>, vector<16xf32>,
        %get3A_1542 = arith.constant 352 : index
        %get3A_1543 = tpu.vector_load %arg7[%get3A_1542] {strides = array<i32>} : memref<768xf32, #tpu.memory_space<vmem>>, vector<16xf32>,
        %max3A_1544 = arith.maximumf %gather3A_550, %get3A_1537 : vector<16xf32>
        %max3A_1545 = arith.maximumf %gather3A_554, %get3A_1539 : vector<16xf32>
        %min3A_1546 = arith.minimumf %gather3A_558, %get3A_1541 : vector<16xf32>
        %min3A_1547 = arith.minimumf %gather3A_562, %get3A_1543 : vector<16xf32>
        %sub3A_1548 = arith.subf %min3A_1546, %max3A_1544 : vector<16xf32>
        %max3A_1549 = arith.constant 0.000000e+00 : f32
        %max3A_1550 = vector.broadcast %max3A_1549 : f32 to vector<16xf32>
        %max3A_1551 = arith.maximumf %sub3A_1548, %max3A_1550 : vector<16xf32>
        %sub3A_1552 = arith.subf %min3A_1547, %max3A_1545 : vector<16xf32>
        %max3A_1553 = arith.constant 0.000000e+00 : f32
        %max3A_1554 = vector.broadcast %max3A_1553 : f32 to vector<16xf32>
        %max3A_1555 = arith.maximumf %sub3A_1552, %max3A_1554 : vector<16xf32>
        %mul3A_1556 = arith.mulf %max3A_1551, %max3A_1555 : vector<16xf32>
        %get3A_1557 = arith.constant 352 : index
        %get3A_1558 = tpu.vector_load %arg8[%get3A_1557] {strides = array<i32>} : memref<768xf32, #tpu.memory_space<vmem>>, vector<16xf32>,
        %add3A_1559 = arith.addf %mul3A_630, %get3A_1558 : vector<16xf32>
        %sub3A_1560 = arith.subf %add3A_1559, %mul3A_1556 : vector<16xf32>
        %max3A_1561 = arith.constant 9.99999993E-9 : f32
        %max3A_1562 = vector.broadcast %max3A_1561 : f32 to vector<16xf32>
        %max3A_1563 = arith.maximumf %sub3A_1560, %max3A_1562 : vector<16xf32>
        %div3A_1564 = arith.divf %mul3A_1556, %max3A_1563 : vector<16xf32>
        %gt3A_1565 = vector.broadcast %scan3A_449 : f32 to vector<16xf32>
        %gt3A_1566 = arith.cmpf ogt, %div3A_1564, %gt3A_1565 : vector<16xf32>
        %get3A_1567 = arith.constant 352 : index
        %get3A_1568 = tpu.vector_load %arg9[%get3A_1567] {strides = array<i32>} : memref<768xf32, #tpu.memory_space<vmem>>, vector<16xf32>,
        %select_n3A_1569 = arith.select %gt3A_1566, %broadcast_in_dim3A_3, %get3A_1568 : vector<16xi1>, vector<16xf32>
        %swap3A_1570 = arith.constant 352 : index
        %swap3A_1571 = tpu.vector_load %arg9[%swap3A_1570] {strides = array<i32>} : memref<768xf32, #tpu.memory_space<vmem>>, vector<16xf32>,
        tpu.vector_store %arg9[%swap3A_1570], %select_n3A_1569 {strides = array<i32>} : memref<768xf32, #tpu.memory_space<vmem>>, vector<16xf32>,
        %gt3A_1572 = arith.cmpf ogt, %select_n3A_1569, %select_n3A_1532 : vector<16xf32>
        %select_n3A_1573 = arith.select %gt3A_1572, %select_n3A_1569, %select_n3A_1532 : vector<16xi1>, vector<16xf32>
        %broadcast_in_dim3A_1574 = arith.constant 22 : i32
        %broadcast_in_dim3A_1575 = vector.broadcast %broadcast_in_dim3A_1574 : i32 to vector<16xi32>
        %select_n3A_1576 = arith.select %gt3A_1572, %broadcast_in_dim3A_1575, %select_n3A_1535 : vector<16xi1>, vector<16xi32>
        %get3A_1577 = arith.constant 368 : index
        %get3A_1578 = tpu.vector_load %arg4[%get3A_1577] {strides = array<i32>} : memref<768xf32, #tpu.memory_space<vmem>>, vector<16xf32>,
        %get3A_1579 = arith.constant 368 : index
        %get3A_1580 = tpu.vector_load %arg5[%get3A_1579] {strides = array<i32>} : memref<768xf32, #tpu.memory_space<vmem>>, vector<16xf32>,
        %get3A_1581 = arith.constant 368 : index
        %get3A_1582 = tpu.vector_load %arg6[%get3A_1581] {strides = array<i32>} : memref<768xf32, #tpu.memory_space<vmem>>, vector<16xf32>,
        %get3A_1583 = arith.constant 368 : index
        %get3A_1584 = tpu.vector_load %arg7[%get3A_1583] {strides = array<i32>} : memref<768xf32, #tpu.memory_space<vmem>>, vector<16xf32>,
        %max3A_1585 = arith.maximumf %gather3A_550, %get3A_1578 : vector<16xf32>
        %max3A_1586 = arith.maximumf %gather3A_554, %get3A_1580 : vector<16xf32>
        %min3A_1587 = arith.minimumf %gather3A_558, %get3A_1582 : vector<16xf32>
        %min3A_1588 = arith.minimumf %gather3A_562, %get3A_1584 : vector<16xf32>
        %sub3A_1589 = arith.subf %min3A_1587, %max3A_1585 : vector<16xf32>
        %max3A_1590 = arith.constant 0.000000e+00 : f32
        %max3A_1591 = vector.broadcast %max3A_1590 : f32 to vector<16xf32>
        %max3A_1592 = arith.maximumf %sub3A_1589, %max3A_1591 : vector<16xf32>
        %sub3A_1593 = arith.subf %min3A_1588, %max3A_1586 : vector<16xf32>
        %max3A_1594 = arith.constant 0.000000e+00 : f32
        %max3A_1595 = vector.broadcast %max3A_1594 : f32 to vector<16xf32>
        %max3A_1596 = arith.maximumf %sub3A_1593, %max3A_1595 : vector<16xf32>
        %mul3A_1597 = arith.mulf %max3A_1592, %max3A_1596 : vector<16xf32>
        %get3A_1598 = arith.constant 368 : index
        %get3A_1599 = tpu.vector_load %arg8[%get3A_1598] {strides = array<i32>} : memref<768xf32, #tpu.memory_space<vmem>>, vector<16xf32>,
        %add3A_1600 = arith.addf %mul3A_630, %get3A_1599 : vector<16xf32>
        %sub3A_1601 = arith.subf %add3A_1600, %mul3A_1597 : vector<16xf32>
        %max3A_1602 = arith.constant 9.99999993E-9 : f32
        %max3A_1603 = vector.broadcast %max3A_1602 : f32 to vector<16xf32>
        %max3A_1604 = arith.maximumf %sub3A_1601, %max3A_1603 : vector<16xf32>
        %div3A_1605 = arith.divf %mul3A_1597, %max3A_1604 : vector<16xf32>
        %gt3A_1606 = vector.broadcast %scan3A_449 : f32 to vector<16xf32>
        %gt3A_1607 = arith.cmpf ogt, %div3A_1605, %gt3A_1606 : vector<16xf32>
        %get3A_1608 = arith.constant 368 : index
        %get3A_1609 = tpu.vector_load %arg9[%get3A_1608] {strides = array<i32>} : memref<768xf32, #tpu.memory_space<vmem>>, vector<16xf32>,
        %select_n3A_1610 = arith.select %gt3A_1607, %broadcast_in_dim3A_3, %get3A_1609 : vector<16xi1>, vector<16xf32>
        %swap3A_1611 = arith.constant 368 : index
        %swap3A_1612 = tpu.vector_load %arg9[%swap3A_1611] {strides = array<i32>} : memref<768xf32, #tpu.memory_space<vmem>>, vector<16xf32>,
        tpu.vector_store %arg9[%swap3A_1611], %select_n3A_1610 {strides = array<i32>} : memref<768xf32, #tpu.memory_space<vmem>>, vector<16xf32>,
        %gt3A_1613 = arith.cmpf ogt, %select_n3A_1610, %select_n3A_1573 : vector<16xf32>
        %select_n3A_1614 = arith.select %gt3A_1613, %select_n3A_1610, %select_n3A_1573 : vector<16xi1>, vector<16xf32>
        %broadcast_in_dim3A_1615 = arith.constant 23 : i32
        %broadcast_in_dim3A_1616 = vector.broadcast %broadcast_in_dim3A_1615 : i32 to vector<16xi32>
        %select_n3A_1617 = arith.select %gt3A_1613, %broadcast_in_dim3A_1616, %select_n3A_1576 : vector<16xi1>, vector<16xi32>
        %get3A_1618 = arith.constant 384 : index
        %get3A_1619 = tpu.vector_load %arg4[%get3A_1618] {strides = array<i32>} : memref<768xf32, #tpu.memory_space<vmem>>, vector<16xf32>,
        %get3A_1620 = arith.constant 384 : index
        %get3A_1621 = tpu.vector_load %arg5[%get3A_1620] {strides = array<i32>} : memref<768xf32, #tpu.memory_space<vmem>>, vector<16xf32>,
        %get3A_1622 = arith.constant 384 : index
        %get3A_1623 = tpu.vector_load %arg6[%get3A_1622] {strides = array<i32>} : memref<768xf32, #tpu.memory_space<vmem>>, vector<16xf32>,
        %get3A_1624 = arith.constant 384 : index
        %get3A_1625 = tpu.vector_load %arg7[%get3A_1624] {strides = array<i32>} : memref<768xf32, #tpu.memory_space<vmem>>, vector<16xf32>,
        %max3A_1626 = arith.maximumf %gather3A_550, %get3A_1619 : vector<16xf32>
        %max3A_1627 = arith.maximumf %gather3A_554, %get3A_1621 : vector<16xf32>
        %min3A_1628 = arith.minimumf %gather3A_558, %get3A_1623 : vector<16xf32>
        %min3A_1629 = arith.minimumf %gather3A_562, %get3A_1625 : vector<16xf32>
        %sub3A_1630 = arith.subf %min3A_1628, %max3A_1626 : vector<16xf32>
        %max3A_1631 = arith.constant 0.000000e+00 : f32
        %max3A_1632 = vector.broadcast %max3A_1631 : f32 to vector<16xf32>
        %max3A_1633 = arith.maximumf %sub3A_1630, %max3A_1632 : vector<16xf32>
        %sub3A_1634 = arith.subf %min3A_1629, %max3A_1627 : vector<16xf32>
        %max3A_1635 = arith.constant 0.000000e+00 : f32
        %max3A_1636 = vector.broadcast %max3A_1635 : f32 to vector<16xf32>
        %max3A_1637 = arith.maximumf %sub3A_1634, %max3A_1636 : vector<16xf32>
        %mul3A_1638 = arith.mulf %max3A_1633, %max3A_1637 : vector<16xf32>
        %get3A_1639 = arith.constant 384 : index
        %get3A_1640 = tpu.vector_load %arg8[%get3A_1639] {strides = array<i32>} : memref<768xf32, #tpu.memory_space<vmem>>, vector<16xf32>,
        %add3A_1641 = arith.addf %mul3A_630, %get3A_1640 : vector<16xf32>
        %sub3A_1642 = arith.subf %add3A_1641, %mul3A_1638 : vector<16xf32>
        %max3A_1643 = arith.constant 9.99999993E-9 : f32
        %max3A_1644 = vector.broadcast %max3A_1643 : f32 to vector<16xf32>
        %max3A_1645 = arith.maximumf %sub3A_1642, %max3A_1644 : vector<16xf32>
        %div3A_1646 = arith.divf %mul3A_1638, %max3A_1645 : vector<16xf32>
        %gt3A_1647 = vector.broadcast %scan3A_449 : f32 to vector<16xf32>
        %gt3A_1648 = arith.cmpf ogt, %div3A_1646, %gt3A_1647 : vector<16xf32>
        %get3A_1649 = arith.constant 384 : index
        %get3A_1650 = tpu.vector_load %arg9[%get3A_1649] {strides = array<i32>} : memref<768xf32, #tpu.memory_space<vmem>>, vector<16xf32>,
        %select_n3A_1651 = arith.select %gt3A_1648, %broadcast_in_dim3A_3, %get3A_1650 : vector<16xi1>, vector<16xf32>
        %swap3A_1652 = arith.constant 384 : index
        %swap3A_1653 = tpu.vector_load %arg9[%swap3A_1652] {strides = array<i32>} : memref<768xf32, #tpu.memory_space<vmem>>, vector<16xf32>,
        tpu.vector_store %arg9[%swap3A_1652], %select_n3A_1651 {strides = array<i32>} : memref<768xf32, #tpu.memory_space<vmem>>, vector<16xf32>,
        %gt3A_1654 = arith.cmpf ogt, %select_n3A_1651, %select_n3A_1614 : vector<16xf32>
        %select_n3A_1655 = arith.select %gt3A_1654, %select_n3A_1651, %select_n3A_1614 : vector<16xi1>, vector<16xf32>
        %broadcast_in_dim3A_1656 = arith.constant 24 : i32
        %broadcast_in_dim3A_1657 = vector.broadcast %broadcast_in_dim3A_1656 : i32 to vector<16xi32>
        %select_n3A_1658 = arith.select %gt3A_1654, %broadcast_in_dim3A_1657, %select_n3A_1617 : vector<16xi1>, vector<16xi32>
        %get3A_1659 = arith.constant 400 : index
        %get3A_1660 = tpu.vector_load %arg4[%get3A_1659] {strides = array<i32>} : memref<768xf32, #tpu.memory_space<vmem>>, vector<16xf32>,
        %get3A_1661 = arith.constant 400 : index
        %get3A_1662 = tpu.vector_load %arg5[%get3A_1661] {strides = array<i32>} : memref<768xf32, #tpu.memory_space<vmem>>, vector<16xf32>,
        %get3A_1663 = arith.constant 400 : index
        %get3A_1664 = tpu.vector_load %arg6[%get3A_1663] {strides = array<i32>} : memref<768xf32, #tpu.memory_space<vmem>>, vector<16xf32>,
        %get3A_1665 = arith.constant 400 : index
        %get3A_1666 = tpu.vector_load %arg7[%get3A_1665] {strides = array<i32>} : memref<768xf32, #tpu.memory_space<vmem>>, vector<16xf32>,
        %max3A_1667 = arith.maximumf %gather3A_550, %get3A_1660 : vector<16xf32>
        %max3A_1668 = arith.maximumf %gather3A_554, %get3A_1662 : vector<16xf32>
        %min3A_1669 = arith.minimumf %gather3A_558, %get3A_1664 : vector<16xf32>
        %min3A_1670 = arith.minimumf %gather3A_562, %get3A_1666 : vector<16xf32>
        %sub3A_1671 = arith.subf %min3A_1669, %max3A_1667 : vector<16xf32>
        %max3A_1672 = arith.constant 0.000000e+00 : f32
        %max3A_1673 = vector.broadcast %max3A_1672 : f32 to vector<16xf32>
        %max3A_1674 = arith.maximumf %sub3A_1671, %max3A_1673 : vector<16xf32>
        %sub3A_1675 = arith.subf %min3A_1670, %max3A_1668 : vector<16xf32>
        %max3A_1676 = arith.constant 0.000000e+00 : f32
        %max3A_1677 = vector.broadcast %max3A_1676 : f32 to vector<16xf32>
        %max3A_1678 = arith.maximumf %sub3A_1675, %max3A_1677 : vector<16xf32>
        %mul3A_1679 = arith.mulf %max3A_1674, %max3A_1678 : vector<16xf32>
        %get3A_1680 = arith.constant 400 : index
        %get3A_1681 = tpu.vector_load %arg8[%get3A_1680] {strides = array<i32>} : memref<768xf32, #tpu.memory_space<vmem>>, vector<16xf32>,
        %add3A_1682 = arith.addf %mul3A_630, %get3A_1681 : vector<16xf32>
        %sub3A_1683 = arith.subf %add3A_1682, %mul3A_1679 : vector<16xf32>
        %max3A_1684 = arith.constant 9.99999993E-9 : f32
        %max3A_1685 = vector.broadcast %max3A_1684 : f32 to vector<16xf32>
        %max3A_1686 = arith.maximumf %sub3A_1683, %max3A_1685 : vector<16xf32>
        %div3A_1687 = arith.divf %mul3A_1679, %max3A_1686 : vector<16xf32>
        %gt3A_1688 = vector.broadcast %scan3A_449 : f32 to vector<16xf32>
        %gt3A_1689 = arith.cmpf ogt, %div3A_1687, %gt3A_1688 : vector<16xf32>
        %get3A_1690 = arith.constant 400 : index
        %get3A_1691 = tpu.vector_load %arg9[%get3A_1690] {strides = array<i32>} : memref<768xf32, #tpu.memory_space<vmem>>, vector<16xf32>,
        %select_n3A_1692 = arith.select %gt3A_1689, %broadcast_in_dim3A_3, %get3A_1691 : vector<16xi1>, vector<16xf32>
        %swap3A_1693 = arith.constant 400 : index
        %swap3A_1694 = tpu.vector_load %arg9[%swap3A_1693] {strides = array<i32>} : memref<768xf32, #tpu.memory_space<vmem>>, vector<16xf32>,
        tpu.vector_store %arg9[%swap3A_1693], %select_n3A_1692 {strides = array<i32>} : memref<768xf32, #tpu.memory_space<vmem>>, vector<16xf32>,
        %gt3A_1695 = arith.cmpf ogt, %select_n3A_1692, %select_n3A_1655 : vector<16xf32>
        %select_n3A_1696 = arith.select %gt3A_1695, %select_n3A_1692, %select_n3A_1655 : vector<16xi1>, vector<16xf32>
        %broadcast_in_dim3A_1697 = arith.constant 25 : i32
        %broadcast_in_dim3A_1698 = vector.broadcast %broadcast_in_dim3A_1697 : i32 to vector<16xi32>
        %select_n3A_1699 = arith.select %gt3A_1695, %broadcast_in_dim3A_1698, %select_n3A_1658 : vector<16xi1>, vector<16xi32>
        %get3A_1700 = arith.constant 416 : index
        %get3A_1701 = tpu.vector_load %arg4[%get3A_1700] {strides = array<i32>} : memref<768xf32, #tpu.memory_space<vmem>>, vector<16xf32>,
        %get3A_1702 = arith.constant 416 : index
        %get3A_1703 = tpu.vector_load %arg5[%get3A_1702] {strides = array<i32>} : memref<768xf32, #tpu.memory_space<vmem>>, vector<16xf32>,
        %get3A_1704 = arith.constant 416 : index
        %get3A_1705 = tpu.vector_load %arg6[%get3A_1704] {strides = array<i32>} : memref<768xf32, #tpu.memory_space<vmem>>, vector<16xf32>,
        %get3A_1706 = arith.constant 416 : index
        %get3A_1707 = tpu.vector_load %arg7[%get3A_1706] {strides = array<i32>} : memref<768xf32, #tpu.memory_space<vmem>>, vector<16xf32>,
        %max3A_1708 = arith.maximumf %gather3A_550, %get3A_1701 : vector<16xf32>
        %max3A_1709 = arith.maximumf %gather3A_554, %get3A_1703 : vector<16xf32>
        %min3A_1710 = arith.minimumf %gather3A_558, %get3A_1705 : vector<16xf32>
        %min3A_1711 = arith.minimumf %gather3A_562, %get3A_1707 : vector<16xf32>
        %sub3A_1712 = arith.subf %min3A_1710, %max3A_1708 : vector<16xf32>
        %max3A_1713 = arith.constant 0.000000e+00 : f32
        %max3A_1714 = vector.broadcast %max3A_1713 : f32 to vector<16xf32>
        %max3A_1715 = arith.maximumf %sub3A_1712, %max3A_1714 : vector<16xf32>
        %sub3A_1716 = arith.subf %min3A_1711, %max3A_1709 : vector<16xf32>
        %max3A_1717 = arith.constant 0.000000e+00 : f32
        %max3A_1718 = vector.broadcast %max3A_1717 : f32 to vector<16xf32>
        %max3A_1719 = arith.maximumf %sub3A_1716, %max3A_1718 : vector<16xf32>
        %mul3A_1720 = arith.mulf %max3A_1715, %max3A_1719 : vector<16xf32>
        %get3A_1721 = arith.constant 416 : index
        %get3A_1722 = tpu.vector_load %arg8[%get3A_1721] {strides = array<i32>} : memref<768xf32, #tpu.memory_space<vmem>>, vector<16xf32>,
        %add3A_1723 = arith.addf %mul3A_630, %get3A_1722 : vector<16xf32>
        %sub3A_1724 = arith.subf %add3A_1723, %mul3A_1720 : vector<16xf32>
        %max3A_1725 = arith.constant 9.99999993E-9 : f32
        %max3A_1726 = vector.broadcast %max3A_1725 : f32 to vector<16xf32>
        %max3A_1727 = arith.maximumf %sub3A_1724, %max3A_1726 : vector<16xf32>
        %div3A_1728 = arith.divf %mul3A_1720, %max3A_1727 : vector<16xf32>
        %gt3A_1729 = vector.broadcast %scan3A_449 : f32 to vector<16xf32>
        %gt3A_1730 = arith.cmpf ogt, %div3A_1728, %gt3A_1729 : vector<16xf32>
        %get3A_1731 = arith.constant 416 : index
        %get3A_1732 = tpu.vector_load %arg9[%get3A_1731] {strides = array<i32>} : memref<768xf32, #tpu.memory_space<vmem>>, vector<16xf32>,
        %select_n3A_1733 = arith.select %gt3A_1730, %broadcast_in_dim3A_3, %get3A_1732 : vector<16xi1>, vector<16xf32>
        %swap3A_1734 = arith.constant 416 : index
        %swap3A_1735 = tpu.vector_load %arg9[%swap3A_1734] {strides = array<i32>} : memref<768xf32, #tpu.memory_space<vmem>>, vector<16xf32>,
        tpu.vector_store %arg9[%swap3A_1734], %select_n3A_1733 {strides = array<i32>} : memref<768xf32, #tpu.memory_space<vmem>>, vector<16xf32>,
        %gt3A_1736 = arith.cmpf ogt, %select_n3A_1733, %select_n3A_1696 : vector<16xf32>
        %select_n3A_1737 = arith.select %gt3A_1736, %select_n3A_1733, %select_n3A_1696 : vector<16xi1>, vector<16xf32>
        %broadcast_in_dim3A_1738 = arith.constant 26 : i32
        %broadcast_in_dim3A_1739 = vector.broadcast %broadcast_in_dim3A_1738 : i32 to vector<16xi32>
        %select_n3A_1740 = arith.select %gt3A_1736, %broadcast_in_dim3A_1739, %select_n3A_1699 : vector<16xi1>, vector<16xi32>
        %get3A_1741 = arith.constant 432 : index
        %get3A_1742 = tpu.vector_load %arg4[%get3A_1741] {strides = array<i32>} : memref<768xf32, #tpu.memory_space<vmem>>, vector<16xf32>,
        %get3A_1743 = arith.constant 432 : index
        %get3A_1744 = tpu.vector_load %arg5[%get3A_1743] {strides = array<i32>} : memref<768xf32, #tpu.memory_space<vmem>>, vector<16xf32>,
        %get3A_1745 = arith.constant 432 : index
        %get3A_1746 = tpu.vector_load %arg6[%get3A_1745] {strides = array<i32>} : memref<768xf32, #tpu.memory_space<vmem>>, vector<16xf32>,
        %get3A_1747 = arith.constant 432 : index
        %get3A_1748 = tpu.vector_load %arg7[%get3A_1747] {strides = array<i32>} : memref<768xf32, #tpu.memory_space<vmem>>, vector<16xf32>,
        %max3A_1749 = arith.maximumf %gather3A_550, %get3A_1742 : vector<16xf32>
        %max3A_1750 = arith.maximumf %gather3A_554, %get3A_1744 : vector<16xf32>
        %min3A_1751 = arith.minimumf %gather3A_558, %get3A_1746 : vector<16xf32>
        %min3A_1752 = arith.minimumf %gather3A_562, %get3A_1748 : vector<16xf32>
        %sub3A_1753 = arith.subf %min3A_1751, %max3A_1749 : vector<16xf32>
        %max3A_1754 = arith.constant 0.000000e+00 : f32
        %max3A_1755 = vector.broadcast %max3A_1754 : f32 to vector<16xf32>
        %max3A_1756 = arith.maximumf %sub3A_1753, %max3A_1755 : vector<16xf32>
        %sub3A_1757 = arith.subf %min3A_1752, %max3A_1750 : vector<16xf32>
        %max3A_1758 = arith.constant 0.000000e+00 : f32
        %max3A_1759 = vector.broadcast %max3A_1758 : f32 to vector<16xf32>
        %max3A_1760 = arith.maximumf %sub3A_1757, %max3A_1759 : vector<16xf32>
        %mul3A_1761 = arith.mulf %max3A_1756, %max3A_1760 : vector<16xf32>
        %get3A_1762 = arith.constant 432 : index
        %get3A_1763 = tpu.vector_load %arg8[%get3A_1762] {strides = array<i32>} : memref<768xf32, #tpu.memory_space<vmem>>, vector<16xf32>,
        %add3A_1764 = arith.addf %mul3A_630, %get3A_1763 : vector<16xf32>
        %sub3A_1765 = arith.subf %add3A_1764, %mul3A_1761 : vector<16xf32>
        %max3A_1766 = arith.constant 9.99999993E-9 : f32
        %max3A_1767 = vector.broadcast %max3A_1766 : f32 to vector<16xf32>
        %max3A_1768 = arith.maximumf %sub3A_1765, %max3A_1767 : vector<16xf32>
        %div3A_1769 = arith.divf %mul3A_1761, %max3A_1768 : vector<16xf32>
        %gt3A_1770 = vector.broadcast %scan3A_449 : f32 to vector<16xf32>
        %gt3A_1771 = arith.cmpf ogt, %div3A_1769, %gt3A_1770 : vector<16xf32>
        %get3A_1772 = arith.constant 432 : index
        %get3A_1773 = tpu.vector_load %arg9[%get3A_1772] {strides = array<i32>} : memref<768xf32, #tpu.memory_space<vmem>>, vector<16xf32>,
        %select_n3A_1774 = arith.select %gt3A_1771, %broadcast_in_dim3A_3, %get3A_1773 : vector<16xi1>, vector<16xf32>
        %swap3A_1775 = arith.constant 432 : index
        %swap3A_1776 = tpu.vector_load %arg9[%swap3A_1775] {strides = array<i32>} : memref<768xf32, #tpu.memory_space<vmem>>, vector<16xf32>,
        tpu.vector_store %arg9[%swap3A_1775], %select_n3A_1774 {strides = array<i32>} : memref<768xf32, #tpu.memory_space<vmem>>, vector<16xf32>,
        %gt3A_1777 = arith.cmpf ogt, %select_n3A_1774, %select_n3A_1737 : vector<16xf32>
        %select_n3A_1778 = arith.select %gt3A_1777, %select_n3A_1774, %select_n3A_1737 : vector<16xi1>, vector<16xf32>
        %broadcast_in_dim3A_1779 = arith.constant 27 : i32
        %broadcast_in_dim3A_1780 = vector.broadcast %broadcast_in_dim3A_1779 : i32 to vector<16xi32>
        %select_n3A_1781 = arith.select %gt3A_1777, %broadcast_in_dim3A_1780, %select_n3A_1740 : vector<16xi1>, vector<16xi32>
        %get3A_1782 = arith.constant 448 : index
        %get3A_1783 = tpu.vector_load %arg4[%get3A_1782] {strides = array<i32>} : memref<768xf32, #tpu.memory_space<vmem>>, vector<16xf32>,
        %get3A_1784 = arith.constant 448 : index
        %get3A_1785 = tpu.vector_load %arg5[%get3A_1784] {strides = array<i32>} : memref<768xf32, #tpu.memory_space<vmem>>, vector<16xf32>,
        %get3A_1786 = arith.constant 448 : index
        %get3A_1787 = tpu.vector_load %arg6[%get3A_1786] {strides = array<i32>} : memref<768xf32, #tpu.memory_space<vmem>>, vector<16xf32>,
        %get3A_1788 = arith.constant 448 : index
        %get3A_1789 = tpu.vector_load %arg7[%get3A_1788] {strides = array<i32>} : memref<768xf32, #tpu.memory_space<vmem>>, vector<16xf32>,
        %max3A_1790 = arith.maximumf %gather3A_550, %get3A_1783 : vector<16xf32>
        %max3A_1791 = arith.maximumf %gather3A_554, %get3A_1785 : vector<16xf32>
        %min3A_1792 = arith.minimumf %gather3A_558, %get3A_1787 : vector<16xf32>
        %min3A_1793 = arith.minimumf %gather3A_562, %get3A_1789 : vector<16xf32>
        %sub3A_1794 = arith.subf %min3A_1792, %max3A_1790 : vector<16xf32>
        %max3A_1795 = arith.constant 0.000000e+00 : f32
        %max3A_1796 = vector.broadcast %max3A_1795 : f32 to vector<16xf32>
        %max3A_1797 = arith.maximumf %sub3A_1794, %max3A_1796 : vector<16xf32>
        %sub3A_1798 = arith.subf %min3A_1793, %max3A_1791 : vector<16xf32>
        %max3A_1799 = arith.constant 0.000000e+00 : f32
        %max3A_1800 = vector.broadcast %max3A_1799 : f32 to vector<16xf32>
        %max3A_1801 = arith.maximumf %sub3A_1798, %max3A_1800 : vector<16xf32>
        %mul3A_1802 = arith.mulf %max3A_1797, %max3A_1801 : vector<16xf32>
        %get3A_1803 = arith.constant 448 : index
        %get3A_1804 = tpu.vector_load %arg8[%get3A_1803] {strides = array<i32>} : memref<768xf32, #tpu.memory_space<vmem>>, vector<16xf32>,
        %add3A_1805 = arith.addf %mul3A_630, %get3A_1804 : vector<16xf32>
        %sub3A_1806 = arith.subf %add3A_1805, %mul3A_1802 : vector<16xf32>
        %max3A_1807 = arith.constant 9.99999993E-9 : f32
        %max3A_1808 = vector.broadcast %max3A_1807 : f32 to vector<16xf32>
        %max3A_1809 = arith.maximumf %sub3A_1806, %max3A_1808 : vector<16xf32>
        %div3A_1810 = arith.divf %mul3A_1802, %max3A_1809 : vector<16xf32>
        %gt3A_1811 = vector.broadcast %scan3A_449 : f32 to vector<16xf32>
        %gt3A_1812 = arith.cmpf ogt, %div3A_1810, %gt3A_1811 : vector<16xf32>
        %get3A_1813 = arith.constant 448 : index
        %get3A_1814 = tpu.vector_load %arg9[%get3A_1813] {strides = array<i32>} : memref<768xf32, #tpu.memory_space<vmem>>, vector<16xf32>,
        %select_n3A_1815 = arith.select %gt3A_1812, %broadcast_in_dim3A_3, %get3A_1814 : vector<16xi1>, vector<16xf32>
        %swap3A_1816 = arith.constant 448 : index
        %swap3A_1817 = tpu.vector_load %arg9[%swap3A_1816] {strides = array<i32>} : memref<768xf32, #tpu.memory_space<vmem>>, vector<16xf32>,
        tpu.vector_store %arg9[%swap3A_1816], %select_n3A_1815 {strides = array<i32>} : memref<768xf32, #tpu.memory_space<vmem>>, vector<16xf32>,
        %gt3A_1818 = arith.cmpf ogt, %select_n3A_1815, %select_n3A_1778 : vector<16xf32>
        %select_n3A_1819 = arith.select %gt3A_1818, %select_n3A_1815, %select_n3A_1778 : vector<16xi1>, vector<16xf32>
        %broadcast_in_dim3A_1820 = arith.constant 28 : i32
        %broadcast_in_dim3A_1821 = vector.broadcast %broadcast_in_dim3A_1820 : i32 to vector<16xi32>
        %select_n3A_1822 = arith.select %gt3A_1818, %broadcast_in_dim3A_1821, %select_n3A_1781 : vector<16xi1>, vector<16xi32>
        %get3A_1823 = arith.constant 464 : index
        %get3A_1824 = tpu.vector_load %arg4[%get3A_1823] {strides = array<i32>} : memref<768xf32, #tpu.memory_space<vmem>>, vector<16xf32>,
        %get3A_1825 = arith.constant 464 : index
        %get3A_1826 = tpu.vector_load %arg5[%get3A_1825] {strides = array<i32>} : memref<768xf32, #tpu.memory_space<vmem>>, vector<16xf32>,
        %get3A_1827 = arith.constant 464 : index
        %get3A_1828 = tpu.vector_load %arg6[%get3A_1827] {strides = array<i32>} : memref<768xf32, #tpu.memory_space<vmem>>, vector<16xf32>,
        %get3A_1829 = arith.constant 464 : index
        %get3A_1830 = tpu.vector_load %arg7[%get3A_1829] {strides = array<i32>} : memref<768xf32, #tpu.memory_space<vmem>>, vector<16xf32>,
        %max3A_1831 = arith.maximumf %gather3A_550, %get3A_1824 : vector<16xf32>
        %max3A_1832 = arith.maximumf %gather3A_554, %get3A_1826 : vector<16xf32>
        %min3A_1833 = arith.minimumf %gather3A_558, %get3A_1828 : vector<16xf32>
        %min3A_1834 = arith.minimumf %gather3A_562, %get3A_1830 : vector<16xf32>
        %sub3A_1835 = arith.subf %min3A_1833, %max3A_1831 : vector<16xf32>
        %max3A_1836 = arith.constant 0.000000e+00 : f32
        %max3A_1837 = vector.broadcast %max3A_1836 : f32 to vector<16xf32>
        %max3A_1838 = arith.maximumf %sub3A_1835, %max3A_1837 : vector<16xf32>
        %sub3A_1839 = arith.subf %min3A_1834, %max3A_1832 : vector<16xf32>
        %max3A_1840 = arith.constant 0.000000e+00 : f32
        %max3A_1841 = vector.broadcast %max3A_1840 : f32 to vector<16xf32>
        %max3A_1842 = arith.maximumf %sub3A_1839, %max3A_1841 : vector<16xf32>
        %mul3A_1843 = arith.mulf %max3A_1838, %max3A_1842 : vector<16xf32>
        %get3A_1844 = arith.constant 464 : index
        %get3A_1845 = tpu.vector_load %arg8[%get3A_1844] {strides = array<i32>} : memref<768xf32, #tpu.memory_space<vmem>>, vector<16xf32>,
        %add3A_1846 = arith.addf %mul3A_630, %get3A_1845 : vector<16xf32>
        %sub3A_1847 = arith.subf %add3A_1846, %mul3A_1843 : vector<16xf32>
        %max3A_1848 = arith.constant 9.99999993E-9 : f32
        %max3A_1849 = vector.broadcast %max3A_1848 : f32 to vector<16xf32>
        %max3A_1850 = arith.maximumf %sub3A_1847, %max3A_1849 : vector<16xf32>
        %div3A_1851 = arith.divf %mul3A_1843, %max3A_1850 : vector<16xf32>
        %gt3A_1852 = vector.broadcast %scan3A_449 : f32 to vector<16xf32>
        %gt3A_1853 = arith.cmpf ogt, %div3A_1851, %gt3A_1852 : vector<16xf32>
        %get3A_1854 = arith.constant 464 : index
        %get3A_1855 = tpu.vector_load %arg9[%get3A_1854] {strides = array<i32>} : memref<768xf32, #tpu.memory_space<vmem>>, vector<16xf32>,
        %select_n3A_1856 = arith.select %gt3A_1853, %broadcast_in_dim3A_3, %get3A_1855 : vector<16xi1>, vector<16xf32>
        %swap3A_1857 = arith.constant 464 : index
        %swap3A_1858 = tpu.vector_load %arg9[%swap3A_1857] {strides = array<i32>} : memref<768xf32, #tpu.memory_space<vmem>>, vector<16xf32>,
        tpu.vector_store %arg9[%swap3A_1857], %select_n3A_1856 {strides = array<i32>} : memref<768xf32, #tpu.memory_space<vmem>>, vector<16xf32>,
        %gt3A_1859 = arith.cmpf ogt, %select_n3A_1856, %select_n3A_1819 : vector<16xf32>
        %select_n3A_1860 = arith.select %gt3A_1859, %select_n3A_1856, %select_n3A_1819 : vector<16xi1>, vector<16xf32>
        %broadcast_in_dim3A_1861 = arith.constant 29 : i32
        %broadcast_in_dim3A_1862 = vector.broadcast %broadcast_in_dim3A_1861 : i32 to vector<16xi32>
        %select_n3A_1863 = arith.select %gt3A_1859, %broadcast_in_dim3A_1862, %select_n3A_1822 : vector<16xi1>, vector<16xi32>
        %get3A_1864 = arith.constant 480 : index
        %get3A_1865 = tpu.vector_load %arg4[%get3A_1864] {strides = array<i32>} : memref<768xf32, #tpu.memory_space<vmem>>, vector<16xf32>,
        %get3A_1866 = arith.constant 480 : index
        %get3A_1867 = tpu.vector_load %arg5[%get3A_1866] {strides = array<i32>} : memref<768xf32, #tpu.memory_space<vmem>>, vector<16xf32>,
        %get3A_1868 = arith.constant 480 : index
        %get3A_1869 = tpu.vector_load %arg6[%get3A_1868] {strides = array<i32>} : memref<768xf32, #tpu.memory_space<vmem>>, vector<16xf32>,
        %get3A_1870 = arith.constant 480 : index
        %get3A_1871 = tpu.vector_load %arg7[%get3A_1870] {strides = array<i32>} : memref<768xf32, #tpu.memory_space<vmem>>, vector<16xf32>,
        %max3A_1872 = arith.maximumf %gather3A_550, %get3A_1865 : vector<16xf32>
        %max3A_1873 = arith.maximumf %gather3A_554, %get3A_1867 : vector<16xf32>
        %min3A_1874 = arith.minimumf %gather3A_558, %get3A_1869 : vector<16xf32>
        %min3A_1875 = arith.minimumf %gather3A_562, %get3A_1871 : vector<16xf32>
        %sub3A_1876 = arith.subf %min3A_1874, %max3A_1872 : vector<16xf32>
        %max3A_1877 = arith.constant 0.000000e+00 : f32
        %max3A_1878 = vector.broadcast %max3A_1877 : f32 to vector<16xf32>
        %max3A_1879 = arith.maximumf %sub3A_1876, %max3A_1878 : vector<16xf32>
        %sub3A_1880 = arith.subf %min3A_1875, %max3A_1873 : vector<16xf32>
        %max3A_1881 = arith.constant 0.000000e+00 : f32
        %max3A_1882 = vector.broadcast %max3A_1881 : f32 to vector<16xf32>
        %max3A_1883 = arith.maximumf %sub3A_1880, %max3A_1882 : vector<16xf32>
        %mul3A_1884 = arith.mulf %max3A_1879, %max3A_1883 : vector<16xf32>
        %get3A_1885 = arith.constant 480 : index
        %get3A_1886 = tpu.vector_load %arg8[%get3A_1885] {strides = array<i32>} : memref<768xf32, #tpu.memory_space<vmem>>, vector<16xf32>,
        %add3A_1887 = arith.addf %mul3A_630, %get3A_1886 : vector<16xf32>
        %sub3A_1888 = arith.subf %add3A_1887, %mul3A_1884 : vector<16xf32>
        %max3A_1889 = arith.constant 9.99999993E-9 : f32
        %max3A_1890 = vector.broadcast %max3A_1889 : f32 to vector<16xf32>
        %max3A_1891 = arith.maximumf %sub3A_1888, %max3A_1890 : vector<16xf32>
        %div3A_1892 = arith.divf %mul3A_1884, %max3A_1891 : vector<16xf32>
        %gt3A_1893 = vector.broadcast %scan3A_449 : f32 to vector<16xf32>
        %gt3A_1894 = arith.cmpf ogt, %div3A_1892, %gt3A_1893 : vector<16xf32>
        %get3A_1895 = arith.constant 480 : index
        %get3A_1896 = tpu.vector_load %arg9[%get3A_1895] {strides = array<i32>} : memref<768xf32, #tpu.memory_space<vmem>>, vector<16xf32>,
        %select_n3A_1897 = arith.select %gt3A_1894, %broadcast_in_dim3A_3, %get3A_1896 : vector<16xi1>, vector<16xf32>
        %swap3A_1898 = arith.constant 480 : index
        %swap3A_1899 = tpu.vector_load %arg9[%swap3A_1898] {strides = array<i32>} : memref<768xf32, #tpu.memory_space<vmem>>, vector<16xf32>,
        tpu.vector_store %arg9[%swap3A_1898], %select_n3A_1897 {strides = array<i32>} : memref<768xf32, #tpu.memory_space<vmem>>, vector<16xf32>,
        %gt3A_1900 = arith.cmpf ogt, %select_n3A_1897, %select_n3A_1860 : vector<16xf32>
        %select_n3A_1901 = arith.select %gt3A_1900, %select_n3A_1897, %select_n3A_1860 : vector<16xi1>, vector<16xf32>
        %broadcast_in_dim3A_1902 = arith.constant 30 : i32
        %broadcast_in_dim3A_1903 = vector.broadcast %broadcast_in_dim3A_1902 : i32 to vector<16xi32>
        %select_n3A_1904 = arith.select %gt3A_1900, %broadcast_in_dim3A_1903, %select_n3A_1863 : vector<16xi1>, vector<16xi32>
        %get3A_1905 = arith.constant 496 : index
        %get3A_1906 = tpu.vector_load %arg4[%get3A_1905] {strides = array<i32>} : memref<768xf32, #tpu.memory_space<vmem>>, vector<16xf32>,
        %get3A_1907 = arith.constant 496 : index
        %get3A_1908 = tpu.vector_load %arg5[%get3A_1907] {strides = array<i32>} : memref<768xf32, #tpu.memory_space<vmem>>, vector<16xf32>,
        %get3A_1909 = arith.constant 496 : index
        %get3A_1910 = tpu.vector_load %arg6[%get3A_1909] {strides = array<i32>} : memref<768xf32, #tpu.memory_space<vmem>>, vector<16xf32>,
        %get3A_1911 = arith.constant 496 : index
        %get3A_1912 = tpu.vector_load %arg7[%get3A_1911] {strides = array<i32>} : memref<768xf32, #tpu.memory_space<vmem>>, vector<16xf32>,
        %max3A_1913 = arith.maximumf %gather3A_550, %get3A_1906 : vector<16xf32>
        %max3A_1914 = arith.maximumf %gather3A_554, %get3A_1908 : vector<16xf32>
        %min3A_1915 = arith.minimumf %gather3A_558, %get3A_1910 : vector<16xf32>
        %min3A_1916 = arith.minimumf %gather3A_562, %get3A_1912 : vector<16xf32>
        %sub3A_1917 = arith.subf %min3A_1915, %max3A_1913 : vector<16xf32>
        %max3A_1918 = arith.constant 0.000000e+00 : f32
        %max3A_1919 = vector.broadcast %max3A_1918 : f32 to vector<16xf32>
        %max3A_1920 = arith.maximumf %sub3A_1917, %max3A_1919 : vector<16xf32>
        %sub3A_1921 = arith.subf %min3A_1916, %max3A_1914 : vector<16xf32>
        %max3A_1922 = arith.constant 0.000000e+00 : f32
        %max3A_1923 = vector.broadcast %max3A_1922 : f32 to vector<16xf32>
        %max3A_1924 = arith.maximumf %sub3A_1921, %max3A_1923 : vector<16xf32>
        %mul3A_1925 = arith.mulf %max3A_1920, %max3A_1924 : vector<16xf32>
        %get3A_1926 = arith.constant 496 : index
        %get3A_1927 = tpu.vector_load %arg8[%get3A_1926] {strides = array<i32>} : memref<768xf32, #tpu.memory_space<vmem>>, vector<16xf32>,
        %add3A_1928 = arith.addf %mul3A_630, %get3A_1927 : vector<16xf32>
        %sub3A_1929 = arith.subf %add3A_1928, %mul3A_1925 : vector<16xf32>
        %max3A_1930 = arith.constant 9.99999993E-9 : f32
        %max3A_1931 = vector.broadcast %max3A_1930 : f32 to vector<16xf32>
        %max3A_1932 = arith.maximumf %sub3A_1929, %max3A_1931 : vector<16xf32>
        %div3A_1933 = arith.divf %mul3A_1925, %max3A_1932 : vector<16xf32>
        %gt3A_1934 = vector.broadcast %scan3A_449 : f32 to vector<16xf32>
        %gt3A_1935 = arith.cmpf ogt, %div3A_1933, %gt3A_1934 : vector<16xf32>
        %get3A_1936 = arith.constant 496 : index
        %get3A_1937 = tpu.vector_load %arg9[%get3A_1936] {strides = array<i32>} : memref<768xf32, #tpu.memory_space<vmem>>, vector<16xf32>,
        %select_n3A_1938 = arith.select %gt3A_1935, %broadcast_in_dim3A_3, %get3A_1937 : vector<16xi1>, vector<16xf32>
        %swap3A_1939 = arith.constant 496 : index
        %swap3A_1940 = tpu.vector_load %arg9[%swap3A_1939] {strides = array<i32>} : memref<768xf32, #tpu.memory_space<vmem>>, vector<16xf32>,
        tpu.vector_store %arg9[%swap3A_1939], %select_n3A_1938 {strides = array<i32>} : memref<768xf32, #tpu.memory_space<vmem>>, vector<16xf32>,
        %gt3A_1941 = arith.cmpf ogt, %select_n3A_1938, %select_n3A_1901 : vector<16xf32>
        %select_n3A_1942 = arith.select %gt3A_1941, %select_n3A_1938, %select_n3A_1901 : vector<16xi1>, vector<16xf32>
        %broadcast_in_dim3A_1943 = arith.constant 31 : i32
        %broadcast_in_dim3A_1944 = vector.broadcast %broadcast_in_dim3A_1943 : i32 to vector<16xi32>
        %select_n3A_1945 = arith.select %gt3A_1941, %broadcast_in_dim3A_1944, %select_n3A_1904 : vector<16xi1>, vector<16xi32>
        %get3A_1946 = arith.constant 512 : index
        %get3A_1947 = tpu.vector_load %arg4[%get3A_1946] {strides = array<i32>} : memref<768xf32, #tpu.memory_space<vmem>>, vector<16xf32>,
        %get3A_1948 = arith.constant 512 : index
        %get3A_1949 = tpu.vector_load %arg5[%get3A_1948] {strides = array<i32>} : memref<768xf32, #tpu.memory_space<vmem>>, vector<16xf32>,
        %get3A_1950 = arith.constant 512 : index
        %get3A_1951 = tpu.vector_load %arg6[%get3A_1950] {strides = array<i32>} : memref<768xf32, #tpu.memory_space<vmem>>, vector<16xf32>,
        %get3A_1952 = arith.constant 512 : index
        %get3A_1953 = tpu.vector_load %arg7[%get3A_1952] {strides = array<i32>} : memref<768xf32, #tpu.memory_space<vmem>>, vector<16xf32>,
        %max3A_1954 = arith.maximumf %gather3A_550, %get3A_1947 : vector<16xf32>
        %max3A_1955 = arith.maximumf %gather3A_554, %get3A_1949 : vector<16xf32>
        %min3A_1956 = arith.minimumf %gather3A_558, %get3A_1951 : vector<16xf32>
        %min3A_1957 = arith.minimumf %gather3A_562, %get3A_1953 : vector<16xf32>
        %sub3A_1958 = arith.subf %min3A_1956, %max3A_1954 : vector<16xf32>
        %max3A_1959 = arith.constant 0.000000e+00 : f32
        %max3A_1960 = vector.broadcast %max3A_1959 : f32 to vector<16xf32>
        %max3A_1961 = arith.maximumf %sub3A_1958, %max3A_1960 : vector<16xf32>
        %sub3A_1962 = arith.subf %min3A_1957, %max3A_1955 : vector<16xf32>
        %max3A_1963 = arith.constant 0.000000e+00 : f32
        %max3A_1964 = vector.broadcast %max3A_1963 : f32 to vector<16xf32>
        %max3A_1965 = arith.maximumf %sub3A_1962, %max3A_1964 : vector<16xf32>
        %mul3A_1966 = arith.mulf %max3A_1961, %max3A_1965 : vector<16xf32>
        %get3A_1967 = arith.constant 512 : index
        %get3A_1968 = tpu.vector_load %arg8[%get3A_1967] {strides = array<i32>} : memref<768xf32, #tpu.memory_space<vmem>>, vector<16xf32>,
        %add3A_1969 = arith.addf %mul3A_630, %get3A_1968 : vector<16xf32>
        %sub3A_1970 = arith.subf %add3A_1969, %mul3A_1966 : vector<16xf32>
        %max3A_1971 = arith.constant 9.99999993E-9 : f32
        %max3A_1972 = vector.broadcast %max3A_1971 : f32 to vector<16xf32>
        %max3A_1973 = arith.maximumf %sub3A_1970, %max3A_1972 : vector<16xf32>
        %div3A_1974 = arith.divf %mul3A_1966, %max3A_1973 : vector<16xf32>
        %gt3A_1975 = vector.broadcast %scan3A_449 : f32 to vector<16xf32>
        %gt3A_1976 = arith.cmpf ogt, %div3A_1974, %gt3A_1975 : vector<16xf32>
        %get3A_1977 = arith.constant 512 : index
        %get3A_1978 = tpu.vector_load %arg9[%get3A_1977] {strides = array<i32>} : memref<768xf32, #tpu.memory_space<vmem>>, vector<16xf32>,
        %select_n3A_1979 = arith.select %gt3A_1976, %broadcast_in_dim3A_3, %get3A_1978 : vector<16xi1>, vector<16xf32>
        %swap3A_1980 = arith.constant 512 : index
        %swap3A_1981 = tpu.vector_load %arg9[%swap3A_1980] {strides = array<i32>} : memref<768xf32, #tpu.memory_space<vmem>>, vector<16xf32>,
        tpu.vector_store %arg9[%swap3A_1980], %select_n3A_1979 {strides = array<i32>} : memref<768xf32, #tpu.memory_space<vmem>>, vector<16xf32>,
        %gt3A_1982 = arith.cmpf ogt, %select_n3A_1979, %select_n3A_1942 : vector<16xf32>
        %select_n3A_1983 = arith.select %gt3A_1982, %select_n3A_1979, %select_n3A_1942 : vector<16xi1>, vector<16xf32>
        %broadcast_in_dim3A_1984 = arith.constant 32 : i32
        %broadcast_in_dim3A_1985 = vector.broadcast %broadcast_in_dim3A_1984 : i32 to vector<16xi32>
        %select_n3A_1986 = arith.select %gt3A_1982, %broadcast_in_dim3A_1985, %select_n3A_1945 : vector<16xi1>, vector<16xi32>
        %get3A_1987 = arith.constant 528 : index
        %get3A_1988 = tpu.vector_load %arg4[%get3A_1987] {strides = array<i32>} : memref<768xf32, #tpu.memory_space<vmem>>, vector<16xf32>,
        %get3A_1989 = arith.constant 528 : index
        %get3A_1990 = tpu.vector_load %arg5[%get3A_1989] {strides = array<i32>} : memref<768xf32, #tpu.memory_space<vmem>>, vector<16xf32>,
        %get3A_1991 = arith.constant 528 : index
        %get3A_1992 = tpu.vector_load %arg6[%get3A_1991] {strides = array<i32>} : memref<768xf32, #tpu.memory_space<vmem>>, vector<16xf32>,
        %get3A_1993 = arith.constant 528 : index
        %get3A_1994 = tpu.vector_load %arg7[%get3A_1993] {strides = array<i32>} : memref<768xf32, #tpu.memory_space<vmem>>, vector<16xf32>,
        %max3A_1995 = arith.maximumf %gather3A_550, %get3A_1988 : vector<16xf32>
        %max3A_1996 = arith.maximumf %gather3A_554, %get3A_1990 : vector<16xf32>
        %min3A_1997 = arith.minimumf %gather3A_558, %get3A_1992 : vector<16xf32>
        %min3A_1998 = arith.minimumf %gather3A_562, %get3A_1994 : vector<16xf32>
        %sub3A_1999 = arith.subf %min3A_1997, %max3A_1995 : vector<16xf32>
        %max3A_2000 = arith.constant 0.000000e+00 : f32
        %max3A_2001 = vector.broadcast %max3A_2000 : f32 to vector<16xf32>
        %max3A_2002 = arith.maximumf %sub3A_1999, %max3A_2001 : vector<16xf32>
        %sub3A_2003 = arith.subf %min3A_1998, %max3A_1996 : vector<16xf32>
        %max3A_2004 = arith.constant 0.000000e+00 : f32
        %max3A_2005 = vector.broadcast %max3A_2004 : f32 to vector<16xf32>
        %max3A_2006 = arith.maximumf %sub3A_2003, %max3A_2005 : vector<16xf32>
        %mul3A_2007 = arith.mulf %max3A_2002, %max3A_2006 : vector<16xf32>
        %get3A_2008 = arith.constant 528 : index
        %get3A_2009 = tpu.vector_load %arg8[%get3A_2008] {strides = array<i32>} : memref<768xf32, #tpu.memory_space<vmem>>, vector<16xf32>,
        %add3A_2010 = arith.addf %mul3A_630, %get3A_2009 : vector<16xf32>
        %sub3A_2011 = arith.subf %add3A_2010, %mul3A_2007 : vector<16xf32>
        %max3A_2012 = arith.constant 9.99999993E-9 : f32
        %max3A_2013 = vector.broadcast %max3A_2012 : f32 to vector<16xf32>
        %max3A_2014 = arith.maximumf %sub3A_2011, %max3A_2013 : vector<16xf32>
        %div3A_2015 = arith.divf %mul3A_2007, %max3A_2014 : vector<16xf32>
        %gt3A_2016 = vector.broadcast %scan3A_449 : f32 to vector<16xf32>
        %gt3A_2017 = arith.cmpf ogt, %div3A_2015, %gt3A_2016 : vector<16xf32>
        %get3A_2018 = arith.constant 528 : index
        %get3A_2019 = tpu.vector_load %arg9[%get3A_2018] {strides = array<i32>} : memref<768xf32, #tpu.memory_space<vmem>>, vector<16xf32>,
        %select_n3A_2020 = arith.select %gt3A_2017, %broadcast_in_dim3A_3, %get3A_2019 : vector<16xi1>, vector<16xf32>
        %swap3A_2021 = arith.constant 528 : index
        %swap3A_2022 = tpu.vector_load %arg9[%swap3A_2021] {strides = array<i32>} : memref<768xf32, #tpu.memory_space<vmem>>, vector<16xf32>,
        tpu.vector_store %arg9[%swap3A_2021], %select_n3A_2020 {strides = array<i32>} : memref<768xf32, #tpu.memory_space<vmem>>, vector<16xf32>,
        %gt3A_2023 = arith.cmpf ogt, %select_n3A_2020, %select_n3A_1983 : vector<16xf32>
        %select_n3A_2024 = arith.select %gt3A_2023, %select_n3A_2020, %select_n3A_1983 : vector<16xi1>, vector<16xf32>
        %broadcast_in_dim3A_2025 = arith.constant 33 : i32
        %broadcast_in_dim3A_2026 = vector.broadcast %broadcast_in_dim3A_2025 : i32 to vector<16xi32>
        %select_n3A_2027 = arith.select %gt3A_2023, %broadcast_in_dim3A_2026, %select_n3A_1986 : vector<16xi1>, vector<16xi32>
        %get3A_2028 = arith.constant 544 : index
        %get3A_2029 = tpu.vector_load %arg4[%get3A_2028] {strides = array<i32>} : memref<768xf32, #tpu.memory_space<vmem>>, vector<16xf32>,
        %get3A_2030 = arith.constant 544 : index
        %get3A_2031 = tpu.vector_load %arg5[%get3A_2030] {strides = array<i32>} : memref<768xf32, #tpu.memory_space<vmem>>, vector<16xf32>,
        %get3A_2032 = arith.constant 544 : index
        %get3A_2033 = tpu.vector_load %arg6[%get3A_2032] {strides = array<i32>} : memref<768xf32, #tpu.memory_space<vmem>>, vector<16xf32>,
        %get3A_2034 = arith.constant 544 : index
        %get3A_2035 = tpu.vector_load %arg7[%get3A_2034] {strides = array<i32>} : memref<768xf32, #tpu.memory_space<vmem>>, vector<16xf32>,
        %max3A_2036 = arith.maximumf %gather3A_550, %get3A_2029 : vector<16xf32>
        %max3A_2037 = arith.maximumf %gather3A_554, %get3A_2031 : vector<16xf32>
        %min3A_2038 = arith.minimumf %gather3A_558, %get3A_2033 : vector<16xf32>
        %min3A_2039 = arith.minimumf %gather3A_562, %get3A_2035 : vector<16xf32>
        %sub3A_2040 = arith.subf %min3A_2038, %max3A_2036 : vector<16xf32>
        %max3A_2041 = arith.constant 0.000000e+00 : f32
        %max3A_2042 = vector.broadcast %max3A_2041 : f32 to vector<16xf32>
        %max3A_2043 = arith.maximumf %sub3A_2040, %max3A_2042 : vector<16xf32>
        %sub3A_2044 = arith.subf %min3A_2039, %max3A_2037 : vector<16xf32>
        %max3A_2045 = arith.constant 0.000000e+00 : f32
        %max3A_2046 = vector.broadcast %max3A_2045 : f32 to vector<16xf32>
        %max3A_2047 = arith.maximumf %sub3A_2044, %max3A_2046 : vector<16xf32>
        %mul3A_2048 = arith.mulf %max3A_2043, %max3A_2047 : vector<16xf32>
        %get3A_2049 = arith.constant 544 : index
        %get3A_2050 = tpu.vector_load %arg8[%get3A_2049] {strides = array<i32>} : memref<768xf32, #tpu.memory_space<vmem>>, vector<16xf32>,
        %add3A_2051 = arith.addf %mul3A_630, %get3A_2050 : vector<16xf32>
        %sub3A_2052 = arith.subf %add3A_2051, %mul3A_2048 : vector<16xf32>
        %max3A_2053 = arith.constant 9.99999993E-9 : f32
        %max3A_2054 = vector.broadcast %max3A_2053 : f32 to vector<16xf32>
        %max3A_2055 = arith.maximumf %sub3A_2052, %max3A_2054 : vector<16xf32>
        %div3A_2056 = arith.divf %mul3A_2048, %max3A_2055 : vector<16xf32>
        %gt3A_2057 = vector.broadcast %scan3A_449 : f32 to vector<16xf32>
        %gt3A_2058 = arith.cmpf ogt, %div3A_2056, %gt3A_2057 : vector<16xf32>
        %get3A_2059 = arith.constant 544 : index
        %get3A_2060 = tpu.vector_load %arg9[%get3A_2059] {strides = array<i32>} : memref<768xf32, #tpu.memory_space<vmem>>, vector<16xf32>,
        %select_n3A_2061 = arith.select %gt3A_2058, %broadcast_in_dim3A_3, %get3A_2060 : vector<16xi1>, vector<16xf32>
        %swap3A_2062 = arith.constant 544 : index
        %swap3A_2063 = tpu.vector_load %arg9[%swap3A_2062] {strides = array<i32>} : memref<768xf32, #tpu.memory_space<vmem>>, vector<16xf32>,
        tpu.vector_store %arg9[%swap3A_2062], %select_n3A_2061 {strides = array<i32>} : memref<768xf32, #tpu.memory_space<vmem>>, vector<16xf32>,
        %gt3A_2064 = arith.cmpf ogt, %select_n3A_2061, %select_n3A_2024 : vector<16xf32>
        %select_n3A_2065 = arith.select %gt3A_2064, %select_n3A_2061, %select_n3A_2024 : vector<16xi1>, vector<16xf32>
        %broadcast_in_dim3A_2066 = arith.constant 34 : i32
        %broadcast_in_dim3A_2067 = vector.broadcast %broadcast_in_dim3A_2066 : i32 to vector<16xi32>
        %select_n3A_2068 = arith.select %gt3A_2064, %broadcast_in_dim3A_2067, %select_n3A_2027 : vector<16xi1>, vector<16xi32>
        %get3A_2069 = arith.constant 560 : index
        %get3A_2070 = tpu.vector_load %arg4[%get3A_2069] {strides = array<i32>} : memref<768xf32, #tpu.memory_space<vmem>>, vector<16xf32>,
        %get3A_2071 = arith.constant 560 : index
        %get3A_2072 = tpu.vector_load %arg5[%get3A_2071] {strides = array<i32>} : memref<768xf32, #tpu.memory_space<vmem>>, vector<16xf32>,
        %get3A_2073 = arith.constant 560 : index
        %get3A_2074 = tpu.vector_load %arg6[%get3A_2073] {strides = array<i32>} : memref<768xf32, #tpu.memory_space<vmem>>, vector<16xf32>,
        %get3A_2075 = arith.constant 560 : index
        %get3A_2076 = tpu.vector_load %arg7[%get3A_2075] {strides = array<i32>} : memref<768xf32, #tpu.memory_space<vmem>>, vector<16xf32>,
        %max3A_2077 = arith.maximumf %gather3A_550, %get3A_2070 : vector<16xf32>
        %max3A_2078 = arith.maximumf %gather3A_554, %get3A_2072 : vector<16xf32>
        %min3A_2079 = arith.minimumf %gather3A_558, %get3A_2074 : vector<16xf32>
        %min3A_2080 = arith.minimumf %gather3A_562, %get3A_2076 : vector<16xf32>
        %sub3A_2081 = arith.subf %min3A_2079, %max3A_2077 : vector<16xf32>
        %max3A_2082 = arith.constant 0.000000e+00 : f32
        %max3A_2083 = vector.broadcast %max3A_2082 : f32 to vector<16xf32>
        %max3A_2084 = arith.maximumf %sub3A_2081, %max3A_2083 : vector<16xf32>
        %sub3A_2085 = arith.subf %min3A_2080, %max3A_2078 : vector<16xf32>
        %max3A_2086 = arith.constant 0.000000e+00 : f32
        %max3A_2087 = vector.broadcast %max3A_2086 : f32 to vector<16xf32>
        %max3A_2088 = arith.maximumf %sub3A_2085, %max3A_2087 : vector<16xf32>
        %mul3A_2089 = arith.mulf %max3A_2084, %max3A_2088 : vector<16xf32>
        %get3A_2090 = arith.constant 560 : index
        %get3A_2091 = tpu.vector_load %arg8[%get3A_2090] {strides = array<i32>} : memref<768xf32, #tpu.memory_space<vmem>>, vector<16xf32>,
        %add3A_2092 = arith.addf %mul3A_630, %get3A_2091 : vector<16xf32>
        %sub3A_2093 = arith.subf %add3A_2092, %mul3A_2089 : vector<16xf32>
        %max3A_2094 = arith.constant 9.99999993E-9 : f32
        %max3A_2095 = vector.broadcast %max3A_2094 : f32 to vector<16xf32>
        %max3A_2096 = arith.maximumf %sub3A_2093, %max3A_2095 : vector<16xf32>
        %div3A_2097 = arith.divf %mul3A_2089, %max3A_2096 : vector<16xf32>
        %gt3A_2098 = vector.broadcast %scan3A_449 : f32 to vector<16xf32>
        %gt3A_2099 = arith.cmpf ogt, %div3A_2097, %gt3A_2098 : vector<16xf32>
        %get3A_2100 = arith.constant 560 : index
        %get3A_2101 = tpu.vector_load %arg9[%get3A_2100] {strides = array<i32>} : memref<768xf32, #tpu.memory_space<vmem>>, vector<16xf32>,
        %select_n3A_2102 = arith.select %gt3A_2099, %broadcast_in_dim3A_3, %get3A_2101 : vector<16xi1>, vector<16xf32>
        %swap3A_2103 = arith.constant 560 : index
        %swap3A_2104 = tpu.vector_load %arg9[%swap3A_2103] {strides = array<i32>} : memref<768xf32, #tpu.memory_space<vmem>>, vector<16xf32>,
        tpu.vector_store %arg9[%swap3A_2103], %select_n3A_2102 {strides = array<i32>} : memref<768xf32, #tpu.memory_space<vmem>>, vector<16xf32>,
        %gt3A_2105 = arith.cmpf ogt, %select_n3A_2102, %select_n3A_2065 : vector<16xf32>
        %select_n3A_2106 = arith.select %gt3A_2105, %select_n3A_2102, %select_n3A_2065 : vector<16xi1>, vector<16xf32>
        %broadcast_in_dim3A_2107 = arith.constant 35 : i32
        %broadcast_in_dim3A_2108 = vector.broadcast %broadcast_in_dim3A_2107 : i32 to vector<16xi32>
        %select_n3A_2109 = arith.select %gt3A_2105, %broadcast_in_dim3A_2108, %select_n3A_2068 : vector<16xi1>, vector<16xi32>
        %get3A_2110 = arith.constant 576 : index
        %get3A_2111 = tpu.vector_load %arg4[%get3A_2110] {strides = array<i32>} : memref<768xf32, #tpu.memory_space<vmem>>, vector<16xf32>,
        %get3A_2112 = arith.constant 576 : index
        %get3A_2113 = tpu.vector_load %arg5[%get3A_2112] {strides = array<i32>} : memref<768xf32, #tpu.memory_space<vmem>>, vector<16xf32>,
        %get3A_2114 = arith.constant 576 : index
        %get3A_2115 = tpu.vector_load %arg6[%get3A_2114] {strides = array<i32>} : memref<768xf32, #tpu.memory_space<vmem>>, vector<16xf32>,
        %get3A_2116 = arith.constant 576 : index
        %get3A_2117 = tpu.vector_load %arg7[%get3A_2116] {strides = array<i32>} : memref<768xf32, #tpu.memory_space<vmem>>, vector<16xf32>,
        %max3A_2118 = arith.maximumf %gather3A_550, %get3A_2111 : vector<16xf32>
        %max3A_2119 = arith.maximumf %gather3A_554, %get3A_2113 : vector<16xf32>
        %min3A_2120 = arith.minimumf %gather3A_558, %get3A_2115 : vector<16xf32>
        %min3A_2121 = arith.minimumf %gather3A_562, %get3A_2117 : vector<16xf32>
        %sub3A_2122 = arith.subf %min3A_2120, %max3A_2118 : vector<16xf32>
        %max3A_2123 = arith.constant 0.000000e+00 : f32
        %max3A_2124 = vector.broadcast %max3A_2123 : f32 to vector<16xf32>
        %max3A_2125 = arith.maximumf %sub3A_2122, %max3A_2124 : vector<16xf32>
        %sub3A_2126 = arith.subf %min3A_2121, %max3A_2119 : vector<16xf32>
        %max3A_2127 = arith.constant 0.000000e+00 : f32
        %max3A_2128 = vector.broadcast %max3A_2127 : f32 to vector<16xf32>
        %max3A_2129 = arith.maximumf %sub3A_2126, %max3A_2128 : vector<16xf32>
        %mul3A_2130 = arith.mulf %max3A_2125, %max3A_2129 : vector<16xf32>
        %get3A_2131 = arith.constant 576 : index
        %get3A_2132 = tpu.vector_load %arg8[%get3A_2131] {strides = array<i32>} : memref<768xf32, #tpu.memory_space<vmem>>, vector<16xf32>,
        %add3A_2133 = arith.addf %mul3A_630, %get3A_2132 : vector<16xf32>
        %sub3A_2134 = arith.subf %add3A_2133, %mul3A_2130 : vector<16xf32>
        %max3A_2135 = arith.constant 9.99999993E-9 : f32
        %max3A_2136 = vector.broadcast %max3A_2135 : f32 to vector<16xf32>
        %max3A_2137 = arith.maximumf %sub3A_2134, %max3A_2136 : vector<16xf32>
        %div3A_2138 = arith.divf %mul3A_2130, %max3A_2137 : vector<16xf32>
        %gt3A_2139 = vector.broadcast %scan3A_449 : f32 to vector<16xf32>
        %gt3A_2140 = arith.cmpf ogt, %div3A_2138, %gt3A_2139 : vector<16xf32>
        %get3A_2141 = arith.constant 576 : index
        %get3A_2142 = tpu.vector_load %arg9[%get3A_2141] {strides = array<i32>} : memref<768xf32, #tpu.memory_space<vmem>>, vector<16xf32>,
        %select_n3A_2143 = arith.select %gt3A_2140, %broadcast_in_dim3A_3, %get3A_2142 : vector<16xi1>, vector<16xf32>
        %swap3A_2144 = arith.constant 576 : index
        %swap3A_2145 = tpu.vector_load %arg9[%swap3A_2144] {strides = array<i32>} : memref<768xf32, #tpu.memory_space<vmem>>, vector<16xf32>,
        tpu.vector_store %arg9[%swap3A_2144], %select_n3A_2143 {strides = array<i32>} : memref<768xf32, #tpu.memory_space<vmem>>, vector<16xf32>,
        %gt3A_2146 = arith.cmpf ogt, %select_n3A_2143, %select_n3A_2106 : vector<16xf32>
        %select_n3A_2147 = arith.select %gt3A_2146, %select_n3A_2143, %select_n3A_2106 : vector<16xi1>, vector<16xf32>
        %broadcast_in_dim3A_2148 = arith.constant 36 : i32
        %broadcast_in_dim3A_2149 = vector.broadcast %broadcast_in_dim3A_2148 : i32 to vector<16xi32>
        %select_n3A_2150 = arith.select %gt3A_2146, %broadcast_in_dim3A_2149, %select_n3A_2109 : vector<16xi1>, vector<16xi32>
        %get3A_2151 = arith.constant 592 : index
        %get3A_2152 = tpu.vector_load %arg4[%get3A_2151] {strides = array<i32>} : memref<768xf32, #tpu.memory_space<vmem>>, vector<16xf32>,
        %get3A_2153 = arith.constant 592 : index
        %get3A_2154 = tpu.vector_load %arg5[%get3A_2153] {strides = array<i32>} : memref<768xf32, #tpu.memory_space<vmem>>, vector<16xf32>,
        %get3A_2155 = arith.constant 592 : index
        %get3A_2156 = tpu.vector_load %arg6[%get3A_2155] {strides = array<i32>} : memref<768xf32, #tpu.memory_space<vmem>>, vector<16xf32>,
        %get3A_2157 = arith.constant 592 : index
        %get3A_2158 = tpu.vector_load %arg7[%get3A_2157] {strides = array<i32>} : memref<768xf32, #tpu.memory_space<vmem>>, vector<16xf32>,
        %max3A_2159 = arith.maximumf %gather3A_550, %get3A_2152 : vector<16xf32>
        %max3A_2160 = arith.maximumf %gather3A_554, %get3A_2154 : vector<16xf32>
        %min3A_2161 = arith.minimumf %gather3A_558, %get3A_2156 : vector<16xf32>
        %min3A_2162 = arith.minimumf %gather3A_562, %get3A_2158 : vector<16xf32>
        %sub3A_2163 = arith.subf %min3A_2161, %max3A_2159 : vector<16xf32>
        %max3A_2164 = arith.constant 0.000000e+00 : f32
        %max3A_2165 = vector.broadcast %max3A_2164 : f32 to vector<16xf32>
        %max3A_2166 = arith.maximumf %sub3A_2163, %max3A_2165 : vector<16xf32>
        %sub3A_2167 = arith.subf %min3A_2162, %max3A_2160 : vector<16xf32>
        %max3A_2168 = arith.constant 0.000000e+00 : f32
        %max3A_2169 = vector.broadcast %max3A_2168 : f32 to vector<16xf32>
        %max3A_2170 = arith.maximumf %sub3A_2167, %max3A_2169 : vector<16xf32>
        %mul3A_2171 = arith.mulf %max3A_2166, %max3A_2170 : vector<16xf32>
        %get3A_2172 = arith.constant 592 : index
        %get3A_2173 = tpu.vector_load %arg8[%get3A_2172] {strides = array<i32>} : memref<768xf32, #tpu.memory_space<vmem>>, vector<16xf32>,
        %add3A_2174 = arith.addf %mul3A_630, %get3A_2173 : vector<16xf32>
        %sub3A_2175 = arith.subf %add3A_2174, %mul3A_2171 : vector<16xf32>
        %max3A_2176 = arith.constant 9.99999993E-9 : f32
        %max3A_2177 = vector.broadcast %max3A_2176 : f32 to vector<16xf32>
        %max3A_2178 = arith.maximumf %sub3A_2175, %max3A_2177 : vector<16xf32>
        %div3A_2179 = arith.divf %mul3A_2171, %max3A_2178 : vector<16xf32>
        %gt3A_2180 = vector.broadcast %scan3A_449 : f32 to vector<16xf32>
        %gt3A_2181 = arith.cmpf ogt, %div3A_2179, %gt3A_2180 : vector<16xf32>
        %get3A_2182 = arith.constant 592 : index
        %get3A_2183 = tpu.vector_load %arg9[%get3A_2182] {strides = array<i32>} : memref<768xf32, #tpu.memory_space<vmem>>, vector<16xf32>,
        %select_n3A_2184 = arith.select %gt3A_2181, %broadcast_in_dim3A_3, %get3A_2183 : vector<16xi1>, vector<16xf32>
        %swap3A_2185 = arith.constant 592 : index
        %swap3A_2186 = tpu.vector_load %arg9[%swap3A_2185] {strides = array<i32>} : memref<768xf32, #tpu.memory_space<vmem>>, vector<16xf32>,
        tpu.vector_store %arg9[%swap3A_2185], %select_n3A_2184 {strides = array<i32>} : memref<768xf32, #tpu.memory_space<vmem>>, vector<16xf32>,
        %gt3A_2187 = arith.cmpf ogt, %select_n3A_2184, %select_n3A_2147 : vector<16xf32>
        %select_n3A_2188 = arith.select %gt3A_2187, %select_n3A_2184, %select_n3A_2147 : vector<16xi1>, vector<16xf32>
        %broadcast_in_dim3A_2189 = arith.constant 37 : i32
        %broadcast_in_dim3A_2190 = vector.broadcast %broadcast_in_dim3A_2189 : i32 to vector<16xi32>
        %select_n3A_2191 = arith.select %gt3A_2187, %broadcast_in_dim3A_2190, %select_n3A_2150 : vector<16xi1>, vector<16xi32>
        %get3A_2192 = arith.constant 608 : index
        %get3A_2193 = tpu.vector_load %arg4[%get3A_2192] {strides = array<i32>} : memref<768xf32, #tpu.memory_space<vmem>>, vector<16xf32>,
        %get3A_2194 = arith.constant 608 : index
        %get3A_2195 = tpu.vector_load %arg5[%get3A_2194] {strides = array<i32>} : memref<768xf32, #tpu.memory_space<vmem>>, vector<16xf32>,
        %get3A_2196 = arith.constant 608 : index
        %get3A_2197 = tpu.vector_load %arg6[%get3A_2196] {strides = array<i32>} : memref<768xf32, #tpu.memory_space<vmem>>, vector<16xf32>,
        %get3A_2198 = arith.constant 608 : index
        %get3A_2199 = tpu.vector_load %arg7[%get3A_2198] {strides = array<i32>} : memref<768xf32, #tpu.memory_space<vmem>>, vector<16xf32>,
        %max3A_2200 = arith.maximumf %gather3A_550, %get3A_2193 : vector<16xf32>
        %max3A_2201 = arith.maximumf %gather3A_554, %get3A_2195 : vector<16xf32>
        %min3A_2202 = arith.minimumf %gather3A_558, %get3A_2197 : vector<16xf32>
        %min3A_2203 = arith.minimumf %gather3A_562, %get3A_2199 : vector<16xf32>
        %sub3A_2204 = arith.subf %min3A_2202, %max3A_2200 : vector<16xf32>
        %max3A_2205 = arith.constant 0.000000e+00 : f32
        %max3A_2206 = vector.broadcast %max3A_2205 : f32 to vector<16xf32>
        %max3A_2207 = arith.maximumf %sub3A_2204, %max3A_2206 : vector<16xf32>
        %sub3A_2208 = arith.subf %min3A_2203, %max3A_2201 : vector<16xf32>
        %max3A_2209 = arith.constant 0.000000e+00 : f32
        %max3A_2210 = vector.broadcast %max3A_2209 : f32 to vector<16xf32>
        %max3A_2211 = arith.maximumf %sub3A_2208, %max3A_2210 : vector<16xf32>
        %mul3A_2212 = arith.mulf %max3A_2207, %max3A_2211 : vector<16xf32>
        %get3A_2213 = arith.constant 608 : index
        %get3A_2214 = tpu.vector_load %arg8[%get3A_2213] {strides = array<i32>} : memref<768xf32, #tpu.memory_space<vmem>>, vector<16xf32>,
        %add3A_2215 = arith.addf %mul3A_630, %get3A_2214 : vector<16xf32>
        %sub3A_2216 = arith.subf %add3A_2215, %mul3A_2212 : vector<16xf32>
        %max3A_2217 = arith.constant 9.99999993E-9 : f32
        %max3A_2218 = vector.broadcast %max3A_2217 : f32 to vector<16xf32>
        %max3A_2219 = arith.maximumf %sub3A_2216, %max3A_2218 : vector<16xf32>
        %div3A_2220 = arith.divf %mul3A_2212, %max3A_2219 : vector<16xf32>
        %gt3A_2221 = vector.broadcast %scan3A_449 : f32 to vector<16xf32>
        %gt3A_2222 = arith.cmpf ogt, %div3A_2220, %gt3A_2221 : vector<16xf32>
        %get3A_2223 = arith.constant 608 : index
        %get3A_2224 = tpu.vector_load %arg9[%get3A_2223] {strides = array<i32>} : memref<768xf32, #tpu.memory_space<vmem>>, vector<16xf32>,
        %select_n3A_2225 = arith.select %gt3A_2222, %broadcast_in_dim3A_3, %get3A_2224 : vector<16xi1>, vector<16xf32>
        %swap3A_2226 = arith.constant 608 : index
        %swap3A_2227 = tpu.vector_load %arg9[%swap3A_2226] {strides = array<i32>} : memref<768xf32, #tpu.memory_space<vmem>>, vector<16xf32>,
        tpu.vector_store %arg9[%swap3A_2226], %select_n3A_2225 {strides = array<i32>} : memref<768xf32, #tpu.memory_space<vmem>>, vector<16xf32>,
        %gt3A_2228 = arith.cmpf ogt, %select_n3A_2225, %select_n3A_2188 : vector<16xf32>
        %select_n3A_2229 = arith.select %gt3A_2228, %select_n3A_2225, %select_n3A_2188 : vector<16xi1>, vector<16xf32>
        %broadcast_in_dim3A_2230 = arith.constant 38 : i32
        %broadcast_in_dim3A_2231 = vector.broadcast %broadcast_in_dim3A_2230 : i32 to vector<16xi32>
        %select_n3A_2232 = arith.select %gt3A_2228, %broadcast_in_dim3A_2231, %select_n3A_2191 : vector<16xi1>, vector<16xi32>
        %get3A_2233 = arith.constant 624 : index
        %get3A_2234 = tpu.vector_load %arg4[%get3A_2233] {strides = array<i32>} : memref<768xf32, #tpu.memory_space<vmem>>, vector<16xf32>,
        %get3A_2235 = arith.constant 624 : index
        %get3A_2236 = tpu.vector_load %arg5[%get3A_2235] {strides = array<i32>} : memref<768xf32, #tpu.memory_space<vmem>>, vector<16xf32>,
        %get3A_2237 = arith.constant 624 : index
        %get3A_2238 = tpu.vector_load %arg6[%get3A_2237] {strides = array<i32>} : memref<768xf32, #tpu.memory_space<vmem>>, vector<16xf32>,
        %get3A_2239 = arith.constant 624 : index
        %get3A_2240 = tpu.vector_load %arg7[%get3A_2239] {strides = array<i32>} : memref<768xf32, #tpu.memory_space<vmem>>, vector<16xf32>,
        %max3A_2241 = arith.maximumf %gather3A_550, %get3A_2234 : vector<16xf32>
        %max3A_2242 = arith.maximumf %gather3A_554, %get3A_2236 : vector<16xf32>
        %min3A_2243 = arith.minimumf %gather3A_558, %get3A_2238 : vector<16xf32>
        %min3A_2244 = arith.minimumf %gather3A_562, %get3A_2240 : vector<16xf32>
        %sub3A_2245 = arith.subf %min3A_2243, %max3A_2241 : vector<16xf32>
        %max3A_2246 = arith.constant 0.000000e+00 : f32
        %max3A_2247 = vector.broadcast %max3A_2246 : f32 to vector<16xf32>
        %max3A_2248 = arith.maximumf %sub3A_2245, %max3A_2247 : vector<16xf32>
        %sub3A_2249 = arith.subf %min3A_2244, %max3A_2242 : vector<16xf32>
        %max3A_2250 = arith.constant 0.000000e+00 : f32
        %max3A_2251 = vector.broadcast %max3A_2250 : f32 to vector<16xf32>
        %max3A_2252 = arith.maximumf %sub3A_2249, %max3A_2251 : vector<16xf32>
        %mul3A_2253 = arith.mulf %max3A_2248, %max3A_2252 : vector<16xf32>
        %get3A_2254 = arith.constant 624 : index
        %get3A_2255 = tpu.vector_load %arg8[%get3A_2254] {strides = array<i32>} : memref<768xf32, #tpu.memory_space<vmem>>, vector<16xf32>,
        %add3A_2256 = arith.addf %mul3A_630, %get3A_2255 : vector<16xf32>
        %sub3A_2257 = arith.subf %add3A_2256, %mul3A_2253 : vector<16xf32>
        %max3A_2258 = arith.constant 9.99999993E-9 : f32
        %max3A_2259 = vector.broadcast %max3A_2258 : f32 to vector<16xf32>
        %max3A_2260 = arith.maximumf %sub3A_2257, %max3A_2259 : vector<16xf32>
        %div3A_2261 = arith.divf %mul3A_2253, %max3A_2260 : vector<16xf32>
        %gt3A_2262 = vector.broadcast %scan3A_449 : f32 to vector<16xf32>
        %gt3A_2263 = arith.cmpf ogt, %div3A_2261, %gt3A_2262 : vector<16xf32>
        %get3A_2264 = arith.constant 624 : index
        %get3A_2265 = tpu.vector_load %arg9[%get3A_2264] {strides = array<i32>} : memref<768xf32, #tpu.memory_space<vmem>>, vector<16xf32>,
        %select_n3A_2266 = arith.select %gt3A_2263, %broadcast_in_dim3A_3, %get3A_2265 : vector<16xi1>, vector<16xf32>
        %swap3A_2267 = arith.constant 624 : index
        %swap3A_2268 = tpu.vector_load %arg9[%swap3A_2267] {strides = array<i32>} : memref<768xf32, #tpu.memory_space<vmem>>, vector<16xf32>,
        tpu.vector_store %arg9[%swap3A_2267], %select_n3A_2266 {strides = array<i32>} : memref<768xf32, #tpu.memory_space<vmem>>, vector<16xf32>,
        %gt3A_2269 = arith.cmpf ogt, %select_n3A_2266, %select_n3A_2229 : vector<16xf32>
        %select_n3A_2270 = arith.select %gt3A_2269, %select_n3A_2266, %select_n3A_2229 : vector<16xi1>, vector<16xf32>
        %broadcast_in_dim3A_2271 = arith.constant 39 : i32
        %broadcast_in_dim3A_2272 = vector.broadcast %broadcast_in_dim3A_2271 : i32 to vector<16xi32>
        %select_n3A_2273 = arith.select %gt3A_2269, %broadcast_in_dim3A_2272, %select_n3A_2232 : vector<16xi1>, vector<16xi32>
        %get3A_2274 = arith.constant 640 : index
        %get3A_2275 = tpu.vector_load %arg4[%get3A_2274] {strides = array<i32>} : memref<768xf32, #tpu.memory_space<vmem>>, vector<16xf32>,
        %get3A_2276 = arith.constant 640 : index
        %get3A_2277 = tpu.vector_load %arg5[%get3A_2276] {strides = array<i32>} : memref<768xf32, #tpu.memory_space<vmem>>, vector<16xf32>,
        %get3A_2278 = arith.constant 640 : index
        %get3A_2279 = tpu.vector_load %arg6[%get3A_2278] {strides = array<i32>} : memref<768xf32, #tpu.memory_space<vmem>>, vector<16xf32>,
        %get3A_2280 = arith.constant 640 : index
        %get3A_2281 = tpu.vector_load %arg7[%get3A_2280] {strides = array<i32>} : memref<768xf32, #tpu.memory_space<vmem>>, vector<16xf32>,
        %max3A_2282 = arith.maximumf %gather3A_550, %get3A_2275 : vector<16xf32>
        %max3A_2283 = arith.maximumf %gather3A_554, %get3A_2277 : vector<16xf32>
        %min3A_2284 = arith.minimumf %gather3A_558, %get3A_2279 : vector<16xf32>
        %min3A_2285 = arith.minimumf %gather3A_562, %get3A_2281 : vector<16xf32>
        %sub3A_2286 = arith.subf %min3A_2284, %max3A_2282 : vector<16xf32>
        %max3A_2287 = arith.constant 0.000000e+00 : f32
        %max3A_2288 = vector.broadcast %max3A_2287 : f32 to vector<16xf32>
        %max3A_2289 = arith.maximumf %sub3A_2286, %max3A_2288 : vector<16xf32>
        %sub3A_2290 = arith.subf %min3A_2285, %max3A_2283 : vector<16xf32>
        %max3A_2291 = arith.constant 0.000000e+00 : f32
        %max3A_2292 = vector.broadcast %max3A_2291 : f32 to vector<16xf32>
        %max3A_2293 = arith.maximumf %sub3A_2290, %max3A_2292 : vector<16xf32>
        %mul3A_2294 = arith.mulf %max3A_2289, %max3A_2293 : vector<16xf32>
        %get3A_2295 = arith.constant 640 : index
        %get3A_2296 = tpu.vector_load %arg8[%get3A_2295] {strides = array<i32>} : memref<768xf32, #tpu.memory_space<vmem>>, vector<16xf32>,
        %add3A_2297 = arith.addf %mul3A_630, %get3A_2296 : vector<16xf32>
        %sub3A_2298 = arith.subf %add3A_2297, %mul3A_2294 : vector<16xf32>
        %max3A_2299 = arith.constant 9.99999993E-9 : f32
        %max3A_2300 = vector.broadcast %max3A_2299 : f32 to vector<16xf32>
        %max3A_2301 = arith.maximumf %sub3A_2298, %max3A_2300 : vector<16xf32>
        %div3A_2302 = arith.divf %mul3A_2294, %max3A_2301 : vector<16xf32>
        %gt3A_2303 = vector.broadcast %scan3A_449 : f32 to vector<16xf32>
        %gt3A_2304 = arith.cmpf ogt, %div3A_2302, %gt3A_2303 : vector<16xf32>
        %get3A_2305 = arith.constant 640 : index
        %get3A_2306 = tpu.vector_load %arg9[%get3A_2305] {strides = array<i32>} : memref<768xf32, #tpu.memory_space<vmem>>, vector<16xf32>,
        %select_n3A_2307 = arith.select %gt3A_2304, %broadcast_in_dim3A_3, %get3A_2306 : vector<16xi1>, vector<16xf32>
        %swap3A_2308 = arith.constant 640 : index
        %swap3A_2309 = tpu.vector_load %arg9[%swap3A_2308] {strides = array<i32>} : memref<768xf32, #tpu.memory_space<vmem>>, vector<16xf32>,
        tpu.vector_store %arg9[%swap3A_2308], %select_n3A_2307 {strides = array<i32>} : memref<768xf32, #tpu.memory_space<vmem>>, vector<16xf32>,
        %gt3A_2310 = arith.cmpf ogt, %select_n3A_2307, %select_n3A_2270 : vector<16xf32>
        %select_n3A_2311 = arith.select %gt3A_2310, %select_n3A_2307, %select_n3A_2270 : vector<16xi1>, vector<16xf32>
        %broadcast_in_dim3A_2312 = arith.constant 40 : i32
        %broadcast_in_dim3A_2313 = vector.broadcast %broadcast_in_dim3A_2312 : i32 to vector<16xi32>
        %select_n3A_2314 = arith.select %gt3A_2310, %broadcast_in_dim3A_2313, %select_n3A_2273 : vector<16xi1>, vector<16xi32>
        %get3A_2315 = arith.constant 656 : index
        %get3A_2316 = tpu.vector_load %arg4[%get3A_2315] {strides = array<i32>} : memref<768xf32, #tpu.memory_space<vmem>>, vector<16xf32>,
        %get3A_2317 = arith.constant 656 : index
        %get3A_2318 = tpu.vector_load %arg5[%get3A_2317] {strides = array<i32>} : memref<768xf32, #tpu.memory_space<vmem>>, vector<16xf32>,
        %get3A_2319 = arith.constant 656 : index
        %get3A_2320 = tpu.vector_load %arg6[%get3A_2319] {strides = array<i32>} : memref<768xf32, #tpu.memory_space<vmem>>, vector<16xf32>,
        %get3A_2321 = arith.constant 656 : index
        %get3A_2322 = tpu.vector_load %arg7[%get3A_2321] {strides = array<i32>} : memref<768xf32, #tpu.memory_space<vmem>>, vector<16xf32>,
        %max3A_2323 = arith.maximumf %gather3A_550, %get3A_2316 : vector<16xf32>
        %max3A_2324 = arith.maximumf %gather3A_554, %get3A_2318 : vector<16xf32>
        %min3A_2325 = arith.minimumf %gather3A_558, %get3A_2320 : vector<16xf32>
        %min3A_2326 = arith.minimumf %gather3A_562, %get3A_2322 : vector<16xf32>
        %sub3A_2327 = arith.subf %min3A_2325, %max3A_2323 : vector<16xf32>
        %max3A_2328 = arith.constant 0.000000e+00 : f32
        %max3A_2329 = vector.broadcast %max3A_2328 : f32 to vector<16xf32>
        %max3A_2330 = arith.maximumf %sub3A_2327, %max3A_2329 : vector<16xf32>
        %sub3A_2331 = arith.subf %min3A_2326, %max3A_2324 : vector<16xf32>
        %max3A_2332 = arith.constant 0.000000e+00 : f32
        %max3A_2333 = vector.broadcast %max3A_2332 : f32 to vector<16xf32>
        %max3A_2334 = arith.maximumf %sub3A_2331, %max3A_2333 : vector<16xf32>
        %mul3A_2335 = arith.mulf %max3A_2330, %max3A_2334 : vector<16xf32>
        %get3A_2336 = arith.constant 656 : index
        %get3A_2337 = tpu.vector_load %arg8[%get3A_2336] {strides = array<i32>} : memref<768xf32, #tpu.memory_space<vmem>>, vector<16xf32>,
        %add3A_2338 = arith.addf %mul3A_630, %get3A_2337 : vector<16xf32>
        %sub3A_2339 = arith.subf %add3A_2338, %mul3A_2335 : vector<16xf32>
        %max3A_2340 = arith.constant 9.99999993E-9 : f32
        %max3A_2341 = vector.broadcast %max3A_2340 : f32 to vector<16xf32>
        %max3A_2342 = arith.maximumf %sub3A_2339, %max3A_2341 : vector<16xf32>
        %div3A_2343 = arith.divf %mul3A_2335, %max3A_2342 : vector<16xf32>
        %gt3A_2344 = vector.broadcast %scan3A_449 : f32 to vector<16xf32>
        %gt3A_2345 = arith.cmpf ogt, %div3A_2343, %gt3A_2344 : vector<16xf32>
        %get3A_2346 = arith.constant 656 : index
        %get3A_2347 = tpu.vector_load %arg9[%get3A_2346] {strides = array<i32>} : memref<768xf32, #tpu.memory_space<vmem>>, vector<16xf32>,
        %select_n3A_2348 = arith.select %gt3A_2345, %broadcast_in_dim3A_3, %get3A_2347 : vector<16xi1>, vector<16xf32>
        %swap3A_2349 = arith.constant 656 : index
        %swap3A_2350 = tpu.vector_load %arg9[%swap3A_2349] {strides = array<i32>} : memref<768xf32, #tpu.memory_space<vmem>>, vector<16xf32>,
        tpu.vector_store %arg9[%swap3A_2349], %select_n3A_2348 {strides = array<i32>} : memref<768xf32, #tpu.memory_space<vmem>>, vector<16xf32>,
        %gt3A_2351 = arith.cmpf ogt, %select_n3A_2348, %select_n3A_2311 : vector<16xf32>
        %select_n3A_2352 = arith.select %gt3A_2351, %select_n3A_2348, %select_n3A_2311 : vector<16xi1>, vector<16xf32>
        %broadcast_in_dim3A_2353 = arith.constant 41 : i32
        %broadcast_in_dim3A_2354 = vector.broadcast %broadcast_in_dim3A_2353 : i32 to vector<16xi32>
        %select_n3A_2355 = arith.select %gt3A_2351, %broadcast_in_dim3A_2354, %select_n3A_2314 : vector<16xi1>, vector<16xi32>
        %get3A_2356 = arith.constant 672 : index
        %get3A_2357 = tpu.vector_load %arg4[%get3A_2356] {strides = array<i32>} : memref<768xf32, #tpu.memory_space<vmem>>, vector<16xf32>,
        %get3A_2358 = arith.constant 672 : index
        %get3A_2359 = tpu.vector_load %arg5[%get3A_2358] {strides = array<i32>} : memref<768xf32, #tpu.memory_space<vmem>>, vector<16xf32>,
        %get3A_2360 = arith.constant 672 : index
        %get3A_2361 = tpu.vector_load %arg6[%get3A_2360] {strides = array<i32>} : memref<768xf32, #tpu.memory_space<vmem>>, vector<16xf32>,
        %get3A_2362 = arith.constant 672 : index
        %get3A_2363 = tpu.vector_load %arg7[%get3A_2362] {strides = array<i32>} : memref<768xf32, #tpu.memory_space<vmem>>, vector<16xf32>,
        %max3A_2364 = arith.maximumf %gather3A_550, %get3A_2357 : vector<16xf32>
        %max3A_2365 = arith.maximumf %gather3A_554, %get3A_2359 : vector<16xf32>
        %min3A_2366 = arith.minimumf %gather3A_558, %get3A_2361 : vector<16xf32>
        %min3A_2367 = arith.minimumf %gather3A_562, %get3A_2363 : vector<16xf32>
        %sub3A_2368 = arith.subf %min3A_2366, %max3A_2364 : vector<16xf32>
        %max3A_2369 = arith.constant 0.000000e+00 : f32
        %max3A_2370 = vector.broadcast %max3A_2369 : f32 to vector<16xf32>
        %max3A_2371 = arith.maximumf %sub3A_2368, %max3A_2370 : vector<16xf32>
        %sub3A_2372 = arith.subf %min3A_2367, %max3A_2365 : vector<16xf32>
        %max3A_2373 = arith.constant 0.000000e+00 : f32
        %max3A_2374 = vector.broadcast %max3A_2373 : f32 to vector<16xf32>
        %max3A_2375 = arith.maximumf %sub3A_2372, %max3A_2374 : vector<16xf32>
        %mul3A_2376 = arith.mulf %max3A_2371, %max3A_2375 : vector<16xf32>
        %get3A_2377 = arith.constant 672 : index
        %get3A_2378 = tpu.vector_load %arg8[%get3A_2377] {strides = array<i32>} : memref<768xf32, #tpu.memory_space<vmem>>, vector<16xf32>,
        %add3A_2379 = arith.addf %mul3A_630, %get3A_2378 : vector<16xf32>
        %sub3A_2380 = arith.subf %add3A_2379, %mul3A_2376 : vector<16xf32>
        %max3A_2381 = arith.constant 9.99999993E-9 : f32
        %max3A_2382 = vector.broadcast %max3A_2381 : f32 to vector<16xf32>
        %max3A_2383 = arith.maximumf %sub3A_2380, %max3A_2382 : vector<16xf32>
        %div3A_2384 = arith.divf %mul3A_2376, %max3A_2383 : vector<16xf32>
        %gt3A_2385 = vector.broadcast %scan3A_449 : f32 to vector<16xf32>
        %gt3A_2386 = arith.cmpf ogt, %div3A_2384, %gt3A_2385 : vector<16xf32>
        %get3A_2387 = arith.constant 672 : index
        %get3A_2388 = tpu.vector_load %arg9[%get3A_2387] {strides = array<i32>} : memref<768xf32, #tpu.memory_space<vmem>>, vector<16xf32>,
        %select_n3A_2389 = arith.select %gt3A_2386, %broadcast_in_dim3A_3, %get3A_2388 : vector<16xi1>, vector<16xf32>
        %swap3A_2390 = arith.constant 672 : index
        %swap3A_2391 = tpu.vector_load %arg9[%swap3A_2390] {strides = array<i32>} : memref<768xf32, #tpu.memory_space<vmem>>, vector<16xf32>,
        tpu.vector_store %arg9[%swap3A_2390], %select_n3A_2389 {strides = array<i32>} : memref<768xf32, #tpu.memory_space<vmem>>, vector<16xf32>,
        %gt3A_2392 = arith.cmpf ogt, %select_n3A_2389, %select_n3A_2352 : vector<16xf32>
        %select_n3A_2393 = arith.select %gt3A_2392, %select_n3A_2389, %select_n3A_2352 : vector<16xi1>, vector<16xf32>
        %broadcast_in_dim3A_2394 = arith.constant 42 : i32
        %broadcast_in_dim3A_2395 = vector.broadcast %broadcast_in_dim3A_2394 : i32 to vector<16xi32>
        %select_n3A_2396 = arith.select %gt3A_2392, %broadcast_in_dim3A_2395, %select_n3A_2355 : vector<16xi1>, vector<16xi32>
        %get3A_2397 = arith.constant 688 : index
        %get3A_2398 = tpu.vector_load %arg4[%get3A_2397] {strides = array<i32>} : memref<768xf32, #tpu.memory_space<vmem>>, vector<16xf32>,
        %get3A_2399 = arith.constant 688 : index
        %get3A_2400 = tpu.vector_load %arg5[%get3A_2399] {strides = array<i32>} : memref<768xf32, #tpu.memory_space<vmem>>, vector<16xf32>,
        %get3A_2401 = arith.constant 688 : index
        %get3A_2402 = tpu.vector_load %arg6[%get3A_2401] {strides = array<i32>} : memref<768xf32, #tpu.memory_space<vmem>>, vector<16xf32>,
        %get3A_2403 = arith.constant 688 : index
        %get3A_2404 = tpu.vector_load %arg7[%get3A_2403] {strides = array<i32>} : memref<768xf32, #tpu.memory_space<vmem>>, vector<16xf32>,
        %max3A_2405 = arith.maximumf %gather3A_550, %get3A_2398 : vector<16xf32>
        %max3A_2406 = arith.maximumf %gather3A_554, %get3A_2400 : vector<16xf32>
        %min3A_2407 = arith.minimumf %gather3A_558, %get3A_2402 : vector<16xf32>
        %min3A_2408 = arith.minimumf %gather3A_562, %get3A_2404 : vector<16xf32>
        %sub3A_2409 = arith.subf %min3A_2407, %max3A_2405 : vector<16xf32>
        %max3A_2410 = arith.constant 0.000000e+00 : f32
        %max3A_2411 = vector.broadcast %max3A_2410 : f32 to vector<16xf32>
        %max3A_2412 = arith.maximumf %sub3A_2409, %max3A_2411 : vector<16xf32>
        %sub3A_2413 = arith.subf %min3A_2408, %max3A_2406 : vector<16xf32>
        %max3A_2414 = arith.constant 0.000000e+00 : f32
        %max3A_2415 = vector.broadcast %max3A_2414 : f32 to vector<16xf32>
        %max3A_2416 = arith.maximumf %sub3A_2413, %max3A_2415 : vector<16xf32>
        %mul3A_2417 = arith.mulf %max3A_2412, %max3A_2416 : vector<16xf32>
        %get3A_2418 = arith.constant 688 : index
        %get3A_2419 = tpu.vector_load %arg8[%get3A_2418] {strides = array<i32>} : memref<768xf32, #tpu.memory_space<vmem>>, vector<16xf32>,
        %add3A_2420 = arith.addf %mul3A_630, %get3A_2419 : vector<16xf32>
        %sub3A_2421 = arith.subf %add3A_2420, %mul3A_2417 : vector<16xf32>
        %max3A_2422 = arith.constant 9.99999993E-9 : f32
        %max3A_2423 = vector.broadcast %max3A_2422 : f32 to vector<16xf32>
        %max3A_2424 = arith.maximumf %sub3A_2421, %max3A_2423 : vector<16xf32>
        %div3A_2425 = arith.divf %mul3A_2417, %max3A_2424 : vector<16xf32>
        %gt3A_2426 = vector.broadcast %scan3A_449 : f32 to vector<16xf32>
        %gt3A_2427 = arith.cmpf ogt, %div3A_2425, %gt3A_2426 : vector<16xf32>
        %get3A_2428 = arith.constant 688 : index
        %get3A_2429 = tpu.vector_load %arg9[%get3A_2428] {strides = array<i32>} : memref<768xf32, #tpu.memory_space<vmem>>, vector<16xf32>,
        %select_n3A_2430 = arith.select %gt3A_2427, %broadcast_in_dim3A_3, %get3A_2429 : vector<16xi1>, vector<16xf32>
        %swap3A_2431 = arith.constant 688 : index
        %swap3A_2432 = tpu.vector_load %arg9[%swap3A_2431] {strides = array<i32>} : memref<768xf32, #tpu.memory_space<vmem>>, vector<16xf32>,
        tpu.vector_store %arg9[%swap3A_2431], %select_n3A_2430 {strides = array<i32>} : memref<768xf32, #tpu.memory_space<vmem>>, vector<16xf32>,
        %gt3A_2433 = arith.cmpf ogt, %select_n3A_2430, %select_n3A_2393 : vector<16xf32>
        %select_n3A_2434 = arith.select %gt3A_2433, %select_n3A_2430, %select_n3A_2393 : vector<16xi1>, vector<16xf32>
        %broadcast_in_dim3A_2435 = arith.constant 43 : i32
        %broadcast_in_dim3A_2436 = vector.broadcast %broadcast_in_dim3A_2435 : i32 to vector<16xi32>
        %select_n3A_2437 = arith.select %gt3A_2433, %broadcast_in_dim3A_2436, %select_n3A_2396 : vector<16xi1>, vector<16xi32>
        %get3A_2438 = arith.constant 704 : index
        %get3A_2439 = tpu.vector_load %arg4[%get3A_2438] {strides = array<i32>} : memref<768xf32, #tpu.memory_space<vmem>>, vector<16xf32>,
        %get3A_2440 = arith.constant 704 : index
        %get3A_2441 = tpu.vector_load %arg5[%get3A_2440] {strides = array<i32>} : memref<768xf32, #tpu.memory_space<vmem>>, vector<16xf32>,
        %get3A_2442 = arith.constant 704 : index
        %get3A_2443 = tpu.vector_load %arg6[%get3A_2442] {strides = array<i32>} : memref<768xf32, #tpu.memory_space<vmem>>, vector<16xf32>,
        %get3A_2444 = arith.constant 704 : index
        %get3A_2445 = tpu.vector_load %arg7[%get3A_2444] {strides = array<i32>} : memref<768xf32, #tpu.memory_space<vmem>>, vector<16xf32>,
        %max3A_2446 = arith.maximumf %gather3A_550, %get3A_2439 : vector<16xf32>
        %max3A_2447 = arith.maximumf %gather3A_554, %get3A_2441 : vector<16xf32>
        %min3A_2448 = arith.minimumf %gather3A_558, %get3A_2443 : vector<16xf32>
        %min3A_2449 = arith.minimumf %gather3A_562, %get3A_2445 : vector<16xf32>
        %sub3A_2450 = arith.subf %min3A_2448, %max3A_2446 : vector<16xf32>
        %max3A_2451 = arith.constant 0.000000e+00 : f32
        %max3A_2452 = vector.broadcast %max3A_2451 : f32 to vector<16xf32>
        %max3A_2453 = arith.maximumf %sub3A_2450, %max3A_2452 : vector<16xf32>
        %sub3A_2454 = arith.subf %min3A_2449, %max3A_2447 : vector<16xf32>
        %max3A_2455 = arith.constant 0.000000e+00 : f32
        %max3A_2456 = vector.broadcast %max3A_2455 : f32 to vector<16xf32>
        %max3A_2457 = arith.maximumf %sub3A_2454, %max3A_2456 : vector<16xf32>
        %mul3A_2458 = arith.mulf %max3A_2453, %max3A_2457 : vector<16xf32>
        %get3A_2459 = arith.constant 704 : index
        %get3A_2460 = tpu.vector_load %arg8[%get3A_2459] {strides = array<i32>} : memref<768xf32, #tpu.memory_space<vmem>>, vector<16xf32>,
        %add3A_2461 = arith.addf %mul3A_630, %get3A_2460 : vector<16xf32>
        %sub3A_2462 = arith.subf %add3A_2461, %mul3A_2458 : vector<16xf32>
        %max3A_2463 = arith.constant 9.99999993E-9 : f32
        %max3A_2464 = vector.broadcast %max3A_2463 : f32 to vector<16xf32>
        %max3A_2465 = arith.maximumf %sub3A_2462, %max3A_2464 : vector<16xf32>
        %div3A_2466 = arith.divf %mul3A_2458, %max3A_2465 : vector<16xf32>
        %gt3A_2467 = vector.broadcast %scan3A_449 : f32 to vector<16xf32>
        %gt3A_2468 = arith.cmpf ogt, %div3A_2466, %gt3A_2467 : vector<16xf32>
        %get3A_2469 = arith.constant 704 : index
        %get3A_2470 = tpu.vector_load %arg9[%get3A_2469] {strides = array<i32>} : memref<768xf32, #tpu.memory_space<vmem>>, vector<16xf32>,
        %select_n3A_2471 = arith.select %gt3A_2468, %broadcast_in_dim3A_3, %get3A_2470 : vector<16xi1>, vector<16xf32>
        %swap3A_2472 = arith.constant 704 : index
        %swap3A_2473 = tpu.vector_load %arg9[%swap3A_2472] {strides = array<i32>} : memref<768xf32, #tpu.memory_space<vmem>>, vector<16xf32>,
        tpu.vector_store %arg9[%swap3A_2472], %select_n3A_2471 {strides = array<i32>} : memref<768xf32, #tpu.memory_space<vmem>>, vector<16xf32>,
        %gt3A_2474 = arith.cmpf ogt, %select_n3A_2471, %select_n3A_2434 : vector<16xf32>
        %select_n3A_2475 = arith.select %gt3A_2474, %select_n3A_2471, %select_n3A_2434 : vector<16xi1>, vector<16xf32>
        %broadcast_in_dim3A_2476 = arith.constant 44 : i32
        %broadcast_in_dim3A_2477 = vector.broadcast %broadcast_in_dim3A_2476 : i32 to vector<16xi32>
        %select_n3A_2478 = arith.select %gt3A_2474, %broadcast_in_dim3A_2477, %select_n3A_2437 : vector<16xi1>, vector<16xi32>
        %get3A_2479 = arith.constant 720 : index
        %get3A_2480 = tpu.vector_load %arg4[%get3A_2479] {strides = array<i32>} : memref<768xf32, #tpu.memory_space<vmem>>, vector<16xf32>,
        %get3A_2481 = arith.constant 720 : index
        %get3A_2482 = tpu.vector_load %arg5[%get3A_2481] {strides = array<i32>} : memref<768xf32, #tpu.memory_space<vmem>>, vector<16xf32>,
        %get3A_2483 = arith.constant 720 : index
        %get3A_2484 = tpu.vector_load %arg6[%get3A_2483] {strides = array<i32>} : memref<768xf32, #tpu.memory_space<vmem>>, vector<16xf32>,
        %get3A_2485 = arith.constant 720 : index
        %get3A_2486 = tpu.vector_load %arg7[%get3A_2485] {strides = array<i32>} : memref<768xf32, #tpu.memory_space<vmem>>, vector<16xf32>,
        %max3A_2487 = arith.maximumf %gather3A_550, %get3A_2480 : vector<16xf32>
        %max3A_2488 = arith.maximumf %gather3A_554, %get3A_2482 : vector<16xf32>
        %min3A_2489 = arith.minimumf %gather3A_558, %get3A_2484 : vector<16xf32>
        %min3A_2490 = arith.minimumf %gather3A_562, %get3A_2486 : vector<16xf32>
        %sub3A_2491 = arith.subf %min3A_2489, %max3A_2487 : vector<16xf32>
        %max3A_2492 = arith.constant 0.000000e+00 : f32
        %max3A_2493 = vector.broadcast %max3A_2492 : f32 to vector<16xf32>
        %max3A_2494 = arith.maximumf %sub3A_2491, %max3A_2493 : vector<16xf32>
        %sub3A_2495 = arith.subf %min3A_2490, %max3A_2488 : vector<16xf32>
        %max3A_2496 = arith.constant 0.000000e+00 : f32
        %max3A_2497 = vector.broadcast %max3A_2496 : f32 to vector<16xf32>
        %max3A_2498 = arith.maximumf %sub3A_2495, %max3A_2497 : vector<16xf32>
        %mul3A_2499 = arith.mulf %max3A_2494, %max3A_2498 : vector<16xf32>
        %get3A_2500 = arith.constant 720 : index
        %get3A_2501 = tpu.vector_load %arg8[%get3A_2500] {strides = array<i32>} : memref<768xf32, #tpu.memory_space<vmem>>, vector<16xf32>,
        %add3A_2502 = arith.addf %mul3A_630, %get3A_2501 : vector<16xf32>
        %sub3A_2503 = arith.subf %add3A_2502, %mul3A_2499 : vector<16xf32>
        %max3A_2504 = arith.constant 9.99999993E-9 : f32
        %max3A_2505 = vector.broadcast %max3A_2504 : f32 to vector<16xf32>
        %max3A_2506 = arith.maximumf %sub3A_2503, %max3A_2505 : vector<16xf32>
        %div3A_2507 = arith.divf %mul3A_2499, %max3A_2506 : vector<16xf32>
        %gt3A_2508 = vector.broadcast %scan3A_449 : f32 to vector<16xf32>
        %gt3A_2509 = arith.cmpf ogt, %div3A_2507, %gt3A_2508 : vector<16xf32>
        %get3A_2510 = arith.constant 720 : index
        %get3A_2511 = tpu.vector_load %arg9[%get3A_2510] {strides = array<i32>} : memref<768xf32, #tpu.memory_space<vmem>>, vector<16xf32>,
        %select_n3A_2512 = arith.select %gt3A_2509, %broadcast_in_dim3A_3, %get3A_2511 : vector<16xi1>, vector<16xf32>
        %swap3A_2513 = arith.constant 720 : index
        %swap3A_2514 = tpu.vector_load %arg9[%swap3A_2513] {strides = array<i32>} : memref<768xf32, #tpu.memory_space<vmem>>, vector<16xf32>,
        tpu.vector_store %arg9[%swap3A_2513], %select_n3A_2512 {strides = array<i32>} : memref<768xf32, #tpu.memory_space<vmem>>, vector<16xf32>,
        %gt3A_2515 = arith.cmpf ogt, %select_n3A_2512, %select_n3A_2475 : vector<16xf32>
        %select_n3A_2516 = arith.select %gt3A_2515, %select_n3A_2512, %select_n3A_2475 : vector<16xi1>, vector<16xf32>
        %broadcast_in_dim3A_2517 = arith.constant 45 : i32
        %broadcast_in_dim3A_2518 = vector.broadcast %broadcast_in_dim3A_2517 : i32 to vector<16xi32>
        %select_n3A_2519 = arith.select %gt3A_2515, %broadcast_in_dim3A_2518, %select_n3A_2478 : vector<16xi1>, vector<16xi32>
        %get3A_2520 = arith.constant 736 : index
        %get3A_2521 = tpu.vector_load %arg4[%get3A_2520] {strides = array<i32>} : memref<768xf32, #tpu.memory_space<vmem>>, vector<16xf32>,
        %get3A_2522 = arith.constant 736 : index
        %get3A_2523 = tpu.vector_load %arg5[%get3A_2522] {strides = array<i32>} : memref<768xf32, #tpu.memory_space<vmem>>, vector<16xf32>,
        %get3A_2524 = arith.constant 736 : index
        %get3A_2525 = tpu.vector_load %arg6[%get3A_2524] {strides = array<i32>} : memref<768xf32, #tpu.memory_space<vmem>>, vector<16xf32>,
        %get3A_2526 = arith.constant 736 : index
        %get3A_2527 = tpu.vector_load %arg7[%get3A_2526] {strides = array<i32>} : memref<768xf32, #tpu.memory_space<vmem>>, vector<16xf32>,
        %max3A_2528 = arith.maximumf %gather3A_550, %get3A_2521 : vector<16xf32>
        %max3A_2529 = arith.maximumf %gather3A_554, %get3A_2523 : vector<16xf32>
        %min3A_2530 = arith.minimumf %gather3A_558, %get3A_2525 : vector<16xf32>
        %min3A_2531 = arith.minimumf %gather3A_562, %get3A_2527 : vector<16xf32>
        %sub3A_2532 = arith.subf %min3A_2530, %max3A_2528 : vector<16xf32>
        %max3A_2533 = arith.constant 0.000000e+00 : f32
        %max3A_2534 = vector.broadcast %max3A_2533 : f32 to vector<16xf32>
        %max3A_2535 = arith.maximumf %sub3A_2532, %max3A_2534 : vector<16xf32>
        %sub3A_2536 = arith.subf %min3A_2531, %max3A_2529 : vector<16xf32>
        %max3A_2537 = arith.constant 0.000000e+00 : f32
        %max3A_2538 = vector.broadcast %max3A_2537 : f32 to vector<16xf32>
        %max3A_2539 = arith.maximumf %sub3A_2536, %max3A_2538 : vector<16xf32>
        %mul3A_2540 = arith.mulf %max3A_2535, %max3A_2539 : vector<16xf32>
        %get3A_2541 = arith.constant 736 : index
        %get3A_2542 = tpu.vector_load %arg8[%get3A_2541] {strides = array<i32>} : memref<768xf32, #tpu.memory_space<vmem>>, vector<16xf32>,
        %add3A_2543 = arith.addf %mul3A_630, %get3A_2542 : vector<16xf32>
        %sub3A_2544 = arith.subf %add3A_2543, %mul3A_2540 : vector<16xf32>
        %max3A_2545 = arith.constant 9.99999993E-9 : f32
        %max3A_2546 = vector.broadcast %max3A_2545 : f32 to vector<16xf32>
        %max3A_2547 = arith.maximumf %sub3A_2544, %max3A_2546 : vector<16xf32>
        %div3A_2548 = arith.divf %mul3A_2540, %max3A_2547 : vector<16xf32>
        %gt3A_2549 = vector.broadcast %scan3A_449 : f32 to vector<16xf32>
        %gt3A_2550 = arith.cmpf ogt, %div3A_2548, %gt3A_2549 : vector<16xf32>
        %get3A_2551 = arith.constant 736 : index
        %get3A_2552 = tpu.vector_load %arg9[%get3A_2551] {strides = array<i32>} : memref<768xf32, #tpu.memory_space<vmem>>, vector<16xf32>,
        %select_n3A_2553 = arith.select %gt3A_2550, %broadcast_in_dim3A_3, %get3A_2552 : vector<16xi1>, vector<16xf32>
        %swap3A_2554 = arith.constant 736 : index
        %swap3A_2555 = tpu.vector_load %arg9[%swap3A_2554] {strides = array<i32>} : memref<768xf32, #tpu.memory_space<vmem>>, vector<16xf32>,
        tpu.vector_store %arg9[%swap3A_2554], %select_n3A_2553 {strides = array<i32>} : memref<768xf32, #tpu.memory_space<vmem>>, vector<16xf32>,
        %gt3A_2556 = arith.cmpf ogt, %select_n3A_2553, %select_n3A_2516 : vector<16xf32>
        %select_n3A_2557 = arith.select %gt3A_2556, %select_n3A_2553, %select_n3A_2516 : vector<16xi1>, vector<16xf32>
        %broadcast_in_dim3A_2558 = arith.constant 46 : i32
        %broadcast_in_dim3A_2559 = vector.broadcast %broadcast_in_dim3A_2558 : i32 to vector<16xi32>
        %select_n3A_2560 = arith.select %gt3A_2556, %broadcast_in_dim3A_2559, %select_n3A_2519 : vector<16xi1>, vector<16xi32>
        %get3A_2561 = arith.constant 752 : index
        %get3A_2562 = tpu.vector_load %arg4[%get3A_2561] {strides = array<i32>} : memref<768xf32, #tpu.memory_space<vmem>>, vector<16xf32>,
        %get3A_2563 = arith.constant 752 : index
        %get3A_2564 = tpu.vector_load %arg5[%get3A_2563] {strides = array<i32>} : memref<768xf32, #tpu.memory_space<vmem>>, vector<16xf32>,
        %get3A_2565 = arith.constant 752 : index
        %get3A_2566 = tpu.vector_load %arg6[%get3A_2565] {strides = array<i32>} : memref<768xf32, #tpu.memory_space<vmem>>, vector<16xf32>,
        %get3A_2567 = arith.constant 752 : index
        %get3A_2568 = tpu.vector_load %arg7[%get3A_2567] {strides = array<i32>} : memref<768xf32, #tpu.memory_space<vmem>>, vector<16xf32>,
        %max3A_2569 = arith.maximumf %gather3A_550, %get3A_2562 : vector<16xf32>
        %max3A_2570 = arith.maximumf %gather3A_554, %get3A_2564 : vector<16xf32>
        %min3A_2571 = arith.minimumf %gather3A_558, %get3A_2566 : vector<16xf32>
        %min3A_2572 = arith.minimumf %gather3A_562, %get3A_2568 : vector<16xf32>
        %sub3A_2573 = arith.subf %min3A_2571, %max3A_2569 : vector<16xf32>
        %max3A_2574 = arith.constant 0.000000e+00 : f32
        %max3A_2575 = vector.broadcast %max3A_2574 : f32 to vector<16xf32>
        %max3A_2576 = arith.maximumf %sub3A_2573, %max3A_2575 : vector<16xf32>
        %sub3A_2577 = arith.subf %min3A_2572, %max3A_2570 : vector<16xf32>
        %max3A_2578 = arith.constant 0.000000e+00 : f32
        %max3A_2579 = vector.broadcast %max3A_2578 : f32 to vector<16xf32>
        %max3A_2580 = arith.maximumf %sub3A_2577, %max3A_2579 : vector<16xf32>
        %mul3A_2581 = arith.mulf %max3A_2576, %max3A_2580 : vector<16xf32>
        %get3A_2582 = arith.constant 752 : index
        %get3A_2583 = tpu.vector_load %arg8[%get3A_2582] {strides = array<i32>} : memref<768xf32, #tpu.memory_space<vmem>>, vector<16xf32>,
        %add3A_2584 = arith.addf %mul3A_630, %get3A_2583 : vector<16xf32>
        %sub3A_2585 = arith.subf %add3A_2584, %mul3A_2581 : vector<16xf32>
        %max3A_2586 = arith.constant 9.99999993E-9 : f32
        %max3A_2587 = vector.broadcast %max3A_2586 : f32 to vector<16xf32>
        %max3A_2588 = arith.maximumf %sub3A_2585, %max3A_2587 : vector<16xf32>
        %div3A_2589 = arith.divf %mul3A_2581, %max3A_2588 : vector<16xf32>
        %gt3A_2590 = vector.broadcast %scan3A_449 : f32 to vector<16xf32>
        %gt3A_2591 = arith.cmpf ogt, %div3A_2589, %gt3A_2590 : vector<16xf32>
        %get3A_2592 = arith.constant 752 : index
        %get3A_2593 = tpu.vector_load %arg9[%get3A_2592] {strides = array<i32>} : memref<768xf32, #tpu.memory_space<vmem>>, vector<16xf32>,
        %select_n3A_2594 = arith.select %gt3A_2591, %broadcast_in_dim3A_3, %get3A_2593 : vector<16xi1>, vector<16xf32>
        %swap3A_2595 = arith.constant 752 : index
        %swap3A_2596 = tpu.vector_load %arg9[%swap3A_2595] {strides = array<i32>} : memref<768xf32, #tpu.memory_space<vmem>>, vector<16xf32>,
        tpu.vector_store %arg9[%swap3A_2595], %select_n3A_2594 {strides = array<i32>} : memref<768xf32, #tpu.memory_space<vmem>>, vector<16xf32>,
        %gt3A_2597 = arith.cmpf ogt, %select_n3A_2594, %select_n3A_2557 : vector<16xf32>
        %select_n3A_2598 = arith.select %gt3A_2597, %select_n3A_2594, %select_n3A_2557 : vector<16xi1>, vector<16xf32>
        %broadcast_in_dim3A_2599 = arith.constant 47 : i32
        %broadcast_in_dim3A_2600 = vector.broadcast %broadcast_in_dim3A_2599 : i32 to vector<16xi32>
        %select_n3A_2601 = arith.select %gt3A_2597, %broadcast_in_dim3A_2600, %select_n3A_2560 : vector<16xi1>, vector<16xi32>
        %mul3A_2602 = arith.constant 16 : i32
        %mul3A_2603 = vector.broadcast %mul3A_2602 : i32 to vector<16xi32>
        %mul3A_2604 = arith.muli %select_n3A_2601, %mul3A_2603 : vector<16xi32>
        %add3A_2605 = vector.broadcast %mul3A_2 : i32 to vector<16xi32>
        %add3A_2606 = arith.addi %add3A_2605, %mul3A_2604 : vector<16xi32>
        %add3A_2607 = arith.addi %iota3A, %add3A_2606 : vector<16xi32>
        scf.yield %select_n3A_2598, %add3A_2607 : vector<16xf32>, vector<16xi32>
      }
      %scan3A_455 = arith.constant 100 : i32
      %eq3A_456 = arith.constant 0 : i32
      %eq3A_457 = arith.cmpi eq, %arg1, %eq3A_456 : i32
      %convert_element_type3A_458 = arith.extui %eq3A_457 : i1 to i32
      %cond3A_459 = arith.constant 0 : i32
      %cond3A_460 = arith.cmpi ne, %convert_element_type3A_458, %cond3A_459 : i32
      scf.if %cond3A_460 {
        "tpu.region"() ({
          %run_scoped3A = tpu.sem_alloc : memref<!tpu.dma_semaphore, #tpu.memory_space<semaphore_mem>>
          tpu.enqueue_dma source(%arg12 : memref<1600xf32, #tpu.memory_space<vmem>>) target(%arg3 : memref<1600xf32, #tpu.memory_space<hbm>>) target_semaphore(%run_scoped3A : memref<!tpu.dma_semaphore, #tpu.memory_space<semaphore_mem>>)
          tpu.wait_dma2 semaphore(%run_scoped3A : memref<!tpu.dma_semaphore, #tpu.memory_space<semaphore_mem>>) src(%arg12 : memref<1600xf32, #tpu.memory_space<vmem>>) dst(%arg3 : memref<1600xf32, #tpu.memory_space<hbm>>)
          tpu.yield
        }) : () -> ()
      } else {
      }
    } else {
    }
    return
  }
}

module attributes {stable_mosaic.version = 14 : i64} {
  func.func @_decode_body(%arg0: memref<96x128xf32, #tpu.memory_space<vmem>>, %arg1: memref<96x128xf32, #tpu.memory_space<vmem>>, %arg2: memref<96x128xf32, #tpu.memory_space<vmem>>, %arg3: memref<96x128xf32, #tpu.memory_space<vmem>>, %arg4: memref<96x128xf32, #tpu.memory_space<vmem>>, %arg5: memref<96x128xf32, #tpu.memory_space<vmem>>, %arg6: memref<96x128xf32, #tpu.memory_space<vmem>>, %arg7: memref<96x128xf32, #tpu.memory_space<vmem>>, %arg8: memref<96x128xf32, #tpu.memory_space<vmem>>, %arg9: memref<96x128xf32, #tpu.memory_space<vmem>>, %arg10: memref<6x96x128xf32, #tpu.memory_space<vmem>>) attributes {dimension_semantics = [], scalar_prefetch = 0 : i64, scratch_operands = 0 : i64, tpu.core_type = #tpu.core_type<tc>} {
    %get3A = arith.constant 0 : index
    %get3A_0 = arith.constant 0 : index
    %get3A_1 = vector.load %arg6[%get3A, %get3A_0] : memref<96x128xf32, #tpu.memory_space<vmem>>, vector<96x128xf32>
    %get3A_2 = arith.constant 0 : index
    %get3A_3 = arith.constant 0 : index
    %get3A_4 = vector.load %arg7[%get3A_2, %get3A_3] : memref<96x128xf32, #tpu.memory_space<vmem>>, vector<96x128xf32>
    %get3A_5 = arith.constant 0 : index
    %get3A_6 = arith.constant 0 : index
    %get3A_7 = vector.load %arg8[%get3A_5, %get3A_6] : memref<96x128xf32, #tpu.memory_space<vmem>>, vector<96x128xf32>
    %get3A_8 = arith.constant 0 : index
    %get3A_9 = arith.constant 0 : index
    %get3A_10 = vector.load %arg9[%get3A_8, %get3A_9] : memref<96x128xf32, #tpu.memory_space<vmem>>, vector<96x128xf32>
    %get3A_11 = arith.constant 0 : index
    %get3A_12 = arith.constant 0 : index
    %get3A_13 = vector.load %arg0[%get3A_11, %get3A_12] : memref<96x128xf32, #tpu.memory_space<vmem>>, vector<96x128xf32>
    %div3A = arith.constant 1.000000e+01 : f32
    %div3A_14 = vector.broadcast %div3A : f32 to vector<96x128xf32>
    %div3A_15 = arith.divf %get3A_13, %div3A_14 : vector<96x128xf32>
    %get3A_16 = arith.constant 0 : index
    %get3A_17 = arith.constant 0 : index
    %get3A_18 = vector.load %arg1[%get3A_16, %get3A_17] : memref<96x128xf32, #tpu.memory_space<vmem>>, vector<96x128xf32>
    %div3A_19 = arith.constant 1.000000e+01 : f32
    %div3A_20 = vector.broadcast %div3A_19 : f32 to vector<96x128xf32>
    %div3A_21 = arith.divf %get3A_18, %div3A_20 : vector<96x128xf32>
    %get3A_22 = arith.constant 0 : index
    %get3A_23 = arith.constant 0 : index
    %get3A_24 = vector.load %arg2[%get3A_22, %get3A_23] : memref<96x128xf32, #tpu.memory_space<vmem>>, vector<96x128xf32>
    %div3A_25 = arith.constant 5.000000e+00 : f32
    %div3A_26 = vector.broadcast %div3A_25 : f32 to vector<96x128xf32>
    %div3A_27 = arith.divf %get3A_24, %div3A_26 : vector<96x128xf32>
    %get3A_28 = arith.constant 0 : index
    %get3A_29 = arith.constant 0 : index
    %get3A_30 = vector.load %arg3[%get3A_28, %get3A_29] : memref<96x128xf32, #tpu.memory_space<vmem>>, vector<96x128xf32>
    %div3A_31 = arith.constant 5.000000e+00 : f32
    %div3A_32 = vector.broadcast %div3A_31 : f32 to vector<96x128xf32>
    %div3A_33 = arith.divf %get3A_30, %div3A_32 : vector<96x128xf32>
    %mul3A = arith.mulf %div3A_15, %get3A_7 : vector<96x128xf32>
    %add3A = arith.addf %mul3A, %get3A_1 : vector<96x128xf32>
    %mul3A_34 = arith.mulf %div3A_21, %get3A_10 : vector<96x128xf32>
    %add3A_35 = arith.addf %mul3A_34, %get3A_4 : vector<96x128xf32>
    %exp3A = math.exp %div3A_27 : vector<96x128xf32>
    %mul3A_36 = arith.mulf %exp3A, %get3A_7 : vector<96x128xf32>
    %exp3A_37 = math.exp %div3A_33 : vector<96x128xf32>
    %mul3A_38 = arith.mulf %exp3A_37, %get3A_10 : vector<96x128xf32>
    %div3A_39 = arith.constant 2.000000e+00 : f32
    %div3A_40 = vector.broadcast %div3A_39 : f32 to vector<96x128xf32>
    %div3A_41 = arith.divf %mul3A_36, %div3A_40 : vector<96x128xf32>
    %sub3A = arith.subf %add3A, %div3A_41 : vector<96x128xf32>
    %jit3A = arith.constant 0.000000e+00 : f32
    %jit3A_42 = arith.constant 5.120000e+02 : f32
    %max3A = vector.broadcast %jit3A : f32 to vector<96x128xf32>
    %max3A_43 = arith.maximumf %max3A, %sub3A : vector<96x128xf32>
    %min3A = vector.broadcast %jit3A_42 : f32 to vector<96x128xf32>
    %min3A_44 = arith.minimumf %min3A, %max3A_43 : vector<96x128xf32>
    %div3A_45 = arith.constant 2.000000e+00 : f32
    %div3A_46 = vector.broadcast %div3A_45 : f32 to vector<96x128xf32>
    %div3A_47 = arith.divf %mul3A_38, %div3A_46 : vector<96x128xf32>
    %sub3A_48 = arith.subf %add3A_35, %div3A_47 : vector<96x128xf32>
    %jit3A_49 = arith.constant 0.000000e+00 : f32
    %jit3A_50 = arith.constant 5.120000e+02 : f32
    %max3A_51 = vector.broadcast %jit3A_49 : f32 to vector<96x128xf32>
    %max3A_52 = arith.maximumf %max3A_51, %sub3A_48 : vector<96x128xf32>
    %min3A_53 = vector.broadcast %jit3A_50 : f32 to vector<96x128xf32>
    %min3A_54 = arith.minimumf %min3A_53, %max3A_52 : vector<96x128xf32>
    %div3A_55 = arith.constant 2.000000e+00 : f32
    %div3A_56 = vector.broadcast %div3A_55 : f32 to vector<96x128xf32>
    %div3A_57 = arith.divf %mul3A_36, %div3A_56 : vector<96x128xf32>
    %add3A_58 = arith.addf %add3A, %div3A_57 : vector<96x128xf32>
    %jit3A_59 = arith.constant 0.000000e+00 : f32
    %jit3A_60 = arith.constant 5.120000e+02 : f32
    %max3A_61 = vector.broadcast %jit3A_59 : f32 to vector<96x128xf32>
    %max3A_62 = arith.maximumf %max3A_61, %add3A_58 : vector<96x128xf32>
    %min3A_63 = vector.broadcast %jit3A_60 : f32 to vector<96x128xf32>
    %min3A_64 = arith.minimumf %min3A_63, %max3A_62 : vector<96x128xf32>
    %div3A_65 = arith.constant 2.000000e+00 : f32
    %div3A_66 = vector.broadcast %div3A_65 : f32 to vector<96x128xf32>
    %div3A_67 = arith.divf %mul3A_38, %div3A_66 : vector<96x128xf32>
    %add3A_68 = arith.addf %add3A_35, %div3A_67 : vector<96x128xf32>
    %jit3A_69 = arith.constant 0.000000e+00 : f32
    %jit3A_70 = arith.constant 5.120000e+02 : f32
    %max3A_71 = vector.broadcast %jit3A_69 : f32 to vector<96x128xf32>
    %max3A_72 = arith.maximumf %max3A_71, %add3A_68 : vector<96x128xf32>
    %min3A_73 = vector.broadcast %jit3A_70 : f32 to vector<96x128xf32>
    %min3A_74 = arith.minimumf %min3A_73, %max3A_72 : vector<96x128xf32>
    %get3A_75 = arith.constant 0 : index
    %get3A_76 = arith.constant 0 : index
    %get3A_77 = vector.load %arg4[%get3A_75, %get3A_76] : memref<96x128xf32, #tpu.memory_space<vmem>>, vector<96x128xf32>
    %get3A_78 = arith.constant 0 : index
    %get3A_79 = arith.constant 0 : index
    %get3A_80 = vector.load %arg5[%get3A_78, %get3A_79] : memref<96x128xf32, #tpu.memory_space<vmem>>, vector<96x128xf32>
    %max3A_81 = arith.maximumf %get3A_77, %get3A_80 : vector<96x128xf32>
    %sub3A_82 = arith.subf %get3A_77, %max3A_81 : vector<96x128xf32>
    %exp3A_83 = math.exp %sub3A_82 : vector<96x128xf32>
    %sub3A_84 = arith.subf %get3A_80, %max3A_81 : vector<96x128xf32>
    %exp3A_85 = math.exp %sub3A_84 : vector<96x128xf32>
    %swap3A = arith.constant 0 : index
    %swap3A_86 = arith.constant 0 : index
    %swap3A_87 = arith.constant 0 : index
    %swap3A_88 = vector.load %arg10[%swap3A, %swap3A_86, %swap3A_87] : memref<6x96x128xf32, #tpu.memory_space<vmem>>, vector<1x96x128xf32>
    %swap3A_89 = vector.shape_cast %swap3A_88 : vector<1x96x128xf32> to vector<96x128xf32>
    %swap3A_90 = vector.shape_cast %min3A_44 : vector<96x128xf32> to vector<1x96x128xf32>
    tpu.vector_store %arg10[%swap3A, %swap3A_86, %swap3A_87], %swap3A_90 {strides = array<i32>} : memref<6x96x128xf32, #tpu.memory_space<vmem>>, vector<1x96x128xf32>,
    %swap3A_91 = arith.constant 1 : index
    %swap3A_92 = arith.constant 0 : index
    %swap3A_93 = arith.constant 0 : index
    %swap3A_94 = vector.load %arg10[%swap3A_91, %swap3A_92, %swap3A_93] : memref<6x96x128xf32, #tpu.memory_space<vmem>>, vector<1x96x128xf32>
    %swap3A_95 = vector.shape_cast %swap3A_94 : vector<1x96x128xf32> to vector<96x128xf32>
    %swap3A_96 = vector.shape_cast %min3A_54 : vector<96x128xf32> to vector<1x96x128xf32>
    tpu.vector_store %arg10[%swap3A_91, %swap3A_92, %swap3A_93], %swap3A_96 {strides = array<i32>} : memref<6x96x128xf32, #tpu.memory_space<vmem>>, vector<1x96x128xf32>,
    %swap3A_97 = arith.constant 2 : index
    %swap3A_98 = arith.constant 0 : index
    %swap3A_99 = arith.constant 0 : index
    %swap3A_100 = vector.load %arg10[%swap3A_97, %swap3A_98, %swap3A_99] : memref<6x96x128xf32, #tpu.memory_space<vmem>>, vector<1x96x128xf32>
    %swap3A_101 = vector.shape_cast %swap3A_100 : vector<1x96x128xf32> to vector<96x128xf32>
    %swap3A_102 = vector.shape_cast %min3A_64 : vector<96x128xf32> to vector<1x96x128xf32>
    tpu.vector_store %arg10[%swap3A_97, %swap3A_98, %swap3A_99], %swap3A_102 {strides = array<i32>} : memref<6x96x128xf32, #tpu.memory_space<vmem>>, vector<1x96x128xf32>,
    %swap3A_103 = arith.constant 3 : index
    %swap3A_104 = arith.constant 0 : index
    %swap3A_105 = arith.constant 0 : index
    %swap3A_106 = vector.load %arg10[%swap3A_103, %swap3A_104, %swap3A_105] : memref<6x96x128xf32, #tpu.memory_space<vmem>>, vector<1x96x128xf32>
    %swap3A_107 = vector.shape_cast %swap3A_106 : vector<1x96x128xf32> to vector<96x128xf32>
    %swap3A_108 = vector.shape_cast %min3A_74 : vector<96x128xf32> to vector<1x96x128xf32>
    tpu.vector_store %arg10[%swap3A_103, %swap3A_104, %swap3A_105], %swap3A_108 {strides = array<i32>} : memref<6x96x128xf32, #tpu.memory_space<vmem>>, vector<1x96x128xf32>,
    %sub3A_109 = arith.subf %min3A_64, %min3A_44 : vector<96x128xf32>
    %max3A_110 = arith.constant 0.000000e+00 : f32
    %max3A_111 = vector.broadcast %max3A_110 : f32 to vector<96x128xf32>
    %max3A_112 = arith.maximumf %sub3A_109, %max3A_111 : vector<96x128xf32>
    %sub3A_113 = arith.subf %min3A_74, %min3A_54 : vector<96x128xf32>
    %max3A_114 = arith.constant 0.000000e+00 : f32
    %max3A_115 = vector.broadcast %max3A_114 : f32 to vector<96x128xf32>
    %max3A_116 = arith.maximumf %sub3A_113, %max3A_115 : vector<96x128xf32>
    %mul3A_117 = arith.mulf %max3A_112, %max3A_116 : vector<96x128xf32>
    %swap3A_118 = arith.constant 4 : index
    %swap3A_119 = arith.constant 0 : index
    %swap3A_120 = arith.constant 0 : index
    %swap3A_121 = vector.load %arg10[%swap3A_118, %swap3A_119, %swap3A_120] : memref<6x96x128xf32, #tpu.memory_space<vmem>>, vector<1x96x128xf32>
    %swap3A_122 = vector.shape_cast %swap3A_121 : vector<1x96x128xf32> to vector<96x128xf32>
    %swap3A_123 = vector.shape_cast %mul3A_117 : vector<96x128xf32> to vector<1x96x128xf32>
    tpu.vector_store %arg10[%swap3A_118, %swap3A_119, %swap3A_120], %swap3A_123 {strides = array<i32>} : memref<6x96x128xf32, #tpu.memory_space<vmem>>, vector<1x96x128xf32>,
    %add3A_124 = arith.addf %exp3A_83, %exp3A_85 : vector<96x128xf32>
    %div3A_125 = arith.divf %exp3A_85, %add3A_124 : vector<96x128xf32>
    %swap3A_126 = arith.constant 5 : index
    %swap3A_127 = arith.constant 0 : index
    %swap3A_128 = arith.constant 0 : index
    %swap3A_129 = vector.load %arg10[%swap3A_126, %swap3A_127, %swap3A_128] : memref<6x96x128xf32, #tpu.memory_space<vmem>>, vector<1x96x128xf32>
    %swap3A_130 = vector.shape_cast %swap3A_129 : vector<1x96x128xf32> to vector<96x128xf32>
    %swap3A_131 = vector.shape_cast %div3A_125 : vector<96x128xf32> to vector<1x96x128xf32>
    tpu.vector_store %arg10[%swap3A_126, %swap3A_127, %swap3A_128], %swap3A_131 {strides = array<i32>} : memref<6x96x128xf32, #tpu.memory_space<vmem>>, vector<1x96x128xf32>,
    return
  }
}

</mosaic_0001>

<sc_bundles>
// kernel: kernel.4.cloned.1.call-start
scs
__scs_entry_jumppad:
0x0: {  	(pc) =	sbr.rel $0x88, $3  }
0x1: {  	(tag) =	ssettag $0x0;
	lr =	simm.s32 $0x1  }
0x2: {  	[smem:$0x3F9F] =	sst lr;
	_ =	strace $0xD0000000  }
0x3: {  	_ = 	snop  }
0x4: {  	_ = 	snop  }
0x5: {  	_ = 	snop  }
0x6: {  	_ = 	snop  }
0x7: {  	_ = 	snop  }
__scs_overlays_trampoline_lowered:
0x8: {  	[smem:$0x3FAE] =	sst s0  }
0x9: {  	[smem:$0x3FAF] =	sst s1  }
0xa: {  	[smem:$0x3FB0] =	sst s2  }
0xb: {  	[smem:$0x3FB1] =	sst s3  }
0xc: {  	[smem:$0x3FB2] =	sst s4  }
0xd: {  	[smem:$0x3FB3] =	sst s5  }
0xe: {  	[smem:$0x3FB4] =	sst s6  }
0xf: {  	[smem:$0x3FB5] =	sst s7  }
0x10: {  	[smem:$0x3FB6] =	sst s8  }
0x11: {  	[smem:$0x3FB7] =	sst s9;
	s0 =	simm.s32 @!p0 $0x0  }
0x12: {  	s1 =	sld [smem:$0x3F9D];
	s0 =	simm.s32 @p0 $0x1  }
0x13: {  	[smem:$0x3FB8] =	sst s0;
	s0 =	simm.s32 @!p1 $0x0  }
0x14: {  	s2 =	sld [smem:$0x3F9C];
	s0 =	simm.s32 @p1 $0x1  }
0x15: {  	[smem:$0x3FB9] =	sst s0;
	s0 =	simm.s32 @!p2 $0x0  }
0x16: {  	s3 =	sld [smem:$0x3FDB];
	s0 =	simm.s32 @p2 $0x1  }
0x17: {  	s4 =	simm.s32 $0x1BF5;
	[smem:$0x3FBB] =	sst s0  }
0x18: {  	s0 =	sld [smem:$0x3F9E];
	_ =	swait.ge [sflag:s4], $0x0  }
0x19: {  	s7 =	sld [smem:$0x3F9F]  }
0x1a: {  	s8 =	sadd.s32 $0xFFFFE003, lr  }
0x1b: {  	s9 =	sadd.s32 $0xFFFFFEF7, lr;
	s5 =	simm.s32 $0xFFFFFFFF;
	p2 =	slt.u32 s8, $0xFFFFF086  }
0x1c: {  	p1 =	slt.u32 s9, $0xF7A;
	s5 =	simm.s32 @!p2 $0x0  }
0x1d: {  	s5 =	simm.s32 @p1 $0x1;
	p0 =	seq.s32 s7, s2  }
0x1e: {  	s7 =	smul.u32 @!p0 $0xF7A, s2;
	p2 =	seq.s32 @!p0 s5, $0x0  }
0x1f: {  	s9 =	smul.u32 $0xF7A, s1;
	s8 =	simm.s32 @!p0 $0x1BF5;
	p2 =	por !p2, p0  }
0x20: {  	[sflag:s8] =	ssyncset.s32 @!p0 $0xFFFFF086;
	s6 =	sadd.s32 @!p0 s3, s7;
	s7 =	simm.s32 @!p0 $0x108  }
0x21: {  	s3 =	sadd.s32 s3, s9;
	s6 =	sadd.s32 @!p0 $0x88, s6;
	s7 =	simm.s32 @p2 $0x1082  }
0x22: {  	[simem:s7], [sflag:s8] =	dma.local @!p0 [hbm:s6], $0xF7A  }
0x23: {  	s9 =	sor.u32 $0xD0000000, s2;
	s6 =	simm.s32 $0x108;
	_ =	swait.ge @!p0 [sflag:s8], $0x0  }
0x24: {  	s3 =	sadd.s32 $0x88, s3;
	s6 =	simm.s32 @!p1 $0x1082;
	[sflag:s4] =	ssyncset.s32 $0xFFFFF086  }
0x25: {  	[simem:s6], [sflag:s4] =	dma.local [hbm:s3], $0xF7A  }
0x26: {  	[smem:$0x3F9F] =	sst s1;
	(tag) =	ssettag s2;
	_ =	strace s9  }
0x27: {  	s1 =	sld [smem:$0x3FAF]  }
0x28: {  	s2 =	sld [smem:$0x3FB0]  }
0x29: {  	s4 =	sld [smem:$0x3FB2]  }
0x2a: {  	p0 =	seq.s32 s5, $0x0;
	s5 =	sld [smem:$0x3FB3]  }
0x2b: {  	s6 =	sld [smem:$0x3FB4]  }
0x2c: {  	s7 =	sld [smem:$0x3FB5]  }
0x2d: {  	s3 =	simm.s32 $0x108;
	s8 =	sld [smem:$0x3FB6]  }
0x2e: {  	s3 =	simm.s32 @!p0 $0x1082;
	s9 =	sld [smem:$0x3FB7]  }
0x2f: {  	lr =	sadd.s32 s0, s3;
	s0 =	sld [smem:$0x3FAE]  }
0x30: {  	s3 =	sld [smem:$0x3FB1]  }
0x31: {  	[smem:$0x3FBA] =	sst s10  }
0x32: {  	s10 =	sld [smem:$0x3FB8];
	_ =	sdelay $0x3  }
0x33: {  	p0 =	seq.s32 s10, $0x1;
	s10 =	sld [smem:$0x3FBA];
	_ =	sdelay $0x3  }
0x34: {  	[smem:$0x3FBA] =	sst s10  }
0x35: {  	s10 =	sld [smem:$0x3FB9];
	_ =	sdelay $0x3  }
0x36: {  	p1 =	seq.s32 s10, $0x1;
	s10 =	sld [smem:$0x3FBA];
	_ =	sdelay $0x3  }
0x37: {  	[smem:$0x3FBA] =	sst s10  }
0x38: {  	s10 =	sld [smem:$0x3FBB]  }
0x39: {  	_ = 	snop;
	(pc) =	sbr.ind lr, $3  }
0x3a: {  	_ = 	snop  }
0x3b: {  	_ = 	snop  }
0x3c: {  	p2 =	seq.s32 s10, $0x1;
	s10 =	sld [smem:$0x3FBA]  }
0x3d: {  	_ =	shalt  }
0x3e: {  	_ =	shalt  }
0x3f: {  	_ =	shalt  }
0x40: {  	_ =	shalt  }
0x41: {  	_ =	shalt  }
0x42: {  	_ =	shalt  }
0x43: {  	_ =	shalt  }
0x44: {  	_ =	shalt  }
0x45: {  	_ =	shalt  }
0x46: {  	_ =	shalt  }
0x47: {  	_ =	shalt  }
0x48: {  	_ =	shalt  }
0x49: {  	_ =	shalt  }
0x4a: {  	_ =	shalt  }
0x4b: {  	_ =	shalt  }
0x4c: {  	_ =	shalt  }
0x4d: {  	_ =	shalt  }
0x4e: {  	_ =	shalt  }
0x4f: {  	_ =	shalt  }
0x50: {  	_ =	shalt  }
0x51: {  	_ =	shalt  }
0x52: {  	_ =	shalt  }
0x53: {  	_ =	shalt  }
0x54: {  	_ =	shalt  }
0x55: {  	_ =	shalt  }
0x56: {  	_ =	shalt  }
0x57: {  	_ =	shalt  }
0x58: {  	_ =	shalt  }
0x59: {  	_ =	shalt  }
0x5a: {  	_ =	shalt  }
0x5b: {  	_ =	shalt  }
0x5c: {  	_ =	shalt  }
0x5d: {  	_ =	shalt  }
0x5e: {  	_ =	shalt  }
0x5f: {  	_ =	shalt  }
0x60: {  	_ =	shalt  }
0x61: {  	_ =	shalt  }
0x62: {  	_ =	shalt  }
0x63: {  	_ =	shalt  }
0x64: {  	_ =	shalt  }
0x65: {  	_ =	shalt  }
0x66: {  	_ =	shalt  }
0x67: {  	_ =	shalt  }
0x68: {  	_ =	shalt  }
0x69: {  	_ =	shalt  }
0x6a: {  	_ =	shalt  }
0x6b: {  	_ =	shalt  }
0x6c: {  	_ =	shalt  }
0x6d: {  	_ =	shalt  }
0x6e: {  	_ =	shalt  }
0x6f: {  	_ =	shalt  }
0x70: {  	_ =	shalt  }
0x71: {  	_ =	shalt  }
0x72: {  	_ =	shalt  }
0x73: {  	_ =	shalt  }
0x74: {  	_ =	shalt  }
0x75: {  	_ =	shalt  }
0x76: {  	_ =	shalt  }
0x77: {  	_ =	shalt  }
0x78: {  	_ =	shalt  }
0x79: {  	_ =	shalt  }
0x7a: {  	_ =	shalt  }
0x7b: {  	_ =	shalt  }
0x7c: {  	_ =	shalt  }
0x7d: {  	_ =	shalt  }
0x7e: {  	_ =	shalt  }
0x7f: {  	_ =	shalt  }
0x80: {  	_ =	shalt  }
0x81: {  	_ =	shalt  }
0x82: {  	_ =	shalt  }
0x83: {  	_ =	shalt  }
0x84: {  	_ =	shalt  }
0x85: {  	_ =	shalt  }
0x86: {  	_ =	shalt  }
0x87: {  	_ =	shalt  }
.Lfunc_end0:
.L_simem_size_0:
called_computation_lowered:
.L_overlay_start_0:
0x88: {  	s2 =	sld [smem:$0x3FD9]  }
0x89: {  	s3 =	sld [smem:$0x3FFE];
	_ =	sdelay $0x1  }
0x8a: {  	s1 =	srdreg.scid  }
0x8b: {  	s0 =	sand.u32 $0x1, s1  }
0x8c: {  	s16 =	sshll.u32 s0, $0xA;
	s2 =	sadd.s32 s3, s2  }
0x8d: {  	s2 =	sadd.s32 s2, s16  }
0x8e: {  	[smem:$0x3FC6] =	sst s2  }
0x8f: {  	_ = 	snop  }
0x90: {  	(tm) =	ssettm $0x1  }
0x91: {  	s17 =	sld [smem:$0x3FFB];
	_ =	sdelay $0x3  }
0x92: {  	_ =	strace s17  }
0x93: {  	s2 =	sld [smem:$0x3FFC];
	_ =	sdelay $0x3  }
0x94: {  	_ =	strace s2  }
0x95: {  	s2 =	sld [smem:$0x3FFD];
	_ =	sdelay $0x3  }
0x96: {  	_ =	strace s2  }
0x97: {  	_ =	strace $0x8FFFFFFF  }
0x98: {  	s18 =	sld [smem:$0x3FDB];
	_ =	sdelay $0x1  }
0x99: {  	s19 =	simm.s32 $_scs_section_size  }
0x9a: {  	s4 =	simm.s32 $_size__tile_overlayer_lowered;
	s5 =	simm.s32 $_tile_overlayer_lowered  }
0x9b: {  	s22 =	simm.s32 $0x1BFF;
	s21 =	sshll.u32 s5, $0x1;
	s2 =	sadd.s32 s19, s18  }
0x9c: {  	s6 =	simm.s32 $0x0;
	s20 =	sshll.u32 s4, $0x1;
	s4 =	sadd.s32 s21, s2  }
0x9d: {  	[timem:s6], [sflag:s22] =	dma.local [hbm:s4], s20  }
0x9e: {  	_ =	swait.ge [sflag:s22], s20  }
0x9f: {  	s3 =	ssub.s32 $0x0, s20;
	[sflag:s22] =	ssyncset.done $0x0  }
0xa0: {  	[sflag:s22] =	ssyncadd.s32 s3;
	_ =	sdelay $0x1  }
0xa1: {  	s23 =	simm.s32 $0x1B8B  }
0xa2: {  	_ =	swait.ge [sflag:s23], $0x1  }
0xa3: {  	[sflag:s23] =	ssyncset.done $0x0  }
0xa4: {  	s25 =	simm.s32 $0x1B8E;
	s24 =	sld [smem:$0x3FFE];
	[sflag:s23] =	ssyncadd.s32 $0xFFFFFFFF  }
0xa5: {  	s26 =	simm.s32 $execute0_lowered;
	[smem:$0x3FD2] =	sst s25  }
0xa6: {  	s4 =	sshll.u32 s26, $0x1;
	_ =	strace $0x80000046;
	[dreg:$0x1] =	wrdreg $0xFFFFFFFF  }
0xa7: {  	s28 =	simm.s32 $_size_execute0_lowered;
	s2 =	sadd.s32 s2, s4;
	[dreg:$0x0] =	wrdreg $0x0  }
0xa8: {  	s4 =	sshll.u32 s28, $0x1;
	[dreg:$0x2] =	wrdreg s2  }
0xa9: {  	[dreg:$0x3] =	wrdreg s4  }
0xaa: {  	[dreg:$0x4] =	wrdreg $0xC0  }
0xab: {  	_ =	task [dreg:s6], $0x5FFFF  }
0xac: {  	[dreg:$0x1] =	wrdreg $0xFFFFFFFF  }
0xad: {  	[dreg:$0x0] =	wrdreg $0x60  }
0xae: {  	[dreg:$0x2] =	wrdreg s24  }
0xaf: {  	[dreg:$0x3] =	wrdreg $0x1A000  }
0xb0: {  	[dreg:$0x4] =	wrdreg $0x9  }
0xb1: {  	_ =	task.clear_ibuf [dreg:s6], $0x5FFFF;
	_ =	strace $0x90000046  }
0xb2: {  	s29 =	simm.s32 $0x9;
	_ =	strace $0x80000048  }
0xb3: {  	_ =	swait.ge [sflag:s29], $0x1  }
0xb4: {  	[sflag:s29] =	ssyncadd.s32 $0xFFFFFFFF  }
0xb5: {  	_ =	strace $0x90000048  }
0xb6: {  	_ =	sfence  }
0xb7: {  	s30 =	sld [smem:$0x0];
	_ =	sdelay $0x2  }
0xb8: {  	s31 =	sshll.u32 s1, $0xD;
	s1 =	sshrl.u32 s1, $0x2  }
0xb9: {  	s3 =	sand.u32 $0x4000, s31;
	s1 =	sadd.s32 s1, s30  }
0xba: {  	s0 =	sor.u32 s3, s0;
	s1 =	sshll.u32 s1, $0x11  }
0xbb: {  	s0 =	sor.u32 s1, s0  }
0xbc: {  	s0 =	sadd.s32 $0x8F2B, s0  }
0xbd: {  	[sflag:s0] =	ssyncadd.remote.s32 $0x1  }
0xbe: {  	_ =	sfence.sel $0xFFFF  }
0xbf: {  	[dreg:$0x0] =	wrdreg $0xFFFFFFFF;
	(pc) =	sbr.abs _section_cstart, $3  }
0xc0: {  	[dreg:$0x1] =	wrdreg $0xFFFFFFFF  }
0xc1: {  	_ =	task.clear_ibuf [dreg:s6], $0x2FFFF;
	_ =	strace $0x9FFFFFFF  }
0xc2: {  	(tm) =	ssettm $0x7FFFFFFF  }
0xc3: {  	_ =	shalt  }
tec
execute0_lowered:
.L_overlay_start_1:
0x0: {  	(tag) =	ssettag $0x1  }
0x1: {  	s1 =	srdreg.scid  }
0x2: {  	s1 =	sand.u32 $0x1, s1  }
0x3: {  	p0 =	seq.s32 s1, $0x1  }
.Ltmp0:
0x4: {  	_ = 	snop;
	(pc) =	sbr.rel @p0 .LBB2_4-.Ltmp0, $4  }
0x5: {  	s10 =	rddreg [dreg:$0x0]  }
0x6: {  	s2 =	rddreg [dreg:$0x1];
	s3 =	simm.s32 $0x0  }
0x7: {  	[smem:$0x7FF] =	sst s3  }
0x8: {  	s0 =	rddreg [dreg:$0x2];
	_ =	strace $0x80000047;
	s1 =	stileid.u32  }
0x9: {  	s4 =	smul.u32 $0x300, s1;
	_ =	sdelay $0x1  }
0xa: {  	s5 =	sadd.s32 $0x1400, s10;
	s6 =	sshrl.u32 s4, $0x3  }
0xb: {  	s9 =	sadd.s32 s5, s6;
	s5 =	simm.s32 $0x1  }
0xc: {  	[tilespmem:s3], [sflag:$0x1] =	stream.linear.gather [hbm4b:s9+s3], $0x300, $0x38;
	[tilespmem:$0x1A20] =	vst v63  }
0xd: {  	_ =	swait.ge [sflag:s5], $0x300  }
0xe: {  	[sflag:s5] =	ssyncset.done $0x0  }
0xf: {  	s6 =	simm.s32 $0x300;
	s7 =	sadd.s32 $0x600, s9;
	[sflag:s5] =	ssyncadd.s32 $0xFFFFFD00  }
0x10: {  	[tilespmem:s6], [sflag:$0x1] =	stream.linear.gather [hbm4b:s7+s3], $0x300, $0x38;
	[tilespmem:$0x1A20] =	vst v63  }
0x11: {  	_ =	swait.ge [sflag:s5], $0x300  }
0x12: {  	[sflag:s5] =	ssyncset.done $0x0  }
0x13: {  	s8 =	sadd.s32 $0xC00, s9;
	s7 =	simm.s32 $0x600;
	[sflag:s5] =	ssyncadd.s32 $0xFFFFFD00  }
0x14: {  	[tilespmem:s7], [sflag:$0x1] =	stream.linear.gather [hbm4b:s8+s3], $0x300, $0x38;
	[tilespmem:$0x1A20] =	vst v63  }
0x15: {  	_ =	swait.ge [sflag:s5], $0x300  }
0x16: {  	[sflag:s5] =	ssyncset.done $0x0  }
0x17: {  	s11 =	sadd.s32 $0x1200, s9;
	s8 =	simm.s32 $0x900;
	[sflag:s5] =	ssyncadd.s32 $0xFFFFFD00  }
0x18: {  	[tilespmem:s8], [sflag:$0x1] =	stream.linear.gather [hbm4b:s11+s3], $0x300, $0x38;
	[tilespmem:$0x1A20] =	vst v63  }
0x19: {  	_ =	swait.ge [sflag:s5], $0x300  }
0x1a: {  	[sflag:s5] =	ssyncset.done $0x0  }
0x1b: {  	s12 =	simm.s32 $0xC00;
	s16 =	sadd.s32 $0x1800, s9;
	[sflag:s5] =	ssyncadd.s32 $0xFFFFFD00  }
0x1c: {  	[tilespmem:s12], [sflag:$0x1] =	stream.linear.gather [hbm4b:s16+s3], $0x300, $0x38;
	[tilespmem:$0x1A20] =	vst v63  }
0x1d: {  	_ =	swait.ge [sflag:s5], $0x300  }
0x1e: {  	[sflag:s5] =	ssyncset.done $0x0  }
0x1f: {  	s17 =	sadd.s32 $0x1E00, s9;
	s9 =	simm.s32 $0xF00;
	[sflag:s5] =	ssyncadd.s32 $0xFFFFFD00  }
0x20: {  	[tilespmem:s9], [sflag:$0x1] =	stream.linear.gather [hbm4b:s17+s3], $0x300, $0x38;
	[tilespmem:$0x1A20] =	vst v63  }
0x21: {  	_ =	swait.ge [sflag:s5], $0x300  }
0x22: {  	[sflag:s5] =	ssyncset.done $0x0  }
0x23: {  	[sflag:s5] =	ssyncadd.s32 $0xFFFFFD00  }
0x24: {  	v0 =	vld [tilespmem:$0xF00];
	_ =	sdelay $0x2  }
0x25: {  	v1 =	vld [tilespmem:$0xF10];
	_ =	sdelay $0x1  }
0x26: {  	v2 =	vld [tilespmem:$0xF20];
	vm0 =	vlt.f32 v0, $-Inf;
	vm1 =	vgt.f32 v0, $-Inf  }
0x27: {  	vm1 =	vmor vm1, vm0  }
0x28: {  	v3 =	vld [tilespmem:$0xF30];
	v0 =	vnsel vm1, $0xFF800000, v0  }
0x29: {  	vm7 =	vgt.f32 v1, v0  }
0x2a: {  	v0 =	vsel vm7, v1, v0;
	v1 =	vld [tilespmem:$0xF40]  }
0x2b: {  	vm2 =	vgt.f32 v2, v0  }
0x2c: {  	v0 =	vsel vm2, v2, v0;
	v2 =	vld [tilespmem:$0xF50]  }
0x2d: {  	vm9 =	vgt.f32 v3, v0  }
0x2e: {  	v0 =	vsel vm9, v3, v0;
	v3 =	vld [tilespmem:$0xF60]  }
0x2f: {  	vm3 =	vgt.f32 v1, v0  }
0x30: {  	v0 =	vsel vm3, v1, v0;
	v1 =	vld [tilespmem:$0xF70]  }
0x31: {  	vm14 =	vgt.f32 v2, v0  }
0x32: {  	v0 =	vsel vm14, v2, v0;
	v2 =	vld [tilespmem:$0xF80]  }
0x33: {  	vm4 =	vgt.f32 v3, v0  }
0x34: {  	v0 =	vsel vm4, v3, v0;
	v3 =	vld [tilespmem:$0xF90]  }
0x35: {  	vm5 =	vgt.f32 v1, v0  }
0x36: {  	v0 =	vsel vm5, v1, v0;
	v1 =	vld [tilespmem:$0xFA0]  }
0x37: {  	vm6 =	vgt.f32 v2, v0  }
0x38: {  	v0 =	vsel vm6, v2, v0;
	v2 =	vld [tilespmem:$0xFB0]  }
0x39: {  	vm8 =	vgt.f32 v3, v0  }
0x3a: {  	v0 =	vsel vm8, v3, v0;
	v3 =	vld [tilespmem:$0xFC0]  }
0x3b: {  	vm10 =	vgt.f32 v1, v0  }
0x3c: {  	v0 =	vsel vm10, v1, v0;
	v1 =	vld [tilespmem:$0xFD0]  }
0x3d: {  	vm15 =	vgt.f32 v2, v0  }
0x3e: {  	v0 =	vsel vm15, v2, v0;
	v2 =	vld [tilespmem:$0xFE0]  }
0x3f: {  	vm13 =	vgt.f32 v3, v0  }
0x40: {  	v0 =	vsel vm13, v3, v0;
	v3 =	vld [tilespmem:$0xFF0]  }
0x41: {  	vm12 =	vgt.f32 v1, v0  }
0x42: {  	v0 =	vsel vm12, v1, v0;
	v1 =	vld [tilespmem:$0x1000]  }
0x43: {  	vm11 =	vgt.f32 v2, v0  }
0x44: {  	v0 =	vsel vm11, v2, v0;
	v2 =	vld [tilespmem:$0x1010]  }
0x45: {  	vm0 =	vgt.f32 v3, v0  }
0x46: {  	v4 =	vimm.s32 $0x0;
	v0 =	vsel vm0, v3, v0;
	v3 =	vld [tilespmem:$0x1020]  }
0x47: {  	v4 =	vsel vm0, $0xFFFFFFFF, v4;
	vm0 =	vgt.f32 v1, v0  }
0x48: {  	[tilespmem:$0x1FF70] =	vst v4;
	v4 =	vimm.s32 $0x0;
	v0 =	vsel vm0, v1, v0;
	v1 =	vld [tilespmem:$0x1030]  }
0x49: {  	v4 =	vsel vm0, $0xFFFFFFFF, v4;
	vm0 =	vgt.f32 v2, v0  }
0x4a: {  	[tilespmem:$0x1FF80] =	vst v4;
	v4 =	vimm.s32 $0x0;
	v0 =	vsel vm0, v2, v0;
	v2 =	vld [tilespmem:$0x1040]  }
0x4b: {  	v4 =	vsel vm0, $0xFFFFFFFF, v4;
	vm0 =	vgt.f32 v3, v0  }
0x4c: {  	[tilespmem:$0x1FF90] =	vst v4;
	v4 =	vimm.s32 $0x0;
	v0 =	vsel vm0, v3, v0;
	v3 =	vld [tilespmem:$0x1050]  }
0x4d: {  	v4 =	vsel vm0, $0xFFFFFFFF, v4;
	vm0 =	vgt.f32 v1, v0  }
0x4e: {  	[tilespmem:$0x1FFA0] =	vst v4;
	v4 =	vimm.s32 $0x0;
	v0 =	vsel vm0, v1, v0;
	v1 =	vld [tilespmem:$0x1060]  }
0x4f: {  	v4 =	vsel vm0, $0xFFFFFFFF, v4;
	vm0 =	vgt.f32 v2, v0  }
0x50: {  	[tilespmem:$0x1FFB0] =	vst v4;
	v4 =	vimm.s32 $0x0;
	v0 =	vsel vm0, v2, v0;
	v2 =	vld [tilespmem:$0x1070]  }
0x51: {  	v4 =	vsel vm0, $0xFFFFFFFF, v4;
	vm0 =	vgt.f32 v3, v0  }
0x52: {  	[tilespmem:$0x1FFC0] =	vst v4;
	v4 =	vimm.s32 $0x0;
	v3 =	vsel vm0, v3, v0  }
0x53: {  	v4 =	vsel vm0, $0xFFFFFFFF, v4;
	v0 =	vimm.s32 $0x0;
	vm0 =	vgt.f32 v1, v3  }
0x54: {  	v0 =	vsel vm0, $0xFFFFFFFF, v0;
	v3 =	vsel vm0, v1, v3  }
0x55: {  	v6 =	vimm.s32 $0x0;
	[tilespmem:$0x1FFE0] =	vst v0;
	v0 =	vlaneseq.u32;
	vm0 =	vgt.f32 v2, v3  }
0x56: {  	s18 =	sor.u32 $0x10, s4;
	v1 =	vor.u32 s4, v0;
	v6 =	vsel vm0, $0xFFFFFFFF, v6  }
0x57: {  	s19 =	sor.u32 $0x20, s4;
	v7 =	vor.u32 s18, v0;
	[tilespmem:$0x1FFF0] =	vst v6;
	v6 =	vnsel vm1, $0x0, v1  }
0x58: {  	s20 =	sor.u32 $0x30, s4;
	v6 =	vsel vm7, v7, v6;
	v7 =	vor.u32 s19, v0  }
0x59: {  	s21 =	sor.u32 $0x40, s4;
	v6 =	vsel vm2, v7, v6;
	v7 =	vor.u32 s20, v0  }
0x5a: {  	s22 =	sor.u32 $0x50, s4;
	v6 =	vsel vm9, v7, v6;
	v7 =	vor.u32 s21, v0  }
0x5b: {  	s23 =	sor.u32 $0x60, s4;
	v6 =	vsel vm3, v7, v6;
	v7 =	vor.u32 s22, v0  }
0x5c: {  	s24 =	sor.u32 $0x70, s4;
	v6 =	vsel vm14, v7, v6;
	v7 =	vor.u32 s23, v0  }
0x5d: {  	s25 =	sor.u32 $0x80, s4;
	v6 =	vsel vm4, v7, v6;
	v7 =	vor.u32 s24, v0  }
0x5e: {  	s26 =	sor.u32 $0x90, s4;
	v6 =	vsel vm5, v7, v6;
	v7 =	vor.u32 s25, v0  }
0x5f: {  	s28 =	sor.u32 $0xA0, s4;
	v6 =	vsel vm6, v7, v6;
	v7 =	vor.u32 s26, v0  }
0x60: {  	s29 =	sor.u32 $0xB0, s4;
	v9 =	vld [tilespmem:$0x1FF70];
	v6 =	vsel vm8, v7, v6;
	v7 =	vor.u32 s28, v0  }
0x61: {  	s30 =	sor.u32 $0xC0, s4;
	v6 =	vsel vm10, v7, v6;
	v7 =	vor.u32 s29, v0  }
0x62: {  	s31 =	sor.u32 $0xD0, s4;
	v6 =	vsel vm15, v7, v6;
	v7 =	vor.u32 s30, v0  }
0x63: {  	s13 =	sor.u32 $0xE0, s4;
	[tilespmem:$0x1FFD0] =	vst v4;
	v4 =	vld [tilespmem:$0x1080];
	v6 =	vsel vm13, v7, v6;
	v7 =	vor.u32 s31, v0  }
0x64: {  	s14 =	sor.u32 $0xF0, s4;
	v6 =	vsel vm12, v7, v6;
	v7 =	vor.u32 s13, v0  }
0x65: {  	v5 =	vld [tilespmem:$0x1090];
	vm8 =	vnez.u8 v9;
	v6 =	vsel vm11, v7, v6;
	v7 =	vor.u32 s14, v0  }
0x66: {  	v6 =	vsel vm8, v7, v6;
	v7 =	vld [tilespmem:$0x1FF80]  }
0x67: {  	v56 =	vld [tilespmem:$0x1FF90];
	v2 =	vsel vm0, v2, v3  }
0x68: {  	v3 =	vld [tilespmem:$0x10A0];
	vm7 =	vgt.f32 v4, v2  }
0x69: {  	v2 =	vsel vm7, v4, v2  }
0x6a: {  	s15 =	sadd.s32 $0x100, s4;
	v4 =	vld [tilespmem:$0x10B0];
	vm9 =	vgt.f32 v5, v2  }
0x6b: {  	s16 =	sadd.s32 $0x110, s4;
	v8 =	vor.u32 s15, v0;
	v2 =	vsel vm9, v5, v2;
	vm10 =	vnez.u8 v7  }
0x6c: {  	v5 =	vld [tilespmem:$0x10C0];
	vm11 =	vnez.u8 v56;
	v7 =	vor.u32 s16, v0;
	v6 =	vsel vm10, v8, v6  }
0x6d: {  	vm14 =	vgt.f32 v3, v2;
	v6 =	vsel vm11, v7, v6;
	v7 =	vld [tilespmem:$0x1FFA0]  }
0x6e: {  	v57 =	vld [tilespmem:$0x1FFB0];
	v2 =	vsel vm14, v3, v2  }
0x6f: {  	v3 =	vld [tilespmem:$0x10D0];
	vm3 =	vgt.f32 v4, v2  }
0x70: {  	v2 =	vsel vm3, v4, v2  }
0x71: {  	s17 =	sadd.s32 $0x120, s4;
	v4 =	vld [tilespmem:$0x10E0];
	vm0 =	vgt.f32 v5, v2  }
0x72: {  	s18 =	sadd.s32 $0x130, s4;
	v2 =	vsel vm0, v5, v2;
	v8 =	vor.u32 s17, v0;
	vm12 =	vnez.u8 v7  }
0x73: {  	v5 =	vld [tilespmem:$0x10F0];
	vm13 =	vnez.u8 v57;
	v7 =	vor.u32 s18, v0;
	v6 =	vsel vm12, v8, v6  }
0x74: {  	vm1 =	vgt.f32 v3, v2;
	v6 =	vsel vm13, v7, v6;
	v7 =	vld [tilespmem:$0x1FFC0]  }
0x75: {  	v58 =	vld [tilespmem:$0x1FFD0];
	v2 =	vsel vm1, v3, v2  }
0x76: {  	v3 =	vld [tilespmem:$0x1100];
	vm2 =	vgt.f32 v4, v2  }
0x77: {  	v2 =	vsel vm2, v4, v2  }
0x78: {  	s19 =	sadd.s32 $0x140, s4;
	v4 =	vld [tilespmem:$0x1110];
	vm4 =	vgt.f32 v5, v2  }
0x79: {  	s20 =	sadd.s32 $0x150, s4;
	v2 =	vsel vm4, v5, v2;
	v8 =	vor.u32 s19, v0;
	vm15 =	vnez.u8 v7  }
0x7a: {  	v5 =	vld [tilespmem:$0x1120];
	vm12 =	vnez.u8 v58;
	v7 =	vor.u32 s20, v0;
	v6 =	vsel vm15, v8, v6  }
0x7b: {  	vm5 =	vgt.f32 v3, v2;
	v6 =	vsel vm12, v7, v6;
	v7 =	vld [tilespmem:$0x1FFE0]  }
0x7c: {  	v59 =	vld [tilespmem:$0x1FFF0];
	v2 =	vsel vm5, v3, v2  }
0x7d: {  	v3 =	vld [tilespmem:$0x1130];
	vm6 =	vgt.f32 v4, v2  }
0x7e: {  	v2 =	vsel vm6, v4, v2  }
0x7f: {  	s21 =	sadd.s32 $0x160, s4;
	v4 =	vld [tilespmem:$0x1140];
	vm8 =	vgt.f32 v5, v2  }
0x80: {  	s22 =	sadd.s32 $0x170, s4;
	v2 =	vsel vm8, v5, v2;
	v8 =	vor.u32 s21, v0;
	vm13 =	vnez.u8 v7  }
0x81: {  	s23 =	sadd.s32 $0x180, s4;
	v5 =	vld [tilespmem:$0x1150];
	vm15 =	vnez.u8 v59;
	v7 =	vor.u32 s22, v0;
	v6 =	vsel vm13, v8, v6  }
0x82: {  	s24 =	sadd.s32 $0x190, s4;
	vm10 =	vgt.f32 v3, v2;
	v8 =	vor.u32 s23, v0;
	v6 =	vsel vm15, v7, v6  }
0x83: {  	s25 =	sadd.s32 $0x1A0, s4;
	v2 =	vsel vm10, v3, v2;
	v3 =	vld [tilespmem:$0x1160];
	v7 =	vor.u32 s24, v0;
	v6 =	vsel vm7, v8, v6  }
0x84: {  	s26 =	sadd.s32 $0x1B0, s4;
	vm11 =	vgt.f32 v4, v2;
	v8 =	vor.u32 s25, v0;
	v6 =	vsel vm9, v7, v6  }
0x85: {  	s28 =	sadd.s32 $0x1C0, s4;
	v2 =	vsel vm11, v4, v2;
	v4 =	vld [tilespmem:$0x1170];
	v7 =	vor.u32 s26, v0;
	v6 =	vsel vm14, v8, v6  }
0x86: {  	s29 =	sadd.s32 $0x1D0, s4;
	vm12 =	vgt.f32 v5, v2;
	v8 =	vor.u32 s28, v0;
	v6 =	vsel vm3, v7, v6  }
0x87: {  	s30 =	sadd.s32 $0x1E0, s4;
	v2 =	vsel vm12, v5, v2;
	v5 =	vld [tilespmem:$0x1180];
	v7 =	vor.u32 s29, v0;
	v6 =	vsel vm0, v8, v6  }
0x88: {  	s31 =	sadd.s32 $0x1F0, s4;
	vm13 =	vgt.f32 v3, v2;
	v8 =	vor.u32 s30, v0;
	v6 =	vsel vm1, v7, v6  }
0x89: {  	s13 =	sadd.s32 $0x200, s4;
	v2 =	vsel vm13, v3, v2;
	v3 =	vld [tilespmem:$0x1190];
	v7 =	vor.u32 s31, v0;
	v6 =	vsel vm2, v8, v6  }
0x8a: {  	s14 =	sadd.s32 $0x210, s4;
	vm14 =	vgt.f32 v4, v2;
	v8 =	vor.u32 s13, v0;
	v6 =	vsel vm4, v7, v6  }
0x8b: {  	s15 =	sadd.s32 $0x220, s4;
	v2 =	vsel vm14, v4, v2;
	v4 =	vld [tilespmem:$0x11A0];
	v7 =	vor.u32 s14, v0;
	v6 =	vsel vm5, v8, v6  }
0x8c: {  	s16 =	sadd.s32 $0x230, s4;
	vm15 =	vgt.f32 v5, v2;
	v8 =	vor.u32 s15, v0;
	v6 =	vsel vm6, v7, v6  }
0x8d: {  	s17 =	sadd.s32 $0x240, s4;
	v2 =	vsel vm15, v5, v2;
	v5 =	vld [tilespmem:$0x11B0];
	v7 =	vor.u32 s16, v0;
	v6 =	vsel vm8, v8, v6  }
0x8e: {  	vm9 =	vgt.f32 v3, v2;
	v8 =	vor.u32 s17, v0;
	v6 =	vsel vm10, v7, v6  }
0x8f: {  	v60 =	vld [tilespmem:$0x11C0];
	s18 =	sadd.s32 $0x250, s4;
	s21 =	sadd.s32 $0x270, s4;
	v6 =	vsel vm11, v8, v6;
	v8 =	vsel vm9, v3, v2  }
0x90: {  	s20 =	sadd.s32 $0x260, s4;
	v10 =	vor.u32 s21, v0;
	v7 =	vor.u32 s18, v0;
	vm10 =	vgt.f32 v4, v8  }
0x91: {  	s23 =	sadd.s32 $0x290, s4;
	v6 =	vsel vm12, v7, v6;
	v7 =	vor.u32 s20, v0;
	v4 =	vsel vm10, v4, v8;
	v8 =	vld [tilespmem:$0x11D0]  }
0x92: {  	s22 =	sadd.s32 $0x280, s4;
	v61 =	vor.u32 s23, v0;
	v6 =	vsel vm13, v7, v6;
	vm11 =	vgt.f32 v5, v4  }
0x93: {  	s25 =	sadd.s32 $0x2B0, s4;
	v7 =	vor.u32 s22, v0;
	v6 =	vsel vm14, v10, v6;
	v4 =	vsel vm11, v5, v4;
	v5 =	vld [tilespmem:$0x11E0]  }
0x94: {  	s24 =	sadd.s32 $0x2A0, s4;
	v63 =	vor.u32 s25, v0;
	v6 =	vsel vm15, v7, v6;
	vm12 =	vgt.f32 v60, v4  }
0x95: {  	v62 =	vld [tilespmem:$0x11F0];
	v7 =	vor.u32 s24, v0;
	v6 =	vsel vm9, v61, v6;
	v4 =	vsel vm12, v60, v4  }
0x96: {  	s26 =	sadd.s32 $0x2C0, s4;
	v2 =	vmov s4;
	v6 =	vsel vm10, v7, v6;
	vm13 =	vgt.f32 v8, v4  }
0x97: {  	s28 =	sadd.s32 $0x2D0, s4;
	v7 =	vor.u32 s26, v0;
	v6 =	vsel vm11, v63, v6;
	v4 =	vsel vm13, v8, v4  }
0x98: {  	s29 =	sadd.s32 $0x2E0, s4;
	v8 =	vor.u32 s28, v0;
	v6 =	vsel vm12, v7, v6;
	vm14 =	vgt.f32 v5, v4  }
0x99: {  	s10 =	sadd.s32 $0x3800, s10;
	s30 =	sadd.s32 $0x2F0, s4;
	s31 =	sshll.u32 s1, $0x6;
	v7 =	vor.u32 s29, v0;
	v6 =	vsel vm13, v8, v6;
	v4 =	vsel vm14, v5, v4  }
0x9a: {  	s11 =	simm.s32 $0x1380;
	s19 =	sadd.s32 $0x300, s4;
	s12 =	sshrl.u32 s31, $0x2;
	v5 =	vor.u32 s30, v0;
	v7 =	vsel vm14, v7, v6;
	vm15 =	vgt.f32 v62, v4  }
0x9b: {  	s13 =	simm.s32 $0x1200;
	s14 =	simm.s32 $0x1280;
	s15 =	simm.s32 $0x0;
	v3 =	vmov s19;
	v6 =	vsel vm15, v62, v4;
	v7 =	vsel vm15, v5, v7  }
.LBB2_2:
0x9c: {  	(xrf0) =	vmax.scan.msk.f32 $0xffff, v6;
	_ =	sdelay $0x5  }
0x9d: {  	v8, _, _ =	vpop (xrf0)  }
0x9e: {  	v8 =	vbroadcast v8, $0xF;
	_ =	sdelay $0x1  }
0x9f: {  	vm0 =	veq.f32 v6, v8;
	v6 =	vxor.u32 $0x80000000, v7  }
0xa0: {  	v6 =	vnsel vm0, $0xC0000000, v6  }
0xa1: {  	(xrf0) =	vmin.scan.msk.u32 $0xffff, v6;
	_ =	sdelay $0x5  }
0xa2: {  	v6, _, _ =	vpop (xrf0)  }
0xa3: {  	(v2sf) =	vpush v6, $0xF;
	_ =	sdelay $0xe  }
0xa4: {  	s16 =	spop (v2sf)  }
0xa5: {  	s16 =	sxor.u32 $0x80000000, s16  }
0xa6: {  	s17 =	ssub.s32 s16, s4  }
0xa7: {  	v6 =	vmov s17;
	_ =	sdelay $0x4  }
0xa8: {  	v7 =	vld.idx.msk [tilespmem:v6+s3+$0x0], $0xffff;
	_ =	sdelay $0x1  }
0xa9: {  	v9 =	vld.idx.msk [tilespmem:v6+s6+$0x0], $0xffff;
	_ =	sdelay $0x1  }
0xaa: {  	vm15 =	vmmov $0x1;
	vm2 =	vcmask $0x308;
	v10 =	vld.idx.msk [tilespmem:v6+s7+$0x0], $0xffff  }
0xab: {  	v8 =	vnsel vm15, $0x0, v8;
	v7 =	vsel vm2, $0x0, v7  }
0xac: {  	vm3 =	vcmask $0x70C;
	v6 =	vld.idx.msk [tilespmem:v6+s8+$0x0], $0xffff;
	v7 =	vadd.f32 v7, v8  }
0xad: {  	v8 =	vsel vm3, $0x0, v9  }
0xae: {  	vm4 =	vcmask $0xB10;
	v7 =	vadd.f32 v8, v7  }
0xaf: {  	v8 =	vsel vm4, $0x0, v10  }
0xb0: {  	vm1 =	vcmask $0xF14;
	s16 =	scvt.s32.f32 s16;
	v7 =	vadd.f32 v8, v7  }
0xb1: {  	v6 =	vsel vm1, $0x0, v6  }
0xb2: {  	vm6 =	vcmask $0x1714;
	v6 =	vadd.f32 v6, v7;
	v7 =	vmov s16  }
0xb3: {  	v7 =	vnsel vm6, $0x0, v7  }
0xb4: {  	s30 =	sand.u32 $0x100, s15;
	v6 =	vadd.f32 v6, v7  }
0xb5: {  	s16 =	sadd.s32 s30, s2  }
0xb6: {  	s31 =	sadd.s32 s12, s16;
	[tilespmem:$0x1200] =	vst v6  }
0xb7: {  	[spmem:s31] =	stream.linear.scatter [tilespmem:s13], [sflag:$0x1], $0x10, $0x38;
	[tilespmem:$0x1A20] =	vst v63  }
0xb8: {  	_ =	swait.ge [sflag:s5], $0x10  }
0xb9: {  	[sflag:s5] =	ssyncset.done $0x0  }
0xba: {  	v6 =	vmul.u32 $0x10, v0;
	[sflag:s5] =	ssyncadd.s32 $0xFFFFFFF0  }
0xbb: {  	[bflag:$0x0] =	sbarrier.arrive $0xFFFF  }
0xbc: {  	[tilespmem:s14], [sflag:$0x1] =	stream.linear.gather [spmem:s16], $0x100, $0x38;
	[tilespmem:$0x1A20] =	vst v63  }
0xbd: {  	_ =	swait.ge [sflag:s5], $0x100  }
0xbe: {  	[sflag:s5] =	ssyncset.done $0x0  }
0xbf: {  	[sflag:s5] =	ssyncadd.s32 $0xFFFFFF00  }
0xc0: {  	v6 =	vld.idx.msk [tilespmem:v6+s14+$0x0], $0xffff;
	_ =	sdelay $0x4  }
0xc1: {  	(xrf0) =	vmax.scan.msk.f32 $0xffff, v6;
	_ =	sdelay $0x5  }
0xc2: {  	v7, _, _ =	vpop (xrf0)  }
0xc3: {  	v39 =	vbroadcast v7, $0xF;
	_ =	sdelay $0x1  }
0xc4: {  	vm7 =	veq.f32 v6, v39  }
0xc5: {  	v6 =	vmctz.xlane vm7;
	_ =	sdelay $0x1  }
0xc6: {  	v6 =	vshll.u32 v6, $0x4  }
0xc7: {  	v7 =	vor.u32 $0x1, v6  }
0xc8: {  	v8 =	vor.u32 $0x2, v6  }
0xc9: {  	v11 =	vor.u32 $0x5, v6  }
0xca: {  	v12 =	vor.u32 $0x3, v6;
	_ =	sdelay $0x1  }
0xcb: {  	v9 =	vld.idx.msk [tilespmem:v7+s14+$0x0], $0xffff  }
0xcc: {  	v6 =	vor.u32 $0x4, v6;
	v7 =	vld.idx.msk [tilespmem:v8+s14+$0x0], $0xffff  }
0xcd: {  	v11 =	vld.idx.msk [tilespmem:v11+s14+$0x0], $0xffff  }
0xce: {  	v8 =	vld.idx.msk [tilespmem:v12+s14+$0x0], $0xffff;
	_ =	sdelay $0x2  }
0xcf: {  	v6 =	vld.idx.msk [tilespmem:v6+s14+$0x0], $0xffff;
	v40 =	vnsel vm15, $0x0, v9;
	v13 =	vsel vm2, $0x0, v7  }
0xd0: {  	v11 =	vtrunc.f32 v11;
	v12 =	vadd.f32 v13, v40  }
0xd1: {  	v41 =	vsel vm3, $0x0, v8;
	v11 =	vcvt.f32.s32 v11  }
0xd2: {  	v12 =	vadd.f32 v41, v12  }
0xd3: {  	vm8 =	vge.s32 v11, v2;
	vm9 =	vgt.s32 v3, v11;
	v11 =	vsub.s32 v11, v2  }
0xd4: {  	v42 =	vsel vm4, $0x0, v6;
	vm1 =	vmand vm8, vm9;
	vm10 =	vgt.s32 v11, $0x0  }
0xd5: {  	v12 =	vadd.f32 v42, v12;
	vm0 =	vmand vm1, vm15;
	v11 =	vnsel vm10, $0x0, v11  }
0xd6: {  	v11 =	vmin.u32 v11, $0x2FF  }
0xd7: {  	v12 =	vmul.f32 $1.953125000e-03, v12  }
0xd8: {  	vm11 =	vgt.f32 v39, $0.0e+00  }
0xd9: {  	v10 =	vnsel vm11, $0x0, v12  }
0xda: {  	v4 =	vimm.f32 $-1.000000000e+09;
	[tilespmem:s11+$0x0] =	vst v10  }
0xdb: {  	[tilespmem:v11+s9+$0x0] =	vst.idx.msk vm0, v4  }
0xdc: {  	v10 =	vld [tilespmem:$0x0]  }
0xdd: {  	v11 =	vld [tilespmem:$0x300]  }
0xde: {  	v43 =	vld [tilespmem:$0x600]  }
0xdf: {  	v44 =	vld [tilespmem:$0x900]  }
0xe0: {  	v14 =	vld [tilespmem:$0xC00]  }
0xe1: {  	v15 =	vld [tilespmem:$0x10]  }
0xe2: {  	v16 =	vld [tilespmem:$0x310]  }
0xe3: {  	v17 =	vld [tilespmem:$0x610]  }
0xe4: {  	v20 =	vld [tilespmem:$0x910]  }
0xe5: {  	v21 =	vld [tilespmem:$0xC10]  }
0xe6: {  	v22 =	vld [tilespmem:$0x20]  }
0xe7: {  	v45 =	vld [tilespmem:$0x320]  }
0xe8: {  	v47 =	vld [tilespmem:$0x620]  }
0xe9: {  	v49 =	vld [tilespmem:$0x920]  }
0xea: {  	v50 =	vld [tilespmem:$0x30]  }
0xeb: {  	v52 =	vld [tilespmem:$0x330]  }
0xec: {  	v53 =	vld [tilespmem:$0x630]  }
0xed: {  	v54 =	vld [tilespmem:$0x930]  }
0xee: {  	v23 =	vld [tilespmem:$0xF00]  }
0xef: {  	v55 =	vld [tilespmem:$0xC20]  }
0xf0: {  	v24 =	vld [tilespmem:$0xC30]  }
0xf1: {  	v56 =	vld [tilespmem:$0x40]  }
0xf2: {  	v18 =	vsub.f32 v8, v9;
	v19 =	vsub.f32 v6, v7;
	v25 =	vld [tilespmem:$0x340]  }
0xf3: {  	v57 =	vld [tilespmem:$0x640]  }
0xf4: {  	v18 =	vmax.f32 v18, $0.0e+00;
	v19 =	vmax.f32 v19, $0.0e+00;
	v30 =	vld [tilespmem:$0x360]  }
0xf5: {  	v4 =	vimm.s32 $0x0;
	v34 =	vld [tilespmem:$0x970];
	v10 =	vmax.f32 v9, v10;
	v12 =	vmin.f32 v8, v43  }
0xf6: {  	v60 =	vld [tilespmem:$0x940];
	v11 =	vmax.f32 v7, v11;
	v13 =	vmin.f32 v6, v44;
	v46 =	vmax.f32 v9, v15  }
0xf7: {  	v62 =	vld [tilespmem:$0xF10];
	v16 =	vmax.f32 v7, v16;
	v17 =	vmin.f32 v8, v17;
	v48 =	vmin.f32 v6, v20  }
0xf8: {  	v5 =	vld [tilespmem:$0x5C0];
	v22 =	vmax.f32 v9, v22;
	v15 =	vmin.f32 v8, v47;
	v20 =	vmin.f32 v6, v49  }
0xf9: {  	v63 =	vld [tilespmem:$0xF20];
	v25 =	vmax.f32 v7, v25;
	v30 =	vmax.f32 v7, v30;
	v12 =	vsub.f32 v12, v10  }
0xfa: {  	v36 =	vld [tilespmem:$0xF30];
	v34 =	vmin.f32 v6, v34;
	v11 =	vsub.f32 v13, v11;
	v13 =	vsub.f32 v17, v46  }
0xfb: {  	v37 =	vld [tilespmem:$0xC40];
	v10 =	vmul.f32 v19, v18;
	v16 =	vsub.f32 v48, v16;
	v15 =	vsub.f32 v15, v22  }
0xfc: {  	v26 =	vld [tilespmem:$0xF40];
	v18 =	vmax.f32 v7, v45;
	v17 =	vmax.f32 v9, v50;
	v19 =	vmin.f32 v8, v53  }
0xfd: {  	v40 =	vld [tilespmem:$0x50];
	v5 =	vmax.f32 v7, v5;
	v18 =	vsub.f32 v20, v18;
	v17 =	vsub.f32 v19, v17  }
0xfe: {  	v42 =	vld [tilespmem:$0x650];
	v20 =	vmax.f32 v9, v56;
	v12 =	vmax.f32 v12, $0.0e+00;
	v11 =	vmax.f32 v11, $0.0e+00  }
0xff: {  	v41 =	vld [tilespmem:$0x350];
	v51 =	vadd.f32 v14, v10;
	v13 =	vmax.f32 v13, $0.0e+00;
	v16 =	vmax.f32 v16, $0.0e+00  }
0x100: {  	v44 =	vld [tilespmem:$0x950];
	v21 =	vadd.f32 v21, v10;
	v15 =	vmax.f32 v15, $0.0e+00;
	v59 =	vadd.f32 v55, v10  }
0x101: {  	v29 =	vld [tilespmem:$0x60];
	v14 =	vmax.f32 v7, v52;
	v35 =	vadd.f32 v24, v10;
	v43 =	vadd.f32 v37, v10  }
0x102: {  	v33 =	vld [tilespmem:$0x70];
	v11 =	vmul.f32 v11, v12;
	v13 =	vmul.f32 v16, v13;
	v16 =	vmin.f32 v6, v54  }
0x103: {  	v53 =	vld [tilespmem:$0x670];
	v18 =	vmax.f32 v18, $0.0e+00;
	v17 =	vmax.f32 v17, $0.0e+00;
	v54 =	vmin.f32 v8, v42  }
0x104: {  	v31 =	vld [tilespmem:$0xC60];
	v14 =	vsub.f32 v16, v14;
	v58 =	vmul.f32 v18, v15;
	v16 =	vmin.f32 v8, v57  }
0x105: {  	v52 =	vld [tilespmem:$0x370];
	v18 =	vmin.f32 v6, v60;
	v24 =	vmin.f32 v6, v44;
	v12 =	vsub.f32 v51, v11  }
0x106: {  	v55 =	vld [tilespmem:$0xC70];
	v57 =	vmax.f32 v9, v29;
	v21 =	vsub.f32 v21, v13;
	v38 =	vsub.f32 v16, v20  }
0x107: {  	v37 =	vld [tilespmem:$0xC90];
	v39 =	vsub.f32 v18, v25;
	v18 =	vmax.f32 v9, v40;
	v20 =	vmax.f32 v7, v41  }
0x108: {  	v27 =	vld [tilespmem:$0xC50];
	v40 =	vmax.f32 v9, v33;
	v22 =	vmin.f32 v8, v53;
	v15 =	vsub.f32 v59, v58  }
0x109: {  	v47 =	vld [tilespmem:$0x660];
	v14 =	vmax.f32 v14, $0.0e+00;
	v19 =	vsub.f32 v54, v18;
	v20 =	vsub.f32 v24, v20  }
0x10a: {  	v49 =	vld [tilespmem:$0x960];
	v22 =	vsub.f32 v22, v40;
	v12 =	vmax.f32 v12, $9.999999930e-09;
	v61 =	vmax.f32 v21, $9.999999930e-09  }
0x10b: {  	v56 =	vld [tilespmem:$0x80];
	v14 =	vmul.f32 v14, v17;
	v16 =	vmax.f32 v39, $0.0e+00;
	v39 =	vadd.f32 v31, v10  }
0x10c: {  	v42 =	vld [tilespmem:$0x690];
	v21 =	vmax.f32 v7, v52;
	v25 =	vadd.f32 v55, v10;
	v54 =	vadd.f32 v37, v10  }
0x10d: {  	v41 =	vld [tilespmem:$0x390];
	(erf) = vrcp.f32 v12;
	v15 =	vmax.f32 v15, $9.999999930e-09;
	v19 =	vmax.f32 v19, $0.0e+00  }
0x10e: {  	v53 =	vld [tilespmem:$0x6B0];
	v20 =	vmax.f32 v20, $0.0e+00;
	v21 =	vsub.f32 v34, v21;
	(erf) = vrcp.f32 v61  }
0x10f: {  	v55 =	vld [tilespmem:$0x9B0];
	v17 =	vsub.f32 v35, v14;
	(erf) = vrcp.f32 v15;
	v15 =	vmax.f32 v38, $0.0e+00  }
0x110: {  	v18 =	vld [tilespmem:$0xF70];
	v22 =	vmax.f32 v22, $0.0e+00;
	v60 =	vmul.f32 v20, v19;
	v15 =	vmul.f32 v16, v15  }
0x111: {  	v61 =	vadd.f32 v27, v10;
	v21 =	vmax.f32 v21, $0.0e+00;
	v38 =	vld [tilespmem:$0x9A0];
	v17 =	vmax.f32 v17, $9.999999930e-09  }
0x112: {  	v59 =	vld [tilespmem:$0x980];
	v21 =	vmul.f32 v21, v22;
	(erf) = vrcp.f32 v17;
	v28 =	vsub.f32 v43, v15  }
0x113: {  	v31 =	vmin.f32 v8, v42;
	v33 =	vmax.f32 v7, v41;
	v20 =	vsub.f32 v61, v60;
	v43 =	vld [tilespmem:$0x990]  }
0x114: {  	v40 =	vld [tilespmem:$0x9C0];
	v37 =	vmin.f32 v6, v55;
	v25 =	vsub.f32 v25, v21;
	v28 =	vmax.f32 v28, $9.999999930e-09  }
0x115: {  	v52 =	vld [tilespmem:$0x3B0];
	v20 =	vmax.f32 v20, $9.999999930e-09;
	(erf) = vrcp.f32 v28;
	v28 =	vmin.f32 v8, v47  }
0x116: {  	v42 =	vld [tilespmem:$0xCC0];
	v25 =	vmax.f32 v25, $9.999999930e-09;
	v38 =	vmin.f32 v6, v38;
	v45 =	vpop (erf);
	v24 =	vsub.f32 v28, v57  }
0x117: {  	v19 =	vld [tilespmem:$0xF80];
	v28 =	vmin.f32 v6, v59;
	v11 =	vmul.f32 v45, v11;
	v46 =	vpop (erf);
	(erf) = vrcp.f32 v20  }
0x118: {  	v41 =	vld [tilespmem:$0xFA0];
	v34 =	vmin.f32 v6, v43;
	v13 =	vmul.f32 v46, v13;
	v48 =	vpop (erf);
	v24 =	vmax.f32 v24, $0.0e+00  }
0x119: {  	v16 =	vld [tilespmem:$0xF50];
	vm12 =	vgt.f32 v11, $6.999999880e-01;
	v50 =	vmul.f32 v48, v58;
	v48 =	vsub.f32 v34, v33  }
0x11a: {  	v58 =	vld [tilespmem:$0x380];
	v11 =	vsel vm12, $0xCE6E6B28, v23;
	vm13 =	vgt.f32 v13, $6.999999880e-01;
	v23 =	vmin.f32 v6, v49  }
0x11b: {  	v47 =	vld [tilespmem:$0x6A0];
	v51 =	vpop (erf);
	vm0 =	vgt.f32 v11, $-Inf;
	v12 =	vsel vm13, $0xCE6E6B28, v62;
	vm14 =	vgt.f32 v50, $6.999999880e-01  }
0x11c: {  	v49 =	vld [tilespmem:$0xCA0];
	v14 =	vmul.f32 v51, v14;
	v23 =	vsub.f32 v23, v30;
	v32 =	vnsel vm0, $0xFF800000, v11  }
0x11d: {  	v62 =	vld [tilespmem:$0xC80];
	v51 =	vmax.f32 v48, $0.0e+00;
	v13 =	vsel vm14, $0xCE6E6B28, v63;
	vm7 =	vgt.f32 v12, v32  }
0x11e: {  	v63 =	vld [tilespmem:$0x90];
	vm15 =	vgt.f32 v14, $6.999999880e-01;
	v23 =	vmax.f32 v23, $0.0e+00;
	v32 =	vsel vm7, v12, v32  }
0x11f: {  	v17 =	vld [tilespmem:$0xF60];
	v14 =	vsel vm15, $0xCE6E6B28, v36;
	v35 =	vpop (erf);
	v24 =	vmul.f32 v23, v24;
	v29 =	vmax.f32 v7, v58  }
0x120: {  	v59 =	vld [tilespmem:$0x3C0];
	vm6 =	vgt.f32 v13, v32;
	v15 =	vmul.f32 v35, v15;
	v35 =	vmax.f32 v9, v56  }
0x121: {  	v36 =	vld [tilespmem:$0x680];
	v28 =	vsub.f32 v28, v29;
	v29 =	vmin.f32 v8, v47;
	v33 =	vadd.f32 v49, v10  }
0x122: {  	v45 =	vld [tilespmem:$0xA0];
	v47 =	vmin.f32 v6, v40;
	v32 =	vsel vm6, v13, v32;
	v27 =	vadd.f32 v62, v10  }
0x123: {  	[tilespmem:$0xF10] =	vst v12;
	v12 =	vld [tilespmem:$0x8D0];
	vm0 =	vgt.f32 v14, v32;
	vm4 =	vgt.f32 v15, $6.999999880e-01;
	v23 =	vmax.f32 v9, v63  }
0x124: {  	v46 =	vld [tilespmem:$0x3A0];
	v28 =	vmax.f32 v28, $0.0e+00;
	v4 =	vsel vm0, $0xFFFFFFFF, v4;
	v30 =	vsel vm0, v14, v32  }
0x125: {  	v56 =	vld [tilespmem:$0xCB0];
	v15 =	vsel vm4, $0xCE6E6B28, v26;
	v26 =	vsub.f32 v39, v24;
	v23 =	vsub.f32 v31, v23  }
0x126: {  	v20 =	vld [tilespmem:$0xF90];
	v39 =	vpop (erf);
	v31 =	vmax.f32 v7, v52;
	vm8 =	vgt.f32 v15, v30;
	v36 =	vmin.f32 v8, v36  }
0x127: {  	v50 =	vld [tilespmem:$0xB0];
	[tilespmem:$0x1FF50] =	vst v4;
	v32 =	vmul.f32 v39, v60;
	v61 =	vsub.f32 v37, v31;
	v4 =	vimm.s32 $0x0  }
0x128: {  	v58 =	vld [tilespmem:$0xC0];
	v12 =	vmin.f32 v8, v12;
	v26 =	vmax.f32 v26, $9.999999930e-09;
	v44 =	vsub.f32 v36, v35  }
0x129: {  	v40 =	vld [tilespmem:$0xD10];
	v23 =	vmax.f32 v23, $0.0e+00;
	v35 =	vmax.f32 v9, v45;
	v36 =	vmax.f32 v7, v46  }
0x12a: {  	[tilespmem:$0xF30] =	vst v14;
	v14 =	vld [tilespmem:$0x2E0];
	v43 =	vadd.f32 v56, v10;
	v45 =	vmax.f32 v7, v59;
	v30 =	vsel vm8, v15, v30  }
0x12b: {  	v60 =	vld [tilespmem:$0x6C0];
	(erf) = vrcp.f32 v26;
	v26 =	vmul.f32 v51, v23;
	v29 =	vsub.f32 v29, v35  }
0x12c: {  	v31 =	vld [tilespmem:$0x6D0];
	v57 =	vsub.f32 v38, v36;
	v23 =	vmin.f32 v8, v53;
	vm5 =	vgt.f32 v32, $6.999999880e-01  }
0x12d: {  	v37 =	vld [tilespmem:$0xCD0];
	v32 =	vadd.f32 v42, v10;
	v22 =	vmax.f32 v44, $0.0e+00;
	(erf) = vrcp.f32 v25  }
0x12e: {  	v39 =	vld [tilespmem:$0x3E0];
	v44 =	vmax.f32 v9, v58;
	v16 =	vsel vm5, $0xCE6E6B28, v16;
	v22 =	vmul.f32 v28, v22  }
0x12f: {  	v56 =	vld [tilespmem:$0xE0];
	v34 =	vsub.f32 v54, v26;
	v29 =	vmax.f32 v29, $0.0e+00;
	v25 =	vmax.f32 v57, $0.0e+00  }
0x130: {  	v35 =	vld [tilespmem:$0x3D0];
	v28 =	vmax.f32 v9, v50;
	v50 =	vsub.f32 v47, v45;
	vm15 =	vgt.f32 v16, v30  }
0x131: {  	v38 =	vld [tilespmem:$0xD0];
	v14 =	vmax.f32 v9, v14;
	v29 =	vmul.f32 v25, v29;
	v23 =	vsub.f32 v23, v28  }
0x132: {  	v42 =	vld [tilespmem:$0xF0];
	v25 =	vmax.f32 v61, $0.0e+00;
	v46 =	vmin.f32 v8, v60;
	v30 =	vsel vm15, v16, v30  }
0x133: {  	v36 =	vld [tilespmem:$0x110];
	v39 =	vmax.f32 v7, v39;
	v27 =	vsub.f32 v27, v22;
	v62 =	vmax.f32 v34, $9.999999930e-09  }
0x134: {  	[tilespmem:$0xF50] =	vst v16;
	v16 =	vld [tilespmem:$0x5E0];
	v49 =	vsub.f32 v46, v44;
	v54 =	vmax.f32 v50, $0.0e+00;
	v56 =	vmax.f32 v9, v56  }
0x135: {  	v34 =	vld [tilespmem:$0x9D0];
	v63 =	vsub.f32 v33, v29;
	v23 =	vmax.f32 v23, $0.0e+00;
	v35 =	vmax.f32 v7, v35  }
0x136: {  	v58 =	vld [tilespmem:$0x6E0];
	v27 =	vmax.f32 v27, $9.999999930e-09;
	v33 =	vmul.f32 v25, v23;
	v53 =	vmax.f32 v49, $0.0e+00  }
0x137: {  	v28 =	vld [tilespmem:$0xFB0];
	(erf) = vrcp.f32 v27;
	v52 =	vmax.f32 v63, $9.999999930e-09;
	v27 =	vmul.f32 v54, v53  }
0x138: {  	v60 =	vld [tilespmem:$0x9E0];
	v53 =	vmin.f32 v8, v31;
	(erf) = vrcp.f32 v62;
	v25 =	vsub.f32 v43, v33  }
0x139: {  	v54 =	vld [tilespmem:$0xA00];
	v16 =	vmax.f32 v7, v16;
	v48 =	vpop (erf);
	(erf) = vrcp.f32 v52;
	v32 =	vsub.f32 v32, v27  }
0x13a: {  	v43 =	vld [tilespmem:$0x6F0];
	v34 =	vmin.f32 v6, v34;
	v51 =	vmul.f32 v48, v24;
	v25 =	vmax.f32 v25, $9.999999930e-09  }
0x13b: {  	v63 =	vld [tilespmem:$0xCE0];
	v52 =	vmax.f32 v9, v38;
	v55 =	vpop (erf);
	v34 =	vsub.f32 v34, v35;
	(erf) = vrcp.f32 v25  }
0x13c: {  	v21 =	vmul.f32 v55, v21;
	v32 =	vmax.f32 v32, $9.999999930e-09;
	v55 =	vld [tilespmem:$0xD00];
	vm9 =	vgt.f32 v51, $6.999999880e-01  }
0x13d: {  	v50 =	vld [tilespmem:$0x9F0];
	(erf) = vrcp.f32 v32;
	v32 =	vmin.f32 v6, v60;
	v34 =	vmax.f32 v34, $0.0e+00  }
0x13e: {  	v48 =	vld [tilespmem:$0x3F0];
	v31 =	vmin.f32 v6, v54;
	v17 =	vsel vm9, $0xCE6E6B28, v17;
	v32 =	vsub.f32 v32, v39  }
0x13f: {  	vm10 =	vgt.f32 v21, $6.999999880e-01;
	v39 =	vld [tilespmem:$0x410];
	v60 =	vmin.f32 v8, v43;
	vm11 =	vgt.f32 v17, v30  }
0x140: {  	v43 =	vld [tilespmem:$0xA10];
	v18 =	vsel vm10, $0xCE6E6B28, v18;
	v61 =	vsel vm11, v17, v30;
	v32 =	vmax.f32 v32, $0.0e+00  }
0x141: {  	v23 =	vld [tilespmem:$0xFC0];
	v30 =	vadd.f32 v63, v10;
	v57 =	vpop (erf);
	vm12 =	vgt.f32 v18, v61;
	v55 =	vadd.f32 v55, v10  }
0x142: {  	v24 =	vld [tilespmem:$0xFD0];
	v59 =	vmul.f32 v57, v22;
	v62 =	vpop (erf);
	v4 =	vsel vm12, $0xFFFFFFFF, v4;
	v22 =	vsel vm12, v18, v61  }
0x143: {  	v25 =	vld [tilespmem:$0xFE0];
	v57 =	vmin.f32 v8, v58;
	v58 =	vadd.f32 v37, v10;
	v45 =	vmul.f32 v62, v26  }
0x144: {  	v37 =	vld [tilespmem:$0x710];
	v35 =	vsub.f32 v57, v56;
	v62 =	vmax.f32 v7, v48;
	v39 =	vmax.f32 v7, v39  }
0x145: {  	[tilespmem:$0x1FF60] =	vst v4;
	v46 =	vpop (erf);
	v48 =	vld [tilespmem:$0x420];
	v43 =	vmin.f32 v6, v43;
	v4 =	vimm.s32 $0x0;
	vm13 =	vgt.f32 v59, $6.999999880e-01  }
0x146: {  	v57 =	vld [tilespmem:$0x130];
	v47 =	vmul.f32 v46, v29;
	v59 =	vmax.f32 v9, v42;
	v39 =	vsub.f32 v43, v39  }
0x147: {  	v46 =	vld [tilespmem:$0x400];
	v19 =	vsel vm13, $0xCE6E6B28, v19;
	vm14 =	vgt.f32 v45, $6.999999880e-01;
	v35 =	vmax.f32 v35, $0.0e+00  }
0x148: {  	v29 =	vld [tilespmem:$0x1010];
	v49 =	vpop (erf);
	v61 =	vsub.f32 v60, v59;
	vm13 =	vgt.f32 v19, v22;
	v20 =	vsel vm14, $0xCE6E6B28, v20  }
0x149: {  	v45 =	vld [tilespmem:$0x100];
	vm4 =	vgt.f32 v47, $6.999999880e-01;
	v26 =	vmul.f32 v49, v33;
	v32 =	vmul.f32 v32, v35  }
0x14a: {  	v59 =	vld [tilespmem:$0x730];
	v51 =	vpop (erf);
	v33 =	vmin.f32 v6, v50;
	v39 =	vmax.f32 v39, $0.0e+00;
	v22 =	vsel vm13, v19, v22  }
0x14b: {  	v47 =	vld [tilespmem:$0x700];
	v21 =	vsel vm4, $0xCE6E6B28, v41;
	v27 =	vmul.f32 v51, v27;
	v35 =	vmax.f32 v61, $0.0e+00  }
0x14c: {  	v50 =	vld [tilespmem:$0xD30];
	v33 =	vsub.f32 v33, v62;
	v61 =	vmax.f32 v9, v36;
	v62 =	vmin.f32 v8, v37  }
0x14d: {  	v41 =	vld [tilespmem:$0xCF0];
	vm10 =	vgt.f32 v20, v22;
	vm5 =	vgt.f32 v26, $6.999999880e-01;
	v36 =	vsub.f32 v62, v61  }
0x14e: {  	v26 =	vld [tilespmem:$0xFF0];
	v38 =	vmax.f32 v9, v57;
	v22 =	vsel vm10, v20, v22;
	vm9 =	vgt.f32 v27, $6.999999880e-01  }
0x14f: {  	v57 =	vld [tilespmem:$0xA40];
	v27 =	vsub.f32 v53, v52;
	v46 =	vmax.f32 v7, v46;
	v33 =	vmax.f32 v33, $0.0e+00  }
0x150: {  	v62 =	vld [tilespmem:$0xA50];
	v53 =	vsub.f32 v30, v32;
	vm12 =	vgt.f32 v21, v22;
	v63 =	vmax.f32 v9, v45  }
0x151: {  	v30 =	vld [tilespmem:$0x1020];
	v31 =	vsub.f32 v31, v46;
	v35 =	vmul.f32 v33, v35;
	v23 =	vsel vm9, $0xCE6E6B28, v23  }
0x152: {  	v45 =	vld [tilespmem:$0x120];
	v36 =	vmax.f32 v36, $0.0e+00;
	v44 =	vsel vm12, v21, v22;
	v22 =	vsel vm5, $0xCE6E6B28, v28  }
0x153: {  	v46 =	vld [tilespmem:$0x720];
	v27 =	vmax.f32 v27, $0.0e+00;
	v47 =	vmin.f32 v8, v47;
	v56 =	vmax.f32 v53, $9.999999930e-09  }
0x154: {  	v28 =	vld [tilespmem:$0x1000];
	v53 =	vmax.f32 v7, v48;
	v36 =	vmul.f32 v39, v36;
	vm14 =	vgt.f32 v22, v44  }
0x155: {  	v27 =	vmul.f32 v34, v27;
	v42 =	vsub.f32 v47, v63;
	v52 =	vadd.f32 v41, v10;
	v41 =	vld [tilespmem:$0xA20]  }
0x156: {  	v31 =	vmax.f32 v31, $0.0e+00;
	v63 =	vld [tilespmem:$0xA30];
	v44 =	vsel vm14, v22, v44;
	v57 =	vmin.f32 v6, v57  }
0x157: {  	v48 =	vld [tilespmem:$0x170];
	v34 =	vsub.f32 v58, v27;
	v54 =	vmax.f32 v42, $0.0e+00;
	v33 =	vsub.f32 v52, v35  }
0x158: {  	v42 =	vld [tilespmem:$0xD20];
	vm5 =	vgt.f32 v23, v44;
	v49 =	vmul.f32 v31, v54;
	v51 =	vmax.f32 v9, v45  }
0x159: {  	v58 =	vld [tilespmem:$0x430];
	v52 =	vmin.f32 v8, v46;
	v54 =	vadd.f32 v40, v10;
	v34 =	vmax.f32 v34, $9.999999930e-09  }
0x15a: {  	v45 =	vld [tilespmem:$0x140];
	v33 =	vmax.f32 v33, $9.999999930e-09;
	v43 =	vsub.f32 v52, v51;
	(erf) = vrcp.f32 v34  }
0x15b: {  	v46 =	vld [tilespmem:$0x440];
	v31 =	vsub.f32 v55, v49;
	v41 =	vmin.f32 v6, v41;
	v37 =	vmin.f32 v6, v63  }
0x15c: {  	v51 =	vld [tilespmem:$0xD40];
	v39 =	vsub.f32 v54, v36;
	(erf) = vrcp.f32 v56;
	v41 =	vsub.f32 v41, v53  }
0x15d: {  	v52 =	vld [tilespmem:$0xD50];
	v55 =	vmax.f32 v43, $0.0e+00;
	(erf) = vrcp.f32 v33;
	v60 =	vmax.f32 v31, $9.999999930e-09  }
0x15e: {  	v56 =	vld [tilespmem:$0x740];
	v42 =	vadd.f32 v42, v10;
	v34 =	vmax.f32 v7, v58;
	v33 =	vmin.f32 v8, v59  }
0x15f: {  	v53 =	vld [tilespmem:$0xA70];
	v39 =	vmax.f32 v39, $9.999999930e-09;
	v59 =	vadd.f32 v50, v10;
	v41 =	vmax.f32 v41, $0.0e+00  }
0x160: {  	v31 =	vld [tilespmem:$0x1030];
	v33 =	vsub.f32 v33, v38;
	v37 =	vsub.f32 v37, v34;
	v38 =	vsel vm5, v23, v44  }
0x161: {  	(erf) = vrcp.f32 v60;
	v44 =	vld [tilespmem:$0x450];
	v45 =	vmax.f32 v9, v45;
	v40 =	vmul.f32 v41, v55  }
0x162: {  	v41 =	vld [tilespmem:$0x150];
	(erf) = vrcp.f32 v39;
	v33 =	vmax.f32 v33, $0.0e+00;
	v37 =	vmax.f32 v37, $0.0e+00  }
0x163: {  	v50 =	vld [tilespmem:$0x760];
	v42 =	vsub.f32 v42, v40;
	v37 =	vmul.f32 v37, v33;
	v43 =	vmin.f32 v8, v56  }
0x164: {  	v60 =	vld [tilespmem:$0x750];
	v56 =	vmax.f32 v7, v46;
	v53 =	vmin.f32 v6, v53;
	v55 =	vsub.f32 v43, v45  }
0x165: {  	v34 =	vld [tilespmem:$0x1040];
	v43 =	vsub.f32 v57, v56;
	v61 =	vmax.f32 v42, $9.999999930e-09;
	v33 =	vsub.f32 v59, v37  }
0x166: {  	v46 =	vld [tilespmem:$0x160];
	v44 =	vmax.f32 v7, v44;
	v42 =	vmin.f32 v6, v62;
	v59 =	vadd.f32 v51, v10  }
0x167: {  	v45 =	vld [tilespmem:$0x460];
	v58 =	vpop (erf);
	(erf) = vrcp.f32 v61;
	v39 =	vmax.f32 v55, $0.0e+00;
	v41 =	vmax.f32 v9, v41  }
0x168: {  	v51 =	vld [tilespmem:$0x480];
	v43 =	vmax.f32 v43, $0.0e+00;
	v42 =	vsub.f32 v42, v44;
	v27 =	vmul.f32 v58, v27  }
0x169: {  	v44 =	vld [tilespmem:$0xA60];
	v63 =	vpop (erf);
	v33 =	vmax.f32 v33, $9.999999930e-09;
	v58 =	vmin.f32 v8, v60;
	v39 =	vmul.f32 v43, v39  }
0x16a: {  	v43 =	vld [tilespmem:$0xD60];
	v60 =	vadd.f32 v52, v10;
	v47 =	vmul.f32 v63, v32;
	v41 =	vsub.f32 v58, v41  }
0x16b: {  	v52 =	vld [tilespmem:$0x770];
	(erf) = vrcp.f32 v33;
	v42 =	vmax.f32 v42, $0.0e+00;
	v61 =	vpop (erf);
	vm4 =	vgt.f32 v27, $6.999999880e-01  }
0x16c: {  	v32 =	vld [tilespmem:$0x1050];
	v27 =	vsub.f32 v59, v39;
	v35 =	vmul.f32 v61, v35;
	v59 =	vmax.f32 v9, v46  }
0x16d: {  	v33 =	vld [tilespmem:$0x1060];
	v62 =	vpop (erf);
	v45 =	vmax.f32 v7, v45;
	v41 =	vmax.f32 v41, $0.0e+00;
	v24 =	vsel vm4, $0xCE6E6B28, v24  }
0x16e: {  	vm9 =	vgt.f32 v47, $6.999999880e-01;
	v47 =	vld [tilespmem:$0x470];
	v49 =	vmul.f32 v62, v49;
	v63 =	vpop (erf);
	v51 =	vmax.f32 v7, v51  }
0x16f: {  	v41 =	vmul.f32 v42, v41;
	v27 =	vmax.f32 v27, $9.999999930e-09;
	v55 =	vmul.f32 v63, v36;
	v36 =	vld [tilespmem:$0x180]  }
0x170: {  	vm4 =	vgt.f32 v35, $6.999999880e-01;
	v44 =	vmin.f32 v6, v44;
	v63 =	vmax.f32 v9, v48;
	v48 =	vld [tilespmem:$0x1A0]  }
0x171: {  	(erf) = vrcp.f32 v27;
	v27 =	vsel vm4, $0xCE6E6B28, v26;
	vm4 =	vgt.f32 v49, $6.999999880e-01;
	v49 =	vld [tilespmem:$0xA80]  }
0x172: {  	vm3 =	vgt.f32 v24, v38;
	v25 =	vsel vm9, $0xCE6E6B28, v25;
	v61 =	vsub.f32 v44, v45;
	v44 =	vld [tilespmem:$0x190]  }
0x173: {  	v43 =	vadd.f32 v43, v10;
	v52 =	vmin.f32 v8, v52;
	v45 =	vld [tilespmem:$0x4A0];
	v42 =	vsub.f32 v60, v41  }
0x174: {  	v26 =	vsel vm4, $0xCE6E6B28, v28;
	vm4 =	vgt.f32 v55, $6.999999880e-01;
	v60 =	vmin.f32 v8, v50;
	v50 =	vld [tilespmem:$0xD80]  }
0x175: {  	v46 =	vsub.f32 v60, v59;
	v35 =	vmax.f32 v61, $0.0e+00;
	v61 =	vsub.f32 v52, v63;
	v52 =	vld [tilespmem:$0xAA0]  }
0x176: {  	v28 =	vsel vm4, $0xCE6E6B28, v29;
	v54 =	vmax.f32 v42, $9.999999930e-09;
	v42 =	vld [tilespmem:$0xD70];
	v56 =	vpop (erf);
	v47 =	vmax.f32 v7, v47  }
0x177: {  	(erf) = vrcp.f32 v54;
	v57 =	vmul.f32 v56, v40;
	v40 =	vld [tilespmem:$0x780];
	v62 =	vmax.f32 v46, $0.0e+00  }
0x178: {  	v46 =	vld [tilespmem:$0x790];
	v36 =	vmax.f32 v9, v36;
	v48 =	vmax.f32 v9, v48;
	v56 =	vmul.f32 v35, v62  }
0x179: {  	v54 =	vld [tilespmem:$0xA90];
	v62 =	vsub.f32 v53, v47;
	v35 =	vmax.f32 v61, $0.0e+00;
	v49 =	vmin.f32 v6, v49  }
0x17a: {  	v58 =	vpop (erf);
	v47 =	vld [tilespmem:$0xD90];
	v44 =	vmax.f32 v9, v44;
	v45 =	vmax.f32 v7, v45;
	vm4 =	vgt.f32 v57, $6.999999880e-01  }
0x17b: {  	v53 =	vld [tilespmem:$0x7C0];
	v37 =	vmul.f32 v58, v37;
	v59 =	vsub.f32 v49, v51;
	v29 =	vsel vm4, $0xCE6E6B28, v30  }
0x17c: {  	v49 =	vld [tilespmem:$0xDA0];
	v43 =	vsub.f32 v43, v56;
	v57 =	vmax.f32 v62, $0.0e+00;
	v52 =	vmin.f32 v6, v52  }
0x17d: {  	v62 =	vld [tilespmem:$0x4B0];
	vm4 =	vgt.f32 v37, $6.999999880e-01;
	v58 =	vadd.f32 v42, v10;
	v45 =	vsub.f32 v52, v45  }
0x17e: {  	v37 =	vld [tilespmem:$0x490];
	v60 =	vpop (erf);
	v30 =	vsel vm4, $0xCE6E6B28, v31;
	v40 =	vmin.f32 v8, v40;
	v61 =	vmax.f32 v43, $9.999999930e-09  }
0x17f: {  	v42 =	vld [tilespmem:$0x7A0];
	v46 =	vmin.f32 v8, v46;
	v63 =	vmul.f32 v60, v39;
	v39 =	vmul.f32 v57, v35  }
0x180: {  	v52 =	vld [tilespmem:$0xAC0];
	v36 =	vsub.f32 v40, v36;
	v40 =	vmax.f32 v59, $0.0e+00;
	(erf) = vrcp.f32 v61  }
0x181: {  	v35 =	vld [tilespmem:$0x1B0];
	v57 =	vadd.f32 v50, v10;
	v59 =	vmin.f32 v6, v54;
	v44 =	vsub.f32 v46, v44  }
0x182: {  	v45 =	vmax.f32 v45, $0.0e+00;
	v46 =	vld [tilespmem:$0x1E0];
	vm4 =	vgt.f32 v63, $6.999999880e-01;
	v60 =	vsub.f32 v58, v39  }
0x183: {  	v36 =	vmax.f32 v36, $0.0e+00;
	v63 =	vld [tilespmem:$0x7B0];
	v44 =	vmax.f32 v44, $0.0e+00;
	v43 =	vmax.f32 v7, v62  }
0x184: {  	v58 =	vld [tilespmem:$0xAB0];
	v62 =	vadd.f32 v47, v10;
	v31 =	vsel vm4, $0xCE6E6B28, v34;
	v34 =	vmul.f32 v40, v36  }
0x185: {  	v51 =	vld [tilespmem:$0x1C0];
	v55 =	vpop (erf);
	v37 =	vmax.f32 v7, v37;
	v42 =	vmin.f32 v8, v42;
	v52 =	vmin.f32 v6, v52  }
0x186: {  	v54 =	vld [tilespmem:$0xDC0];
	v41 =	vmul.f32 v55, v41;
	v37 =	vsub.f32 v59, v37;
	v42 =	vsub.f32 v42, v48  }
0x187: {  	v47 =	vld [tilespmem:$0x7D0];
	v40 =	vsub.f32 v57, v34;
	v35 =	vmax.f32 v9, v35;
	v46 =	vmax.f32 v9, v46  }
0x188: {  	v48 =	vld [tilespmem:$0x4C0];
	vm4 =	vgt.f32 v41, $6.999999880e-01;
	v41 =	vmax.f32 v60, $9.999999930e-09;
	v37 =	vmax.f32 v37, $0.0e+00  }
0x189: {  	v55 =	vld [tilespmem:$0x4E0];
	v42 =	vmax.f32 v42, $0.0e+00;
	v36 =	vmin.f32 v8, v63;
	v50 =	vmin.f32 v6, v58  }
0x18a: {  	v60 =	vld [tilespmem:$0xDB0];
	v63 =	vadd.f32 v49, v10;
	(erf) = vrcp.f32 v41;
	v40 =	vmax.f32 v40, $9.999999930e-09  }
0x18b: {  	v32 =	vsel vm4, $0xCE6E6B28, v32;
	v61 =	vsub.f32 v36, v35;
	v43 =	vsub.f32 v50, v43;
	v50 =	vld [tilespmem:$0x1D0]  }
0x18c: {  	v47 =	vmin.f32 v8, v47;
	v35 =	vmul.f32 v37, v44;
	v36 =	vmul.f32 v45, v42;
	v42 =	vld [tilespmem:$0x4D0]  }
0x18d: {  	v45 =	vld [tilespmem:$0xAD0];
	(erf) = vrcp.f32 v40;
	v48 =	vmax.f32 v7, v48;
	v57 =	vmax.f32 v61, $0.0e+00  }
0x18e: {  	v44 =	vld [tilespmem:$0xDD0];
	v43 =	vmax.f32 v43, $0.0e+00;
	v58 =	vsub.f32 v62, v35;
	v48 =	vsub.f32 v52, v48  }
0x18f: {  	v62 =	vpop (erf);
	v52 =	vld [tilespmem:$0x1F0];
	v37 =	vmul.f32 v43, v57;
	v59 =	vadd.f32 v60, v10;
	v60 =	vsub.f32 v63, v36  }
0x190: {  	v49 =	vmul.f32 v62, v56;
	v61 =	vmax.f32 v58, $9.999999930e-09;
	v58 =	vld [tilespmem:$0x7E0];
	v48 =	vmax.f32 v48, $0.0e+00  }
0x191: {  	v43 =	vsub.f32 v59, v37;
	(erf) = vrcp.f32 v61;
	v59 =	vmax.f32 v9, v51;
	v51 =	vld [tilespmem:$0xAE0]  }
0x192: {  	v63 =	vmax.f32 v60, $9.999999930e-09;
	v60 =	vmin.f32 v8, v53;
	v50 =	vmax.f32 v9, v50;
	v53 =	vld [tilespmem:$0xAF0]  }
0x193: {  	v42 =	vmax.f32 v7, v42;
	v45 =	vmin.f32 v6, v45;
	v61 =	vadd.f32 v54, v10;
	v54 =	vld [tilespmem:$0x500]  }
0x194: {  	v44 =	vadd.f32 v44, v10;
	vm4 =	vgt.f32 v49, $6.999999880e-01;
	v49 =	vld [tilespmem:$0x820];
	v40 =	vsub.f32 v60, v59  }
0x195: {  	(erf) = vrcp.f32 v63;
	v47 =	vsub.f32 v47, v50;
	v50 =	vld [tilespmem:$0x4F0];
	v42 =	vsub.f32 v45, v42  }
0x196: {  	v45 =	vld [tilespmem:$0x7F0];
	v60 =	vmax.f32 v7, v55;
	v33 =	vsel vm4, $0xCE6E6B28, v33;
	v57 =	vmax.f32 v43, $9.999999930e-09  }
0x197: {  	v63 =	vld [tilespmem:$0xDF0];
	(erf) = vrcp.f32 v57;
	v40 =	vmax.f32 v40, $0.0e+00;
	v47 =	vmax.f32 v47, $0.0e+00  }
0x198: {  	v55 =	vld [tilespmem:$0xB00];
	v42 =	vmax.f32 v42, $0.0e+00;
	v40 =	vmul.f32 v48, v40;
	v62 =	vmin.f32 v8, v58  }
0x199: {  	v43 =	vld [tilespmem:$0xDE0];
	v41 =	vmul.f32 v42, v47;
	v59 =	vsub.f32 v62, v46;
	v51 =	vmin.f32 v6, v51  }
0x19a: {  	v53 =	vmin.f32 v6, v53;
	v54 =	vmax.f32 v7, v54;
	v49 =	vmin.f32 v8, v49  }
0x19b: {  	v46 =	vld [tilespmem:$0x200];
	v48 =	vsub.f32 v61, v40;
	v47 =	vsub.f32 v51, v60;
	v61 =	vmax.f32 v9, v52  }
0x19c: {  	v52 =	vld [tilespmem:$0x800];
	v50 =	vmax.f32 v7, v50;
	v45 =	vmin.f32 v8, v45;
	v44 =	vsub.f32 v44, v41  }
0x19d: {  	v51 =	vld [tilespmem:$0xE00];
	v62 =	vadd.f32 v63, v10;
	v55 =	vmin.f32 v6, v55;
	v45 =	vsub.f32 v45, v61  }
0x19e: {  	v63 =	vld [tilespmem:$0x810];
	v60 =	vpop (erf);
	v42 =	vmax.f32 v59, $0.0e+00;
	v50 =	vsub.f32 v53, v50;
	v43 =	vadd.f32 v43, v10  }
0x19f: {  	v53 =	vld [tilespmem:$0x510];
	v39 =	vmul.f32 v60, v39;
	v54 =	vsub.f32 v55, v54;
	v47 =	vmax.f32 v47, $0.0e+00  }
0x1a0: {  	v60 =	vld [tilespmem:$0xB20];
	v48 =	vmax.f32 v48, $9.999999930e-09;
	v44 =	vmax.f32 v44, $9.999999930e-09;
	v42 =	vmul.f32 v47, v42  }
0x1a1: {  	v47 =	vld [tilespmem:$0x210];
	v45 =	vmax.f32 v45, $0.0e+00;
	v50 =	vmax.f32 v50, $0.0e+00;
	(erf) = vrcp.f32 v48  }
0x1a2: {  	v48 =	vld [tilespmem:$0xB10];
	v54 =	vmax.f32 v54, $0.0e+00;
	v45 =	vmul.f32 v50, v45;
	v43 =	vsub.f32 v43, v42  }
0x1a3: {  	vm4 =	vgt.f32 v39, $6.999999880e-01;
	(erf) = vrcp.f32 v44;
	v50 =	vld [tilespmem:$0xE10];
	v46 =	vmax.f32 v9, v46  }
0x1a4: {  	v61 =	vsub.f32 v62, v45;
	v62 =	vmin.f32 v8, v52;
	v52 =	vld [tilespmem:$0x520];
	v43 =	vmax.f32 v43, $9.999999930e-09  }
0x1a5: {  	v63 =	vmin.f32 v8, v63;
	v51 =	vadd.f32 v51, v10;
	(erf) = vrcp.f32 v43;
	v43 =	vld [tilespmem:$0x220]  }
0x1a6: {  	v57 =	vld [tilespmem:$0x830];
	v53 =	vmax.f32 v7, v53;
	v46 =	vsub.f32 v62, v46;
	v47 =	vmax.f32 v9, v47  }
0x1a7: {  	v58 =	vld [tilespmem:$0xB30];
	v56 =	vmin.f32 v6, v60;
	v48 =	vmin.f32 v6, v48;
	v47 =	vsub.f32 v63, v47  }
0x1a8: {  	v62 =	vld [tilespmem:$0x230];
	v44 =	vmax.f32 v61, $9.999999930e-09;
	v46 =	vmax.f32 v46, $0.0e+00;
	v48 =	vsub.f32 v48, v53  }
0x1a9: {  	v63 =	vld [tilespmem:$0x530];
	v50 =	vadd.f32 v50, v10;
	v46 =	vmul.f32 v54, v46;
	v47 =	vmax.f32 v47, $0.0e+00  }
0x1aa: {  	v61 =	vld [tilespmem:$0xE20];
	v48 =	vmax.f32 v48, $0.0e+00;
	v52 =	vmax.f32 v7, v52;
	v43 =	vmax.f32 v9, v43  }
0x1ab: {  	v59 =	vpop (erf);
	v47 =	vmul.f32 v48, v47;
	v56 =	vsub.f32 v56, v52;
	v43 =	vsub.f32 v49, v43  }
0x1ac: {  	(erf) = vrcp.f32 v44;
	v53 =	vld [tilespmem:$0xE30];
	v52 =	vmul.f32 v59, v34;
	v60 =	vsub.f32 v51, v46  }
0x1ad: {  	v50 =	vsub.f32 v50, v47;
	v48 =	vmax.f32 v56, $0.0e+00;
	v43 =	vmax.f32 v43, $0.0e+00  }
0x1ae: {  	v55 =	vld [tilespmem:$0x1090];
	v54 =	vmax.f32 v7, v63;
	v63 =	vmin.f32 v6, v58;
	v48 =	vmul.f32 v48, v43  }
0x1af: {  	v49 =	vld [tilespmem:$0x1070];
	v43 =	vadd.f32 v61, v10;
	v61 =	vmax.f32 v9, v62;
	v62 =	vmin.f32 v8, v57  }
0x1b0: {  	v44 =	vld [tilespmem:$0x1080];
	v34 =	vmax.f32 v60, $9.999999930e-09;
	v54 =	vsub.f32 v63, v54;
	v51 =	vsub.f32 v62, v61  }
0x1b1: {  	v58 =	vld [tilespmem:$0x10A0];
	v53 =	vadd.f32 v53, v10;
	(erf) = vrcp.f32 v34;
	v60 =	vmax.f32 v50, $9.999999930e-09  }
0x1b2: {  	v56 =	vld [tilespmem:$0x10B0];
	(erf) = vrcp.f32 v60;
	v63 =	vpop (erf);
	v62 =	vmax.f32 v54, $0.0e+00;
	v61 =	vmax.f32 v51, $0.0e+00  }
0x1b3: {  	v50 =	vld [tilespmem:$0x10C0];
	v60 =	vmul.f32 v63, v35;
	v43 =	vsub.f32 v43, v48;
	v51 =	vmul.f32 v62, v61  }
0x1b4: {  	v38 =	vsel vm3, v24, v38;
	v57 =	vld [tilespmem:$0x10D0];
	v34 =	vsel vm4, $0xCE6E6B28, v49;
	vm4 =	vgt.f32 v52, $6.999999880e-01  }
0x1b5: {  	v54 =	vld [tilespmem:$0x10E0];
	v35 =	vsel vm4, $0xCE6E6B28, v44;
	v43 =	vmax.f32 v43, $9.999999930e-09;
	v61 =	vpop (erf);
	v62 =	vsub.f32 v53, v51  }
0x1b6: {  	v49 =	vld [tilespmem:$0x10F0];
	vm4 =	vgt.f32 v60, $6.999999880e-01;
	(erf) = vrcp.f32 v43;
	v63 =	vpop (erf);
	v59 =	vmul.f32 v61, v36  }
0x1b7: {  	v44 =	vld [tilespmem:$0x1100];
	v36 =	vsel vm4, $0xCE6E6B28, v55;
	v60 =	vpop (erf);
	v37 =	vmul.f32 v63, v37;
	v52 =	vmax.f32 v62, $9.999999930e-09  }
0x1b8: {  	v53 =	vld [tilespmem:$0x1110];
	vm4 =	vgt.f32 v59, $6.999999880e-01;
	v43 =	vmul.f32 v60, v40;
	v61 =	vpop (erf);
	(erf) = vrcp.f32 v52  }
0x1b9: {  	v59 =	vld [tilespmem:$0x550];
	v39 =	vsel vm4, $0xCE6E6B28, v58;
	vm4 =	vgt.f32 v37, $6.999999880e-01;
	v63 =	vmul.f32 v61, v41  }
0x1ba: {  	vm9 =	vgt.f32 v25, v38;
	v55 =	vld [tilespmem:$0x1120];
	v62 =	vpop (erf);
	v40 =	vsel vm4, $0xCE6E6B28, v56;
	vm4 =	vgt.f32 v43, $6.999999880e-01  }
0x1bb: {  	v60 =	vmul.f32 v62, v42;
	v61 =	vpop (erf);
	v56 =	vld [tilespmem:$0x840];
	v42 =	vsel vm4, $0xCE6E6B28, v50;
	vm4 =	vgt.f32 v63, $6.999999880e-01  }
0x1bc: {  	v38 =	vsel vm9, v25, v38;
	v45 =	vmul.f32 v61, v45;
	v62 =	vpop (erf);
	v50 =	vld [tilespmem:$0x540];
	v37 =	vsel vm4, $0xCE6E6B28, v57  }
0x1bd: {  	vm0 =	vgt.f32 v60, $6.999999880e-01;
	v63 =	vmul.f32 v62, v46;
	vm4 =	vgt.f32 v27, v38;
	v57 =	vld [tilespmem:$0x250]  }
0x1be: {  	v52 =	vld [tilespmem:$0x240];
	v43 =	vsel vm0, $0xCE6E6B28, v54;
	vm0 =	vgt.f32 v45, $6.999999880e-01;
	v59 =	vmax.f32 v7, v59  }
0x1bf: {  	v54 =	vld [tilespmem:$0xB40];
	v60 =	vpop (erf);
	vm1 =	vgt.f32 v63, $6.999999880e-01;
	v45 =	vsel vm0, $0xCE6E6B28, v49;
	v63 =	vsel vm4, v27, v38  }
0x1c0: {  	v58 =	vld [tilespmem:$0x1130];
	v61 =	vpop (erf);
	v46 =	vmul.f32 v60, v47;
	v44 =	vsel vm1, $0xCE6E6B28, v44;
	vm2 =	vgt.f32 v26, v63  }
0x1c1: {  	v62 =	vmul.f32 v61, v48;
	v48 =	vld [tilespmem:$0xE40];
	v47 =	vsel vm2, v26, v63;
	v63 =	vmin.f32 v8, v56  }
0x1c2: {  	v61 =	vld [tilespmem:$0x850];
	v50 =	vmax.f32 v7, v50;
	vm0 =	vgt.f32 v46, $6.999999880e-01;
	v60 =	vpop (erf);
	v57 =	vmax.f32 v9, v57  }
0x1c3: {  	v56 =	vld [tilespmem:$0x560];
	vm1 =	vgt.f32 v62, $6.999999880e-01;
	v41 =	vsel vm0, $0xCE6E6B28, v53;
	v46 =	vmul.f32 v60, v51  }
0x1c4: {  	v62 =	vmax.f32 v9, v52;
	v60 =	vld [tilespmem:$0xB50];
	v54 =	vmin.f32 v6, v54;
	v38 =	vsel vm1, $0xCE6E6B28, v55  }
0x1c5: {  	v52 =	vld [tilespmem:$0xE50];
	v51 =	vsub.f32 v63, v62;
	v50 =	vsub.f32 v54, v50;
	vm1 =	vgt.f32 v28, v47  }
0x1c6: {  	v54 =	vld [tilespmem:$0x260];
	v55 =	vsel vm7, $0x10, v4;
	vm0 =	vgt.f32 v46, $6.999999880e-01;
	v47 =	vsel vm1, v28, v47  }
0x1c7: {  	v4 =	vld [tilespmem:$0x1FF50];
	v55 =	vsel vm6, $0x20, v55;
	v46 =	vsel vm0, $0xCE6E6B28, v58;
	v51 =	vmax.f32 v51, $0.0e+00  }
0x1c8: {  	v50 =	vmax.f32 v50, $0.0e+00;
	v49 =	vmin.f32 v8, v61;
	vm7 =	vgt.f32 v29, v47  }
0x1c9: {  	v58 =	vld [tilespmem:$0x860];
	v48 =	vadd.f32 v48, v10;
	v62 =	vmax.f32 v7, v56;
	v49 =	vsub.f32 v49, v57  }
0x1ca: {  	v47 =	vsel vm7, v29, v47;
	v50 =	vmul.f32 v50, v51;
	v53 =	vmin.f32 v6, v60;
	v60 =	vld [tilespmem:$0xB60]  }
0x1cb: {  	v51 =	vadd.f32 v52, v10;
	vm6 =	vgt.f32 v30, v47;
	v53 =	vsub.f32 v53, v59  }
0x1cc: {  	v57 =	vld [tilespmem:$0x570];
	v49 =	vmax.f32 v49, $0.0e+00;
	v52 =	vmax.f32 v9, v54;
	vm0 =	vnez.u8 v4  }
0x1cd: {  	v47 =	vsel vm6, v30, v47;
	v48 =	vsub.f32 v48, v50;
	v59 =	vld [tilespmem:$0xE70];
	v55 =	vsel vm0, $0x30, v55  }
0x1ce: {  	v4 =	vld [tilespmem:$0x1FF60];
	vm0 =	vgt.f32 v31, v47;
	v61 =	vmax.f32 v53, $0.0e+00;
	v63 =	vmin.f32 v8, v58  }
0x1cf: {  	v53 =	vld [tilespmem:$0xE60];
	v55 =	vsel vm8, $0x40, v55;
	v49 =	vmul.f32 v61, v49;
	v61 =	vmin.f32 v6, v60  }
0x1d0: {  	v48 =	vmax.f32 v48, $9.999999930e-09;
	v52 =	vsub.f32 v63, v52;
	v63 =	vld [tilespmem:$0x870];
	v54 =	vsub.f32 v61, v62  }
0x1d1: {  	v47 =	vsel vm0, v31, v47;
	(erf) = vrcp.f32 v48;
	v62 =	vld [tilespmem:$0x270];
	v51 =	vsub.f32 v51, v49  }
0x1d2: {  	v55 =	vsel vm15, $0x50, v55;
	v48 =	vld [tilespmem:$0x880];
	v52 =	vmax.f32 v52, $0.0e+00;
	v54 =	vmax.f32 v54, $0.0e+00  }
0x1d3: {  	vm8 =	vgt.f32 v32, v47;
	v60 =	vmax.f32 v51, $9.999999930e-09;
	v52 =	vmul.f32 v54, v52;
	v54 =	vld [tilespmem:$0xB70]  }
0x1d4: {  	v47 =	vsel vm8, v32, v47;
	v53 =	vadd.f32 v53, v10;
	(erf) = vrcp.f32 v60;
	v60 =	vld [tilespmem:$0x580]  }
0x1d5: {  	v58 =	vmin.f32 v8, v63;
	v63 =	vsel vm11, $0x60, v55;
	vm11 =	vnez.u8 v4;
	v4 =	vld [tilespmem:$0x8C0]  }
0x1d6: {  	vm15 =	vgt.f32 v33, v47;
	v61 =	vsub.f32 v53, v52;
	v53 =	vld [tilespmem:$0x280];
	v56 =	vmax.f32 v9, v62  }
0x1d7: {  	v57 =	vmax.f32 v7, v57;
	v47 =	vsel vm15, v33, v47;
	v56 =	vsub.f32 v58, v56;
	v58 =	vld [tilespmem:$0xB80]  }
0x1d8: {  	v48 =	vmin.f32 v8, v48;
	v55 =	vadd.f32 v59, v10;
	v51 =	vmax.f32 v61, $9.999999930e-09  }
0x1d9: {  	v54 =	vmin.f32 v6, v54;
	(erf) = vrcp.f32 v51;
	v61 =	vmax.f32 v7, v60  }
0x1da: {  	[tilespmem:$0x1020] =	vst v29;
	v29 =	vld [tilespmem:$0xEE0];
	v4 =	vmin.f32 v8, v4;
	v62 =	vsub.f32 v54, v57;
	v57 =	vmax.f32 v56, $0.0e+00  }
0x1db: {  	v54 =	vsel vm11, $0x70, v63;
	vm11 =	vgt.f32 v34, v47;
	v53 =	vmax.f32 v9, v53  }
0x1dc: {  	v51 =	vmax.f32 v62, $0.0e+00;
	v48 =	vsub.f32 v48, v53;
	v53 =	vld [tilespmem:$0xE80];
	v62 =	vmin.f32 v6, v58  }
0x1dd: {  	v63 =	vpop (erf);
	v54 =	vsel vm13, $0x80, v54;
	v51 =	vmul.f32 v51, v57;
	v56 =	vsub.f32 v62, v61  }
0x1de: {  	v60 =	vld [tilespmem:$0x1140];
	v57 =	vsel vm11, v34, v47;
	v47 =	vmul.f32 v63, v50;
	v63 =	vsel vm10, $0x90, v54  }
0x1df: {  	[tilespmem:$0x1070] =	vst v34;
	v50 =	vld [tilespmem:$0x590];
	v58 =	vpop (erf);
	v34 =	vadd.f32 v29, v10;
	v48 =	vmax.f32 v48, $0.0e+00;
	v55 =	vsub.f32 v55, v51  }
0x1e0: {  	v54 =	vld [tilespmem:$0x890];
	vm10 =	vgt.f32 v35, v57;
	v49 =	vmul.f32 v58, v49;
	v61 =	vmax.f32 v56, $0.0e+00  }
0x1e1: {  	v59 =	vmul.f32 v61, v48;
	v55 =	vmax.f32 v55, $9.999999930e-09;
	v62 =	vadd.f32 v53, v10  }
0x1e2: {  	v56 =	vld [tilespmem:$0x290];
	v57 =	vsel vm10, v35, v57;
	vm13 =	vgt.f32 v49, $6.999999880e-01;
	(erf) = vrcp.f32 v55  }
0x1e3: {  	v53 =	vsel vm12, $0xA0, v63;
	vm12 =	vgt.f32 v47, $6.999999880e-01;
	v48 =	vsub.f32 v62, v59  }
0x1e4: {  	v55 =	vld [tilespmem:$0xB90];
	v47 =	vsel vm12, $0xCE6E6B28, v60;
	v53 =	vsel vm14, $0xB0, v53;
	v50 =	vmax.f32 v7, v50  }
0x1e5: {  	v60 =	vld [tilespmem:$0x1150];
	v58 =	vpop (erf);
	v54 =	vmin.f32 v8, v54;
	v53 =	vsel vm5, $0xC0, v53;
	v48 =	vmax.f32 v48, $9.999999930e-09  }
0x1e6: {  	vm5 =	vgt.f32 v36, v57;
	v52 =	vmul.f32 v58, v52;
	(erf) = vrcp.f32 v48  }
0x1e7: {  	v62 =	vld [tilespmem:$0xE90];
	v57 =	vsel vm5, v36, v57;
	v61 =	vmax.f32 v9, v56;
	v53 =	vsel vm3, $0xD0, v53  }
0x1e8: {  	v58 =	vld [tilespmem:$0x1160];
	v63 =	vsub.f32 v54, v61;
	vm3 =	vgt.f32 v39, v57;
	v53 =	vsel vm9, $0xE0, v53  }
0x1e9: {  	vm14 =	vgt.f32 v52, $6.999999880e-01;
	v53 =	vsel vm4, $0xF0, v53;
	v55 =	vmin.f32 v6, v55  }
0x1ea: {  	v56 =	vsel vm3, v39, v57;
	v48 =	vsel vm13, $0xCE6E6B28, v60;
	v60 =	vld [tilespmem:$0x1170];
	v50 =	vsub.f32 v55, v50  }
0x1eb: {  	v52 =	vld [tilespmem:$0x1180];
	v49 =	vmax.f32 v63, $0.0e+00;
	v53 =	vsel vm2, $0x100, v53;
	vm13 =	vgt.f32 v40, v56;
	v61 =	vpop (erf)  }
0x1ec: {  	v57 =	vld [tilespmem:$0x2A0];
	v62 =	vadd.f32 v62, v10;
	v50 =	vmax.f32 v50, $0.0e+00;
	v51 =	vmul.f32 v61, v51  }
0x1ed: {  	v53 =	vsel vm1, $0x110, v53;
	v55 =	vmul.f32 v50, v49;
	v49 =	vsel vm14, $0xCE6E6B28, v58;
	v58 =	vld [tilespmem:$0x5A0]  }
0x1ee: {  	v56 =	vsel vm13, v40, v56;
	v53 =	vsel vm7, $0x120, v53;
	v61 =	vld [tilespmem:$0x2B0];
	vm12 =	vgt.f32 v51, $6.999999880e-01  }
0x1ef: {  	vm14 =	vgt.f32 v42, v56;
	v51 =	vsub.f32 v62, v55;
	v50 =	vsel vm12, $0xCE6E6B28, v60;
	v54 =	vpop (erf);
	v60 =	vld [tilespmem:$0x8A0]  }
0x1f0: {  	v53 =	vsel vm6, $0x130, v53;
	v56 =	vsel vm14, v42, v56;
	v54 =	vmul.f32 v54, v59;
	v59 =	vld [tilespmem:$0xBA0]  }
0x1f1: {  	v57 =	vmax.f32 v9, v57;
	vm2 =	vgt.f32 v37, v56;
	v62 =	vld [tilespmem:$0xBB0];
	v51 =	vmax.f32 v51, $9.999999930e-09  }
0x1f2: {  	v56 =	vsel vm2, v37, v56;
	(erf) = vrcp.f32 v51;
	vm7 =	vgt.f32 v54, $6.999999880e-01;
	v54 =	vld [tilespmem:$0x5B0]  }
0x1f3: {  	vm4 =	vgt.f32 v43, v56;
	v51 =	vsel vm7, $0xCE6E6B28, v52;
	v52 =	vsel vm0, $0x140, v53;
	v53 =	vld [tilespmem:$0x8B0]  }
0x1f4: {  	v58 =	vmax.f32 v7, v58;
	v56 =	vsel vm4, v43, v56;
	v60 =	vmin.f32 v8, v60  }
0x1f5: {  	v61 =	vmax.f32 v9, v61;
	v59 =	vmin.f32 v6, v59;
	v57 =	vsub.f32 v60, v57;
	v60 =	vld [tilespmem:$0xEA0]  }
0x1f6: {  	vm6 =	vgt.f32 v45, v56;
	v52 =	vsel vm8, $0x150, v52;
	v58 =	vsub.f32 v59, v58;
	v59 =	vld [tilespmem:$0xEB0]  }
0x1f7: {  	[tilespmem:$0xF20] =	vst v13;
	v13 =	vsel vm6, v45, v56;
	v63 =	vsel vm15, $0x160, v52;
	v52 =	vmax.f32 v57, $0.0e+00;
	v57 =	vld [tilespmem:$0x2C0]  }
0x1f8: {  	v62 =	vmin.f32 v6, v62;
	v54 =	vmax.f32 v7, v54;
	v53 =	vmin.f32 v8, v53  }
0x1f9: {  	v58 =	vmax.f32 v58, $0.0e+00;
	v54 =	vsub.f32 v62, v54;
	v61 =	vsub.f32 v53, v61  }
0x1fa: {  	v62 =	vsel vm11, $0x170, v63;
	v52 =	vmul.f32 v58, v52;
	v58 =	vadd.f32 v60, v10;
	v60 =	vld [tilespmem:$0xBC0]  }
0x1fb: {  	[tilespmem:$0xF00] =	vst v11;
	v54 =	vmax.f32 v54, $0.0e+00;
	v53 =	vpop (erf);
	v11 =	vmax.f32 v61, $0.0e+00;
	v56 =	vadd.f32 v59, v10  }
0x1fc: {  	v61 =	vld [tilespmem:$0x2D0];
	v53 =	vmul.f32 v53, v55;
	v58 =	vsub.f32 v58, v52;
	v63 =	vmax.f32 v9, v57  }
0x1fd: {  	v55 =	vld [tilespmem:$0xEC0];
	v4 =	vsub.f32 v4, v63;
	v63 =	vsel vm10, $0x180, v62;
	vm10 =	vgt.f32 v44, v13  }
0x1fe: {  	v11 =	vmul.f32 v54, v11;
	v54 =	vld [tilespmem:$0x5D0];
	v58 =	vmax.f32 v58, $9.999999930e-09;
	v13 =	vsel vm10, v44, v13  }
0x1ff: {  	[tilespmem:$0xF60] =	vst v17;
	v62 =	vld [tilespmem:$0x8E0];
	v17 =	vsel vm5, $0x190, v63;
	v60 =	vmin.f32 v6, v60;
	(erf) = vrcp.f32 v58  }
0x200: {  	[tilespmem:$0xFD0] =	vst v24;
	v59 =	vld [tilespmem:$0xBD0];
	v4 =	vmax.f32 v4, $0.0e+00;
	vm11 =	vgt.f32 v41, v13;
	v17 =	vsel vm3, $0x1A0, v17  }
0x201: {  	v24 =	vld [tilespmem:$0x8F0];
	[tilespmem:$0xFE0] =	vst v25;
	v5 =	vsub.f32 v60, v5;
	v60 =	vsub.f32 v56, v11;
	v13 =	vsel vm11, v41, v13  }
0x202: {  	v25 =	vld [tilespmem:$0xED0];
	[tilespmem:$0x1010] =	vst v28;
	v28 =	vsel vm13, $0x1B0, v17;
	v63 =	vadd.f32 v55, v10;
	v55 =	vmax.f32 v9, v61  }
0x203: {  	[tilespmem:$0xFF0] =	vst v27;
	v27 =	vld [tilespmem:$0xBF0];
	v58 =	vmax.f32 v7, v54;
	vm12 =	vgt.f32 v38, v13;
	v5 =	vmax.f32 v5, $0.0e+00  }
0x204: {  	[tilespmem:$0xF40] =	vst v15;
	v15 =	vmax.f32 v60, $9.999999930e-09;
	v12 =	vsub.f32 v12, v55;
	v61 =	vmin.f32 v8, v62;
	v62 =	vld [tilespmem:$0x2F0]  }
0x205: {  	[tilespmem:$0xF70] =	vst v18;
	v60 =	vmin.f32 v6, v59;
	v13 =	vsel vm12, v38, v13;
	v4 =	vmul.f32 v5, v4;
	v5 =	vld [tilespmem:$0xBE0]  }
0x206: {  	[tilespmem:$0x1040] =	vst v31;
	v31 =	vld [tilespmem:$0xEF0];
	v8 =	vmin.f32 v8, v24;
	(erf) = vrcp.f32 v15;
	v18 =	vsub.f32 v60, v58  }
0x207: {  	v14 =	vsub.f32 v61, v14;
	vm13 =	vgt.f32 v46, v13;
	v57 =	vsub.f32 v63, v4;
	v63 =	vld [tilespmem:$0x5F0]  }
0x208: {  	[tilespmem:$0xF80] =	vst v19;
	v12 =	vmax.f32 v12, $0.0e+00;
	v13 =	vsel vm13, v46, v13;
	v18 =	vmax.f32 v18, $0.0e+00  }
0x209: {  	[tilespmem:$0xF90] =	vst v20;
	v14 =	vmax.f32 v14, $0.0e+00;
	v12 =	vmul.f32 v18, v12;
	v15 =	vmax.f32 v57, $9.999999930e-09  }
0x20a: {  	[tilespmem:$0xFA0] =	vst v21;
	v9 =	vmax.f32 v9, v62;
	v5 =	vmin.f32 v6, v5;
	(erf) = vrcp.f32 v15  }
0x20b: {  	[tilespmem:$0xFC0] =	vst v23;
	v15 =	vadd.f32 v25, v10;
	v6 =	vmin.f32 v6, v27;
	v5 =	vsub.f32 v5, v16  }
0x20c: {  	[tilespmem:$0xFB0] =	vst v22;
	v8 =	vsub.f32 v8, v9;
	v9 =	vadd.f32 v31, v10;
	v7 =	vmax.f32 v7, v63  }
0x20d: {  	[tilespmem:$0x1000] =	vst v26;
	v15 =	vsub.f32 v15, v12;
	v5 =	vmax.f32 v5, $0.0e+00;
	v6 =	vsub.f32 v6, v7  }
0x20e: {  	[tilespmem:$0x1030] =	vst v30;
	v8 =	vmax.f32 v8, $0.0e+00;
	v5 =	vmul.f32 v5, v14;
	v14 =	vsel vm14, $0x1C0, v28  }
0x20f: {  	[tilespmem:$0x1060] =	vst v33;
	vm14 =	vgt.f32 v47, v13;
	v33 =	vmax.f32 v15, $9.999999930e-09;
	v6 =	vmax.f32 v6, $0.0e+00  }
0x210: {  	[tilespmem:$0x1080] =	vst v35;
	v35 =	vld [tilespmem:$0x1190];
	v13 =	vsel vm14, v47, v13;
	v6 =	vmul.f32 v6, v8;
	v8 =	vsub.f32 v34, v5  }
0x211: {  	[tilespmem:$0x1050] =	vst v32;
	v14 =	vsel vm2, $0x1D0, v14;
	(erf) = vrcp.f32 v33;
	vm15 =	vgt.f32 v48, v13  }
0x212: {  	[tilespmem:$0x1090] =	vst v36;
	v32 =	vsel vm4, $0x1E0, v14;
	v7 =	vsel vm15, v48, v13;
	v8 =	vmax.f32 v8, $9.999999930e-09  }
0x213: {  	[tilespmem:$0x10A0] =	vst v39;
	v39 =	vsel vm6, $0x1F0, v32;
	vm9 =	vgt.f32 v49, v7;
	(erf) = vrcp.f32 v8  }
0x214: {  	[tilespmem:$0x10B0] =	vst v40;
	v10 =	vsel vm10, $0x200, v39;
	vm10 =	vgt.f32 v53, $6.999999880e-01;
	v53 =	vpop (erf);
	v7 =	vsel vm9, v49, v7  }
0x215: {  	[tilespmem:$0x10C0] =	vst v42;
	v40 =	vld [tilespmem:$0x11A0];
	v8 =	vsub.f32 v9, v6;
	v42 =	vsel vm10, $0xCE6E6B28, v35;
	v10 =	vsel vm11, $0x210, v10;
	v55 =	vpop (erf)  }
0x216: {  	[tilespmem:$0x10D0] =	vst v37;
	v14 =	vmul.f32 v53, v52;
	vm6 =	vgt.f32 v50, v7;
	v56 =	vmul.f32 v55, v11;
	v58 =	vpop (erf)  }
0x217: {  	[tilespmem:$0x10E0] =	vst v43;
	v54 =	vld [tilespmem:$0x11B0];
	v7 =	vsel vm6, v50, v7;
	v8 =	vmax.f32 v8, $9.999999930e-09;
	v4 =	vmul.f32 v58, v4  }
0x218: {  	[tilespmem:$0x10F0] =	vst v45;
	vm11 =	vgt.f32 v51, v7;
	(erf) = vrcp.f32 v8;
	v8 =	vsel vm12, $0x220, v10  }
0x219: {  	[tilespmem:$0x1100] =	vst v44;
	v7 =	vsel vm11, v51, v7;
	v8 =	vsel vm13, $0x230, v8;
	vm13 =	vgt.f32 v14, $6.999999880e-01  }
0x21a: {  	[tilespmem:$0x1110] =	vst v41;
	v57 =	vld [tilespmem:$0x11C0];
	vm8 =	vgt.f32 v4, $6.999999880e-01;
	vm12 =	vgt.f32 v42, v7;
	v13 =	vsel vm13, $0xCE6E6B28, v40  }
0x21b: {  	[tilespmem:$0x1120] =	vst v38;
	v8 =	vsel vm14, $0x240, v8;
	vm14 =	vgt.f32 v56, $6.999999880e-01;
	v60 =	vpop (erf);
	v7 =	vsel vm12, v42, v7  }
0x21c: {  	[tilespmem:$0x1130] =	vst v46;
	v59 =	vld [tilespmem:$0x11D0];
	v8 =	vsel vm15, $0x250, v8;
	v15 =	vsel vm14, $0xCE6E6B28, v54;
	vm15 =	vgt.f32 v13, v7;
	v61 =	vpop (erf)  }
0x21d: {  	[tilespmem:$0x1140] =	vst v47;
	v8 =	vsel vm9, $0x260, v8;
	v4 =	vsel vm15, v13, v7;
	v5 =	vmul.f32 v61, v5  }
0x21e: {  	[tilespmem:$0x1150] =	vst v48;
	v62 =	vld [tilespmem:$0x11E0];
	v7 =	vmul.f32 v60, v12;
	v8 =	vsel vm6, $0x270, v8;
	vm9 =	vgt.f32 v15, v4  }
0x21f: {  	[tilespmem:$0x1160] =	vst v49;
	v11 =	vsel vm8, $0xCE6E6B28, v57;
	v8 =	vsel vm11, $0x280, v8;
	v4 =	vsel vm9, v15, v4  }
0x220: {  	[tilespmem:$0x1170] =	vst v50;
	v63 =	vld [tilespmem:$0x11F0];
	vm10 =	vgt.f32 v7, $6.999999880e-01;
	v8 =	vsel vm12, $0x290, v8;
	vm11 =	vgt.f32 v11, v4  }
0x221: {  	[tilespmem:$0x1180] =	vst v51;
	v7 =	vsel vm10, $0xCE6E6B28, v59;
	v4 =	vsel vm11, v11, v4;
	vm12 =	vgt.f32 v5, $6.999999880e-01;
	v5 =	vpop (erf)  }
0x222: {  	[tilespmem:$0x1190] =	vst v42;
	v8 =	vsel vm15, $0x2A0, v8;
	vm13 =	vgt.f32 v7, v4;
	v5 =	vmul.f32 v5, v6  }
0x223: {  	p0 =	sne.s32 s15, $0x6300;
	[tilespmem:$0x11A0] =	vst v13;
	v8 =	vsel vm9, $0x2B0, v8;
	v4 =	vsel vm13, v7, v4;
	v6 =	vsel vm12, $0xCE6E6B28, v62  }
.Ltmp1:
0x224: {  	[tilespmem:$0x11C0] =	vst v11;
	v8 =	vsel vm11, $0x2C0, v8;
	vm14 =	vgt.f32 v6, v4;
	vm15 =	vgt.f32 v5, $6.999999880e-01;
	(pc) =	sbr.rel @p0 .LBB2_2-.Ltmp1, $4  }
0x225: {  	[tilespmem:$0x11B0] =	vst v15;
	v8 =	vsel vm13, $0x2D0, v8;
	v4 =	vsel vm14, v6, v4;
	v5 =	vsel vm15, $0xCE6E6B28, v63  }
0x226: {  	[tilespmem:$0x11D0] =	vst v7;
	v7 =	vsel vm14, $0x2E0, v8;
	vm0 =	vgt.f32 v5, v4  }
0x227: {  	[tilespmem:$0x11E0] =	vst v6;
	v7 =	vsel vm0, $0x2F0, v7  }
0x228: {  	s15 =	sadd.s32 $0x100, s15;
	s11 =	sadd.s32 $0x10, s11;
	[tilespmem:$0x11F0] =	vst v5;
	v6 =	vsel vm0, v5, v4;
	v7 =	vadd.s32 v7, v1  }
0x229: {  	p0 =	sne.s32 s1, $0x0  }
0x22a: {  	s2 =	simm.s32 @!p0 $0x0;
	s3 =	simm.s32 @!p0 $0x1380  }
0x22b: {  	[hbm4b:s10+s2] =	stream.linear.scatter @!p0 [tilespmem:s3], [sflag:$0x1], $0x680, $0x38;
	[tilespmem:$0x1A20] =	vst v63  }
0x22c: {  	s2 =	simm.s32 @!p0 $0x1  }
0x22d: {  	_ =	swait.ge @!p0 [sflag:s2], $0x680  }
0x22e: {  	[sflag:s2] =	ssyncset.done @!p0 $0x0  }
0x22f: {  	[sflag:s2] =	ssyncadd.s32 @!p0 $0xFFFFF980  }
.LBB2_4:
0x230: {  	_ =	sfence.sel $0x180000  }
0x231: {  	[bflag:$0x0] =	sbarrier.arrive $0xFFFF  }
0x232: {  	p0 =	sne.s32 s1, $0x0;
	_ =	strace $0x90000047  }
0x233: {  	s0 =	sadd.s32 @!p0 $0x100000, s0;
	[bflag:$0x2] =	sbarrier.arrive $0xFFFF  }
0x234: {  	[sflag:s0] =	ssyncadd.tile.s32 @!p0 $0x1;
	_ =	shalt  }
.Lfunc_end2:
_tile_overlayer_lowered:
.L_overlay_start_2:
0x235: {  	(tag) =	ssettag $0x2  }
0x236: {  	s0 =	rddreg [dreg:$0x0];
	s2 =	stileid.u32  }
0x237: {  	s1 =	rddreg [dreg:$0x1];
	p0 =	sne.s32 s2, $0x0  }
0x238: {  	s3 =	rddreg [dreg:$0x2];
	[bflag:$0x3] =	sbarrier.arrive $0xFFFF;
	s2 =	simm.s32 @!p0 $0x1C01  }
0x239: {  	[timem:s3], [sflag:s2] =	dma.local @!p0 [hbm:s0], s1  }
0x23a: {  	s0 =	simm.s32 @!p0 $0x1  }
0x23b: {  	_ =	swait.ge @!p0 [sflag:s0], s1  }
0x23c: {  	s1 =	ssub.s32 @!p0 $0x0, s1;
	[sflag:s0] =	ssyncset.done @!p0 $0x0  }
0x23d: {  	[sflag:s0] =	ssyncadd.s32 @!p0 s1  }
0x23e: {  	[bflag:$0x3] =	sbarrier.arrive $0xFFFF  }
0x23f: {  	_ =	shalt  }

</sc_bundles>
